<compile_context>
chip_gen: v7x
topology: tpu7x:2x2x1
jax: 0.10.2.dev20260603
libtpu: 0.0.44.dev20260713+nightly
codegen_flags: <defaults>
</compile_context>

<pallas_src>
import functools

import jax
import jax.numpy as jnp
from jax import lax
from jax.experimental import pallas as pl
from jax.experimental.pallas import tpu as pltpu
from jax.experimental.pallas import tpu_sc as plsc

_N = 10000
_E = 320000
_G = 64
_H = 128
_L = 3

_NC = 2
_NS = 16
_EPW = _E // (_NC * _NS)
_C = 16
_NCH = _EPW // _C
_CPG = 125
_GRP = _NCH // _CPG
_RPS = 624


def _embed_body(x_ref, w_ref, b_ref, o_ref):
    o_ref[...] = (
        jnp.dot(x_ref[...], w_ref[...], preferred_element_type=jnp.float32)
        + b_ref[...]
    )


def _embed(x, W, b):
    return pl.pallas_call(
        _embed_body,
        out_shape=jax.ShapeDtypeStruct((_N, _H), jnp.float32),
    )(x, W, b.reshape(1, _H))


_RB = 4000


def _edge_e_body(ea_ref, w_ref, b_ref, o_ref):
    o_ref[0] = (
        jnp.dot(ea_ref[...], w_ref[0], preferred_element_type=jnp.float32)
        + b_ref[0]
    )


def _edge_e(edge_attr, EW, EB):
    return pl.pallas_call(
        _edge_e_body,
        grid=(_L, _E // _RB),
        in_specs=[
            pl.BlockSpec((_RB, 6), lambda l, r: (r, 0)),
            pl.BlockSpec((1, 6, _H), lambda l, r: (l, 0, 0)),
            pl.BlockSpec((1, 1, _H), lambda l, r: (l, 0, 0)),
        ],
        out_specs=pl.BlockSpec((1, _RB, _H), lambda l, r: (l, r, 0)),
        out_shape=jax.ShapeDtypeStruct((_L, _E, _H), jnp.float32),
    )(edge_attr, EW, EB)


_MB = 2000


def _mlp_body(s_ref, h_ref, a_ref, w1_ref, b1_ref, w2_ref, b2_ref, o_ref):
    z = s_ref[0] * h_ref[...] + a_ref[0] + a_ref[1]
    z = jnp.maximum(
        jnp.dot(z, w1_ref[...], preferred_element_type=jnp.float32) + b1_ref[...],
        0.0,
    )
    z = jnp.dot(z, w2_ref[...], preferred_element_type=jnp.float32) + b2_ref[...]
    o_ref[...] = jnp.maximum(z, 0.0)


def _mlp(h, agg, scale, W1, b1, W2, b2):
    return pl.pallas_call(
        _mlp_body,
        grid=(_N // _MB,),
        in_specs=[
            pl.BlockSpec(memory_space=pltpu.SMEM),
            pl.BlockSpec((_MB, _H), lambda r: (r, 0)),
            pl.BlockSpec((_NC, _MB, _H), lambda r: (0, r, 0)),
            pl.BlockSpec((_H, 2 * _H), lambda r: (0, 0)),
            pl.BlockSpec((1, 2 * _H), lambda r: (0, 0)),
            pl.BlockSpec((2 * _H, _H), lambda r: (0, 0)),
            pl.BlockSpec((1, _H), lambda r: (0, 0)),
        ],
        out_specs=pl.BlockSpec((_MB, _H), lambda r: (r, 0)),
        out_shape=jax.ShapeDtypeStruct((_N, _H), jnp.float32),
    )(scale, h, agg, W1, b1.reshape(1, 2 * _H), W2, b2.reshape(1, _H))


def _pool_body(h_ref, bat_ref, w1_ref, b1_ref, w2_ref, b2_ref, o_ref):
    ids = bat_ref[...]
    oh = (ids == lax.broadcasted_iota(jnp.int32, (1, _G), 1)).astype(jnp.float32)
    summed = lax.dot_general(
        oh, h_ref[...], (((0,), (0,)), ((), ())),
        preferred_element_type=jnp.float32,
    )
    counts = lax.dot_general(
        oh, jnp.ones((_N, 1), jnp.float32), (((0,), (0,)), ((), ())),
        preferred_element_type=jnp.float32,
    )
    g = summed / jnp.clip(counts, 1.0, None)
    g = jnp.maximum(
        jnp.dot(g, w1_ref[...], preferred_element_type=jnp.float32) + b1_ref[...],
        0.0,
    )
    o_ref[...] = (
        jnp.dot(g, w2_ref[...], preferred_element_type=jnp.float32) + b2_ref[...]
    )


def _pool(h, batch_col, Wm1, bm1, Wm2, bm2):
    return pl.pallas_call(
        _pool_body,
        out_shape=jax.ShapeDtypeStruct((_G, 1), jnp.float32),
    )(h, batch_col, Wm1, bm1.reshape(1, _H // 2), Wm2, bm2.reshape(1, 1))


def _sc_edge(h, e3, idx4, zeros_nh, l):
    mesh = plsc.VectorSubcoreMesh(core_axis_name="c", subcore_axis_name="s")

    @functools.partial(
        pl.kernel,
        out_type=jax.ShapeDtypeStruct((_NC, _N, _H), jnp.float32),
        mesh=mesh,
        scratch_types=[
            pltpu.VMEM((_CPG, _C), jnp.int32),
            pltpu.VMEM((_C, _H), jnp.float32),
            pltpu.VMEM((_C, _H), jnp.float32),
            pltpu.VMEM((_C, _H), jnp.float32),
            pltpu.VMEM((_C, _H), jnp.float32),
            pltpu.VMEM_SHARED((_N, _H), jnp.float32),
            pltpu.SemaphoreType.DMA,
            pltpu.SemaphoreType.DMA,
            pltpu.SemaphoreType.DMA,
            pltpu.SemaphoreType.DMA,
        ],
    )
    def body(h_hbm, e_hbm, idx_hbm, z_hbm, out_hbm,
             idxv, hv0, hv1, ev0, ev1, aggr, g0, g1, s0, s1):
        cid = lax.axis_index("c")
        sid = lax.axis_index("s")

        pltpu.sync_copy(
            z_hbm.at[pl.ds(sid * _RPS, _RPS)],
            aggr.at[pl.ds(sid * _RPS, _RPS)],
        )

        @pl.when(sid == _NS - 1)
        def _zero_tail():
            pltpu.sync_copy(
                z_hbm.at[pl.ds(_NS * _RPS, 16)],
                aggr.at[pl.ds(_NS * _RPS, 16)],
            )

        plsc.subcore_barrier()

        ebase = (cid * _NS + sid) * _EPW

        def wait_g(hv, ev, sem):
            pltpu.make_async_copy(h_hbm.at[pl.ds(0, _C)], hv, sem).wait()
            pltpu.make_async_copy(e_hbm.at[l, pl.ds(0, _C)], ev, sem).wait()

        def compute(hv, ev):
            def row(i, carry):
                for j in range(_H // 16):
                    s = pl.ds(j * 16, 16)
                    hv[i, s] = jnp.maximum(hv[i, s] + ev[i, s], 0.0)
                return carry

            lax.fori_loop(0, _C, row, 0)

        def issue_s(k, hv, sem):
            w = idxv[k]
            didx = lax.shift_right_logical(w, 16)
            pltpu.async_copy(hv, aggr.at[didx], sem, add=True)

        def wait_s(hv, sem):
            pltpu.make_async_copy(hv, aggr.at[pl.ds(0, _C)], sem).wait()

        def group(g, carry):
            pltpu.sync_copy(idx_hbm.at[cid, sid, g], idxv)
            gbase = g * _CPG

            def issue_g(k, hv, ev, sem):
                w = idxv[k]
                sidx = jnp.bitwise_and(w, 0xFFFF)
                pltpu.async_copy(h_hbm.at[sidx], hv, sem)
                pltpu.async_copy(
                    e_hbm.at[l, pl.ds(ebase + (gbase + k) * _C, _C)], ev, sem)

            issue_g(0, hv0, ev0, g0)
            issue_g(1, hv1, ev1, g1)

            def pair(i, c2):
                a = 2 * i
                wait_g(hv0, ev0, g0)
                compute(hv0, ev0)
                issue_s(a, hv0, s0)
                wait_g(hv1, ev1, g1)
                compute(hv1, ev1)
                issue_s(a + 1, hv1, s1)
                wait_s(hv0, s0)

                @pl.when(a + 2 < _CPG)
                def _next0():
                    issue_g(a + 2, hv0, ev0, g0)

                wait_s(hv1, s1)

                @pl.when(a + 3 < _CPG)
                def _next1():
                    issue_g(a + 3, hv1, ev1, g1)

                return c2

            lax.fori_loop(0, _CPG // 2, pair, 0)

            wait_g(hv0, ev0, g0)
            compute(hv0, ev0)
            issue_s(_CPG - 1, hv0, s0)
            wait_s(hv0, s0)
            return carry

        lax.fori_loop(0, _GRP, group, 0)

        plsc.subcore_barrier()

        for k in range(3):
            pltpu.sync_copy(
                aggr.at[pl.ds(sid * _RPS + k * 208, 208)],
                out_hbm.at[cid, pl.ds(sid * _RPS + k * 208, 208)],
            )

        @pl.when(sid == _NS - 1)
        def _out_tail():
            pltpu.sync_copy(
                aggr.at[pl.ds(_NS * _RPS, 16)],
                out_hbm.at[cid, pl.ds(_NS * _RPS, 16)],
            )

    return body(h, e3, idx4, zeros_nh)


def kernel(x, edge_attr, edge_index, batch, params):
    packed = edge_index[0] + (edge_index[1] << 16)
    idx4 = packed.reshape(_NC, _NS, _GRP, _CPG, _C)
    zeros_nh = jnp.zeros((_N, _H), jnp.float32)

    layers = params["layers"]
    EW = jnp.stack([params["We"] @ layers[l]["lw"] for l in range(_L)])
    EB = jnp.stack(
        [params["be"] @ layers[l]["lw"] + layers[l]["lb"] for l in range(_L)]
    ).reshape(_L, 1, _H)

    h = _embed(x, params["Wn"], params["bn"])
    e3 = _edge_e(edge_attr, EW, EB)

    for l in range(_L):
        p = layers[l]
        agg = _sc_edge(h, e3, idx4, zeros_nh, l)
        scale = (1.0 + p["eps"]).reshape(1)
        h = _mlp(h, agg, scale, p["W1"], p["b1"], p["W2"], p["b2"])

    return _pool(h, batch.reshape(_N, 1), params["Wm1"], params["bm1"],
                 params["Wm2"], params["bm2"])

# --- scband reference (transcript-rebuilt; emitter-appended) ---
"""Pipeline reference for scband-gnn-54838142435834 (READ-ONLY COPY).

The authoritative reference and input builder live on the scoring server;
editing this copy changes nothing except your own understanding.
"""

import jax, jax.numpy as jnp
import numpy as np

N = 10000
E = 320000
G = 64
D_IN = 42
D_E = 6
H = 128

def _lin(x, W, b):
    return x @ W + b

def setup_inputs(seed: int = 0):
    key = jax.random.key(seed)
    ks = jax.random.split(key, 64)
    x = jax.random.normal(ks[0], (N, D_IN), dtype=jnp.float32)
    edge_attr = jax.random.normal(ks[1], (E, D_E), dtype=jnp.float32)
    edge_index = jax.random.randint(ks[2], (2, E), 0, N, dtype=jnp.int32)
    batch = jnp.sort(jax.random.randint(ks[3], (N,), 0, G, dtype=jnp.int32))
    def w(k, shape):
        return jax.random.normal(k, shape, dtype=jnp.float32) / np.sqrt(shape[0])
    i = 4
    params = {}
    params['Wn'] = w(ks[i], (D_IN, H)); i += 1
    params['bn'] = jnp.zeros((H,), jnp.float32)
    params['We'] = w(ks[i], (D_E, H)); i += 1
    params['be'] = jnp.zeros((H,), jnp.float32)
    layers = []
    for l in range(3):
        p = {}
        p['eps'] = jnp.zeros((), jnp.float32)
        p['lw'] = w(ks[i], (H, H)); i += 1
        p['lb'] = jnp.zeros((H,), jnp.float32)
        p['W1'] = w(ks[i], (H, 2 * H)); i += 1
        p['b1'] = jnp.zeros((2 * H,), jnp.float32)
        p['W2'] = w(ks[i], (2 * H, H)); i += 1
        p['b2'] = jnp.zeros((H,), jnp.float32)
        layers.append(p)
    params['layers'] = layers
    params['Wm1'] = w(ks[i], (H, H // 2)); i += 1
    params['bm1'] = jnp.zeros((H // 2,), jnp.float32)
    params['Wm2'] = w(ks[i], (H // 2, 1)); i += 1
    params['bm2'] = jnp.zeros((1,), jnp.float32)
    return {'x': x, 'edge_attr': edge_attr, 'edge_index': edge_index, 'batch': batch, 'params': params}

def reference(x, edge_attr, edge_index, batch, params):
    # node_emb / edge_emb (plain Linear in non-ifp path)
    h = _lin(x, params['Wn'], params['bn'])
    ea = _lin(edge_attr, params['We'], params['be'])
    src = edge_index[0]
    dst = edge_index[1]
    # 3x GINEConv(train_eps=True, edge_dim=H) each followed by ReLU
    for l in range(3):
        p = params['layers'][l]
        e = _lin(ea, p['lw'], p['lb'])  # GINEConv internal edge lin (edge_dim -> in_channels)
        msg = jax.nn.relu(h[src] + e)   # message = ReLU(x_j + edge_attr)
        aggr = jax.ops.segment_sum(msg, dst, num_segments=N)  # scatter-add aggregation
        out = (1.0 + p['eps']) * h + aggr
        out = jax.nn.relu(_lin(out, p['W1'], p['b1']))  # nn = Lin -> ReLU -> Lin
        out = _lin(out, p['W2'], p['b2'])
        h = jax.nn.relu(out)            # outer ReLU from Sequential wrapper
    # global_mean_pool over batch segments
    summed = jax.ops.segment_sum(h, batch, num_segments=G)
    counts = jax.ops.segment_sum(jnp.ones((N, 1), jnp.float32), batch, num_segments=G)
    g = summed / jnp.clip(counts, 1.0, None)
    # MLP([H, H//2, 1], dropout in eval = identity, norm=None)
    g = jax.nn.relu(_lin(g, params['Wm1'], params['bm1']))
    g = _lin(g, params['Wm2'], params['bm2'])
    return g

if __name__ == "__main__":
    import jax
    _d = setup_inputs()
    print(jax.jit(kernel)(*tuple(_d.values())))

</pallas_src>

<mosaic_0001>
#map = affine_map<(d0, d1) -> (0, 0)>
#map1 = affine_map<(d0, d1) -> (0, 0, 0)>
#map2 = affine_map<(d0, d1) -> (0, 0, 0, 0, 0)>
module attributes {stable_mosaic.version = 14 : i64} {
  func.func @body(%arg0: i32, %arg1: i32, %arg2: memref<10000x128xf32, #tpu.memory_space<hbm>>, %arg3: memref<3x320000x128xf32, #tpu.memory_space<hbm>>, %arg4: memref<2x16x5x125x16xi32, #tpu.memory_space<hbm>>, %arg5: memref<10000x128xf32, #tpu.memory_space<hbm>>, %arg6: memref<2x10000x128xf32, #tpu.memory_space<hbm>>, %arg7: memref<125x16xi32, #tpu.memory_space<vmem>>, %arg8: memref<16x128xf32, #tpu.memory_space<vmem>>, %arg9: memref<16x128xf32, #tpu.memory_space<vmem>>, %arg10: memref<16x128xf32, #tpu.memory_space<vmem>>, %arg11: memref<16x128xf32, #tpu.memory_space<vmem>>, %arg12: memref<10000x128xf32, #tpu.memory_space<vmem_shared>>, %arg13: memref<!tpu.dma_semaphore, #tpu.memory_space<semaphore_mem>>, %arg14: memref<!tpu.dma_semaphore, #tpu.memory_space<semaphore_mem>>, %arg15: memref<!tpu.dma_semaphore, #tpu.memory_space<semaphore_mem>>, %arg16: memref<!tpu.dma_semaphore, #tpu.memory_space<semaphore_mem>>) attributes {dimension_semantics = [#tpu.dimension_semantics<core_parallel>, #tpu.dimension_semantics<subcore_parallel>], iteration_bounds = array<i64: 2, 16>, scalar_prefetch = 0 : i64, scratch_operands = 10 : i64, tpu.core_type = #tpu.core_type<sc_vector_subcore>, window_params = [{transform_indices = #map}, {transform_indices = #map1}, {transform_indices = #map2}, {transform_indices = #map}, {transform_indices = #map1}]} {
    %mul3A = arith.constant 624 : i32
    %mul3A_0 = arith.muli %arg1, %mul3A : i32
    %mul3A_1 = arith.constant 624 : i32
    %mul3A_2 = arith.muli %arg1, %mul3A_1 : i32
    "tpu.region"() ({
      %run_scoped3A = tpu.sem_alloc : memref<!tpu.dma_semaphore, #tpu.memory_space<semaphore_mem>>
      %dma_start3A = arith.constant 0 : i32
      %dma_start3A_44 = tpu.memref_slice %arg12[%mul3A_2, %dma_start3A] : memref<10000x128xf32, #tpu.memory_space<vmem_shared>> -> memref<624x128xf32, #tpu.memory_space<vmem_shared>>
      %dma_start3A_45 = arith.constant 0 : i32
      %dma_start3A_46 = tpu.memref_slice %arg5[%mul3A_0, %dma_start3A_45] : memref<10000x128xf32, #tpu.memory_space<hbm>> -> memref<624x128xf32, #tpu.memory_space<hbm>>
      tpu.enqueue_dma source(%dma_start3A_46 : memref<624x128xf32, #tpu.memory_space<hbm>>) target(%dma_start3A_44 : memref<624x128xf32, #tpu.memory_space<vmem_shared>>) target_semaphore(%run_scoped3A : memref<!tpu.dma_semaphore, #tpu.memory_space<semaphore_mem>>)
      %dma_wait3A = arith.constant 0 : i32
      %dma_wait3A_47 = tpu.memref_slice %arg12[%mul3A_2, %dma_wait3A] : memref<10000x128xf32, #tpu.memory_space<vmem_shared>> -> memref<624x128xf32, #tpu.memory_space<vmem_shared>>
      %dma_wait3A_48 = arith.constant 0 : i32
      %dma_wait3A_49 = tpu.memref_slice %arg5[%mul3A_0, %dma_wait3A_48] : memref<10000x128xf32, #tpu.memory_space<hbm>> -> memref<624x128xf32, #tpu.memory_space<hbm>>
      tpu.wait_dma2 semaphore(%run_scoped3A : memref<!tpu.dma_semaphore, #tpu.memory_space<semaphore_mem>>) src(%dma_wait3A_49 : memref<624x128xf32, #tpu.memory_space<hbm>>) dst(%dma_wait3A_47 : memref<624x128xf32, #tpu.memory_space<vmem_shared>>)
      tpu.yield
    }) : () -> ()
    %eq3A = arith.constant 15 : i32
    %eq3A_3 = arith.cmpi eq, %arg1, %eq3A : i32
    %convert_element_type3A = arith.extui %eq3A_3 : i1 to i32
    %cond3A = arith.constant 0 : i32
    %cond3A_4 = arith.cmpi ne, %convert_element_type3A, %cond3A : i32
    scf.if %cond3A_4 {
      "tpu.region"() ({
        %run_scoped3A = tpu.sem_alloc : memref<!tpu.dma_semaphore, #tpu.memory_space<semaphore_mem>>
        %dma_start3A = arith.constant 9984 : i32
        %dma_start3A_44 = arith.constant 0 : i32
        %dma_start3A_45 = tpu.memref_slice %arg12[%dma_start3A, %dma_start3A_44] : memref<10000x128xf32, #tpu.memory_space<vmem_shared>> -> memref<16x128xf32, #tpu.memory_space<vmem_shared>>
        %dma_start3A_46 = arith.constant 9984 : i32
        %dma_start3A_47 = arith.constant 0 : i32
        %dma_start3A_48 = tpu.memref_slice %arg5[%dma_start3A_46, %dma_start3A_47] : memref<10000x128xf32, #tpu.memory_space<hbm>> -> memref<16x128xf32, #tpu.memory_space<hbm>>
        tpu.enqueue_dma source(%dma_start3A_48 : memref<16x128xf32, #tpu.memory_space<hbm>>) target(%dma_start3A_45 : memref<16x128xf32, #tpu.memory_space<vmem_shared>>) target_semaphore(%run_scoped3A : memref<!tpu.dma_semaphore, #tpu.memory_space<semaphore_mem>>)
        %dma_wait3A = arith.constant 9984 : i32
        %dma_wait3A_49 = arith.constant 0 : i32
        %dma_wait3A_50 = tpu.memref_slice %arg12[%dma_wait3A, %dma_wait3A_49] : memref<10000x128xf32, #tpu.memory_space<vmem_shared>> -> memref<16x128xf32, #tpu.memory_space<vmem_shared>>
        %dma_wait3A_51 = arith.constant 9984 : i32
        %dma_wait3A_52 = arith.constant 0 : i32
        %dma_wait3A_53 = tpu.memref_slice %arg5[%dma_wait3A_51, %dma_wait3A_52] : memref<10000x128xf32, #tpu.memory_space<hbm>> -> memref<16x128xf32, #tpu.memory_space<hbm>>
        tpu.wait_dma2 semaphore(%run_scoped3A : memref<!tpu.dma_semaphore, #tpu.memory_space<semaphore_mem>>) src(%dma_wait3A_53 : memref<16x128xf32, #tpu.memory_space<hbm>>) dst(%dma_wait3A_50 : memref<16x128xf32, #tpu.memory_space<vmem_shared>>)
        tpu.yield
      }) : () -> ()
    } else {
    }
    %barrier3A = arith.constant 0 : index
    tpu.barrier barrier_id(%barrier3A)
    %mul3A_5 = arith.constant 16 : i32
    %mul3A_6 = arith.muli %arg0, %mul3A_5 : i32
    %add3A = arith.addi %mul3A_6, %arg1 : i32
    %mul3A_7 = arith.constant 10000 : i32
    %mul3A_8 = arith.muli %add3A, %mul3A_7 : i32
    %scan3A = arith.constant 0 : i32
    %scan3A_9 = arith.constant 0 : i32
    %scan3A_10 = arith.constant 5 : i32
    %scan3A_11 = arith.addi %scan3A_9, %scan3A_10 : i32
    %scan3A_12 = arith.constant 1 : i32
    scf.for %scan3A_44 = %scan3A_9 to %scan3A_11 step %scan3A_12  : i32 {
      "tpu.region"() ({
        %run_scoped3A = tpu.sem_alloc : memref<!tpu.dma_semaphore, #tpu.memory_space<semaphore_mem>>
        %dma_start3A_132 = arith.constant 0 : i32
        %dma_start3A_133 = arith.constant 0 : i32
        %dma_start3A_134 = tpu.memref_slice %arg4[%arg0, %arg1, %scan3A_44, %dma_start3A_132, %dma_start3A_133] : memref<2x16x5x125x16xi32, #tpu.memory_space<hbm>> -> memref<1x1x1x125x16xi32, #tpu.memory_space<hbm>>
        %dma_start3A_135 = tpu.memref_squeeze %dma_start3A_134 : memref<1x1x1x125x16xi32, #tpu.memory_space<hbm>> -> memref<125x16xi32, #tpu.memory_space<hbm>>
        %dma_start3A_136 = arith.constant 0 : i32
        %dma_start3A_137 = arith.constant 0 : i32
        %dma_start3A_138 = tpu.memref_slice %arg4[%arg0, %arg1, %scan3A_44, %dma_start3A_136, %dma_start3A_137] : memref<2x16x5x125x16xi32, #tpu.memory_space<hbm>> -> memref<1x1x1x125x16xi32, #tpu.memory_space<hbm>>
        %dma_start3A_139 = tpu.memref_squeeze %dma_start3A_138 : memref<1x1x1x125x16xi32, #tpu.memory_space<hbm>> -> memref<125x16xi32, #tpu.memory_space<hbm>>
        tpu.enqueue_dma source(%dma_start3A_139 : memref<125x16xi32, #tpu.memory_space<hbm>>) target(%arg7 : memref<125x16xi32, #tpu.memory_space<vmem>>) target_semaphore(%run_scoped3A : memref<!tpu.dma_semaphore, #tpu.memory_space<semaphore_mem>>)
        %dma_wait3A_140 = arith.constant 0 : i32
        %dma_wait3A_141 = arith.constant 0 : i32
        %dma_wait3A_142 = tpu.memref_slice %arg4[%arg0, %arg1, %scan3A_44, %dma_wait3A_140, %dma_wait3A_141] : memref<2x16x5x125x16xi32, #tpu.memory_space<hbm>> -> memref<1x1x1x125x16xi32, #tpu.memory_space<hbm>>
        %dma_wait3A_143 = tpu.memref_squeeze %dma_wait3A_142 : memref<1x1x1x125x16xi32, #tpu.memory_space<hbm>> -> memref<125x16xi32, #tpu.memory_space<hbm>>
        %dma_wait3A_144 = arith.constant 0 : i32
        %dma_wait3A_145 = arith.constant 0 : i32
        %dma_wait3A_146 = tpu.memref_slice %arg4[%arg0, %arg1, %scan3A_44, %dma_wait3A_144, %dma_wait3A_145] : memref<2x16x5x125x16xi32, #tpu.memory_space<hbm>> -> memref<1x1x1x125x16xi32, #tpu.memory_space<hbm>>
        %dma_wait3A_147 = tpu.memref_squeeze %dma_wait3A_146 : memref<1x1x1x125x16xi32, #tpu.memory_space<hbm>> -> memref<125x16xi32, #tpu.memory_space<hbm>>
        tpu.wait_dma2 semaphore(%run_scoped3A : memref<!tpu.dma_semaphore, #tpu.memory_space<semaphore_mem>>) src(%dma_wait3A_147 : memref<125x16xi32, #tpu.memory_space<hbm>>) dst(%arg7 : memref<125x16xi32, #tpu.memory_space<vmem>>)
        tpu.yield
      }) : () -> ()
      %mul3A_45 = arith.constant 125 : i32
      %mul3A_46 = arith.muli %scan3A_44, %mul3A_45 : i32
      %get3A = arith.constant 0 : i32
      %get3A_47 = arith.index_cast %get3A : i32 to index
      %get3A_48 = arith.constant 0 : index
      %get3A_49 = tpu.vector_load %arg7[%get3A_47, %get3A_48] {strides = array<i32>} : memref<125x16xi32, #tpu.memory_space<vmem>>, vector<1x16xi32>,
      %get3A_50 = vector.shape_cast %get3A_49 : vector<1x16xi32> to vector<16xi32>
      %and3A = arith.constant 65535 : i32
      %and3A_51 = vector.broadcast %and3A : i32 to vector<16xi32>
      %and3A_52 = arith.andi %get3A_50, %and3A_51 : vector<16xi32>
      %dma_start3A = arith.constant 0 : i32
      %dma_start3A_53 = arith.constant 0 : i32
      %dma_start3A_54 = tpu.memref_slice %arg2[%dma_start3A, %dma_start3A_53] : memref<10000x128xf32, #tpu.memory_space<hbm>> -> memref<10000x128xf32, #tpu.memory_space<hbm>>
      tpu.enqueue_indirect_dma source(%dma_start3A_54 : memref<10000x128xf32, #tpu.memory_space<hbm>>) target(%arg8 : memref<16x128xf32, #tpu.memory_space<vmem>>) offsets(%and3A_52 : vector<16xi32>) semaphore(%arg13 : memref<!tpu.dma_semaphore, #tpu.memory_space<semaphore_mem>>)
      %add3A_55 = arith.constant 0 : i32
      %add3A_56 = arith.addi %mul3A_46, %add3A_55 : i32
      %mul3A_57 = arith.constant 16 : i32
      %mul3A_58 = arith.muli %add3A_56, %mul3A_57 : i32
      %add3A_59 = arith.addi %mul3A_8, %mul3A_58 : i32
      %dma_start3A_60 = arith.constant 1 : i32
      %dma_start3A_61 = arith.constant 0 : i32
      %dma_start3A_62 = tpu.memref_slice %arg3[%dma_start3A_60, %add3A_59, %dma_start3A_61] : memref<3x320000x128xf32, #tpu.memory_space<hbm>> -> memref<1x16x128xf32, #tpu.memory_space<hbm>>
      %dma_start3A_63 = tpu.memref_squeeze %dma_start3A_62 : memref<1x16x128xf32, #tpu.memory_space<hbm>> -> memref<16x128xf32, #tpu.memory_space<hbm>>
      %dma_start3A_64 = arith.constant 0 : i32
      %dma_start3A_65 = tpu.memref_slice %arg3[%dma_start3A_60, %add3A_59, %dma_start3A_64] : memref<3x320000x128xf32, #tpu.memory_space<hbm>> -> memref<1x16x128xf32, #tpu.memory_space<hbm>>
      %dma_start3A_66 = tpu.memref_squeeze %dma_start3A_65 : memref<1x16x128xf32, #tpu.memory_space<hbm>> -> memref<16x128xf32, #tpu.memory_space<hbm>>
      tpu.enqueue_dma source(%dma_start3A_66 : memref<16x128xf32, #tpu.memory_space<hbm>>) target(%arg10 : memref<16x128xf32, #tpu.memory_space<vmem>>) target_semaphore(%arg13 : memref<!tpu.dma_semaphore, #tpu.memory_space<semaphore_mem>>)
      %get3A_67 = arith.constant 1 : i32
      %get3A_68 = arith.index_cast %get3A_67 : i32 to index
      %get3A_69 = arith.constant 0 : index
      %get3A_70 = tpu.vector_load %arg7[%get3A_68, %get3A_69] {strides = array<i32>} : memref<125x16xi32, #tpu.memory_space<vmem>>, vector<1x16xi32>,
      %get3A_71 = vector.shape_cast %get3A_70 : vector<1x16xi32> to vector<16xi32>
      %and3A_72 = arith.constant 65535 : i32
      %and3A_73 = vector.broadcast %and3A_72 : i32 to vector<16xi32>
      %and3A_74 = arith.andi %get3A_71, %and3A_73 : vector<16xi32>
      %dma_start3A_75 = arith.constant 0 : i32
      %dma_start3A_76 = arith.constant 0 : i32
      %dma_start3A_77 = tpu.memref_slice %arg2[%dma_start3A_75, %dma_start3A_76] : memref<10000x128xf32, #tpu.memory_space<hbm>> -> memref<10000x128xf32, #tpu.memory_space<hbm>>
      tpu.enqueue_indirect_dma source(%dma_start3A_77 : memref<10000x128xf32, #tpu.memory_space<hbm>>) target(%arg9 : memref<16x128xf32, #tpu.memory_space<vmem>>) offsets(%and3A_74 : vector<16xi32>) semaphore(%arg14 : memref<!tpu.dma_semaphore, #tpu.memory_space<semaphore_mem>>)
      %add3A_78 = arith.constant 1 : i32
      %add3A_79 = arith.addi %mul3A_46, %add3A_78 : i32
      %mul3A_80 = arith.constant 16 : i32
      %mul3A_81 = arith.muli %add3A_79, %mul3A_80 : i32
      %add3A_82 = arith.addi %mul3A_8, %mul3A_81 : i32
      %dma_start3A_83 = arith.constant 1 : i32
      %dma_start3A_84 = arith.constant 0 : i32
      %dma_start3A_85 = tpu.memref_slice %arg3[%dma_start3A_83, %add3A_82, %dma_start3A_84] : memref<3x320000x128xf32, #tpu.memory_space<hbm>> -> memref<1x16x128xf32, #tpu.memory_space<hbm>>
      %dma_start3A_86 = tpu.memref_squeeze %dma_start3A_85 : memref<1x16x128xf32, #tpu.memory_space<hbm>> -> memref<16x128xf32, #tpu.memory_space<hbm>>
      %dma_start3A_87 = arith.constant 0 : i32
      %dma_start3A_88 = tpu.memref_slice %arg3[%dma_start3A_83, %add3A_82, %dma_start3A_87] : memref<3x320000x128xf32, #tpu.memory_space<hbm>> -> memref<1x16x128xf32, #tpu.memory_space<hbm>>
      %dma_start3A_89 = tpu.memref_squeeze %dma_start3A_88 : memref<1x16x128xf32, #tpu.memory_space<hbm>> -> memref<16x128xf32, #tpu.memory_space<hbm>>
      tpu.enqueue_dma source(%dma_start3A_89 : memref<16x128xf32, #tpu.memory_space<hbm>>) target(%arg11 : memref<16x128xf32, #tpu.memory_space<vmem>>) target_semaphore(%arg14 : memref<!tpu.dma_semaphore, #tpu.memory_space<semaphore_mem>>)
      %scan3A_90 = arith.constant 0 : i32
      %scan3A_91 = arith.constant 0 : i32
      %scan3A_92 = arith.constant 62 : i32
      %scan3A_93 = arith.addi %scan3A_91, %scan3A_92 : i32
      %scan3A_94 = arith.constant 1 : i32
      scf.for %scan3A_132 = %scan3A_91 to %scan3A_93 step %scan3A_94  : i32 {
        %mul3A_133 = arith.constant 2 : i32
        %mul3A_134 = arith.muli %mul3A_133, %scan3A_132 : i32
        %dma_wait3A_135 = arith.constant 0 : i32
        %dma_wait3A_136 = arith.constant 0 : i32
        %dma_wait3A_137 = tpu.memref_slice %arg2[%dma_wait3A_135, %dma_wait3A_136] : memref<10000x128xf32, #tpu.memory_space<hbm>> -> memref<16x128xf32, #tpu.memory_space<hbm>>
        %dma_wait3A_138 = arith.constant 0 : i32
        %dma_wait3A_139 = arith.constant 0 : i32
        %dma_wait3A_140 = tpu.memref_slice %arg2[%dma_wait3A_138, %dma_wait3A_139] : memref<10000x128xf32, #tpu.memory_space<hbm>> -> memref<16x128xf32, #tpu.memory_space<hbm>>
        tpu.wait_dma2 semaphore(%arg13 : memref<!tpu.dma_semaphore, #tpu.memory_space<semaphore_mem>>) src(%dma_wait3A_140 : memref<16x128xf32, #tpu.memory_space<hbm>>) dst(%arg8 : memref<16x128xf32, #tpu.memory_space<vmem>>)
        %dma_wait3A_141 = arith.constant 1 : i32
        %dma_wait3A_142 = arith.constant 0 : i32
        %dma_wait3A_143 = arith.constant 0 : i32
        %dma_wait3A_144 = tpu.memref_slice %arg3[%dma_wait3A_141, %dma_wait3A_142, %dma_wait3A_143] : memref<3x320000x128xf32, #tpu.memory_space<hbm>> -> memref<1x16x128xf32, #tpu.memory_space<hbm>>
        %dma_wait3A_145 = tpu.memref_squeeze %dma_wait3A_144 : memref<1x16x128xf32, #tpu.memory_space<hbm>> -> memref<16x128xf32, #tpu.memory_space<hbm>>
        %dma_wait3A_146 = arith.constant 0 : i32
        %dma_wait3A_147 = arith.constant 0 : i32
        %dma_wait3A_148 = tpu.memref_slice %arg3[%dma_wait3A_141, %dma_wait3A_146, %dma_wait3A_147] : memref<3x320000x128xf32, #tpu.memory_space<hbm>> -> memref<1x16x128xf32, #tpu.memory_space<hbm>>
        %dma_wait3A_149 = tpu.memref_squeeze %dma_wait3A_148 : memref<1x16x128xf32, #tpu.memory_space<hbm>> -> memref<16x128xf32, #tpu.memory_space<hbm>>
        tpu.wait_dma2 semaphore(%arg13 : memref<!tpu.dma_semaphore, #tpu.memory_space<semaphore_mem>>) src(%dma_wait3A_149 : memref<16x128xf32, #tpu.memory_space<hbm>>) dst(%arg10 : memref<16x128xf32, #tpu.memory_space<vmem>>)
        %scan3A_150 = arith.constant 0 : i32
        %scan3A_151 = arith.constant 0 : i32
        %scan3A_152 = arith.constant 16 : i32
        %scan3A_153 = arith.addi %scan3A_151, %scan3A_152 : i32
        %scan3A_154 = arith.constant 1 : i32
        scf.for %scan3A_224 = %scan3A_151 to %scan3A_153 step %scan3A_154  : i32 {
          %get3A_225 = arith.index_cast %scan3A_224 : i32 to index
          %get3A_226 = arith.constant 0 : index
          %get3A_227 = tpu.vector_load %arg8[%get3A_225, %get3A_226] {strides = array<i32>} : memref<16x128xf32, #tpu.memory_space<vmem>>, vector<1x16xf32>,
          %get3A_228 = vector.shape_cast %get3A_227 : vector<1x16xf32> to vector<16xf32>
          %get3A_229 = arith.index_cast %scan3A_224 : i32 to index
          %get3A_230 = arith.constant 0 : index
          %get3A_231 = tpu.vector_load %arg10[%get3A_229, %get3A_230] {strides = array<i32>} : memref<16x128xf32, #tpu.memory_space<vmem>>, vector<1x16xf32>,
          %get3A_232 = vector.shape_cast %get3A_231 : vector<1x16xf32> to vector<16xf32>
          %add3A_233 = arith.addf %get3A_228, %get3A_232 : vector<16xf32>
          %max3A = arith.constant 0.000000e+00 : f32
          %max3A_234 = vector.broadcast %max3A : f32 to vector<16xf32>
          %max3A_235 = arith.maximumf %add3A_233, %max3A_234 : vector<16xf32>
          %swap3A = arith.index_cast %scan3A_224 : i32 to index
          %swap3A_236 = arith.constant 0 : index
          %swap3A_237 = tpu.vector_load %arg8[%swap3A, %swap3A_236] {strides = array<i32>} : memref<16x128xf32, #tpu.memory_space<vmem>>, vector<1x16xf32>,
          %swap3A_238 = vector.shape_cast %swap3A_237 : vector<1x16xf32> to vector<16xf32>
          %swap3A_239 = vector.shape_cast %max3A_235 : vector<16xf32> to vector<1x16xf32>
          tpu.vector_store %arg8[%swap3A, %swap3A_236], %swap3A_239 {strides = array<i32>} : memref<16x128xf32, #tpu.memory_space<vmem>>, vector<1x16xf32>,
          %get3A_240 = arith.index_cast %scan3A_224 : i32 to index
          %get3A_241 = arith.constant 16 : index
          %get3A_242 = tpu.vector_load %arg8[%get3A_240, %get3A_241] {strides = array<i32>} : memref<16x128xf32, #tpu.memory_space<vmem>>, vector<1x16xf32>,
          %get3A_243 = vector.shape_cast %get3A_242 : vector<1x16xf32> to vector<16xf32>
          %get3A_244 = arith.index_cast %scan3A_224 : i32 to index
          %get3A_245 = arith.constant 16 : index
          %get3A_246 = tpu.vector_load %arg10[%get3A_244, %get3A_245] {strides = array<i32>} : memref<16x128xf32, #tpu.memory_space<vmem>>, vector<1x16xf32>,
          %get3A_247 = vector.shape_cast %get3A_246 : vector<1x16xf32> to vector<16xf32>
          %add3A_248 = arith.addf %get3A_243, %get3A_247 : vector<16xf32>
          %max3A_249 = arith.constant 0.000000e+00 : f32
          %max3A_250 = vector.broadcast %max3A_249 : f32 to vector<16xf32>
          %max3A_251 = arith.maximumf %add3A_248, %max3A_250 : vector<16xf32>
          %swap3A_252 = arith.index_cast %scan3A_224 : i32 to index
          %swap3A_253 = arith.constant 16 : index
          %swap3A_254 = tpu.vector_load %arg8[%swap3A_252, %swap3A_253] {strides = array<i32>} : memref<16x128xf32, #tpu.memory_space<vmem>>, vector<1x16xf32>,
          %swap3A_255 = vector.shape_cast %swap3A_254 : vector<1x16xf32> to vector<16xf32>
          %swap3A_256 = vector.shape_cast %max3A_251 : vector<16xf32> to vector<1x16xf32>
          tpu.vector_store %arg8[%swap3A_252, %swap3A_253], %swap3A_256 {strides = array<i32>} : memref<16x128xf32, #tpu.memory_space<vmem>>, vector<1x16xf32>,
          %get3A_257 = arith.index_cast %scan3A_224 : i32 to index
          %get3A_258 = arith.constant 32 : index
          %get3A_259 = tpu.vector_load %arg8[%get3A_257, %get3A_258] {strides = array<i32>} : memref<16x128xf32, #tpu.memory_space<vmem>>, vector<1x16xf32>,
          %get3A_260 = vector.shape_cast %get3A_259 : vector<1x16xf32> to vector<16xf32>
          %get3A_261 = arith.index_cast %scan3A_224 : i32 to index
          %get3A_262 = arith.constant 32 : index
          %get3A_263 = tpu.vector_load %arg10[%get3A_261, %get3A_262] {strides = array<i32>} : memref<16x128xf32, #tpu.memory_space<vmem>>, vector<1x16xf32>,
          %get3A_264 = vector.shape_cast %get3A_263 : vector<1x16xf32> to vector<16xf32>
          %add3A_265 = arith.addf %get3A_260, %get3A_264 : vector<16xf32>
          %max3A_266 = arith.constant 0.000000e+00 : f32
          %max3A_267 = vector.broadcast %max3A_266 : f32 to vector<16xf32>
          %max3A_268 = arith.maximumf %add3A_265, %max3A_267 : vector<16xf32>
          %swap3A_269 = arith.index_cast %scan3A_224 : i32 to index
          %swap3A_270 = arith.constant 32 : index
          %swap3A_271 = tpu.vector_load %arg8[%swap3A_269, %swap3A_270] {strides = array<i32>} : memref<16x128xf32, #tpu.memory_space<vmem>>, vector<1x16xf32>,
          %swap3A_272 = vector.shape_cast %swap3A_271 : vector<1x16xf32> to vector<16xf32>
          %swap3A_273 = vector.shape_cast %max3A_268 : vector<16xf32> to vector<1x16xf32>
          tpu.vector_store %arg8[%swap3A_269, %swap3A_270], %swap3A_273 {strides = array<i32>} : memref<16x128xf32, #tpu.memory_space<vmem>>, vector<1x16xf32>,
          %get3A_274 = arith.index_cast %scan3A_224 : i32 to index
          %get3A_275 = arith.constant 48 : index
          %get3A_276 = tpu.vector_load %arg8[%get3A_274, %get3A_275] {strides = array<i32>} : memref<16x128xf32, #tpu.memory_space<vmem>>, vector<1x16xf32>,
          %get3A_277 = vector.shape_cast %get3A_276 : vector<1x16xf32> to vector<16xf32>
          %get3A_278 = arith.index_cast %scan3A_224 : i32 to index
          %get3A_279 = arith.constant 48 : index
          %get3A_280 = tpu.vector_load %arg10[%get3A_278, %get3A_279] {strides = array<i32>} : memref<16x128xf32, #tpu.memory_space<vmem>>, vector<1x16xf32>,
          %get3A_281 = vector.shape_cast %get3A_280 : vector<1x16xf32> to vector<16xf32>
          %add3A_282 = arith.addf %get3A_277, %get3A_281 : vector<16xf32>
          %max3A_283 = arith.constant 0.000000e+00 : f32
          %max3A_284 = vector.broadcast %max3A_283 : f32 to vector<16xf32>
          %max3A_285 = arith.maximumf %add3A_282, %max3A_284 : vector<16xf32>
          %swap3A_286 = arith.index_cast %scan3A_224 : i32 to index
          %swap3A_287 = arith.constant 48 : index
          %swap3A_288 = tpu.vector_load %arg8[%swap3A_286, %swap3A_287] {strides = array<i32>} : memref<16x128xf32, #tpu.memory_space<vmem>>, vector<1x16xf32>,
          %swap3A_289 = vector.shape_cast %swap3A_288 : vector<1x16xf32> to vector<16xf32>
          %swap3A_290 = vector.shape_cast %max3A_285 : vector<16xf32> to vector<1x16xf32>
          tpu.vector_store %arg8[%swap3A_286, %swap3A_287], %swap3A_290 {strides = array<i32>} : memref<16x128xf32, #tpu.memory_space<vmem>>, vector<1x16xf32>,
          %get3A_291 = arith.index_cast %scan3A_224 : i32 to index
          %get3A_292 = arith.constant 64 : index
          %get3A_293 = tpu.vector_load %arg8[%get3A_291, %get3A_292] {strides = array<i32>} : memref<16x128xf32, #tpu.memory_space<vmem>>, vector<1x16xf32>,
          %get3A_294 = vector.shape_cast %get3A_293 : vector<1x16xf32> to vector<16xf32>
          %get3A_295 = arith.index_cast %scan3A_224 : i32 to index
          %get3A_296 = arith.constant 64 : index
          %get3A_297 = tpu.vector_load %arg10[%get3A_295, %get3A_296] {strides = array<i32>} : memref<16x128xf32, #tpu.memory_space<vmem>>, vector<1x16xf32>,
          %get3A_298 = vector.shape_cast %get3A_297 : vector<1x16xf32> to vector<16xf32>
          %add3A_299 = arith.addf %get3A_294, %get3A_298 : vector<16xf32>
          %max3A_300 = arith.constant 0.000000e+00 : f32
          %max3A_301 = vector.broadcast %max3A_300 : f32 to vector<16xf32>
          %max3A_302 = arith.maximumf %add3A_299, %max3A_301 : vector<16xf32>
          %swap3A_303 = arith.index_cast %scan3A_224 : i32 to index
          %swap3A_304 = arith.constant 64 : index
          %swap3A_305 = tpu.vector_load %arg8[%swap3A_303, %swap3A_304] {strides = array<i32>} : memref<16x128xf32, #tpu.memory_space<vmem>>, vector<1x16xf32>,
          %swap3A_306 = vector.shape_cast %swap3A_305 : vector<1x16xf32> to vector<16xf32>
          %swap3A_307 = vector.shape_cast %max3A_302 : vector<16xf32> to vector<1x16xf32>
          tpu.vector_store %arg8[%swap3A_303, %swap3A_304], %swap3A_307 {strides = array<i32>} : memref<16x128xf32, #tpu.memory_space<vmem>>, vector<1x16xf32>,
          %get3A_308 = arith.index_cast %scan3A_224 : i32 to index
          %get3A_309 = arith.constant 80 : index
          %get3A_310 = tpu.vector_load %arg8[%get3A_308, %get3A_309] {strides = array<i32>} : memref<16x128xf32, #tpu.memory_space<vmem>>, vector<1x16xf32>,
          %get3A_311 = vector.shape_cast %get3A_310 : vector<1x16xf32> to vector<16xf32>
          %get3A_312 = arith.index_cast %scan3A_224 : i32 to index
          %get3A_313 = arith.constant 80 : index
          %get3A_314 = tpu.vector_load %arg10[%get3A_312, %get3A_313] {strides = array<i32>} : memref<16x128xf32, #tpu.memory_space<vmem>>, vector<1x16xf32>,
          %get3A_315 = vector.shape_cast %get3A_314 : vector<1x16xf32> to vector<16xf32>
          %add3A_316 = arith.addf %get3A_311, %get3A_315 : vector<16xf32>
          %max3A_317 = arith.constant 0.000000e+00 : f32
          %max3A_318 = vector.broadcast %max3A_317 : f32 to vector<16xf32>
          %max3A_319 = arith.maximumf %add3A_316, %max3A_318 : vector<16xf32>
          %swap3A_320 = arith.index_cast %scan3A_224 : i32 to index
          %swap3A_321 = arith.constant 80 : index
          %swap3A_322 = tpu.vector_load %arg8[%swap3A_320, %swap3A_321] {strides = array<i32>} : memref<16x128xf32, #tpu.memory_space<vmem>>, vector<1x16xf32>,
          %swap3A_323 = vector.shape_cast %swap3A_322 : vector<1x16xf32> to vector<16xf32>
          %swap3A_324 = vector.shape_cast %max3A_319 : vector<16xf32> to vector<1x16xf32>
          tpu.vector_store %arg8[%swap3A_320, %swap3A_321], %swap3A_324 {strides = array<i32>} : memref<16x128xf32, #tpu.memory_space<vmem>>, vector<1x16xf32>,
          %get3A_325 = arith.index_cast %scan3A_224 : i32 to index
          %get3A_326 = arith.constant 96 : index
          %get3A_327 = tpu.vector_load %arg8[%get3A_325, %get3A_326] {strides = array<i32>} : memref<16x128xf32, #tpu.memory_space<vmem>>, vector<1x16xf32>,
          %get3A_328 = vector.shape_cast %get3A_327 : vector<1x16xf32> to vector<16xf32>
          %get3A_329 = arith.index_cast %scan3A_224 : i32 to index
          %get3A_330 = arith.constant 96 : index
          %get3A_331 = tpu.vector_load %arg10[%get3A_329, %get3A_330] {strides = array<i32>} : memref<16x128xf32, #tpu.memory_space<vmem>>, vector<1x16xf32>,
          %get3A_332 = vector.shape_cast %get3A_331 : vector<1x16xf32> to vector<16xf32>
          %add3A_333 = arith.addf %get3A_328, %get3A_332 : vector<16xf32>
          %max3A_334 = arith.constant 0.000000e+00 : f32
          %max3A_335 = vector.broadcast %max3A_334 : f32 to vector<16xf32>
          %max3A_336 = arith.maximumf %add3A_333, %max3A_335 : vector<16xf32>
          %swap3A_337 = arith.index_cast %scan3A_224 : i32 to index
          %swap3A_338 = arith.constant 96 : index
          %swap3A_339 = tpu.vector_load %arg8[%swap3A_337, %swap3A_338] {strides = array<i32>} : memref<16x128xf32, #tpu.memory_space<vmem>>, vector<1x16xf32>,
          %swap3A_340 = vector.shape_cast %swap3A_339 : vector<1x16xf32> to vector<16xf32>
          %swap3A_341 = vector.shape_cast %max3A_336 : vector<16xf32> to vector<1x16xf32>
          tpu.vector_store %arg8[%swap3A_337, %swap3A_338], %swap3A_341 {strides = array<i32>} : memref<16x128xf32, #tpu.memory_space<vmem>>, vector<1x16xf32>,
          %get3A_342 = arith.index_cast %scan3A_224 : i32 to index
          %get3A_343 = arith.constant 112 : index
          %get3A_344 = tpu.vector_load %arg8[%get3A_342, %get3A_343] {strides = array<i32>} : memref<16x128xf32, #tpu.memory_space<vmem>>, vector<1x16xf32>,
          %get3A_345 = vector.shape_cast %get3A_344 : vector<1x16xf32> to vector<16xf32>
          %get3A_346 = arith.index_cast %scan3A_224 : i32 to index
          %get3A_347 = arith.constant 112 : index
          %get3A_348 = tpu.vector_load %arg10[%get3A_346, %get3A_347] {strides = array<i32>} : memref<16x128xf32, #tpu.memory_space<vmem>>, vector<1x16xf32>,
          %get3A_349 = vector.shape_cast %get3A_348 : vector<1x16xf32> to vector<16xf32>
          %add3A_350 = arith.addf %get3A_345, %get3A_349 : vector<16xf32>
          %max3A_351 = arith.constant 0.000000e+00 : f32
          %max3A_352 = vector.broadcast %max3A_351 : f32 to vector<16xf32>
          %max3A_353 = arith.maximumf %add3A_350, %max3A_352 : vector<16xf32>
          %swap3A_354 = arith.index_cast %scan3A_224 : i32 to index
          %swap3A_355 = arith.constant 112 : index
          %swap3A_356 = tpu.vector_load %arg8[%swap3A_354, %swap3A_355] {strides = array<i32>} : memref<16x128xf32, #tpu.memory_space<vmem>>, vector<1x16xf32>,
          %swap3A_357 = vector.shape_cast %swap3A_356 : vector<1x16xf32> to vector<16xf32>
          %swap3A_358 = vector.shape_cast %max3A_353 : vector<16xf32> to vector<1x16xf32>
          tpu.vector_store %arg8[%swap3A_354, %swap3A_355], %swap3A_358 {strides = array<i32>} : memref<16x128xf32, #tpu.memory_space<vmem>>, vector<1x16xf32>,
        }
        %scan3A_155 = arith.constant 16 : i32
        %get3A_156 = arith.index_cast %mul3A_134 : i32 to index
        %get3A_157 = arith.constant 0 : index
        %get3A_158 = tpu.vector_load %arg7[%get3A_156, %get3A_157] {strides = array<i32>} : memref<125x16xi32, #tpu.memory_space<vmem>>, vector<1x16xi32>,
        %get3A_159 = vector.shape_cast %get3A_158 : vector<1x16xi32> to vector<16xi32>
        %shift_right_logical3A_160 = arith.constant 16 : i32
        %shift_right_logical3A_161 = vector.broadcast %shift_right_logical3A_160 : i32 to vector<16xi32>
        %shift_right_logical3A_162 = arith.shrui %get3A_159, %shift_right_logical3A_161 : vector<16xi32>
        %dma_start3A_163 = arith.constant 0 : i32
        %dma_start3A_164 = arith.constant 0 : i32
        %dma_start3A_165 = tpu.memref_slice %arg12[%dma_start3A_163, %dma_start3A_164] : memref<10000x128xf32, #tpu.memory_space<vmem_shared>> -> memref<10000x128xf32, #tpu.memory_space<vmem_shared>>
        tpu.enqueue_indirect_dma source(%arg8 : memref<16x128xf32, #tpu.memory_space<vmem>>) target(%dma_start3A_165 : memref<10000x128xf32, #tpu.memory_space<vmem_shared>>) offsets(%shift_right_logical3A_162 : vector<16xi32>) semaphore(%arg15 : memref<!tpu.dma_semaphore, #tpu.memory_space<semaphore_mem>>) {add = true}
        %dma_wait3A_166 = arith.constant 0 : i32
        %dma_wait3A_167 = arith.constant 0 : i32
        %dma_wait3A_168 = tpu.memref_slice %arg2[%dma_wait3A_166, %dma_wait3A_167] : memref<10000x128xf32, #tpu.memory_space<hbm>> -> memref<16x128xf32, #tpu.memory_space<hbm>>
        %dma_wait3A_169 = arith.constant 0 : i32
        %dma_wait3A_170 = arith.constant 0 : i32
        %dma_wait3A_171 = tpu.memref_slice %arg2[%dma_wait3A_169, %dma_wait3A_170] : memref<10000x128xf32, #tpu.memory_space<hbm>> -> memref<16x128xf32, #tpu.memory_space<hbm>>
        tpu.wait_dma2 semaphore(%arg14 : memref<!tpu.dma_semaphore, #tpu.memory_space<semaphore_mem>>) src(%dma_wait3A_171 : memref<16x128xf32, #tpu.memory_space<hbm>>) dst(%arg9 : memref<16x128xf32, #tpu.memory_space<vmem>>)
        %dma_wait3A_172 = arith.constant 1 : i32
        %dma_wait3A_173 = arith.constant 0 : i32
        %dma_wait3A_174 = arith.constant 0 : i32
        %dma_wait3A_175 = tpu.memref_slice %arg3[%dma_wait3A_172, %dma_wait3A_173, %dma_wait3A_174] : memref<3x320000x128xf32, #tpu.memory_space<hbm>> -> memref<1x16x128xf32, #tpu.memory_space<hbm>>
        %dma_wait3A_176 = tpu.memref_squeeze %dma_wait3A_175 : memref<1x16x128xf32, #tpu.memory_space<hbm>> -> memref<16x128xf32, #tpu.memory_space<hbm>>
        %dma_wait3A_177 = arith.constant 0 : i32
        %dma_wait3A_178 = arith.constant 0 : i32
        %dma_wait3A_179 = tpu.memref_slice %arg3[%dma_wait3A_172, %dma_wait3A_177, %dma_wait3A_178] : memref<3x320000x128xf32, #tpu.memory_space<hbm>> -> memref<1x16x128xf32, #tpu.memory_space<hbm>>
        %dma_wait3A_180 = tpu.memref_squeeze %dma_wait3A_179 : memref<1x16x128xf32, #tpu.memory_space<hbm>> -> memref<16x128xf32, #tpu.memory_space<hbm>>
        tpu.wait_dma2 semaphore(%arg14 : memref<!tpu.dma_semaphore, #tpu.memory_space<semaphore_mem>>) src(%dma_wait3A_180 : memref<16x128xf32, #tpu.memory_space<hbm>>) dst(%arg11 : memref<16x128xf32, #tpu.memory_space<vmem>>)
        %scan3A_181 = arith.constant 0 : i32
        %scan3A_182 = arith.constant 0 : i32
        %scan3A_183 = arith.constant 16 : i32
        %scan3A_184 = arith.addi %scan3A_182, %scan3A_183 : i32
        %scan3A_185 = arith.constant 1 : i32
        scf.for %scan3A_224 = %scan3A_182 to %scan3A_184 step %scan3A_185  : i32 {
          %get3A_225 = arith.index_cast %scan3A_224 : i32 to index
          %get3A_226 = arith.constant 0 : index
          %get3A_227 = tpu.vector_load %arg9[%get3A_225, %get3A_226] {strides = array<i32>} : memref<16x128xf32, #tpu.memory_space<vmem>>, vector<1x16xf32>,
          %get3A_228 = vector.shape_cast %get3A_227 : vector<1x16xf32> to vector<16xf32>
          %get3A_229 = arith.index_cast %scan3A_224 : i32 to index
          %get3A_230 = arith.constant 0 : index
          %get3A_231 = tpu.vector_load %arg11[%get3A_229, %get3A_230] {strides = array<i32>} : memref<16x128xf32, #tpu.memory_space<vmem>>, vector<1x16xf32>,
          %get3A_232 = vector.shape_cast %get3A_231 : vector<1x16xf32> to vector<16xf32>
          %add3A_233 = arith.addf %get3A_228, %get3A_232 : vector<16xf32>
          %max3A = arith.constant 0.000000e+00 : f32
          %max3A_234 = vector.broadcast %max3A : f32 to vector<16xf32>
          %max3A_235 = arith.maximumf %add3A_233, %max3A_234 : vector<16xf32>
          %swap3A = arith.index_cast %scan3A_224 : i32 to index
          %swap3A_236 = arith.constant 0 : index
          %swap3A_237 = tpu.vector_load %arg9[%swap3A, %swap3A_236] {strides = array<i32>} : memref<16x128xf32, #tpu.memory_space<vmem>>, vector<1x16xf32>,
          %swap3A_238 = vector.shape_cast %swap3A_237 : vector<1x16xf32> to vector<16xf32>
          %swap3A_239 = vector.shape_cast %max3A_235 : vector<16xf32> to vector<1x16xf32>
          tpu.vector_store %arg9[%swap3A, %swap3A_236], %swap3A_239 {strides = array<i32>} : memref<16x128xf32, #tpu.memory_space<vmem>>, vector<1x16xf32>,
          %get3A_240 = arith.index_cast %scan3A_224 : i32 to index
          %get3A_241 = arith.constant 16 : index
          %get3A_242 = tpu.vector_load %arg9[%get3A_240, %get3A_241] {strides = array<i32>} : memref<16x128xf32, #tpu.memory_space<vmem>>, vector<1x16xf32>,
          %get3A_243 = vector.shape_cast %get3A_242 : vector<1x16xf32> to vector<16xf32>
          %get3A_244 = arith.index_cast %scan3A_224 : i32 to index
          %get3A_245 = arith.constant 16 : index
          %get3A_246 = tpu.vector_load %arg11[%get3A_244, %get3A_245] {strides = array<i32>} : memref<16x128xf32, #tpu.memory_space<vmem>>, vector<1x16xf32>,
          %get3A_247 = vector.shape_cast %get3A_246 : vector<1x16xf32> to vector<16xf32>
          %add3A_248 = arith.addf %get3A_243, %get3A_247 : vector<16xf32>
          %max3A_249 = arith.constant 0.000000e+00 : f32
          %max3A_250 = vector.broadcast %max3A_249 : f32 to vector<16xf32>
          %max3A_251 = arith.maximumf %add3A_248, %max3A_250 : vector<16xf32>
          %swap3A_252 = arith.index_cast %scan3A_224 : i32 to index
          %swap3A_253 = arith.constant 16 : index
          %swap3A_254 = tpu.vector_load %arg9[%swap3A_252, %swap3A_253] {strides = array<i32>} : memref<16x128xf32, #tpu.memory_space<vmem>>, vector<1x16xf32>,
          %swap3A_255 = vector.shape_cast %swap3A_254 : vector<1x16xf32> to vector<16xf32>
          %swap3A_256 = vector.shape_cast %max3A_251 : vector<16xf32> to vector<1x16xf32>
          tpu.vector_store %arg9[%swap3A_252, %swap3A_253], %swap3A_256 {strides = array<i32>} : memref<16x128xf32, #tpu.memory_space<vmem>>, vector<1x16xf32>,
          %get3A_257 = arith.index_cast %scan3A_224 : i32 to index
          %get3A_258 = arith.constant 32 : index
          %get3A_259 = tpu.vector_load %arg9[%get3A_257, %get3A_258] {strides = array<i32>} : memref<16x128xf32, #tpu.memory_space<vmem>>, vector<1x16xf32>,
          %get3A_260 = vector.shape_cast %get3A_259 : vector<1x16xf32> to vector<16xf32>
          %get3A_261 = arith.index_cast %scan3A_224 : i32 to index
          %get3A_262 = arith.constant 32 : index
          %get3A_263 = tpu.vector_load %arg11[%get3A_261, %get3A_262] {strides = array<i32>} : memref<16x128xf32, #tpu.memory_space<vmem>>, vector<1x16xf32>,
          %get3A_264 = vector.shape_cast %get3A_263 : vector<1x16xf32> to vector<16xf32>
          %add3A_265 = arith.addf %get3A_260, %get3A_264 : vector<16xf32>
          %max3A_266 = arith.constant 0.000000e+00 : f32
          %max3A_267 = vector.broadcast %max3A_266 : f32 to vector<16xf32>
          %max3A_268 = arith.maximumf %add3A_265, %max3A_267 : vector<16xf32>
          %swap3A_269 = arith.index_cast %scan3A_224 : i32 to index
          %swap3A_270 = arith.constant 32 : index
          %swap3A_271 = tpu.vector_load %arg9[%swap3A_269, %swap3A_270] {strides = array<i32>} : memref<16x128xf32, #tpu.memory_space<vmem>>, vector<1x16xf32>,
          %swap3A_272 = vector.shape_cast %swap3A_271 : vector<1x16xf32> to vector<16xf32>
          %swap3A_273 = vector.shape_cast %max3A_268 : vector<16xf32> to vector<1x16xf32>
          tpu.vector_store %arg9[%swap3A_269, %swap3A_270], %swap3A_273 {strides = array<i32>} : memref<16x128xf32, #tpu.memory_space<vmem>>, vector<1x16xf32>,
          %get3A_274 = arith.index_cast %scan3A_224 : i32 to index
          %get3A_275 = arith.constant 48 : index
          %get3A_276 = tpu.vector_load %arg9[%get3A_274, %get3A_275] {strides = array<i32>} : memref<16x128xf32, #tpu.memory_space<vmem>>, vector<1x16xf32>,
          %get3A_277 = vector.shape_cast %get3A_276 : vector<1x16xf32> to vector<16xf32>
          %get3A_278 = arith.index_cast %scan3A_224 : i32 to index
          %get3A_279 = arith.constant 48 : index
          %get3A_280 = tpu.vector_load %arg11[%get3A_278, %get3A_279] {strides = array<i32>} : memref<16x128xf32, #tpu.memory_space<vmem>>, vector<1x16xf32>,
          %get3A_281 = vector.shape_cast %get3A_280 : vector<1x16xf32> to vector<16xf32>
          %add3A_282 = arith.addf %get3A_277, %get3A_281 : vector<16xf32>
          %max3A_283 = arith.constant 0.000000e+00 : f32
          %max3A_284 = vector.broadcast %max3A_283 : f32 to vector<16xf32>
          %max3A_285 = arith.maximumf %add3A_282, %max3A_284 : vector<16xf32>
          %swap3A_286 = arith.index_cast %scan3A_224 : i32 to index
          %swap3A_287 = arith.constant 48 : index
          %swap3A_288 = tpu.vector_load %arg9[%swap3A_286, %swap3A_287] {strides = array<i32>} : memref<16x128xf32, #tpu.memory_space<vmem>>, vector<1x16xf32>,
          %swap3A_289 = vector.shape_cast %swap3A_288 : vector<1x16xf32> to vector<16xf32>
          %swap3A_290 = vector.shape_cast %max3A_285 : vector<16xf32> to vector<1x16xf32>
          tpu.vector_store %arg9[%swap3A_286, %swap3A_287], %swap3A_290 {strides = array<i32>} : memref<16x128xf32, #tpu.memory_space<vmem>>, vector<1x16xf32>,
          %get3A_291 = arith.index_cast %scan3A_224 : i32 to index
          %get3A_292 = arith.constant 64 : index
          %get3A_293 = tpu.vector_load %arg9[%get3A_291, %get3A_292] {strides = array<i32>} : memref<16x128xf32, #tpu.memory_space<vmem>>, vector<1x16xf32>,
          %get3A_294 = vector.shape_cast %get3A_293 : vector<1x16xf32> to vector<16xf32>
          %get3A_295 = arith.index_cast %scan3A_224 : i32 to index
          %get3A_296 = arith.constant 64 : index
          %get3A_297 = tpu.vector_load %arg11[%get3A_295, %get3A_296] {strides = array<i32>} : memref<16x128xf32, #tpu.memory_space<vmem>>, vector<1x16xf32>,
          %get3A_298 = vector.shape_cast %get3A_297 : vector<1x16xf32> to vector<16xf32>
          %add3A_299 = arith.addf %get3A_294, %get3A_298 : vector<16xf32>
          %max3A_300 = arith.constant 0.000000e+00 : f32
          %max3A_301 = vector.broadcast %max3A_300 : f32 to vector<16xf32>
          %max3A_302 = arith.maximumf %add3A_299, %max3A_301 : vector<16xf32>
          %swap3A_303 = arith.index_cast %scan3A_224 : i32 to index
          %swap3A_304 = arith.constant 64 : index
          %swap3A_305 = tpu.vector_load %arg9[%swap3A_303, %swap3A_304] {strides = array<i32>} : memref<16x128xf32, #tpu.memory_space<vmem>>, vector<1x16xf32>,
          %swap3A_306 = vector.shape_cast %swap3A_305 : vector<1x16xf32> to vector<16xf32>
          %swap3A_307 = vector.shape_cast %max3A_302 : vector<16xf32> to vector<1x16xf32>
          tpu.vector_store %arg9[%swap3A_303, %swap3A_304], %swap3A_307 {strides = array<i32>} : memref<16x128xf32, #tpu.memory_space<vmem>>, vector<1x16xf32>,
          %get3A_308 = arith.index_cast %scan3A_224 : i32 to index
          %get3A_309 = arith.constant 80 : index
          %get3A_310 = tpu.vector_load %arg9[%get3A_308, %get3A_309] {strides = array<i32>} : memref<16x128xf32, #tpu.memory_space<vmem>>, vector<1x16xf32>,
          %get3A_311 = vector.shape_cast %get3A_310 : vector<1x16xf32> to vector<16xf32>
          %get3A_312 = arith.index_cast %scan3A_224 : i32 to index
          %get3A_313 = arith.constant 80 : index
          %get3A_314 = tpu.vector_load %arg11[%get3A_312, %get3A_313] {strides = array<i32>} : memref<16x128xf32, #tpu.memory_space<vmem>>, vector<1x16xf32>,
          %get3A_315 = vector.shape_cast %get3A_314 : vector<1x16xf32> to vector<16xf32>
          %add3A_316 = arith.addf %get3A_311, %get3A_315 : vector<16xf32>
          %max3A_317 = arith.constant 0.000000e+00 : f32
          %max3A_318 = vector.broadcast %max3A_317 : f32 to vector<16xf32>
          %max3A_319 = arith.maximumf %add3A_316, %max3A_318 : vector<16xf32>
          %swap3A_320 = arith.index_cast %scan3A_224 : i32 to index
          %swap3A_321 = arith.constant 80 : index
          %swap3A_322 = tpu.vector_load %arg9[%swap3A_320, %swap3A_321] {strides = array<i32>} : memref<16x128xf32, #tpu.memory_space<vmem>>, vector<1x16xf32>,
          %swap3A_323 = vector.shape_cast %swap3A_322 : vector<1x16xf32> to vector<16xf32>
          %swap3A_324 = vector.shape_cast %max3A_319 : vector<16xf32> to vector<1x16xf32>
          tpu.vector_store %arg9[%swap3A_320, %swap3A_321], %swap3A_324 {strides = array<i32>} : memref<16x128xf32, #tpu.memory_space<vmem>>, vector<1x16xf32>,
          %get3A_325 = arith.index_cast %scan3A_224 : i32 to index
          %get3A_326 = arith.constant 96 : index
          %get3A_327 = tpu.vector_load %arg9[%get3A_325, %get3A_326] {strides = array<i32>} : memref<16x128xf32, #tpu.memory_space<vmem>>, vector<1x16xf32>,
          %get3A_328 = vector.shape_cast %get3A_327 : vector<1x16xf32> to vector<16xf32>
          %get3A_329 = arith.index_cast %scan3A_224 : i32 to index
          %get3A_330 = arith.constant 96 : index
          %get3A_331 = tpu.vector_load %arg11[%get3A_329, %get3A_330] {strides = array<i32>} : memref<16x128xf32, #tpu.memory_space<vmem>>, vector<1x16xf32>,
          %get3A_332 = vector.shape_cast %get3A_331 : vector<1x16xf32> to vector<16xf32>
          %add3A_333 = arith.addf %get3A_328, %get3A_332 : vector<16xf32>
          %max3A_334 = arith.constant 0.000000e+00 : f32
          %max3A_335 = vector.broadcast %max3A_334 : f32 to vector<16xf32>
          %max3A_336 = arith.maximumf %add3A_333, %max3A_335 : vector<16xf32>
          %swap3A_337 = arith.index_cast %scan3A_224 : i32 to index
          %swap3A_338 = arith.constant 96 : index
          %swap3A_339 = tpu.vector_load %arg9[%swap3A_337, %swap3A_338] {strides = array<i32>} : memref<16x128xf32, #tpu.memory_space<vmem>>, vector<1x16xf32>,
          %swap3A_340 = vector.shape_cast %swap3A_339 : vector<1x16xf32> to vector<16xf32>
          %swap3A_341 = vector.shape_cast %max3A_336 : vector<16xf32> to vector<1x16xf32>
          tpu.vector_store %arg9[%swap3A_337, %swap3A_338], %swap3A_341 {strides = array<i32>} : memref<16x128xf32, #tpu.memory_space<vmem>>, vector<1x16xf32>,
          %get3A_342 = arith.index_cast %scan3A_224 : i32 to index
          %get3A_343 = arith.constant 112 : index
          %get3A_344 = tpu.vector_load %arg9[%get3A_342, %get3A_343] {strides = array<i32>} : memref<16x128xf32, #tpu.memory_space<vmem>>, vector<1x16xf32>,
          %get3A_345 = vector.shape_cast %get3A_344 : vector<1x16xf32> to vector<16xf32>
          %get3A_346 = arith.index_cast %scan3A_224 : i32 to index
          %get3A_347 = arith.constant 112 : index
          %get3A_348 = tpu.vector_load %arg11[%get3A_346, %get3A_347] {strides = array<i32>} : memref<16x128xf32, #tpu.memory_space<vmem>>, vector<1x16xf32>,
          %get3A_349 = vector.shape_cast %get3A_348 : vector<1x16xf32> to vector<16xf32>
          %add3A_350 = arith.addf %get3A_345, %get3A_349 : vector<16xf32>
          %max3A_351 = arith.constant 0.000000e+00 : f32
          %max3A_352 = vector.broadcast %max3A_351 : f32 to vector<16xf32>
          %max3A_353 = arith.maximumf %add3A_350, %max3A_352 : vector<16xf32>
          %swap3A_354 = arith.index_cast %scan3A_224 : i32 to index
          %swap3A_355 = arith.constant 112 : index
          %swap3A_356 = tpu.vector_load %arg9[%swap3A_354, %swap3A_355] {strides = array<i32>} : memref<16x128xf32, #tpu.memory_space<vmem>>, vector<1x16xf32>,
          %swap3A_357 = vector.shape_cast %swap3A_356 : vector<1x16xf32> to vector<16xf32>
          %swap3A_358 = vector.shape_cast %max3A_353 : vector<16xf32> to vector<1x16xf32>
          tpu.vector_store %arg9[%swap3A_354, %swap3A_355], %swap3A_358 {strides = array<i32>} : memref<16x128xf32, #tpu.memory_space<vmem>>, vector<1x16xf32>,
        }
        %scan3A_186 = arith.constant 16 : i32
        %add3A_187 = arith.constant 1 : i32
        %add3A_188 = arith.addi %mul3A_134, %add3A_187 : i32
        %get3A_189 = arith.index_cast %add3A_188 : i32 to index
        %get3A_190 = arith.constant 0 : index
        %get3A_191 = tpu.vector_load %arg7[%get3A_189, %get3A_190] {strides = array<i32>} : memref<125x16xi32, #tpu.memory_space<vmem>>, vector<1x16xi32>,
        %get3A_192 = vector.shape_cast %get3A_191 : vector<1x16xi32> to vector<16xi32>
        %shift_right_logical3A_193 = arith.constant 16 : i32
        %shift_right_logical3A_194 = vector.broadcast %shift_right_logical3A_193 : i32 to vector<16xi32>
        %shift_right_logical3A_195 = arith.shrui %get3A_192, %shift_right_logical3A_194 : vector<16xi32>
        %dma_start3A_196 = arith.constant 0 : i32
        %dma_start3A_197 = arith.constant 0 : i32
        %dma_start3A_198 = tpu.memref_slice %arg12[%dma_start3A_196, %dma_start3A_197] : memref<10000x128xf32, #tpu.memory_space<vmem_shared>> -> memref<10000x128xf32, #tpu.memory_space<vmem_shared>>
        tpu.enqueue_indirect_dma source(%arg9 : memref<16x128xf32, #tpu.memory_space<vmem>>) target(%dma_start3A_198 : memref<10000x128xf32, #tpu.memory_space<vmem_shared>>) offsets(%shift_right_logical3A_195 : vector<16xi32>) semaphore(%arg16 : memref<!tpu.dma_semaphore, #tpu.memory_space<semaphore_mem>>) {add = true}
        %dma_wait3A_199 = arith.constant 0 : i32
        %dma_wait3A_200 = arith.constant 0 : i32
        %dma_wait3A_201 = tpu.memref_slice %arg12[%dma_wait3A_199, %dma_wait3A_200] : memref<10000x128xf32, #tpu.memory_space<vmem_shared>> -> memref<16x128xf32, #tpu.memory_space<vmem_shared>>
        %dma_wait3A_202 = arith.constant 0 : i32
        %dma_wait3A_203 = arith.constant 0 : i32
        %dma_wait3A_204 = tpu.memref_slice %arg12[%dma_wait3A_202, %dma_wait3A_203] : memref<10000x128xf32, #tpu.memory_space<vmem_shared>> -> memref<16x128xf32, #tpu.memory_space<vmem_shared>>
        tpu.wait_dma2 semaphore(%arg15 : memref<!tpu.dma_semaphore, #tpu.memory_space<semaphore_mem>>) src(%arg8 : memref<16x128xf32, #tpu.memory_space<vmem>>) dst(%dma_wait3A_204 : memref<16x128xf32, #tpu.memory_space<vmem_shared>>)
        %add3A_205 = arith.constant 2 : i32
        %add3A_206 = arith.addi %mul3A_134, %add3A_205 : i32
        %lt3A = arith.constant 125 : i32
        %lt3A_207 = arith.cmpi slt, %add3A_206, %lt3A : i32
        %convert_element_type3A_208 = arith.extui %lt3A_207 : i1 to i32
        %cond3A_209 = arith.constant 0 : i32
        %cond3A_210 = arith.cmpi ne, %convert_element_type3A_208, %cond3A_209 : i32
        scf.if %cond3A_210 {
          %add3A_224 = arith.constant 2 : i32
          %add3A_225 = arith.addi %mul3A_134, %add3A_224 : i32
          %get3A_226 = arith.index_cast %add3A_225 : i32 to index
          %get3A_227 = arith.constant 0 : index
          %get3A_228 = tpu.vector_load %arg7[%get3A_226, %get3A_227] {strides = array<i32>} : memref<125x16xi32, #tpu.memory_space<vmem>>, vector<1x16xi32>,
          %get3A_229 = vector.shape_cast %get3A_228 : vector<1x16xi32> to vector<16xi32>
          %and3A_230 = arith.constant 65535 : i32
          %and3A_231 = vector.broadcast %and3A_230 : i32 to vector<16xi32>
          %and3A_232 = arith.andi %get3A_229, %and3A_231 : vector<16xi32>
          %dma_start3A_233 = arith.constant 0 : i32
          %dma_start3A_234 = arith.constant 0 : i32
          %dma_start3A_235 = tpu.memref_slice %arg2[%dma_start3A_233, %dma_start3A_234] : memref<10000x128xf32, #tpu.memory_space<hbm>> -> memref<10000x128xf32, #tpu.memory_space<hbm>>
          tpu.enqueue_indirect_dma source(%dma_start3A_235 : memref<10000x128xf32, #tpu.memory_space<hbm>>) target(%arg8 : memref<16x128xf32, #tpu.memory_space<vmem>>) offsets(%and3A_232 : vector<16xi32>) semaphore(%arg13 : memref<!tpu.dma_semaphore, #tpu.memory_space<semaphore_mem>>)
          %add3A_236 = arith.addi %mul3A_46, %add3A_225 : i32
          %mul3A_237 = arith.constant 16 : i32
          %mul3A_238 = arith.muli %add3A_236, %mul3A_237 : i32
          %add3A_239 = arith.addi %mul3A_8, %mul3A_238 : i32
          %dma_start3A_240 = arith.constant 1 : i32
          %dma_start3A_241 = arith.constant 0 : i32
          %dma_start3A_242 = tpu.memref_slice %arg3[%dma_start3A_240, %add3A_239, %dma_start3A_241] : memref<3x320000x128xf32, #tpu.memory_space<hbm>> -> memref<1x16x128xf32, #tpu.memory_space<hbm>>
          %dma_start3A_243 = tpu.memref_squeeze %dma_start3A_242 : memref<1x16x128xf32, #tpu.memory_space<hbm>> -> memref<16x128xf32, #tpu.memory_space<hbm>>
          %dma_start3A_244 = arith.constant 0 : i32
          %dma_start3A_245 = tpu.memref_slice %arg3[%dma_start3A_240, %add3A_239, %dma_start3A_244] : memref<3x320000x128xf32, #tpu.memory_space<hbm>> -> memref<1x16x128xf32, #tpu.memory_space<hbm>>
          %dma_start3A_246 = tpu.memref_squeeze %dma_start3A_245 : memref<1x16x128xf32, #tpu.memory_space<hbm>> -> memref<16x128xf32, #tpu.memory_space<hbm>>
          tpu.enqueue_dma source(%dma_start3A_246 : memref<16x128xf32, #tpu.memory_space<hbm>>) target(%arg10 : memref<16x128xf32, #tpu.memory_space<vmem>>) target_semaphore(%arg13 : memref<!tpu.dma_semaphore, #tpu.memory_space<semaphore_mem>>)
        } else {
        }
        %dma_wait3A_211 = arith.constant 0 : i32
        %dma_wait3A_212 = arith.constant 0 : i32
        %dma_wait3A_213 = tpu.memref_slice %arg12[%dma_wait3A_211, %dma_wait3A_212] : memref<10000x128xf32, #tpu.memory_space<vmem_shared>> -> memref<16x128xf32, #tpu.memory_space<vmem_shared>>
        %dma_wait3A_214 = arith.constant 0 : i32
        %dma_wait3A_215 = arith.constant 0 : i32
        %dma_wait3A_216 = tpu.memref_slice %arg12[%dma_wait3A_214, %dma_wait3A_215] : memref<10000x128xf32, #tpu.memory_space<vmem_shared>> -> memref<16x128xf32, #tpu.memory_space<vmem_shared>>
        tpu.wait_dma2 semaphore(%arg16 : memref<!tpu.dma_semaphore, #tpu.memory_space<semaphore_mem>>) src(%arg9 : memref<16x128xf32, #tpu.memory_space<vmem>>) dst(%dma_wait3A_216 : memref<16x128xf32, #tpu.memory_space<vmem_shared>>)
        %add3A_217 = arith.constant 3 : i32
        %add3A_218 = arith.addi %mul3A_134, %add3A_217 : i32
        %lt3A_219 = arith.constant 125 : i32
        %lt3A_220 = arith.cmpi slt, %add3A_218, %lt3A_219 : i32
        %convert_element_type3A_221 = arith.extui %lt3A_220 : i1 to i32
        %cond3A_222 = arith.constant 0 : i32
        %cond3A_223 = arith.cmpi ne, %convert_element_type3A_221, %cond3A_222 : i32
        scf.if %cond3A_223 {
          %add3A_224 = arith.constant 3 : i32
          %add3A_225 = arith.addi %mul3A_134, %add3A_224 : i32
          %get3A_226 = arith.index_cast %add3A_225 : i32 to index
          %get3A_227 = arith.constant 0 : index
          %get3A_228 = tpu.vector_load %arg7[%get3A_226, %get3A_227] {strides = array<i32>} : memref<125x16xi32, #tpu.memory_space<vmem>>, vector<1x16xi32>,
          %get3A_229 = vector.shape_cast %get3A_228 : vector<1x16xi32> to vector<16xi32>
          %and3A_230 = arith.constant 65535 : i32
          %and3A_231 = vector.broadcast %and3A_230 : i32 to vector<16xi32>
          %and3A_232 = arith.andi %get3A_229, %and3A_231 : vector<16xi32>
          %dma_start3A_233 = arith.constant 0 : i32
          %dma_start3A_234 = arith.constant 0 : i32
          %dma_start3A_235 = tpu.memref_slice %arg2[%dma_start3A_233, %dma_start3A_234] : memref<10000x128xf32, #tpu.memory_space<hbm>> -> memref<10000x128xf32, #tpu.memory_space<hbm>>
          tpu.enqueue_indirect_dma source(%dma_start3A_235 : memref<10000x128xf32, #tpu.memory_space<hbm>>) target(%arg9 : memref<16x128xf32, #tpu.memory_space<vmem>>) offsets(%and3A_232 : vector<16xi32>) semaphore(%arg14 : memref<!tpu.dma_semaphore, #tpu.memory_space<semaphore_mem>>)
          %add3A_236 = arith.addi %mul3A_46, %add3A_225 : i32
          %mul3A_237 = arith.constant 16 : i32
          %mul3A_238 = arith.muli %add3A_236, %mul3A_237 : i32
          %add3A_239 = arith.addi %mul3A_8, %mul3A_238 : i32
          %dma_start3A_240 = arith.constant 1 : i32
          %dma_start3A_241 = arith.constant 0 : i32
          %dma_start3A_242 = tpu.memref_slice %arg3[%dma_start3A_240, %add3A_239, %dma_start3A_241] : memref<3x320000x128xf32, #tpu.memory_space<hbm>> -> memref<1x16x128xf32, #tpu.memory_space<hbm>>
          %dma_start3A_243 = tpu.memref_squeeze %dma_start3A_242 : memref<1x16x128xf32, #tpu.memory_space<hbm>> -> memref<16x128xf32, #tpu.memory_space<hbm>>
          %dma_start3A_244 = arith.constant 0 : i32
          %dma_start3A_245 = tpu.memref_slice %arg3[%dma_start3A_240, %add3A_239, %dma_start3A_244] : memref<3x320000x128xf32, #tpu.memory_space<hbm>> -> memref<1x16x128xf32, #tpu.memory_space<hbm>>
          %dma_start3A_246 = tpu.memref_squeeze %dma_start3A_245 : memref<1x16x128xf32, #tpu.memory_space<hbm>> -> memref<16x128xf32, #tpu.memory_space<hbm>>
          tpu.enqueue_dma source(%dma_start3A_246 : memref<16x128xf32, #tpu.memory_space<hbm>>) target(%arg11 : memref<16x128xf32, #tpu.memory_space<vmem>>) target_semaphore(%arg14 : memref<!tpu.dma_semaphore, #tpu.memory_space<semaphore_mem>>)
        } else {
        }
      }
      %scan3A_95 = arith.constant 62 : i32
      %dma_wait3A = arith.constant 0 : i32
      %dma_wait3A_96 = arith.constant 0 : i32
      %dma_wait3A_97 = tpu.memref_slice %arg2[%dma_wait3A, %dma_wait3A_96] : memref<10000x128xf32, #tpu.memory_space<hbm>> -> memref<16x128xf32, #tpu.memory_space<hbm>>
      %dma_wait3A_98 = arith.constant 0 : i32
      %dma_wait3A_99 = arith.constant 0 : i32
      %dma_wait3A_100 = tpu.memref_slice %arg2[%dma_wait3A_98, %dma_wait3A_99] : memref<10000x128xf32, #tpu.memory_space<hbm>> -> memref<16x128xf32, #tpu.memory_space<hbm>>
      tpu.wait_dma2 semaphore(%arg13 : memref<!tpu.dma_semaphore, #tpu.memory_space<semaphore_mem>>) src(%dma_wait3A_100 : memref<16x128xf32, #tpu.memory_space<hbm>>) dst(%arg8 : memref<16x128xf32, #tpu.memory_space<vmem>>)
      %dma_wait3A_101 = arith.constant 1 : i32
      %dma_wait3A_102 = arith.constant 0 : i32
      %dma_wait3A_103 = arith.constant 0 : i32
      %dma_wait3A_104 = tpu.memref_slice %arg3[%dma_wait3A_101, %dma_wait3A_102, %dma_wait3A_103] : memref<3x320000x128xf32, #tpu.memory_space<hbm>> -> memref<1x16x128xf32, #tpu.memory_space<hbm>>
      %dma_wait3A_105 = tpu.memref_squeeze %dma_wait3A_104 : memref<1x16x128xf32, #tpu.memory_space<hbm>> -> memref<16x128xf32, #tpu.memory_space<hbm>>
      %dma_wait3A_106 = arith.constant 0 : i32
      %dma_wait3A_107 = arith.constant 0 : i32
      %dma_wait3A_108 = tpu.memref_slice %arg3[%dma_wait3A_101, %dma_wait3A_106, %dma_wait3A_107] : memref<3x320000x128xf32, #tpu.memory_space<hbm>> -> memref<1x16x128xf32, #tpu.memory_space<hbm>>
      %dma_wait3A_109 = tpu.memref_squeeze %dma_wait3A_108 : memref<1x16x128xf32, #tpu.memory_space<hbm>> -> memref<16x128xf32, #tpu.memory_space<hbm>>
      tpu.wait_dma2 semaphore(%arg13 : memref<!tpu.dma_semaphore, #tpu.memory_space<semaphore_mem>>) src(%dma_wait3A_109 : memref<16x128xf32, #tpu.memory_space<hbm>>) dst(%arg10 : memref<16x128xf32, #tpu.memory_space<vmem>>)
      %scan3A_110 = arith.constant 0 : i32
      %scan3A_111 = arith.constant 0 : i32
      %scan3A_112 = arith.constant 16 : i32
      %scan3A_113 = arith.addi %scan3A_111, %scan3A_112 : i32
      %scan3A_114 = arith.constant 1 : i32
      scf.for %scan3A_132 = %scan3A_111 to %scan3A_113 step %scan3A_114  : i32 {
        %get3A_133 = arith.index_cast %scan3A_132 : i32 to index
        %get3A_134 = arith.constant 0 : index
        %get3A_135 = tpu.vector_load %arg8[%get3A_133, %get3A_134] {strides = array<i32>} : memref<16x128xf32, #tpu.memory_space<vmem>>, vector<1x16xf32>,
        %get3A_136 = vector.shape_cast %get3A_135 : vector<1x16xf32> to vector<16xf32>
        %get3A_137 = arith.index_cast %scan3A_132 : i32 to index
        %get3A_138 = arith.constant 0 : index
        %get3A_139 = tpu.vector_load %arg10[%get3A_137, %get3A_138] {strides = array<i32>} : memref<16x128xf32, #tpu.memory_space<vmem>>, vector<1x16xf32>,
        %get3A_140 = vector.shape_cast %get3A_139 : vector<1x16xf32> to vector<16xf32>
        %add3A_141 = arith.addf %get3A_136, %get3A_140 : vector<16xf32>
        %max3A = arith.constant 0.000000e+00 : f32
        %max3A_142 = vector.broadcast %max3A : f32 to vector<16xf32>
        %max3A_143 = arith.maximumf %add3A_141, %max3A_142 : vector<16xf32>
        %swap3A = arith.index_cast %scan3A_132 : i32 to index
        %swap3A_144 = arith.constant 0 : index
        %swap3A_145 = tpu.vector_load %arg8[%swap3A, %swap3A_144] {strides = array<i32>} : memref<16x128xf32, #tpu.memory_space<vmem>>, vector<1x16xf32>,
        %swap3A_146 = vector.shape_cast %swap3A_145 : vector<1x16xf32> to vector<16xf32>
        %swap3A_147 = vector.shape_cast %max3A_143 : vector<16xf32> to vector<1x16xf32>
        tpu.vector_store %arg8[%swap3A, %swap3A_144], %swap3A_147 {strides = array<i32>} : memref<16x128xf32, #tpu.memory_space<vmem>>, vector<1x16xf32>,
        %get3A_148 = arith.index_cast %scan3A_132 : i32 to index
        %get3A_149 = arith.constant 16 : index
        %get3A_150 = tpu.vector_load %arg8[%get3A_148, %get3A_149] {strides = array<i32>} : memref<16x128xf32, #tpu.memory_space<vmem>>, vector<1x16xf32>,
        %get3A_151 = vector.shape_cast %get3A_150 : vector<1x16xf32> to vector<16xf32>
        %get3A_152 = arith.index_cast %scan3A_132 : i32 to index
        %get3A_153 = arith.constant 16 : index
        %get3A_154 = tpu.vector_load %arg10[%get3A_152, %get3A_153] {strides = array<i32>} : memref<16x128xf32, #tpu.memory_space<vmem>>, vector<1x16xf32>,
        %get3A_155 = vector.shape_cast %get3A_154 : vector<1x16xf32> to vector<16xf32>
        %add3A_156 = arith.addf %get3A_151, %get3A_155 : vector<16xf32>
        %max3A_157 = arith.constant 0.000000e+00 : f32
        %max3A_158 = vector.broadcast %max3A_157 : f32 to vector<16xf32>
        %max3A_159 = arith.maximumf %add3A_156, %max3A_158 : vector<16xf32>
        %swap3A_160 = arith.index_cast %scan3A_132 : i32 to index
        %swap3A_161 = arith.constant 16 : index
        %swap3A_162 = tpu.vector_load %arg8[%swap3A_160, %swap3A_161] {strides = array<i32>} : memref<16x128xf32, #tpu.memory_space<vmem>>, vector<1x16xf32>,
        %swap3A_163 = vector.shape_cast %swap3A_162 : vector<1x16xf32> to vector<16xf32>
        %swap3A_164 = vector.shape_cast %max3A_159 : vector<16xf32> to vector<1x16xf32>
        tpu.vector_store %arg8[%swap3A_160, %swap3A_161], %swap3A_164 {strides = array<i32>} : memref<16x128xf32, #tpu.memory_space<vmem>>, vector<1x16xf32>,
        %get3A_165 = arith.index_cast %scan3A_132 : i32 to index
        %get3A_166 = arith.constant 32 : index
        %get3A_167 = tpu.vector_load %arg8[%get3A_165, %get3A_166] {strides = array<i32>} : memref<16x128xf32, #tpu.memory_space<vmem>>, vector<1x16xf32>,
        %get3A_168 = vector.shape_cast %get3A_167 : vector<1x16xf32> to vector<16xf32>
        %get3A_169 = arith.index_cast %scan3A_132 : i32 to index
        %get3A_170 = arith.constant 32 : index
        %get3A_171 = tpu.vector_load %arg10[%get3A_169, %get3A_170] {strides = array<i32>} : memref<16x128xf32, #tpu.memory_space<vmem>>, vector<1x16xf32>,
        %get3A_172 = vector.shape_cast %get3A_171 : vector<1x16xf32> to vector<16xf32>
        %add3A_173 = arith.addf %get3A_168, %get3A_172 : vector<16xf32>
        %max3A_174 = arith.constant 0.000000e+00 : f32
        %max3A_175 = vector.broadcast %max3A_174 : f32 to vector<16xf32>
        %max3A_176 = arith.maximumf %add3A_173, %max3A_175 : vector<16xf32>
        %swap3A_177 = arith.index_cast %scan3A_132 : i32 to index
        %swap3A_178 = arith.constant 32 : index
        %swap3A_179 = tpu.vector_load %arg8[%swap3A_177, %swap3A_178] {strides = array<i32>} : memref<16x128xf32, #tpu.memory_space<vmem>>, vector<1x16xf32>,
        %swap3A_180 = vector.shape_cast %swap3A_179 : vector<1x16xf32> to vector<16xf32>
        %swap3A_181 = vector.shape_cast %max3A_176 : vector<16xf32> to vector<1x16xf32>
        tpu.vector_store %arg8[%swap3A_177, %swap3A_178], %swap3A_181 {strides = array<i32>} : memref<16x128xf32, #tpu.memory_space<vmem>>, vector<1x16xf32>,
        %get3A_182 = arith.index_cast %scan3A_132 : i32 to index
        %get3A_183 = arith.constant 48 : index
        %get3A_184 = tpu.vector_load %arg8[%get3A_182, %get3A_183] {strides = array<i32>} : memref<16x128xf32, #tpu.memory_space<vmem>>, vector<1x16xf32>,
        %get3A_185 = vector.shape_cast %get3A_184 : vector<1x16xf32> to vector<16xf32>
        %get3A_186 = arith.index_cast %scan3A_132 : i32 to index
        %get3A_187 = arith.constant 48 : index
        %get3A_188 = tpu.vector_load %arg10[%get3A_186, %get3A_187] {strides = array<i32>} : memref<16x128xf32, #tpu.memory_space<vmem>>, vector<1x16xf32>,
        %get3A_189 = vector.shape_cast %get3A_188 : vector<1x16xf32> to vector<16xf32>
        %add3A_190 = arith.addf %get3A_185, %get3A_189 : vector<16xf32>
        %max3A_191 = arith.constant 0.000000e+00 : f32
        %max3A_192 = vector.broadcast %max3A_191 : f32 to vector<16xf32>
        %max3A_193 = arith.maximumf %add3A_190, %max3A_192 : vector<16xf32>
        %swap3A_194 = arith.index_cast %scan3A_132 : i32 to index
        %swap3A_195 = arith.constant 48 : index
        %swap3A_196 = tpu.vector_load %arg8[%swap3A_194, %swap3A_195] {strides = array<i32>} : memref<16x128xf32, #tpu.memory_space<vmem>>, vector<1x16xf32>,
        %swap3A_197 = vector.shape_cast %swap3A_196 : vector<1x16xf32> to vector<16xf32>
        %swap3A_198 = vector.shape_cast %max3A_193 : vector<16xf32> to vector<1x16xf32>
        tpu.vector_store %arg8[%swap3A_194, %swap3A_195], %swap3A_198 {strides = array<i32>} : memref<16x128xf32, #tpu.memory_space<vmem>>, vector<1x16xf32>,
        %get3A_199 = arith.index_cast %scan3A_132 : i32 to index
        %get3A_200 = arith.constant 64 : index
        %get3A_201 = tpu.vector_load %arg8[%get3A_199, %get3A_200] {strides = array<i32>} : memref<16x128xf32, #tpu.memory_space<vmem>>, vector<1x16xf32>,
        %get3A_202 = vector.shape_cast %get3A_201 : vector<1x16xf32> to vector<16xf32>
        %get3A_203 = arith.index_cast %scan3A_132 : i32 to index
        %get3A_204 = arith.constant 64 : index
        %get3A_205 = tpu.vector_load %arg10[%get3A_203, %get3A_204] {strides = array<i32>} : memref<16x128xf32, #tpu.memory_space<vmem>>, vector<1x16xf32>,
        %get3A_206 = vector.shape_cast %get3A_205 : vector<1x16xf32> to vector<16xf32>
        %add3A_207 = arith.addf %get3A_202, %get3A_206 : vector<16xf32>
        %max3A_208 = arith.constant 0.000000e+00 : f32
        %max3A_209 = vector.broadcast %max3A_208 : f32 to vector<16xf32>
        %max3A_210 = arith.maximumf %add3A_207, %max3A_209 : vector<16xf32>
        %swap3A_211 = arith.index_cast %scan3A_132 : i32 to index
        %swap3A_212 = arith.constant 64 : index
        %swap3A_213 = tpu.vector_load %arg8[%swap3A_211, %swap3A_212] {strides = array<i32>} : memref<16x128xf32, #tpu.memory_space<vmem>>, vector<1x16xf32>,
        %swap3A_214 = vector.shape_cast %swap3A_213 : vector<1x16xf32> to vector<16xf32>
        %swap3A_215 = vector.shape_cast %max3A_210 : vector<16xf32> to vector<1x16xf32>
        tpu.vector_store %arg8[%swap3A_211, %swap3A_212], %swap3A_215 {strides = array<i32>} : memref<16x128xf32, #tpu.memory_space<vmem>>, vector<1x16xf32>,
        %get3A_216 = arith.index_cast %scan3A_132 : i32 to index
        %get3A_217 = arith.constant 80 : index
        %get3A_218 = tpu.vector_load %arg8[%get3A_216, %get3A_217] {strides = array<i32>} : memref<16x128xf32, #tpu.memory_space<vmem>>, vector<1x16xf32>,
        %get3A_219 = vector.shape_cast %get3A_218 : vector<1x16xf32> to vector<16xf32>
        %get3A_220 = arith.index_cast %scan3A_132 : i32 to index
        %get3A_221 = arith.constant 80 : index
        %get3A_222 = tpu.vector_load %arg10[%get3A_220, %get3A_221] {strides = array<i32>} : memref<16x128xf32, #tpu.memory_space<vmem>>, vector<1x16xf32>,
        %get3A_223 = vector.shape_cast %get3A_222 : vector<1x16xf32> to vector<16xf32>
        %add3A_224 = arith.addf %get3A_219, %get3A_223 : vector<16xf32>
        %max3A_225 = arith.constant 0.000000e+00 : f32
        %max3A_226 = vector.broadcast %max3A_225 : f32 to vector<16xf32>
        %max3A_227 = arith.maximumf %add3A_224, %max3A_226 : vector<16xf32>
        %swap3A_228 = arith.index_cast %scan3A_132 : i32 to index
        %swap3A_229 = arith.constant 80 : index
        %swap3A_230 = tpu.vector_load %arg8[%swap3A_228, %swap3A_229] {strides = array<i32>} : memref<16x128xf32, #tpu.memory_space<vmem>>, vector<1x16xf32>,
        %swap3A_231 = vector.shape_cast %swap3A_230 : vector<1x16xf32> to vector<16xf32>
        %swap3A_232 = vector.shape_cast %max3A_227 : vector<16xf32> to vector<1x16xf32>
        tpu.vector_store %arg8[%swap3A_228, %swap3A_229], %swap3A_232 {strides = array<i32>} : memref<16x128xf32, #tpu.memory_space<vmem>>, vector<1x16xf32>,
        %get3A_233 = arith.index_cast %scan3A_132 : i32 to index
        %get3A_234 = arith.constant 96 : index
        %get3A_235 = tpu.vector_load %arg8[%get3A_233, %get3A_234] {strides = array<i32>} : memref<16x128xf32, #tpu.memory_space<vmem>>, vector<1x16xf32>,
        %get3A_236 = vector.shape_cast %get3A_235 : vector<1x16xf32> to vector<16xf32>
        %get3A_237 = arith.index_cast %scan3A_132 : i32 to index
        %get3A_238 = arith.constant 96 : index
        %get3A_239 = tpu.vector_load %arg10[%get3A_237, %get3A_238] {strides = array<i32>} : memref<16x128xf32, #tpu.memory_space<vmem>>, vector<1x16xf32>,
        %get3A_240 = vector.shape_cast %get3A_239 : vector<1x16xf32> to vector<16xf32>
        %add3A_241 = arith.addf %get3A_236, %get3A_240 : vector<16xf32>
        %max3A_242 = arith.constant 0.000000e+00 : f32
        %max3A_243 = vector.broadcast %max3A_242 : f32 to vector<16xf32>
        %max3A_244 = arith.maximumf %add3A_241, %max3A_243 : vector<16xf32>
        %swap3A_245 = arith.index_cast %scan3A_132 : i32 to index
        %swap3A_246 = arith.constant 96 : index
        %swap3A_247 = tpu.vector_load %arg8[%swap3A_245, %swap3A_246] {strides = array<i32>} : memref<16x128xf32, #tpu.memory_space<vmem>>, vector<1x16xf32>,
        %swap3A_248 = vector.shape_cast %swap3A_247 : vector<1x16xf32> to vector<16xf32>
        %swap3A_249 = vector.shape_cast %max3A_244 : vector<16xf32> to vector<1x16xf32>
        tpu.vector_store %arg8[%swap3A_245, %swap3A_246], %swap3A_249 {strides = array<i32>} : memref<16x128xf32, #tpu.memory_space<vmem>>, vector<1x16xf32>,
        %get3A_250 = arith.index_cast %scan3A_132 : i32 to index
        %get3A_251 = arith.constant 112 : index
        %get3A_252 = tpu.vector_load %arg8[%get3A_250, %get3A_251] {strides = array<i32>} : memref<16x128xf32, #tpu.memory_space<vmem>>, vector<1x16xf32>,
        %get3A_253 = vector.shape_cast %get3A_252 : vector<1x16xf32> to vector<16xf32>
        %get3A_254 = arith.index_cast %scan3A_132 : i32 to index
        %get3A_255 = arith.constant 112 : index
        %get3A_256 = tpu.vector_load %arg10[%get3A_254, %get3A_255] {strides = array<i32>} : memref<16x128xf32, #tpu.memory_space<vmem>>, vector<1x16xf32>,
        %get3A_257 = vector.shape_cast %get3A_256 : vector<1x16xf32> to vector<16xf32>
        %add3A_258 = arith.addf %get3A_253, %get3A_257 : vector<16xf32>
        %max3A_259 = arith.constant 0.000000e+00 : f32
        %max3A_260 = vector.broadcast %max3A_259 : f32 to vector<16xf32>
        %max3A_261 = arith.maximumf %add3A_258, %max3A_260 : vector<16xf32>
        %swap3A_262 = arith.index_cast %scan3A_132 : i32 to index
        %swap3A_263 = arith.constant 112 : index
        %swap3A_264 = tpu.vector_load %arg8[%swap3A_262, %swap3A_263] {strides = array<i32>} : memref<16x128xf32, #tpu.memory_space<vmem>>, vector<1x16xf32>,
        %swap3A_265 = vector.shape_cast %swap3A_264 : vector<1x16xf32> to vector<16xf32>
        %swap3A_266 = vector.shape_cast %max3A_261 : vector<16xf32> to vector<1x16xf32>
        tpu.vector_store %arg8[%swap3A_262, %swap3A_263], %swap3A_266 {strides = array<i32>} : memref<16x128xf32, #tpu.memory_space<vmem>>, vector<1x16xf32>,
      }
      %scan3A_115 = arith.constant 16 : i32
      %get3A_116 = arith.constant 124 : i32
      %get3A_117 = arith.index_cast %get3A_116 : i32 to index
      %get3A_118 = arith.constant 0 : index
      %get3A_119 = tpu.vector_load %arg7[%get3A_117, %get3A_118] {strides = array<i32>} : memref<125x16xi32, #tpu.memory_space<vmem>>, vector<1x16xi32>,
      %get3A_120 = vector.shape_cast %get3A_119 : vector<1x16xi32> to vector<16xi32>
      %shift_right_logical3A = arith.constant 16 : i32
      %shift_right_logical3A_121 = vector.broadcast %shift_right_logical3A : i32 to vector<16xi32>
      %shift_right_logical3A_122 = arith.shrui %get3A_120, %shift_right_logical3A_121 : vector<16xi32>
      %dma_start3A_123 = arith.constant 0 : i32
      %dma_start3A_124 = arith.constant 0 : i32
      %dma_start3A_125 = tpu.memref_slice %arg12[%dma_start3A_123, %dma_start3A_124] : memref<10000x128xf32, #tpu.memory_space<vmem_shared>> -> memref<10000x128xf32, #tpu.memory_space<vmem_shared>>
      tpu.enqueue_indirect_dma source(%arg8 : memref<16x128xf32, #tpu.memory_space<vmem>>) target(%dma_start3A_125 : memref<10000x128xf32, #tpu.memory_space<vmem_shared>>) offsets(%shift_right_logical3A_122 : vector<16xi32>) semaphore(%arg15 : memref<!tpu.dma_semaphore, #tpu.memory_space<semaphore_mem>>) {add = true}
      %dma_wait3A_126 = arith.constant 0 : i32
      %dma_wait3A_127 = arith.constant 0 : i32
      %dma_wait3A_128 = tpu.memref_slice %arg12[%dma_wait3A_126, %dma_wait3A_127] : memref<10000x128xf32, #tpu.memory_space<vmem_shared>> -> memref<16x128xf32, #tpu.memory_space<vmem_shared>>
      %dma_wait3A_129 = arith.constant 0 : i32
      %dma_wait3A_130 = arith.constant 0 : i32
      %dma_wait3A_131 = tpu.memref_slice %arg12[%dma_wait3A_129, %dma_wait3A_130] : memref<10000x128xf32, #tpu.memory_space<vmem_shared>> -> memref<16x128xf32, #tpu.memory_space<vmem_shared>>
      tpu.wait_dma2 semaphore(%arg15 : memref<!tpu.dma_semaphore, #tpu.memory_space<semaphore_mem>>) src(%arg8 : memref<16x128xf32, #tpu.memory_space<vmem>>) dst(%dma_wait3A_131 : memref<16x128xf32, #tpu.memory_space<vmem_shared>>)
    }
    %scan3A_13 = arith.constant 5 : i32
    %barrier3A_14 = arith.constant 0 : index
    tpu.barrier barrier_id(%barrier3A_14)
    %mul3A_15 = arith.constant 624 : i32
    %mul3A_16 = arith.muli %arg1, %mul3A_15 : i32
    %add3A_17 = arith.constant 0 : i32
    %add3A_18 = arith.addi %mul3A_16, %add3A_17 : i32
    %mul3A_19 = arith.constant 624 : i32
    %mul3A_20 = arith.muli %arg1, %mul3A_19 : i32
    %add3A_21 = arith.constant 0 : i32
    %add3A_22 = arith.addi %mul3A_20, %add3A_21 : i32
    "tpu.region"() ({
      %run_scoped3A = tpu.sem_alloc : memref<!tpu.dma_semaphore, #tpu.memory_space<semaphore_mem>>
      %dma_start3A = arith.constant 0 : i32
      %dma_start3A_44 = tpu.memref_slice %arg6[%arg0, %add3A_22, %dma_start3A] : memref<2x10000x128xf32, #tpu.memory_space<hbm>> -> memref<1x208x128xf32, #tpu.memory_space<hbm>>
      %dma_start3A_45 = tpu.memref_squeeze %dma_start3A_44 : memref<1x208x128xf32, #tpu.memory_space<hbm>> -> memref<208x128xf32, #tpu.memory_space<hbm>>
      %dma_start3A_46 = arith.constant 0 : i32
      %dma_start3A_47 = tpu.memref_slice %arg12[%add3A_18, %dma_start3A_46] : memref<10000x128xf32, #tpu.memory_space<vmem_shared>> -> memref<208x128xf32, #tpu.memory_space<vmem_shared>>
      tpu.enqueue_dma source(%dma_start3A_47 : memref<208x128xf32, #tpu.memory_space<vmem_shared>>) target(%dma_start3A_45 : memref<208x128xf32, #tpu.memory_space<hbm>>) target_semaphore(%run_scoped3A : memref<!tpu.dma_semaphore, #tpu.memory_space<semaphore_mem>>)
      %dma_wait3A = arith.constant 0 : i32
      %dma_wait3A_48 = tpu.memref_slice %arg6[%arg0, %add3A_22, %dma_wait3A] : memref<2x10000x128xf32, #tpu.memory_space<hbm>> -> memref<1x208x128xf32, #tpu.memory_space<hbm>>
      %dma_wait3A_49 = tpu.memref_squeeze %dma_wait3A_48 : memref<1x208x128xf32, #tpu.memory_space<hbm>> -> memref<208x128xf32, #tpu.memory_space<hbm>>
      %dma_wait3A_50 = arith.constant 0 : i32
      %dma_wait3A_51 = tpu.memref_slice %arg12[%add3A_18, %dma_wait3A_50] : memref<10000x128xf32, #tpu.memory_space<vmem_shared>> -> memref<208x128xf32, #tpu.memory_space<vmem_shared>>
      tpu.wait_dma2 semaphore(%run_scoped3A : memref<!tpu.dma_semaphore, #tpu.memory_space<semaphore_mem>>) src(%dma_wait3A_51 : memref<208x128xf32, #tpu.memory_space<vmem_shared>>) dst(%dma_wait3A_49 : memref<208x128xf32, #tpu.memory_space<hbm>>)
      tpu.yield
    }) : () -> ()
    %mul3A_23 = arith.constant 624 : i32
    %mul3A_24 = arith.muli %arg1, %mul3A_23 : i32
    %add3A_25 = arith.constant 208 : i32
    %add3A_26 = arith.addi %mul3A_24, %add3A_25 : i32
    %mul3A_27 = arith.constant 624 : i32
    %mul3A_28 = arith.muli %arg1, %mul3A_27 : i32
    %add3A_29 = arith.constant 208 : i32
    %add3A_30 = arith.addi %mul3A_28, %add3A_29 : i32
    "tpu.region"() ({
      %run_scoped3A = tpu.sem_alloc : memref<!tpu.dma_semaphore, #tpu.memory_space<semaphore_mem>>
      %dma_start3A = arith.constant 0 : i32
      %dma_start3A_44 = tpu.memref_slice %arg6[%arg0, %add3A_30, %dma_start3A] : memref<2x10000x128xf32, #tpu.memory_space<hbm>> -> memref<1x208x128xf32, #tpu.memory_space<hbm>>
      %dma_start3A_45 = tpu.memref_squeeze %dma_start3A_44 : memref<1x208x128xf32, #tpu.memory_space<hbm>> -> memref<208x128xf32, #tpu.memory_space<hbm>>
      %dma_start3A_46 = arith.constant 0 : i32
      %dma_start3A_47 = tpu.memref_slice %arg12[%add3A_26, %dma_start3A_46] : memref<10000x128xf32, #tpu.memory_space<vmem_shared>> -> memref<208x128xf32, #tpu.memory_space<vmem_shared>>
      tpu.enqueue_dma source(%dma_start3A_47 : memref<208x128xf32, #tpu.memory_space<vmem_shared>>) target(%dma_start3A_45 : memref<208x128xf32, #tpu.memory_space<hbm>>) target_semaphore(%run_scoped3A : memref<!tpu.dma_semaphore, #tpu.memory_space<semaphore_mem>>)
      %dma_wait3A = arith.constant 0 : i32
      %dma_wait3A_48 = tpu.memref_slice %arg6[%arg0, %add3A_30, %dma_wait3A] : memref<2x10000x128xf32, #tpu.memory_space<hbm>> -> memref<1x208x128xf32, #tpu.memory_space<hbm>>
      %dma_wait3A_49 = tpu.memref_squeeze %dma_wait3A_48 : memref<1x208x128xf32, #tpu.memory_space<hbm>> -> memref<208x128xf32, #tpu.memory_space<hbm>>
      %dma_wait3A_50 = arith.constant 0 : i32
      %dma_wait3A_51 = tpu.memref_slice %arg12[%add3A_26, %dma_wait3A_50] : memref<10000x128xf32, #tpu.memory_space<vmem_shared>> -> memref<208x128xf32, #tpu.memory_space<vmem_shared>>
      tpu.wait_dma2 semaphore(%run_scoped3A : memref<!tpu.dma_semaphore, #tpu.memory_space<semaphore_mem>>) src(%dma_wait3A_51 : memref<208x128xf32, #tpu.memory_space<vmem_shared>>) dst(%dma_wait3A_49 : memref<208x128xf32, #tpu.memory_space<hbm>>)
      tpu.yield
    }) : () -> ()
    %mul3A_31 = arith.constant 624 : i32
    %mul3A_32 = arith.muli %arg1, %mul3A_31 : i32
    %add3A_33 = arith.constant 416 : i32
    %add3A_34 = arith.addi %mul3A_32, %add3A_33 : i32
    %mul3A_35 = arith.constant 624 : i32
    %mul3A_36 = arith.muli %arg1, %mul3A_35 : i32
    %add3A_37 = arith.constant 416 : i32
    %add3A_38 = arith.addi %mul3A_36, %add3A_37 : i32
    "tpu.region"() ({
      %run_scoped3A = tpu.sem_alloc : memref<!tpu.dma_semaphore, #tpu.memory_space<semaphore_mem>>
      %dma_start3A = arith.constant 0 : i32
      %dma_start3A_44 = tpu.memref_slice %arg6[%arg0, %add3A_38, %dma_start3A] : memref<2x10000x128xf32, #tpu.memory_space<hbm>> -> memref<1x208x128xf32, #tpu.memory_space<hbm>>
      %dma_start3A_45 = tpu.memref_squeeze %dma_start3A_44 : memref<1x208x128xf32, #tpu.memory_space<hbm>> -> memref<208x128xf32, #tpu.memory_space<hbm>>
      %dma_start3A_46 = arith.constant 0 : i32
      %dma_start3A_47 = tpu.memref_slice %arg12[%add3A_34, %dma_start3A_46] : memref<10000x128xf32, #tpu.memory_space<vmem_shared>> -> memref<208x128xf32, #tpu.memory_space<vmem_shared>>
      tpu.enqueue_dma source(%dma_start3A_47 : memref<208x128xf32, #tpu.memory_space<vmem_shared>>) target(%dma_start3A_45 : memref<208x128xf32, #tpu.memory_space<hbm>>) target_semaphore(%run_scoped3A : memref<!tpu.dma_semaphore, #tpu.memory_space<semaphore_mem>>)
      %dma_wait3A = arith.constant 0 : i32
      %dma_wait3A_48 = tpu.memref_slice %arg6[%arg0, %add3A_38, %dma_wait3A] : memref<2x10000x128xf32, #tpu.memory_space<hbm>> -> memref<1x208x128xf32, #tpu.memory_space<hbm>>
      %dma_wait3A_49 = tpu.memref_squeeze %dma_wait3A_48 : memref<1x208x128xf32, #tpu.memory_space<hbm>> -> memref<208x128xf32, #tpu.memory_space<hbm>>
      %dma_wait3A_50 = arith.constant 0 : i32
      %dma_wait3A_51 = tpu.memref_slice %arg12[%add3A_34, %dma_wait3A_50] : memref<10000x128xf32, #tpu.memory_space<vmem_shared>> -> memref<208x128xf32, #tpu.memory_space<vmem_shared>>
      tpu.wait_dma2 semaphore(%run_scoped3A : memref<!tpu.dma_semaphore, #tpu.memory_space<semaphore_mem>>) src(%dma_wait3A_51 : memref<208x128xf32, #tpu.memory_space<vmem_shared>>) dst(%dma_wait3A_49 : memref<208x128xf32, #tpu.memory_space<hbm>>)
      tpu.yield
    }) : () -> ()
    %eq3A_39 = arith.constant 15 : i32
    %eq3A_40 = arith.cmpi eq, %arg1, %eq3A_39 : i32
    %convert_element_type3A_41 = arith.extui %eq3A_40 : i1 to i32
    %cond3A_42 = arith.constant 0 : i32
    %cond3A_43 = arith.cmpi ne, %convert_element_type3A_41, %cond3A_42 : i32
    scf.if %cond3A_43 {
      "tpu.region"() ({
        %run_scoped3A = tpu.sem_alloc : memref<!tpu.dma_semaphore, #tpu.memory_space<semaphore_mem>>
        %dma_start3A = arith.constant 9984 : i32
        %dma_start3A_44 = arith.constant 0 : i32
        %dma_start3A_45 = tpu.memref_slice %arg6[%arg0, %dma_start3A, %dma_start3A_44] : memref<2x10000x128xf32, #tpu.memory_space<hbm>> -> memref<1x16x128xf32, #tpu.memory_space<hbm>>
        %dma_start3A_46 = tpu.memref_squeeze %dma_start3A_45 : memref<1x16x128xf32, #tpu.memory_space<hbm>> -> memref<16x128xf32, #tpu.memory_space<hbm>>
        %dma_start3A_47 = arith.constant 9984 : i32
        %dma_start3A_48 = arith.constant 0 : i32
        %dma_start3A_49 = tpu.memref_slice %arg12[%dma_start3A_47, %dma_start3A_48] : memref<10000x128xf32, #tpu.memory_space<vmem_shared>> -> memref<16x128xf32, #tpu.memory_space<vmem_shared>>
        tpu.enqueue_dma source(%dma_start3A_49 : memref<16x128xf32, #tpu.memory_space<vmem_shared>>) target(%dma_start3A_46 : memref<16x128xf32, #tpu.memory_space<hbm>>) target_semaphore(%run_scoped3A : memref<!tpu.dma_semaphore, #tpu.memory_space<semaphore_mem>>)
        %dma_wait3A = arith.constant 9984 : i32
        %dma_wait3A_50 = arith.constant 0 : i32
        %dma_wait3A_51 = tpu.memref_slice %arg6[%arg0, %dma_wait3A, %dma_wait3A_50] : memref<2x10000x128xf32, #tpu.memory_space<hbm>> -> memref<1x16x128xf32, #tpu.memory_space<hbm>>
        %dma_wait3A_52 = tpu.memref_squeeze %dma_wait3A_51 : memref<1x16x128xf32, #tpu.memory_space<hbm>> -> memref<16x128xf32, #tpu.memory_space<hbm>>
        %dma_wait3A_53 = arith.constant 9984 : i32
        %dma_wait3A_54 = arith.constant 0 : i32
        %dma_wait3A_55 = tpu.memref_slice %arg12[%dma_wait3A_53, %dma_wait3A_54] : memref<10000x128xf32, #tpu.memory_space<vmem_shared>> -> memref<16x128xf32, #tpu.memory_space<vmem_shared>>
        tpu.wait_dma2 semaphore(%run_scoped3A : memref<!tpu.dma_semaphore, #tpu.memory_space<semaphore_mem>>) src(%dma_wait3A_55 : memref<16x128xf32, #tpu.memory_space<vmem_shared>>) dst(%dma_wait3A_52 : memref<16x128xf32, #tpu.memory_space<hbm>>)
        tpu.yield
      }) : () -> ()
    } else {
    }
    return
  }
}

#map = affine_map<(d0, d1) -> (0, 0)>
#map1 = affine_map<(d0, d1) -> (0, 0, 0)>
#map2 = affine_map<(d0, d1) -> (0, 0, 0, 0, 0)>
module attributes {stable_mosaic.version = 14 : i64} {
  func.func @body(%arg0: i32, %arg1: i32, %arg2: memref<10000x128xf32, #tpu.memory_space<hbm>>, %arg3: memref<3x320000x128xf32, #tpu.memory_space<hbm>>, %arg4: memref<2x16x5x125x16xi32, #tpu.memory_space<hbm>>, %arg5: memref<10000x128xf32, #tpu.memory_space<hbm>>, %arg6: memref<2x10000x128xf32, #tpu.memory_space<hbm>>, %arg7: memref<125x16xi32, #tpu.memory_space<vmem>>, %arg8: memref<16x128xf32, #tpu.memory_space<vmem>>, %arg9: memref<16x128xf32, #tpu.memory_space<vmem>>, %arg10: memref<16x128xf32, #tpu.memory_space<vmem>>, %arg11: memref<16x128xf32, #tpu.memory_space<vmem>>, %arg12: memref<10000x128xf32, #tpu.memory_space<vmem_shared>>, %arg13: memref<!tpu.dma_semaphore, #tpu.memory_space<semaphore_mem>>, %arg14: memref<!tpu.dma_semaphore, #tpu.memory_space<semaphore_mem>>, %arg15: memref<!tpu.dma_semaphore, #tpu.memory_space<semaphore_mem>>, %arg16: memref<!tpu.dma_semaphore, #tpu.memory_space<semaphore_mem>>) attributes {dimension_semantics = [#tpu.dimension_semantics<core_parallel>, #tpu.dimension_semantics<subcore_parallel>], iteration_bounds = array<i64: 2, 16>, scalar_prefetch = 0 : i64, scratch_operands = 10 : i64, tpu.core_type = #tpu.core_type<sc_vector_subcore>, window_params = [{transform_indices = #map}, {transform_indices = #map1}, {transform_indices = #map2}, {transform_indices = #map}, {transform_indices = #map1}]} {
    %mul3A = arith.constant 624 : i32
    %mul3A_0 = arith.muli %arg1, %mul3A : i32
    %mul3A_1 = arith.constant 624 : i32
    %mul3A_2 = arith.muli %arg1, %mul3A_1 : i32
    "tpu.region"() ({
      %run_scoped3A = tpu.sem_alloc : memref<!tpu.dma_semaphore, #tpu.memory_space<semaphore_mem>>
      %dma_start3A = arith.constant 0 : i32
      %dma_start3A_44 = tpu.memref_slice %arg12[%mul3A_2, %dma_start3A] : memref<10000x128xf32, #tpu.memory_space<vmem_shared>> -> memref<624x128xf32, #tpu.memory_space<vmem_shared>>
      %dma_start3A_45 = arith.constant 0 : i32
      %dma_start3A_46 = tpu.memref_slice %arg5[%mul3A_0, %dma_start3A_45] : memref<10000x128xf32, #tpu.memory_space<hbm>> -> memref<624x128xf32, #tpu.memory_space<hbm>>
      tpu.enqueue_dma source(%dma_start3A_46 : memref<624x128xf32, #tpu.memory_space<hbm>>) target(%dma_start3A_44 : memref<624x128xf32, #tpu.memory_space<vmem_shared>>) target_semaphore(%run_scoped3A : memref<!tpu.dma_semaphore, #tpu.memory_space<semaphore_mem>>)
      %dma_wait3A = arith.constant 0 : i32
      %dma_wait3A_47 = tpu.memref_slice %arg12[%mul3A_2, %dma_wait3A] : memref<10000x128xf32, #tpu.memory_space<vmem_shared>> -> memref<624x128xf32, #tpu.memory_space<vmem_shared>>
      %dma_wait3A_48 = arith.constant 0 : i32
      %dma_wait3A_49 = tpu.memref_slice %arg5[%mul3A_0, %dma_wait3A_48] : memref<10000x128xf32, #tpu.memory_space<hbm>> -> memref<624x128xf32, #tpu.memory_space<hbm>>
      tpu.wait_dma2 semaphore(%run_scoped3A : memref<!tpu.dma_semaphore, #tpu.memory_space<semaphore_mem>>) src(%dma_wait3A_49 : memref<624x128xf32, #tpu.memory_space<hbm>>) dst(%dma_wait3A_47 : memref<624x128xf32, #tpu.memory_space<vmem_shared>>)
      tpu.yield
    }) : () -> ()
    %eq3A = arith.constant 15 : i32
    %eq3A_3 = arith.cmpi eq, %arg1, %eq3A : i32
    %convert_element_type3A = arith.extui %eq3A_3 : i1 to i32
    %cond3A = arith.constant 0 : i32
    %cond3A_4 = arith.cmpi ne, %convert_element_type3A, %cond3A : i32
    scf.if %cond3A_4 {
      "tpu.region"() ({
        %run_scoped3A = tpu.sem_alloc : memref<!tpu.dma_semaphore, #tpu.memory_space<semaphore_mem>>
        %dma_start3A = arith.constant 9984 : i32
        %dma_start3A_44 = arith.constant 0 : i32
        %dma_start3A_45 = tpu.memref_slice %arg12[%dma_start3A, %dma_start3A_44] : memref<10000x128xf32, #tpu.memory_space<vmem_shared>> -> memref<16x128xf32, #tpu.memory_space<vmem_shared>>
        %dma_start3A_46 = arith.constant 9984 : i32
        %dma_start3A_47 = arith.constant 0 : i32
        %dma_start3A_48 = tpu.memref_slice %arg5[%dma_start3A_46, %dma_start3A_47] : memref<10000x128xf32, #tpu.memory_space<hbm>> -> memref<16x128xf32, #tpu.memory_space<hbm>>
        tpu.enqueue_dma source(%dma_start3A_48 : memref<16x128xf32, #tpu.memory_space<hbm>>) target(%dma_start3A_45 : memref<16x128xf32, #tpu.memory_space<vmem_shared>>) target_semaphore(%run_scoped3A : memref<!tpu.dma_semaphore, #tpu.memory_space<semaphore_mem>>)
        %dma_wait3A = arith.constant 9984 : i32
        %dma_wait3A_49 = arith.constant 0 : i32
        %dma_wait3A_50 = tpu.memref_slice %arg12[%dma_wait3A, %dma_wait3A_49] : memref<10000x128xf32, #tpu.memory_space<vmem_shared>> -> memref<16x128xf32, #tpu.memory_space<vmem_shared>>
        %dma_wait3A_51 = arith.constant 9984 : i32
        %dma_wait3A_52 = arith.constant 0 : i32
        %dma_wait3A_53 = tpu.memref_slice %arg5[%dma_wait3A_51, %dma_wait3A_52] : memref<10000x128xf32, #tpu.memory_space<hbm>> -> memref<16x128xf32, #tpu.memory_space<hbm>>
        tpu.wait_dma2 semaphore(%run_scoped3A : memref<!tpu.dma_semaphore, #tpu.memory_space<semaphore_mem>>) src(%dma_wait3A_53 : memref<16x128xf32, #tpu.memory_space<hbm>>) dst(%dma_wait3A_50 : memref<16x128xf32, #tpu.memory_space<vmem_shared>>)
        tpu.yield
      }) : () -> ()
    } else {
    }
    %barrier3A = arith.constant 0 : index
    tpu.barrier barrier_id(%barrier3A)
    %mul3A_5 = arith.constant 16 : i32
    %mul3A_6 = arith.muli %arg0, %mul3A_5 : i32
    %add3A = arith.addi %mul3A_6, %arg1 : i32
    %mul3A_7 = arith.constant 10000 : i32
    %mul3A_8 = arith.muli %add3A, %mul3A_7 : i32
    %scan3A = arith.constant 0 : i32
    %scan3A_9 = arith.constant 0 : i32
    %scan3A_10 = arith.constant 5 : i32
    %scan3A_11 = arith.addi %scan3A_9, %scan3A_10 : i32
    %scan3A_12 = arith.constant 1 : i32
    scf.for %scan3A_44 = %scan3A_9 to %scan3A_11 step %scan3A_12  : i32 {
      "tpu.region"() ({
        %run_scoped3A = tpu.sem_alloc : memref<!tpu.dma_semaphore, #tpu.memory_space<semaphore_mem>>
        %dma_start3A_132 = arith.constant 0 : i32
        %dma_start3A_133 = arith.constant 0 : i32
        %dma_start3A_134 = tpu.memref_slice %arg4[%arg0, %arg1, %scan3A_44, %dma_start3A_132, %dma_start3A_133] : memref<2x16x5x125x16xi32, #tpu.memory_space<hbm>> -> memref<1x1x1x125x16xi32, #tpu.memory_space<hbm>>
        %dma_start3A_135 = tpu.memref_squeeze %dma_start3A_134 : memref<1x1x1x125x16xi32, #tpu.memory_space<hbm>> -> memref<125x16xi32, #tpu.memory_space<hbm>>
        %dma_start3A_136 = arith.constant 0 : i32
        %dma_start3A_137 = arith.constant 0 : i32
        %dma_start3A_138 = tpu.memref_slice %arg4[%arg0, %arg1, %scan3A_44, %dma_start3A_136, %dma_start3A_137] : memref<2x16x5x125x16xi32, #tpu.memory_space<hbm>> -> memref<1x1x1x125x16xi32, #tpu.memory_space<hbm>>
        %dma_start3A_139 = tpu.memref_squeeze %dma_start3A_138 : memref<1x1x1x125x16xi32, #tpu.memory_space<hbm>> -> memref<125x16xi32, #tpu.memory_space<hbm>>
        tpu.enqueue_dma source(%dma_start3A_139 : memref<125x16xi32, #tpu.memory_space<hbm>>) target(%arg7 : memref<125x16xi32, #tpu.memory_space<vmem>>) target_semaphore(%run_scoped3A : memref<!tpu.dma_semaphore, #tpu.memory_space<semaphore_mem>>)
        %dma_wait3A_140 = arith.constant 0 : i32
        %dma_wait3A_141 = arith.constant 0 : i32
        %dma_wait3A_142 = tpu.memref_slice %arg4[%arg0, %arg1, %scan3A_44, %dma_wait3A_140, %dma_wait3A_141] : memref<2x16x5x125x16xi32, #tpu.memory_space<hbm>> -> memref<1x1x1x125x16xi32, #tpu.memory_space<hbm>>
        %dma_wait3A_143 = tpu.memref_squeeze %dma_wait3A_142 : memref<1x1x1x125x16xi32, #tpu.memory_space<hbm>> -> memref<125x16xi32, #tpu.memory_space<hbm>>
        %dma_wait3A_144 = arith.constant 0 : i32
        %dma_wait3A_145 = arith.constant 0 : i32
        %dma_wait3A_146 = tpu.memref_slice %arg4[%arg0, %arg1, %scan3A_44, %dma_wait3A_144, %dma_wait3A_145] : memref<2x16x5x125x16xi32, #tpu.memory_space<hbm>> -> memref<1x1x1x125x16xi32, #tpu.memory_space<hbm>>
        %dma_wait3A_147 = tpu.memref_squeeze %dma_wait3A_146 : memref<1x1x1x125x16xi32, #tpu.memory_space<hbm>> -> memref<125x16xi32, #tpu.memory_space<hbm>>
        tpu.wait_dma2 semaphore(%run_scoped3A : memref<!tpu.dma_semaphore, #tpu.memory_space<semaphore_mem>>) src(%dma_wait3A_147 : memref<125x16xi32, #tpu.memory_space<hbm>>) dst(%arg7 : memref<125x16xi32, #tpu.memory_space<vmem>>)
        tpu.yield
      }) : () -> ()
      %mul3A_45 = arith.constant 125 : i32
      %mul3A_46 = arith.muli %scan3A_44, %mul3A_45 : i32
      %get3A = arith.constant 0 : i32
      %get3A_47 = arith.index_cast %get3A : i32 to index
      %get3A_48 = arith.constant 0 : index
      %get3A_49 = tpu.vector_load %arg7[%get3A_47, %get3A_48] {strides = array<i32>} : memref<125x16xi32, #tpu.memory_space<vmem>>, vector<1x16xi32>,
      %get3A_50 = vector.shape_cast %get3A_49 : vector<1x16xi32> to vector<16xi32>
      %and3A = arith.constant 65535 : i32
      %and3A_51 = vector.broadcast %and3A : i32 to vector<16xi32>
      %and3A_52 = arith.andi %get3A_50, %and3A_51 : vector<16xi32>
      %dma_start3A = arith.constant 0 : i32
      %dma_start3A_53 = arith.constant 0 : i32
      %dma_start3A_54 = tpu.memref_slice %arg2[%dma_start3A, %dma_start3A_53] : memref<10000x128xf32, #tpu.memory_space<hbm>> -> memref<10000x128xf32, #tpu.memory_space<hbm>>
      tpu.enqueue_indirect_dma source(%dma_start3A_54 : memref<10000x128xf32, #tpu.memory_space<hbm>>) target(%arg8 : memref<16x128xf32, #tpu.memory_space<vmem>>) offsets(%and3A_52 : vector<16xi32>) semaphore(%arg13 : memref<!tpu.dma_semaphore, #tpu.memory_space<semaphore_mem>>)
      %add3A_55 = arith.constant 0 : i32
      %add3A_56 = arith.addi %mul3A_46, %add3A_55 : i32
      %mul3A_57 = arith.constant 16 : i32
      %mul3A_58 = arith.muli %add3A_56, %mul3A_57 : i32
      %add3A_59 = arith.addi %mul3A_8, %mul3A_58 : i32
      %dma_start3A_60 = arith.constant 0 : i32
      %dma_start3A_61 = arith.constant 0 : i32
      %dma_start3A_62 = tpu.memref_slice %arg3[%dma_start3A_60, %add3A_59, %dma_start3A_61] : memref<3x320000x128xf32, #tpu.memory_space<hbm>> -> memref<1x16x128xf32, #tpu.memory_space<hbm>>
      %dma_start3A_63 = tpu.memref_squeeze %dma_start3A_62 : memref<1x16x128xf32, #tpu.memory_space<hbm>> -> memref<16x128xf32, #tpu.memory_space<hbm>>
      %dma_start3A_64 = arith.constant 0 : i32
      %dma_start3A_65 = tpu.memref_slice %arg3[%dma_start3A_60, %add3A_59, %dma_start3A_64] : memref<3x320000x128xf32, #tpu.memory_space<hbm>> -> memref<1x16x128xf32, #tpu.memory_space<hbm>>
      %dma_start3A_66 = tpu.memref_squeeze %dma_start3A_65 : memref<1x16x128xf32, #tpu.memory_space<hbm>> -> memref<16x128xf32, #tpu.memory_space<hbm>>
      tpu.enqueue_dma source(%dma_start3A_66 : memref<16x128xf32, #tpu.memory_space<hbm>>) target(%arg10 : memref<16x128xf32, #tpu.memory_space<vmem>>) target_semaphore(%arg13 : memref<!tpu.dma_semaphore, #tpu.memory_space<semaphore_mem>>)
      %get3A_67 = arith.constant 1 : i32
      %get3A_68 = arith.index_cast %get3A_67 : i32 to index
      %get3A_69 = arith.constant 0 : index
      %get3A_70 = tpu.vector_load %arg7[%get3A_68, %get3A_69] {strides = array<i32>} : memref<125x16xi32, #tpu.memory_space<vmem>>, vector<1x16xi32>,
      %get3A_71 = vector.shape_cast %get3A_70 : vector<1x16xi32> to vector<16xi32>
      %and3A_72 = arith.constant 65535 : i32
      %and3A_73 = vector.broadcast %and3A_72 : i32 to vector<16xi32>
      %and3A_74 = arith.andi %get3A_71, %and3A_73 : vector<16xi32>
      %dma_start3A_75 = arith.constant 0 : i32
      %dma_start3A_76 = arith.constant 0 : i32
      %dma_start3A_77 = tpu.memref_slice %arg2[%dma_start3A_75, %dma_start3A_76] : memref<10000x128xf32, #tpu.memory_space<hbm>> -> memref<10000x128xf32, #tpu.memory_space<hbm>>
      tpu.enqueue_indirect_dma source(%dma_start3A_77 : memref<10000x128xf32, #tpu.memory_space<hbm>>) target(%arg9 : memref<16x128xf32, #tpu.memory_space<vmem>>) offsets(%and3A_74 : vector<16xi32>) semaphore(%arg14 : memref<!tpu.dma_semaphore, #tpu.memory_space<semaphore_mem>>)
      %add3A_78 = arith.constant 1 : i32
      %add3A_79 = arith.addi %mul3A_46, %add3A_78 : i32
      %mul3A_80 = arith.constant 16 : i32
      %mul3A_81 = arith.muli %add3A_79, %mul3A_80 : i32
      %add3A_82 = arith.addi %mul3A_8, %mul3A_81 : i32
      %dma_start3A_83 = arith.constant 0 : i32
      %dma_start3A_84 = arith.constant 0 : i32
      %dma_start3A_85 = tpu.memref_slice %arg3[%dma_start3A_83, %add3A_82, %dma_start3A_84] : memref<3x320000x128xf32, #tpu.memory_space<hbm>> -> memref<1x16x128xf32, #tpu.memory_space<hbm>>
      %dma_start3A_86 = tpu.memref_squeeze %dma_start3A_85 : memref<1x16x128xf32, #tpu.memory_space<hbm>> -> memref<16x128xf32, #tpu.memory_space<hbm>>
      %dma_start3A_87 = arith.constant 0 : i32
      %dma_start3A_88 = tpu.memref_slice %arg3[%dma_start3A_83, %add3A_82, %dma_start3A_87] : memref<3x320000x128xf32, #tpu.memory_space<hbm>> -> memref<1x16x128xf32, #tpu.memory_space<hbm>>
      %dma_start3A_89 = tpu.memref_squeeze %dma_start3A_88 : memref<1x16x128xf32, #tpu.memory_space<hbm>> -> memref<16x128xf32, #tpu.memory_space<hbm>>
      tpu.enqueue_dma source(%dma_start3A_89 : memref<16x128xf32, #tpu.memory_space<hbm>>) target(%arg11 : memref<16x128xf32, #tpu.memory_space<vmem>>) target_semaphore(%arg14 : memref<!tpu.dma_semaphore, #tpu.memory_space<semaphore_mem>>)
      %scan3A_90 = arith.constant 0 : i32
      %scan3A_91 = arith.constant 0 : i32
      %scan3A_92 = arith.constant 62 : i32
      %scan3A_93 = arith.addi %scan3A_91, %scan3A_92 : i32
      %scan3A_94 = arith.constant 1 : i32
      scf.for %scan3A_132 = %scan3A_91 to %scan3A_93 step %scan3A_94  : i32 {
        %mul3A_133 = arith.constant 2 : i32
        %mul3A_134 = arith.muli %mul3A_133, %scan3A_132 : i32
        %dma_wait3A_135 = arith.constant 0 : i32
        %dma_wait3A_136 = arith.constant 0 : i32
        %dma_wait3A_137 = tpu.memref_slice %arg2[%dma_wait3A_135, %dma_wait3A_136] : memref<10000x128xf32, #tpu.memory_space<hbm>> -> memref<16x128xf32, #tpu.memory_space<hbm>>
        %dma_wait3A_138 = arith.constant 0 : i32
        %dma_wait3A_139 = arith.constant 0 : i32
        %dma_wait3A_140 = tpu.memref_slice %arg2[%dma_wait3A_138, %dma_wait3A_139] : memref<10000x128xf32, #tpu.memory_space<hbm>> -> memref<16x128xf32, #tpu.memory_space<hbm>>
        tpu.wait_dma2 semaphore(%arg13 : memref<!tpu.dma_semaphore, #tpu.memory_space<semaphore_mem>>) src(%dma_wait3A_140 : memref<16x128xf32, #tpu.memory_space<hbm>>) dst(%arg8 : memref<16x128xf32, #tpu.memory_space<vmem>>)
        %dma_wait3A_141 = arith.constant 0 : i32
        %dma_wait3A_142 = arith.constant 0 : i32
        %dma_wait3A_143 = arith.constant 0 : i32
        %dma_wait3A_144 = tpu.memref_slice %arg3[%dma_wait3A_141, %dma_wait3A_142, %dma_wait3A_143] : memref<3x320000x128xf32, #tpu.memory_space<hbm>> -> memref<1x16x128xf32, #tpu.memory_space<hbm>>
        %dma_wait3A_145 = tpu.memref_squeeze %dma_wait3A_144 : memref<1x16x128xf32, #tpu.memory_space<hbm>> -> memref<16x128xf32, #tpu.memory_space<hbm>>
        %dma_wait3A_146 = arith.constant 0 : i32
        %dma_wait3A_147 = arith.constant 0 : i32
        %dma_wait3A_148 = tpu.memref_slice %arg3[%dma_wait3A_141, %dma_wait3A_146, %dma_wait3A_147] : memref<3x320000x128xf32, #tpu.memory_space<hbm>> -> memref<1x16x128xf32, #tpu.memory_space<hbm>>
        %dma_wait3A_149 = tpu.memref_squeeze %dma_wait3A_148 : memref<1x16x128xf32, #tpu.memory_space<hbm>> -> memref<16x128xf32, #tpu.memory_space<hbm>>
        tpu.wait_dma2 semaphore(%arg13 : memref<!tpu.dma_semaphore, #tpu.memory_space<semaphore_mem>>) src(%dma_wait3A_149 : memref<16x128xf32, #tpu.memory_space<hbm>>) dst(%arg10 : memref<16x128xf32, #tpu.memory_space<vmem>>)
        %scan3A_150 = arith.constant 0 : i32
        %scan3A_151 = arith.constant 0 : i32
        %scan3A_152 = arith.constant 16 : i32
        %scan3A_153 = arith.addi %scan3A_151, %scan3A_152 : i32
        %scan3A_154 = arith.constant 1 : i32
        scf.for %scan3A_224 = %scan3A_151 to %scan3A_153 step %scan3A_154  : i32 {
          %get3A_225 = arith.index_cast %scan3A_224 : i32 to index
          %get3A_226 = arith.constant 0 : index
          %get3A_227 = tpu.vector_load %arg8[%get3A_225, %get3A_226] {strides = array<i32>} : memref<16x128xf32, #tpu.memory_space<vmem>>, vector<1x16xf32>,
          %get3A_228 = vector.shape_cast %get3A_227 : vector<1x16xf32> to vector<16xf32>
          %get3A_229 = arith.index_cast %scan3A_224 : i32 to index
          %get3A_230 = arith.constant 0 : index
          %get3A_231 = tpu.vector_load %arg10[%get3A_229, %get3A_230] {strides = array<i32>} : memref<16x128xf32, #tpu.memory_space<vmem>>, vector<1x16xf32>,
          %get3A_232 = vector.shape_cast %get3A_231 : vector<1x16xf32> to vector<16xf32>
          %add3A_233 = arith.addf %get3A_228, %get3A_232 : vector<16xf32>
          %max3A = arith.constant 0.000000e+00 : f32
          %max3A_234 = vector.broadcast %max3A : f32 to vector<16xf32>
          %max3A_235 = arith.maximumf %add3A_233, %max3A_234 : vector<16xf32>
          %swap3A = arith.index_cast %scan3A_224 : i32 to index
          %swap3A_236 = arith.constant 0 : index
          %swap3A_237 = tpu.vector_load %arg8[%swap3A, %swap3A_236] {strides = array<i32>} : memref<16x128xf32, #tpu.memory_space<vmem>>, vector<1x16xf32>,
          %swap3A_238 = vector.shape_cast %swap3A_237 : vector<1x16xf32> to vector<16xf32>
          %swap3A_239 = vector.shape_cast %max3A_235 : vector<16xf32> to vector<1x16xf32>
          tpu.vector_store %arg8[%swap3A, %swap3A_236], %swap3A_239 {strides = array<i32>} : memref<16x128xf32, #tpu.memory_space<vmem>>, vector<1x16xf32>,
          %get3A_240 = arith.index_cast %scan3A_224 : i32 to index
          %get3A_241 = arith.constant 16 : index
          %get3A_242 = tpu.vector_load %arg8[%get3A_240, %get3A_241] {strides = array<i32>} : memref<16x128xf32, #tpu.memory_space<vmem>>, vector<1x16xf32>,
          %get3A_243 = vector.shape_cast %get3A_242 : vector<1x16xf32> to vector<16xf32>
          %get3A_244 = arith.index_cast %scan3A_224 : i32 to index
          %get3A_245 = arith.constant 16 : index
          %get3A_246 = tpu.vector_load %arg10[%get3A_244, %get3A_245] {strides = array<i32>} : memref<16x128xf32, #tpu.memory_space<vmem>>, vector<1x16xf32>,
          %get3A_247 = vector.shape_cast %get3A_246 : vector<1x16xf32> to vector<16xf32>
          %add3A_248 = arith.addf %get3A_243, %get3A_247 : vector<16xf32>
          %max3A_249 = arith.constant 0.000000e+00 : f32
          %max3A_250 = vector.broadcast %max3A_249 : f32 to vector<16xf32>
          %max3A_251 = arith.maximumf %add3A_248, %max3A_250 : vector<16xf32>
          %swap3A_252 = arith.index_cast %scan3A_224 : i32 to index
          %swap3A_253 = arith.constant 16 : index
          %swap3A_254 = tpu.vector_load %arg8[%swap3A_252, %swap3A_253] {strides = array<i32>} : memref<16x128xf32, #tpu.memory_space<vmem>>, vector<1x16xf32>,
          %swap3A_255 = vector.shape_cast %swap3A_254 : vector<1x16xf32> to vector<16xf32>
          %swap3A_256 = vector.shape_cast %max3A_251 : vector<16xf32> to vector<1x16xf32>
          tpu.vector_store %arg8[%swap3A_252, %swap3A_253], %swap3A_256 {strides = array<i32>} : memref<16x128xf32, #tpu.memory_space<vmem>>, vector<1x16xf32>,
          %get3A_257 = arith.index_cast %scan3A_224 : i32 to index
          %get3A_258 = arith.constant 32 : index
          %get3A_259 = tpu.vector_load %arg8[%get3A_257, %get3A_258] {strides = array<i32>} : memref<16x128xf32, #tpu.memory_space<vmem>>, vector<1x16xf32>,
          %get3A_260 = vector.shape_cast %get3A_259 : vector<1x16xf32> to vector<16xf32>
          %get3A_261 = arith.index_cast %scan3A_224 : i32 to index
          %get3A_262 = arith.constant 32 : index
          %get3A_263 = tpu.vector_load %arg10[%get3A_261, %get3A_262] {strides = array<i32>} : memref<16x128xf32, #tpu.memory_space<vmem>>, vector<1x16xf32>,
          %get3A_264 = vector.shape_cast %get3A_263 : vector<1x16xf32> to vector<16xf32>
          %add3A_265 = arith.addf %get3A_260, %get3A_264 : vector<16xf32>
          %max3A_266 = arith.constant 0.000000e+00 : f32
          %max3A_267 = vector.broadcast %max3A_266 : f32 to vector<16xf32>
          %max3A_268 = arith.maximumf %add3A_265, %max3A_267 : vector<16xf32>
          %swap3A_269 = arith.index_cast %scan3A_224 : i32 to index
          %swap3A_270 = arith.constant 32 : index
          %swap3A_271 = tpu.vector_load %arg8[%swap3A_269, %swap3A_270] {strides = array<i32>} : memref<16x128xf32, #tpu.memory_space<vmem>>, vector<1x16xf32>,
          %swap3A_272 = vector.shape_cast %swap3A_271 : vector<1x16xf32> to vector<16xf32>
          %swap3A_273 = vector.shape_cast %max3A_268 : vector<16xf32> to vector<1x16xf32>
          tpu.vector_store %arg8[%swap3A_269, %swap3A_270], %swap3A_273 {strides = array<i32>} : memref<16x128xf32, #tpu.memory_space<vmem>>, vector<1x16xf32>,
          %get3A_274 = arith.index_cast %scan3A_224 : i32 to index
          %get3A_275 = arith.constant 48 : index
          %get3A_276 = tpu.vector_load %arg8[%get3A_274, %get3A_275] {strides = array<i32>} : memref<16x128xf32, #tpu.memory_space<vmem>>, vector<1x16xf32>,
          %get3A_277 = vector.shape_cast %get3A_276 : vector<1x16xf32> to vector<16xf32>
          %get3A_278 = arith.index_cast %scan3A_224 : i32 to index
          %get3A_279 = arith.constant 48 : index
          %get3A_280 = tpu.vector_load %arg10[%get3A_278, %get3A_279] {strides = array<i32>} : memref<16x128xf32, #tpu.memory_space<vmem>>, vector<1x16xf32>,
          %get3A_281 = vector.shape_cast %get3A_280 : vector<1x16xf32> to vector<16xf32>
          %add3A_282 = arith.addf %get3A_277, %get3A_281 : vector<16xf32>
          %max3A_283 = arith.constant 0.000000e+00 : f32
          %max3A_284 = vector.broadcast %max3A_283 : f32 to vector<16xf32>
          %max3A_285 = arith.maximumf %add3A_282, %max3A_284 : vector<16xf32>
          %swap3A_286 = arith.index_cast %scan3A_224 : i32 to index
          %swap3A_287 = arith.constant 48 : index
          %swap3A_288 = tpu.vector_load %arg8[%swap3A_286, %swap3A_287] {strides = array<i32>} : memref<16x128xf32, #tpu.memory_space<vmem>>, vector<1x16xf32>,
          %swap3A_289 = vector.shape_cast %swap3A_288 : vector<1x16xf32> to vector<16xf32>
          %swap3A_290 = vector.shape_cast %max3A_285 : vector<16xf32> to vector<1x16xf32>
          tpu.vector_store %arg8[%swap3A_286, %swap3A_287], %swap3A_290 {strides = array<i32>} : memref<16x128xf32, #tpu.memory_space<vmem>>, vector<1x16xf32>,
          %get3A_291 = arith.index_cast %scan3A_224 : i32 to index
          %get3A_292 = arith.constant 64 : index
          %get3A_293 = tpu.vector_load %arg8[%get3A_291, %get3A_292] {strides = array<i32>} : memref<16x128xf32, #tpu.memory_space<vmem>>, vector<1x16xf32>,
          %get3A_294 = vector.shape_cast %get3A_293 : vector<1x16xf32> to vector<16xf32>
          %get3A_295 = arith.index_cast %scan3A_224 : i32 to index
          %get3A_296 = arith.constant 64 : index
          %get3A_297 = tpu.vector_load %arg10[%get3A_295, %get3A_296] {strides = array<i32>} : memref<16x128xf32, #tpu.memory_space<vmem>>, vector<1x16xf32>,
          %get3A_298 = vector.shape_cast %get3A_297 : vector<1x16xf32> to vector<16xf32>
          %add3A_299 = arith.addf %get3A_294, %get3A_298 : vector<16xf32>
          %max3A_300 = arith.constant 0.000000e+00 : f32
          %max3A_301 = vector.broadcast %max3A_300 : f32 to vector<16xf32>
          %max3A_302 = arith.maximumf %add3A_299, %max3A_301 : vector<16xf32>
          %swap3A_303 = arith.index_cast %scan3A_224 : i32 to index
          %swap3A_304 = arith.constant 64 : index
          %swap3A_305 = tpu.vector_load %arg8[%swap3A_303, %swap3A_304] {strides = array<i32>} : memref<16x128xf32, #tpu.memory_space<vmem>>, vector<1x16xf32>,
          %swap3A_306 = vector.shape_cast %swap3A_305 : vector<1x16xf32> to vector<16xf32>
          %swap3A_307 = vector.shape_cast %max3A_302 : vector<16xf32> to vector<1x16xf32>
          tpu.vector_store %arg8[%swap3A_303, %swap3A_304], %swap3A_307 {strides = array<i32>} : memref<16x128xf32, #tpu.memory_space<vmem>>, vector<1x16xf32>,
          %get3A_308 = arith.index_cast %scan3A_224 : i32 to index
          %get3A_309 = arith.constant 80 : index
          %get3A_310 = tpu.vector_load %arg8[%get3A_308, %get3A_309] {strides = array<i32>} : memref<16x128xf32, #tpu.memory_space<vmem>>, vector<1x16xf32>,
          %get3A_311 = vector.shape_cast %get3A_310 : vector<1x16xf32> to vector<16xf32>
          %get3A_312 = arith.index_cast %scan3A_224 : i32 to index
          %get3A_313 = arith.constant 80 : index
          %get3A_314 = tpu.vector_load %arg10[%get3A_312, %get3A_313] {strides = array<i32>} : memref<16x128xf32, #tpu.memory_space<vmem>>, vector<1x16xf32>,
          %get3A_315 = vector.shape_cast %get3A_314 : vector<1x16xf32> to vector<16xf32>
          %add3A_316 = arith.addf %get3A_311, %get3A_315 : vector<16xf32>
          %max3A_317 = arith.constant 0.000000e+00 : f32
          %max3A_318 = vector.broadcast %max3A_317 : f32 to vector<16xf32>
          %max3A_319 = arith.maximumf %add3A_316, %max3A_318 : vector<16xf32>
          %swap3A_320 = arith.index_cast %scan3A_224 : i32 to index
          %swap3A_321 = arith.constant 80 : index
          %swap3A_322 = tpu.vector_load %arg8[%swap3A_320, %swap3A_321] {strides = array<i32>} : memref<16x128xf32, #tpu.memory_space<vmem>>, vector<1x16xf32>,
          %swap3A_323 = vector.shape_cast %swap3A_322 : vector<1x16xf32> to vector<16xf32>
          %swap3A_324 = vector.shape_cast %max3A_319 : vector<16xf32> to vector<1x16xf32>
          tpu.vector_store %arg8[%swap3A_320, %swap3A_321], %swap3A_324 {strides = array<i32>} : memref<16x128xf32, #tpu.memory_space<vmem>>, vector<1x16xf32>,
          %get3A_325 = arith.index_cast %scan3A_224 : i32 to index
          %get3A_326 = arith.constant 96 : index
          %get3A_327 = tpu.vector_load %arg8[%get3A_325, %get3A_326] {strides = array<i32>} : memref<16x128xf32, #tpu.memory_space<vmem>>, vector<1x16xf32>,
          %get3A_328 = vector.shape_cast %get3A_327 : vector<1x16xf32> to vector<16xf32>
          %get3A_329 = arith.index_cast %scan3A_224 : i32 to index
          %get3A_330 = arith.constant 96 : index
          %get3A_331 = tpu.vector_load %arg10[%get3A_329, %get3A_330] {strides = array<i32>} : memref<16x128xf32, #tpu.memory_space<vmem>>, vector<1x16xf32>,
          %get3A_332 = vector.shape_cast %get3A_331 : vector<1x16xf32> to vector<16xf32>
          %add3A_333 = arith.addf %get3A_328, %get3A_332 : vector<16xf32>
          %max3A_334 = arith.constant 0.000000e+00 : f32
          %max3A_335 = vector.broadcast %max3A_334 : f32 to vector<16xf32>
          %max3A_336 = arith.maximumf %add3A_333, %max3A_335 : vector<16xf32>
          %swap3A_337 = arith.index_cast %scan3A_224 : i32 to index
          %swap3A_338 = arith.constant 96 : index
          %swap3A_339 = tpu.vector_load %arg8[%swap3A_337, %swap3A_338] {strides = array<i32>} : memref<16x128xf32, #tpu.memory_space<vmem>>, vector<1x16xf32>,
          %swap3A_340 = vector.shape_cast %swap3A_339 : vector<1x16xf32> to vector<16xf32>
          %swap3A_341 = vector.shape_cast %max3A_336 : vector<16xf32> to vector<1x16xf32>
          tpu.vector_store %arg8[%swap3A_337, %swap3A_338], %swap3A_341 {strides = array<i32>} : memref<16x128xf32, #tpu.memory_space<vmem>>, vector<1x16xf32>,
          %get3A_342 = arith.index_cast %scan3A_224 : i32 to index
          %get3A_343 = arith.constant 112 : index
          %get3A_344 = tpu.vector_load %arg8[%get3A_342, %get3A_343] {strides = array<i32>} : memref<16x128xf32, #tpu.memory_space<vmem>>, vector<1x16xf32>,
          %get3A_345 = vector.shape_cast %get3A_344 : vector<1x16xf32> to vector<16xf32>
          %get3A_346 = arith.index_cast %scan3A_224 : i32 to index
          %get3A_347 = arith.constant 112 : index
          %get3A_348 = tpu.vector_load %arg10[%get3A_346, %get3A_347] {strides = array<i32>} : memref<16x128xf32, #tpu.memory_space<vmem>>, vector<1x16xf32>,
          %get3A_349 = vector.shape_cast %get3A_348 : vector<1x16xf32> to vector<16xf32>
          %add3A_350 = arith.addf %get3A_345, %get3A_349 : vector<16xf32>
          %max3A_351 = arith.constant 0.000000e+00 : f32
          %max3A_352 = vector.broadcast %max3A_351 : f32 to vector<16xf32>
          %max3A_353 = arith.maximumf %add3A_350, %max3A_352 : vector<16xf32>
          %swap3A_354 = arith.index_cast %scan3A_224 : i32 to index
          %swap3A_355 = arith.constant 112 : index
          %swap3A_356 = tpu.vector_load %arg8[%swap3A_354, %swap3A_355] {strides = array<i32>} : memref<16x128xf32, #tpu.memory_space<vmem>>, vector<1x16xf32>,
          %swap3A_357 = vector.shape_cast %swap3A_356 : vector<1x16xf32> to vector<16xf32>
          %swap3A_358 = vector.shape_cast %max3A_353 : vector<16xf32> to vector<1x16xf32>
          tpu.vector_store %arg8[%swap3A_354, %swap3A_355], %swap3A_358 {strides = array<i32>} : memref<16x128xf32, #tpu.memory_space<vmem>>, vector<1x16xf32>,
        }
        %scan3A_155 = arith.constant 16 : i32
        %get3A_156 = arith.index_cast %mul3A_134 : i32 to index
        %get3A_157 = arith.constant 0 : index
        %get3A_158 = tpu.vector_load %arg7[%get3A_156, %get3A_157] {strides = array<i32>} : memref<125x16xi32, #tpu.memory_space<vmem>>, vector<1x16xi32>,
        %get3A_159 = vector.shape_cast %get3A_158 : vector<1x16xi32> to vector<16xi32>
        %shift_right_logical3A_160 = arith.constant 16 : i32
        %shift_right_logical3A_161 = vector.broadcast %shift_right_logical3A_160 : i32 to vector<16xi32>
        %shift_right_logical3A_162 = arith.shrui %get3A_159, %shift_right_logical3A_161 : vector<16xi32>
        %dma_start3A_163 = arith.constant 0 : i32
        %dma_start3A_164 = arith.constant 0 : i32
        %dma_start3A_165 = tpu.memref_slice %arg12[%dma_start3A_163, %dma_start3A_164] : memref<10000x128xf32, #tpu.memory_space<vmem_shared>> -> memref<10000x128xf32, #tpu.memory_space<vmem_shared>>
        tpu.enqueue_indirect_dma source(%arg8 : memref<16x128xf32, #tpu.memory_space<vmem>>) target(%dma_start3A_165 : memref<10000x128xf32, #tpu.memory_space<vmem_shared>>) offsets(%shift_right_logical3A_162 : vector<16xi32>) semaphore(%arg15 : memref<!tpu.dma_semaphore, #tpu.memory_space<semaphore_mem>>) {add = true}
        %dma_wait3A_166 = arith.constant 0 : i32
        %dma_wait3A_167 = arith.constant 0 : i32
        %dma_wait3A_168 = tpu.memref_slice %arg2[%dma_wait3A_166, %dma_wait3A_167] : memref<10000x128xf32, #tpu.memory_space<hbm>> -> memref<16x128xf32, #tpu.memory_space<hbm>>
        %dma_wait3A_169 = arith.constant 0 : i32
        %dma_wait3A_170 = arith.constant 0 : i32
        %dma_wait3A_171 = tpu.memref_slice %arg2[%dma_wait3A_169, %dma_wait3A_170] : memref<10000x128xf32, #tpu.memory_space<hbm>> -> memref<16x128xf32, #tpu.memory_space<hbm>>
        tpu.wait_dma2 semaphore(%arg14 : memref<!tpu.dma_semaphore, #tpu.memory_space<semaphore_mem>>) src(%dma_wait3A_171 : memref<16x128xf32, #tpu.memory_space<hbm>>) dst(%arg9 : memref<16x128xf32, #tpu.memory_space<vmem>>)
        %dma_wait3A_172 = arith.constant 0 : i32
        %dma_wait3A_173 = arith.constant 0 : i32
        %dma_wait3A_174 = arith.constant 0 : i32
        %dma_wait3A_175 = tpu.memref_slice %arg3[%dma_wait3A_172, %dma_wait3A_173, %dma_wait3A_174] : memref<3x320000x128xf32, #tpu.memory_space<hbm>> -> memref<1x16x128xf32, #tpu.memory_space<hbm>>
        %dma_wait3A_176 = tpu.memref_squeeze %dma_wait3A_175 : memref<1x16x128xf32, #tpu.memory_space<hbm>> -> memref<16x128xf32, #tpu.memory_space<hbm>>
        %dma_wait3A_177 = arith.constant 0 : i32
        %dma_wait3A_178 = arith.constant 0 : i32
        %dma_wait3A_179 = tpu.memref_slice %arg3[%dma_wait3A_172, %dma_wait3A_177, %dma_wait3A_178] : memref<3x320000x128xf32, #tpu.memory_space<hbm>> -> memref<1x16x128xf32, #tpu.memory_space<hbm>>
        %dma_wait3A_180 = tpu.memref_squeeze %dma_wait3A_179 : memref<1x16x128xf32, #tpu.memory_space<hbm>> -> memref<16x128xf32, #tpu.memory_space<hbm>>
        tpu.wait_dma2 semaphore(%arg14 : memref<!tpu.dma_semaphore, #tpu.memory_space<semaphore_mem>>) src(%dma_wait3A_180 : memref<16x128xf32, #tpu.memory_space<hbm>>) dst(%arg11 : memref<16x128xf32, #tpu.memory_space<vmem>>)
        %scan3A_181 = arith.constant 0 : i32
        %scan3A_182 = arith.constant 0 : i32
        %scan3A_183 = arith.constant 16 : i32
        %scan3A_184 = arith.addi %scan3A_182, %scan3A_183 : i32
        %scan3A_185 = arith.constant 1 : i32
        scf.for %scan3A_224 = %scan3A_182 to %scan3A_184 step %scan3A_185  : i32 {
          %get3A_225 = arith.index_cast %scan3A_224 : i32 to index
          %get3A_226 = arith.constant 0 : index
          %get3A_227 = tpu.vector_load %arg9[%get3A_225, %get3A_226] {strides = array<i32>} : memref<16x128xf32, #tpu.memory_space<vmem>>, vector<1x16xf32>,
          %get3A_228 = vector.shape_cast %get3A_227 : vector<1x16xf32> to vector<16xf32>
          %get3A_229 = arith.index_cast %scan3A_224 : i32 to index
          %get3A_230 = arith.constant 0 : index
          %get3A_231 = tpu.vector_load %arg11[%get3A_229, %get3A_230] {strides = array<i32>} : memref<16x128xf32, #tpu.memory_space<vmem>>, vector<1x16xf32>,
          %get3A_232 = vector.shape_cast %get3A_231 : vector<1x16xf32> to vector<16xf32>
          %add3A_233 = arith.addf %get3A_228, %get3A_232 : vector<16xf32>
          %max3A = arith.constant 0.000000e+00 : f32
          %max3A_234 = vector.broadcast %max3A : f32 to vector<16xf32>
          %max3A_235 = arith.maximumf %add3A_233, %max3A_234 : vector<16xf32>
          %swap3A = arith.index_cast %scan3A_224 : i32 to index
          %swap3A_236 = arith.constant 0 : index
          %swap3A_237 = tpu.vector_load %arg9[%swap3A, %swap3A_236] {strides = array<i32>} : memref<16x128xf32, #tpu.memory_space<vmem>>, vector<1x16xf32>,
          %swap3A_238 = vector.shape_cast %swap3A_237 : vector<1x16xf32> to vector<16xf32>
          %swap3A_239 = vector.shape_cast %max3A_235 : vector<16xf32> to vector<1x16xf32>
          tpu.vector_store %arg9[%swap3A, %swap3A_236], %swap3A_239 {strides = array<i32>} : memref<16x128xf32, #tpu.memory_space<vmem>>, vector<1x16xf32>,
          %get3A_240 = arith.index_cast %scan3A_224 : i32 to index
          %get3A_241 = arith.constant 16 : index
          %get3A_242 = tpu.vector_load %arg9[%get3A_240, %get3A_241] {strides = array<i32>} : memref<16x128xf32, #tpu.memory_space<vmem>>, vector<1x16xf32>,
          %get3A_243 = vector.shape_cast %get3A_242 : vector<1x16xf32> to vector<16xf32>
          %get3A_244 = arith.index_cast %scan3A_224 : i32 to index
          %get3A_245 = arith.constant 16 : index
          %get3A_246 = tpu.vector_load %arg11[%get3A_244, %get3A_245] {strides = array<i32>} : memref<16x128xf32, #tpu.memory_space<vmem>>, vector<1x16xf32>,
          %get3A_247 = vector.shape_cast %get3A_246 : vector<1x16xf32> to vector<16xf32>
          %add3A_248 = arith.addf %get3A_243, %get3A_247 : vector<16xf32>
          %max3A_249 = arith.constant 0.000000e+00 : f32
          %max3A_250 = vector.broadcast %max3A_249 : f32 to vector<16xf32>
          %max3A_251 = arith.maximumf %add3A_248, %max3A_250 : vector<16xf32>
          %swap3A_252 = arith.index_cast %scan3A_224 : i32 to index
          %swap3A_253 = arith.constant 16 : index
          %swap3A_254 = tpu.vector_load %arg9[%swap3A_252, %swap3A_253] {strides = array<i32>} : memref<16x128xf32, #tpu.memory_space<vmem>>, vector<1x16xf32>,
          %swap3A_255 = vector.shape_cast %swap3A_254 : vector<1x16xf32> to vector<16xf32>
          %swap3A_256 = vector.shape_cast %max3A_251 : vector<16xf32> to vector<1x16xf32>
          tpu.vector_store %arg9[%swap3A_252, %swap3A_253], %swap3A_256 {strides = array<i32>} : memref<16x128xf32, #tpu.memory_space<vmem>>, vector<1x16xf32>,
          %get3A_257 = arith.index_cast %scan3A_224 : i32 to index
          %get3A_258 = arith.constant 32 : index
          %get3A_259 = tpu.vector_load %arg9[%get3A_257, %get3A_258] {strides = array<i32>} : memref<16x128xf32, #tpu.memory_space<vmem>>, vector<1x16xf32>,
          %get3A_260 = vector.shape_cast %get3A_259 : vector<1x16xf32> to vector<16xf32>
          %get3A_261 = arith.index_cast %scan3A_224 : i32 to index
          %get3A_262 = arith.constant 32 : index
          %get3A_263 = tpu.vector_load %arg11[%get3A_261, %get3A_262] {strides = array<i32>} : memref<16x128xf32, #tpu.memory_space<vmem>>, vector<1x16xf32>,
          %get3A_264 = vector.shape_cast %get3A_263 : vector<1x16xf32> to vector<16xf32>
          %add3A_265 = arith.addf %get3A_260, %get3A_264 : vector<16xf32>
          %max3A_266 = arith.constant 0.000000e+00 : f32
          %max3A_267 = vector.broadcast %max3A_266 : f32 to vector<16xf32>
          %max3A_268 = arith.maximumf %add3A_265, %max3A_267 : vector<16xf32>
          %swap3A_269 = arith.index_cast %scan3A_224 : i32 to index
          %swap3A_270 = arith.constant 32 : index
          %swap3A_271 = tpu.vector_load %arg9[%swap3A_269, %swap3A_270] {strides = array<i32>} : memref<16x128xf32, #tpu.memory_space<vmem>>, vector<1x16xf32>,
          %swap3A_272 = vector.shape_cast %swap3A_271 : vector<1x16xf32> to vector<16xf32>
          %swap3A_273 = vector.shape_cast %max3A_268 : vector<16xf32> to vector<1x16xf32>
          tpu.vector_store %arg9[%swap3A_269, %swap3A_270], %swap3A_273 {strides = array<i32>} : memref<16x128xf32, #tpu.memory_space<vmem>>, vector<1x16xf32>,
          %get3A_274 = arith.index_cast %scan3A_224 : i32 to index
          %get3A_275 = arith.constant 48 : index
          %get3A_276 = tpu.vector_load %arg9[%get3A_274, %get3A_275] {strides = array<i32>} : memref<16x128xf32, #tpu.memory_space<vmem>>, vector<1x16xf32>,
          %get3A_277 = vector.shape_cast %get3A_276 : vector<1x16xf32> to vector<16xf32>
          %get3A_278 = arith.index_cast %scan3A_224 : i32 to index
          %get3A_279 = arith.constant 48 : index
          %get3A_280 = tpu.vector_load %arg11[%get3A_278, %get3A_279] {strides = array<i32>} : memref<16x128xf32, #tpu.memory_space<vmem>>, vector<1x16xf32>,
          %get3A_281 = vector.shape_cast %get3A_280 : vector<1x16xf32> to vector<16xf32>
          %add3A_282 = arith.addf %get3A_277, %get3A_281 : vector<16xf32>
          %max3A_283 = arith.constant 0.000000e+00 : f32
          %max3A_284 = vector.broadcast %max3A_283 : f32 to vector<16xf32>
          %max3A_285 = arith.maximumf %add3A_282, %max3A_284 : vector<16xf32>
          %swap3A_286 = arith.index_cast %scan3A_224 : i32 to index
          %swap3A_287 = arith.constant 48 : index
          %swap3A_288 = tpu.vector_load %arg9[%swap3A_286, %swap3A_287] {strides = array<i32>} : memref<16x128xf32, #tpu.memory_space<vmem>>, vector<1x16xf32>,
          %swap3A_289 = vector.shape_cast %swap3A_288 : vector<1x16xf32> to vector<16xf32>
          %swap3A_290 = vector.shape_cast %max3A_285 : vector<16xf32> to vector<1x16xf32>
          tpu.vector_store %arg9[%swap3A_286, %swap3A_287], %swap3A_290 {strides = array<i32>} : memref<16x128xf32, #tpu.memory_space<vmem>>, vector<1x16xf32>,
          %get3A_291 = arith.index_cast %scan3A_224 : i32 to index
          %get3A_292 = arith.constant 64 : index
          %get3A_293 = tpu.vector_load %arg9[%get3A_291, %get3A_292] {strides = array<i32>} : memref<16x128xf32, #tpu.memory_space<vmem>>, vector<1x16xf32>,
          %get3A_294 = vector.shape_cast %get3A_293 : vector<1x16xf32> to vector<16xf32>
          %get3A_295 = arith.index_cast %scan3A_224 : i32 to index
          %get3A_296 = arith.constant 64 : index
          %get3A_297 = tpu.vector_load %arg11[%get3A_295, %get3A_296] {strides = array<i32>} : memref<16x128xf32, #tpu.memory_space<vmem>>, vector<1x16xf32>,
          %get3A_298 = vector.shape_cast %get3A_297 : vector<1x16xf32> to vector<16xf32>
          %add3A_299 = arith.addf %get3A_294, %get3A_298 : vector<16xf32>
          %max3A_300 = arith.constant 0.000000e+00 : f32
          %max3A_301 = vector.broadcast %max3A_300 : f32 to vector<16xf32>
          %max3A_302 = arith.maximumf %add3A_299, %max3A_301 : vector<16xf32>
          %swap3A_303 = arith.index_cast %scan3A_224 : i32 to index
          %swap3A_304 = arith.constant 64 : index
          %swap3A_305 = tpu.vector_load %arg9[%swap3A_303, %swap3A_304] {strides = array<i32>} : memref<16x128xf32, #tpu.memory_space<vmem>>, vector<1x16xf32>,
          %swap3A_306 = vector.shape_cast %swap3A_305 : vector<1x16xf32> to vector<16xf32>
          %swap3A_307 = vector.shape_cast %max3A_302 : vector<16xf32> to vector<1x16xf32>
          tpu.vector_store %arg9[%swap3A_303, %swap3A_304], %swap3A_307 {strides = array<i32>} : memref<16x128xf32, #tpu.memory_space<vmem>>, vector<1x16xf32>,
          %get3A_308 = arith.index_cast %scan3A_224 : i32 to index
          %get3A_309 = arith.constant 80 : index
          %get3A_310 = tpu.vector_load %arg9[%get3A_308, %get3A_309] {strides = array<i32>} : memref<16x128xf32, #tpu.memory_space<vmem>>, vector<1x16xf32>,
          %get3A_311 = vector.shape_cast %get3A_310 : vector<1x16xf32> to vector<16xf32>
          %get3A_312 = arith.index_cast %scan3A_224 : i32 to index
          %get3A_313 = arith.constant 80 : index
          %get3A_314 = tpu.vector_load %arg11[%get3A_312, %get3A_313] {strides = array<i32>} : memref<16x128xf32, #tpu.memory_space<vmem>>, vector<1x16xf32>,
          %get3A_315 = vector.shape_cast %get3A_314 : vector<1x16xf32> to vector<16xf32>
          %add3A_316 = arith.addf %get3A_311, %get3A_315 : vector<16xf32>
          %max3A_317 = arith.constant 0.000000e+00 : f32
          %max3A_318 = vector.broadcast %max3A_317 : f32 to vector<16xf32>
          %max3A_319 = arith.maximumf %add3A_316, %max3A_318 : vector<16xf32>
          %swap3A_320 = arith.index_cast %scan3A_224 : i32 to index
          %swap3A_321 = arith.constant 80 : index
          %swap3A_322 = tpu.vector_load %arg9[%swap3A_320, %swap3A_321] {strides = array<i32>} : memref<16x128xf32, #tpu.memory_space<vmem>>, vector<1x16xf32>,
          %swap3A_323 = vector.shape_cast %swap3A_322 : vector<1x16xf32> to vector<16xf32>
          %swap3A_324 = vector.shape_cast %max3A_319 : vector<16xf32> to vector<1x16xf32>
          tpu.vector_store %arg9[%swap3A_320, %swap3A_321], %swap3A_324 {strides = array<i32>} : memref<16x128xf32, #tpu.memory_space<vmem>>, vector<1x16xf32>,
          %get3A_325 = arith.index_cast %scan3A_224 : i32 to index
          %get3A_326 = arith.constant 96 : index
          %get3A_327 = tpu.vector_load %arg9[%get3A_325, %get3A_326] {strides = array<i32>} : memref<16x128xf32, #tpu.memory_space<vmem>>, vector<1x16xf32>,
          %get3A_328 = vector.shape_cast %get3A_327 : vector<1x16xf32> to vector<16xf32>
          %get3A_329 = arith.index_cast %scan3A_224 : i32 to index
          %get3A_330 = arith.constant 96 : index
          %get3A_331 = tpu.vector_load %arg11[%get3A_329, %get3A_330] {strides = array<i32>} : memref<16x128xf32, #tpu.memory_space<vmem>>, vector<1x16xf32>,
          %get3A_332 = vector.shape_cast %get3A_331 : vector<1x16xf32> to vector<16xf32>
          %add3A_333 = arith.addf %get3A_328, %get3A_332 : vector<16xf32>
          %max3A_334 = arith.constant 0.000000e+00 : f32
          %max3A_335 = vector.broadcast %max3A_334 : f32 to vector<16xf32>
          %max3A_336 = arith.maximumf %add3A_333, %max3A_335 : vector<16xf32>
          %swap3A_337 = arith.index_cast %scan3A_224 : i32 to index
          %swap3A_338 = arith.constant 96 : index
          %swap3A_339 = tpu.vector_load %arg9[%swap3A_337, %swap3A_338] {strides = array<i32>} : memref<16x128xf32, #tpu.memory_space<vmem>>, vector<1x16xf32>,
          %swap3A_340 = vector.shape_cast %swap3A_339 : vector<1x16xf32> to vector<16xf32>
          %swap3A_341 = vector.shape_cast %max3A_336 : vector<16xf32> to vector<1x16xf32>
          tpu.vector_store %arg9[%swap3A_337, %swap3A_338], %swap3A_341 {strides = array<i32>} : memref<16x128xf32, #tpu.memory_space<vmem>>, vector<1x16xf32>,
          %get3A_342 = arith.index_cast %scan3A_224 : i32 to index
          %get3A_343 = arith.constant 112 : index
          %get3A_344 = tpu.vector_load %arg9[%get3A_342, %get3A_343] {strides = array<i32>} : memref<16x128xf32, #tpu.memory_space<vmem>>, vector<1x16xf32>,
          %get3A_345 = vector.shape_cast %get3A_344 : vector<1x16xf32> to vector<16xf32>
          %get3A_346 = arith.index_cast %scan3A_224 : i32 to index
          %get3A_347 = arith.constant 112 : index
          %get3A_348 = tpu.vector_load %arg11[%get3A_346, %get3A_347] {strides = array<i32>} : memref<16x128xf32, #tpu.memory_space<vmem>>, vector<1x16xf32>,
          %get3A_349 = vector.shape_cast %get3A_348 : vector<1x16xf32> to vector<16xf32>
          %add3A_350 = arith.addf %get3A_345, %get3A_349 : vector<16xf32>
          %max3A_351 = arith.constant 0.000000e+00 : f32
          %max3A_352 = vector.broadcast %max3A_351 : f32 to vector<16xf32>
          %max3A_353 = arith.maximumf %add3A_350, %max3A_352 : vector<16xf32>
          %swap3A_354 = arith.index_cast %scan3A_224 : i32 to index
          %swap3A_355 = arith.constant 112 : index
          %swap3A_356 = tpu.vector_load %arg9[%swap3A_354, %swap3A_355] {strides = array<i32>} : memref<16x128xf32, #tpu.memory_space<vmem>>, vector<1x16xf32>,
          %swap3A_357 = vector.shape_cast %swap3A_356 : vector<1x16xf32> to vector<16xf32>
          %swap3A_358 = vector.shape_cast %max3A_353 : vector<16xf32> to vector<1x16xf32>
          tpu.vector_store %arg9[%swap3A_354, %swap3A_355], %swap3A_358 {strides = array<i32>} : memref<16x128xf32, #tpu.memory_space<vmem>>, vector<1x16xf32>,
        }
        %scan3A_186 = arith.constant 16 : i32
        %add3A_187 = arith.constant 1 : i32
        %add3A_188 = arith.addi %mul3A_134, %add3A_187 : i32
        %get3A_189 = arith.index_cast %add3A_188 : i32 to index
        %get3A_190 = arith.constant 0 : index
        %get3A_191 = tpu.vector_load %arg7[%get3A_189, %get3A_190] {strides = array<i32>} : memref<125x16xi32, #tpu.memory_space<vmem>>, vector<1x16xi32>,
        %get3A_192 = vector.shape_cast %get3A_191 : vector<1x16xi32> to vector<16xi32>
        %shift_right_logical3A_193 = arith.constant 16 : i32
        %shift_right_logical3A_194 = vector.broadcast %shift_right_logical3A_193 : i32 to vector<16xi32>
        %shift_right_logical3A_195 = arith.shrui %get3A_192, %shift_right_logical3A_194 : vector<16xi32>
        %dma_start3A_196 = arith.constant 0 : i32
        %dma_start3A_197 = arith.constant 0 : i32
        %dma_start3A_198 = tpu.memref_slice %arg12[%dma_start3A_196, %dma_start3A_197] : memref<10000x128xf32, #tpu.memory_space<vmem_shared>> -> memref<10000x128xf32, #tpu.memory_space<vmem_shared>>
        tpu.enqueue_indirect_dma source(%arg9 : memref<16x128xf32, #tpu.memory_space<vmem>>) target(%dma_start3A_198 : memref<10000x128xf32, #tpu.memory_space<vmem_shared>>) offsets(%shift_right_logical3A_195 : vector<16xi32>) semaphore(%arg16 : memref<!tpu.dma_semaphore, #tpu.memory_space<semaphore_mem>>) {add = true}
        %dma_wait3A_199 = arith.constant 0 : i32
        %dma_wait3A_200 = arith.constant 0 : i32
        %dma_wait3A_201 = tpu.memref_slice %arg12[%dma_wait3A_199, %dma_wait3A_200] : memref<10000x128xf32, #tpu.memory_space<vmem_shared>> -> memref<16x128xf32, #tpu.memory_space<vmem_shared>>
        %dma_wait3A_202 = arith.constant 0 : i32
        %dma_wait3A_203 = arith.constant 0 : i32
        %dma_wait3A_204 = tpu.memref_slice %arg12[%dma_wait3A_202, %dma_wait3A_203] : memref<10000x128xf32, #tpu.memory_space<vmem_shared>> -> memref<16x128xf32, #tpu.memory_space<vmem_shared>>
        tpu.wait_dma2 semaphore(%arg15 : memref<!tpu.dma_semaphore, #tpu.memory_space<semaphore_mem>>) src(%arg8 : memref<16x128xf32, #tpu.memory_space<vmem>>) dst(%dma_wait3A_204 : memref<16x128xf32, #tpu.memory_space<vmem_shared>>)
        %add3A_205 = arith.constant 2 : i32
        %add3A_206 = arith.addi %mul3A_134, %add3A_205 : i32
        %lt3A = arith.constant 125 : i32
        %lt3A_207 = arith.cmpi slt, %add3A_206, %lt3A : i32
        %convert_element_type3A_208 = arith.extui %lt3A_207 : i1 to i32
        %cond3A_209 = arith.constant 0 : i32
        %cond3A_210 = arith.cmpi ne, %convert_element_type3A_208, %cond3A_209 : i32
        scf.if %cond3A_210 {
          %add3A_224 = arith.constant 2 : i32
          %add3A_225 = arith.addi %mul3A_134, %add3A_224 : i32
          %get3A_226 = arith.index_cast %add3A_225 : i32 to index
          %get3A_227 = arith.constant 0 : index
          %get3A_228 = tpu.vector_load %arg7[%get3A_226, %get3A_227] {strides = array<i32>} : memref<125x16xi32, #tpu.memory_space<vmem>>, vector<1x16xi32>,
          %get3A_229 = vector.shape_cast %get3A_228 : vector<1x16xi32> to vector<16xi32>
          %and3A_230 = arith.constant 65535 : i32
          %and3A_231 = vector.broadcast %and3A_230 : i32 to vector<16xi32>
          %and3A_232 = arith.andi %get3A_229, %and3A_231 : vector<16xi32>
          %dma_start3A_233 = arith.constant 0 : i32
          %dma_start3A_234 = arith.constant 0 : i32
          %dma_start3A_235 = tpu.memref_slice %arg2[%dma_start3A_233, %dma_start3A_234] : memref<10000x128xf32, #tpu.memory_space<hbm>> -> memref<10000x128xf32, #tpu.memory_space<hbm>>
          tpu.enqueue_indirect_dma source(%dma_start3A_235 : memref<10000x128xf32, #tpu.memory_space<hbm>>) target(%arg8 : memref<16x128xf32, #tpu.memory_space<vmem>>) offsets(%and3A_232 : vector<16xi32>) semaphore(%arg13 : memref<!tpu.dma_semaphore, #tpu.memory_space<semaphore_mem>>)
          %add3A_236 = arith.addi %mul3A_46, %add3A_225 : i32
          %mul3A_237 = arith.constant 16 : i32
          %mul3A_238 = arith.muli %add3A_236, %mul3A_237 : i32
          %add3A_239 = arith.addi %mul3A_8, %mul3A_238 : i32
          %dma_start3A_240 = arith.constant 0 : i32
          %dma_start3A_241 = arith.constant 0 : i32
          %dma_start3A_242 = tpu.memref_slice %arg3[%dma_start3A_240, %add3A_239, %dma_start3A_241] : memref<3x320000x128xf32, #tpu.memory_space<hbm>> -> memref<1x16x128xf32, #tpu.memory_space<hbm>>
          %dma_start3A_243 = tpu.memref_squeeze %dma_start3A_242 : memref<1x16x128xf32, #tpu.memory_space<hbm>> -> memref<16x128xf32, #tpu.memory_space<hbm>>
          %dma_start3A_244 = arith.constant 0 : i32
          %dma_start3A_245 = tpu.memref_slice %arg3[%dma_start3A_240, %add3A_239, %dma_start3A_244] : memref<3x320000x128xf32, #tpu.memory_space<hbm>> -> memref<1x16x128xf32, #tpu.memory_space<hbm>>
          %dma_start3A_246 = tpu.memref_squeeze %dma_start3A_245 : memref<1x16x128xf32, #tpu.memory_space<hbm>> -> memref<16x128xf32, #tpu.memory_space<hbm>>
          tpu.enqueue_dma source(%dma_start3A_246 : memref<16x128xf32, #tpu.memory_space<hbm>>) target(%arg10 : memref<16x128xf32, #tpu.memory_space<vmem>>) target_semaphore(%arg13 : memref<!tpu.dma_semaphore, #tpu.memory_space<semaphore_mem>>)
        } else {
        }
        %dma_wait3A_211 = arith.constant 0 : i32
        %dma_wait3A_212 = arith.constant 0 : i32
        %dma_wait3A_213 = tpu.memref_slice %arg12[%dma_wait3A_211, %dma_wait3A_212] : memref<10000x128xf32, #tpu.memory_space<vmem_shared>> -> memref<16x128xf32, #tpu.memory_space<vmem_shared>>
        %dma_wait3A_214 = arith.constant 0 : i32
        %dma_wait3A_215 = arith.constant 0 : i32
        %dma_wait3A_216 = tpu.memref_slice %arg12[%dma_wait3A_214, %dma_wait3A_215] : memref<10000x128xf32, #tpu.memory_space<vmem_shared>> -> memref<16x128xf32, #tpu.memory_space<vmem_shared>>
        tpu.wait_dma2 semaphore(%arg16 : memref<!tpu.dma_semaphore, #tpu.memory_space<semaphore_mem>>) src(%arg9 : memref<16x128xf32, #tpu.memory_space<vmem>>) dst(%dma_wait3A_216 : memref<16x128xf32, #tpu.memory_space<vmem_shared>>)
        %add3A_217 = arith.constant 3 : i32
        %add3A_218 = arith.addi %mul3A_134, %add3A_217 : i32
        %lt3A_219 = arith.constant 125 : i32
        %lt3A_220 = arith.cmpi slt, %add3A_218, %lt3A_219 : i32
        %convert_element_type3A_221 = arith.extui %lt3A_220 : i1 to i32
        %cond3A_222 = arith.constant 0 : i32
        %cond3A_223 = arith.cmpi ne, %convert_element_type3A_221, %cond3A_222 : i32
        scf.if %cond3A_223 {
          %add3A_224 = arith.constant 3 : i32
          %add3A_225 = arith.addi %mul3A_134, %add3A_224 : i32
          %get3A_226 = arith.index_cast %add3A_225 : i32 to index
          %get3A_227 = arith.constant 0 : index
          %get3A_228 = tpu.vector_load %arg7[%get3A_226, %get3A_227] {strides = array<i32>} : memref<125x16xi32, #tpu.memory_space<vmem>>, vector<1x16xi32>,
          %get3A_229 = vector.shape_cast %get3A_228 : vector<1x16xi32> to vector<16xi32>
          %and3A_230 = arith.constant 65535 : i32
          %and3A_231 = vector.broadcast %and3A_230 : i32 to vector<16xi32>
          %and3A_232 = arith.andi %get3A_229, %and3A_231 : vector<16xi32>
          %dma_start3A_233 = arith.constant 0 : i32
          %dma_start3A_234 = arith.constant 0 : i32
          %dma_start3A_235 = tpu.memref_slice %arg2[%dma_start3A_233, %dma_start3A_234] : memref<10000x128xf32, #tpu.memory_space<hbm>> -> memref<10000x128xf32, #tpu.memory_space<hbm>>
          tpu.enqueue_indirect_dma source(%dma_start3A_235 : memref<10000x128xf32, #tpu.memory_space<hbm>>) target(%arg9 : memref<16x128xf32, #tpu.memory_space<vmem>>) offsets(%and3A_232 : vector<16xi32>) semaphore(%arg14 : memref<!tpu.dma_semaphore, #tpu.memory_space<semaphore_mem>>)
          %add3A_236 = arith.addi %mul3A_46, %add3A_225 : i32
          %mul3A_237 = arith.constant 16 : i32
          %mul3A_238 = arith.muli %add3A_236, %mul3A_237 : i32
          %add3A_239 = arith.addi %mul3A_8, %mul3A_238 : i32
          %dma_start3A_240 = arith.constant 0 : i32
          %dma_start3A_241 = arith.constant 0 : i32
          %dma_start3A_242 = tpu.memref_slice %arg3[%dma_start3A_240, %add3A_239, %dma_start3A_241] : memref<3x320000x128xf32, #tpu.memory_space<hbm>> -> memref<1x16x128xf32, #tpu.memory_space<hbm>>
          %dma_start3A_243 = tpu.memref_squeeze %dma_start3A_242 : memref<1x16x128xf32, #tpu.memory_space<hbm>> -> memref<16x128xf32, #tpu.memory_space<hbm>>
          %dma_start3A_244 = arith.constant 0 : i32
          %dma_start3A_245 = tpu.memref_slice %arg3[%dma_start3A_240, %add3A_239, %dma_start3A_244] : memref<3x320000x128xf32, #tpu.memory_space<hbm>> -> memref<1x16x128xf32, #tpu.memory_space<hbm>>
          %dma_start3A_246 = tpu.memref_squeeze %dma_start3A_245 : memref<1x16x128xf32, #tpu.memory_space<hbm>> -> memref<16x128xf32, #tpu.memory_space<hbm>>
          tpu.enqueue_dma source(%dma_start3A_246 : memref<16x128xf32, #tpu.memory_space<hbm>>) target(%arg11 : memref<16x128xf32, #tpu.memory_space<vmem>>) target_semaphore(%arg14 : memref<!tpu.dma_semaphore, #tpu.memory_space<semaphore_mem>>)
        } else {
        }
      }
      %scan3A_95 = arith.constant 62 : i32
      %dma_wait3A = arith.constant 0 : i32
      %dma_wait3A_96 = arith.constant 0 : i32
      %dma_wait3A_97 = tpu.memref_slice %arg2[%dma_wait3A, %dma_wait3A_96] : memref<10000x128xf32, #tpu.memory_space<hbm>> -> memref<16x128xf32, #tpu.memory_space<hbm>>
      %dma_wait3A_98 = arith.constant 0 : i32
      %dma_wait3A_99 = arith.constant 0 : i32
      %dma_wait3A_100 = tpu.memref_slice %arg2[%dma_wait3A_98, %dma_wait3A_99] : memref<10000x128xf32, #tpu.memory_space<hbm>> -> memref<16x128xf32, #tpu.memory_space<hbm>>
      tpu.wait_dma2 semaphore(%arg13 : memref<!tpu.dma_semaphore, #tpu.memory_space<semaphore_mem>>) src(%dma_wait3A_100 : memref<16x128xf32, #tpu.memory_space<hbm>>) dst(%arg8 : memref<16x128xf32, #tpu.memory_space<vmem>>)
      %dma_wait3A_101 = arith.constant 0 : i32
      %dma_wait3A_102 = arith.constant 0 : i32
      %dma_wait3A_103 = arith.constant 0 : i32
      %dma_wait3A_104 = tpu.memref_slice %arg3[%dma_wait3A_101, %dma_wait3A_102, %dma_wait3A_103] : memref<3x320000x128xf32, #tpu.memory_space<hbm>> -> memref<1x16x128xf32, #tpu.memory_space<hbm>>
      %dma_wait3A_105 = tpu.memref_squeeze %dma_wait3A_104 : memref<1x16x128xf32, #tpu.memory_space<hbm>> -> memref<16x128xf32, #tpu.memory_space<hbm>>
      %dma_wait3A_106 = arith.constant 0 : i32
      %dma_wait3A_107 = arith.constant 0 : i32
      %dma_wait3A_108 = tpu.memref_slice %arg3[%dma_wait3A_101, %dma_wait3A_106, %dma_wait3A_107] : memref<3x320000x128xf32, #tpu.memory_space<hbm>> -> memref<1x16x128xf32, #tpu.memory_space<hbm>>
      %dma_wait3A_109 = tpu.memref_squeeze %dma_wait3A_108 : memref<1x16x128xf32, #tpu.memory_space<hbm>> -> memref<16x128xf32, #tpu.memory_space<hbm>>
      tpu.wait_dma2 semaphore(%arg13 : memref<!tpu.dma_semaphore, #tpu.memory_space<semaphore_mem>>) src(%dma_wait3A_109 : memref<16x128xf32, #tpu.memory_space<hbm>>) dst(%arg10 : memref<16x128xf32, #tpu.memory_space<vmem>>)
      %scan3A_110 = arith.constant 0 : i32
      %scan3A_111 = arith.constant 0 : i32
      %scan3A_112 = arith.constant 16 : i32
      %scan3A_113 = arith.addi %scan3A_111, %scan3A_112 : i32
      %scan3A_114 = arith.constant 1 : i32
      scf.for %scan3A_132 = %scan3A_111 to %scan3A_113 step %scan3A_114  : i32 {
        %get3A_133 = arith.index_cast %scan3A_132 : i32 to index
        %get3A_134 = arith.constant 0 : index
        %get3A_135 = tpu.vector_load %arg8[%get3A_133, %get3A_134] {strides = array<i32>} : memref<16x128xf32, #tpu.memory_space<vmem>>, vector<1x16xf32>,
        %get3A_136 = vector.shape_cast %get3A_135 : vector<1x16xf32> to vector<16xf32>
        %get3A_137 = arith.index_cast %scan3A_132 : i32 to index
        %get3A_138 = arith.constant 0 : index
        %get3A_139 = tpu.vector_load %arg10[%get3A_137, %get3A_138] {strides = array<i32>} : memref<16x128xf32, #tpu.memory_space<vmem>>, vector<1x16xf32>,
        %get3A_140 = vector.shape_cast %get3A_139 : vector<1x16xf32> to vector<16xf32>
        %add3A_141 = arith.addf %get3A_136, %get3A_140 : vector<16xf32>
        %max3A = arith.constant 0.000000e+00 : f32
        %max3A_142 = vector.broadcast %max3A : f32 to vector<16xf32>
        %max3A_143 = arith.maximumf %add3A_141, %max3A_142 : vector<16xf32>
        %swap3A = arith.index_cast %scan3A_132 : i32 to index
        %swap3A_144 = arith.constant 0 : index
        %swap3A_145 = tpu.vector_load %arg8[%swap3A, %swap3A_144] {strides = array<i32>} : memref<16x128xf32, #tpu.memory_space<vmem>>, vector<1x16xf32>,
        %swap3A_146 = vector.shape_cast %swap3A_145 : vector<1x16xf32> to vector<16xf32>
        %swap3A_147 = vector.shape_cast %max3A_143 : vector<16xf32> to vector<1x16xf32>
        tpu.vector_store %arg8[%swap3A, %swap3A_144], %swap3A_147 {strides = array<i32>} : memref<16x128xf32, #tpu.memory_space<vmem>>, vector<1x16xf32>,
        %get3A_148 = arith.index_cast %scan3A_132 : i32 to index
        %get3A_149 = arith.constant 16 : index
        %get3A_150 = tpu.vector_load %arg8[%get3A_148, %get3A_149] {strides = array<i32>} : memref<16x128xf32, #tpu.memory_space<vmem>>, vector<1x16xf32>,
        %get3A_151 = vector.shape_cast %get3A_150 : vector<1x16xf32> to vector<16xf32>
        %get3A_152 = arith.index_cast %scan3A_132 : i32 to index
        %get3A_153 = arith.constant 16 : index
        %get3A_154 = tpu.vector_load %arg10[%get3A_152, %get3A_153] {strides = array<i32>} : memref<16x128xf32, #tpu.memory_space<vmem>>, vector<1x16xf32>,
        %get3A_155 = vector.shape_cast %get3A_154 : vector<1x16xf32> to vector<16xf32>
        %add3A_156 = arith.addf %get3A_151, %get3A_155 : vector<16xf32>
        %max3A_157 = arith.constant 0.000000e+00 : f32
        %max3A_158 = vector.broadcast %max3A_157 : f32 to vector<16xf32>
        %max3A_159 = arith.maximumf %add3A_156, %max3A_158 : vector<16xf32>
        %swap3A_160 = arith.index_cast %scan3A_132 : i32 to index
        %swap3A_161 = arith.constant 16 : index
        %swap3A_162 = tpu.vector_load %arg8[%swap3A_160, %swap3A_161] {strides = array<i32>} : memref<16x128xf32, #tpu.memory_space<vmem>>, vector<1x16xf32>,
        %swap3A_163 = vector.shape_cast %swap3A_162 : vector<1x16xf32> to vector<16xf32>
        %swap3A_164 = vector.shape_cast %max3A_159 : vector<16xf32> to vector<1x16xf32>
        tpu.vector_store %arg8[%swap3A_160, %swap3A_161], %swap3A_164 {strides = array<i32>} : memref<16x128xf32, #tpu.memory_space<vmem>>, vector<1x16xf32>,
        %get3A_165 = arith.index_cast %scan3A_132 : i32 to index
        %get3A_166 = arith.constant 32 : index
        %get3A_167 = tpu.vector_load %arg8[%get3A_165, %get3A_166] {strides = array<i32>} : memref<16x128xf32, #tpu.memory_space<vmem>>, vector<1x16xf32>,
        %get3A_168 = vector.shape_cast %get3A_167 : vector<1x16xf32> to vector<16xf32>
        %get3A_169 = arith.index_cast %scan3A_132 : i32 to index
        %get3A_170 = arith.constant 32 : index
        %get3A_171 = tpu.vector_load %arg10[%get3A_169, %get3A_170] {strides = array<i32>} : memref<16x128xf32, #tpu.memory_space<vmem>>, vector<1x16xf32>,
        %get3A_172 = vector.shape_cast %get3A_171 : vector<1x16xf32> to vector<16xf32>
        %add3A_173 = arith.addf %get3A_168, %get3A_172 : vector<16xf32>
        %max3A_174 = arith.constant 0.000000e+00 : f32
        %max3A_175 = vector.broadcast %max3A_174 : f32 to vector<16xf32>
        %max3A_176 = arith.maximumf %add3A_173, %max3A_175 : vector<16xf32>
        %swap3A_177 = arith.index_cast %scan3A_132 : i32 to index
        %swap3A_178 = arith.constant 32 : index
        %swap3A_179 = tpu.vector_load %arg8[%swap3A_177, %swap3A_178] {strides = array<i32>} : memref<16x128xf32, #tpu.memory_space<vmem>>, vector<1x16xf32>,
        %swap3A_180 = vector.shape_cast %swap3A_179 : vector<1x16xf32> to vector<16xf32>
        %swap3A_181 = vector.shape_cast %max3A_176 : vector<16xf32> to vector<1x16xf32>
        tpu.vector_store %arg8[%swap3A_177, %swap3A_178], %swap3A_181 {strides = array<i32>} : memref<16x128xf32, #tpu.memory_space<vmem>>, vector<1x16xf32>,
        %get3A_182 = arith.index_cast %scan3A_132 : i32 to index
        %get3A_183 = arith.constant 48 : index
        %get3A_184 = tpu.vector_load %arg8[%get3A_182, %get3A_183] {strides = array<i32>} : memref<16x128xf32, #tpu.memory_space<vmem>>, vector<1x16xf32>,
        %get3A_185 = vector.shape_cast %get3A_184 : vector<1x16xf32> to vector<16xf32>
        %get3A_186 = arith.index_cast %scan3A_132 : i32 to index
        %get3A_187 = arith.constant 48 : index
        %get3A_188 = tpu.vector_load %arg10[%get3A_186, %get3A_187] {strides = array<i32>} : memref<16x128xf32, #tpu.memory_space<vmem>>, vector<1x16xf32>,
        %get3A_189 = vector.shape_cast %get3A_188 : vector<1x16xf32> to vector<16xf32>
        %add3A_190 = arith.addf %get3A_185, %get3A_189 : vector<16xf32>
        %max3A_191 = arith.constant 0.000000e+00 : f32
        %max3A_192 = vector.broadcast %max3A_191 : f32 to vector<16xf32>
        %max3A_193 = arith.maximumf %add3A_190, %max3A_192 : vector<16xf32>
        %swap3A_194 = arith.index_cast %scan3A_132 : i32 to index
        %swap3A_195 = arith.constant 48 : index
        %swap3A_196 = tpu.vector_load %arg8[%swap3A_194, %swap3A_195] {strides = array<i32>} : memref<16x128xf32, #tpu.memory_space<vmem>>, vector<1x16xf32>,
        %swap3A_197 = vector.shape_cast %swap3A_196 : vector<1x16xf32> to vector<16xf32>
        %swap3A_198 = vector.shape_cast %max3A_193 : vector<16xf32> to vector<1x16xf32>
        tpu.vector_store %arg8[%swap3A_194, %swap3A_195], %swap3A_198 {strides = array<i32>} : memref<16x128xf32, #tpu.memory_space<vmem>>, vector<1x16xf32>,
        %get3A_199 = arith.index_cast %scan3A_132 : i32 to index
        %get3A_200 = arith.constant 64 : index
        %get3A_201 = tpu.vector_load %arg8[%get3A_199, %get3A_200] {strides = array<i32>} : memref<16x128xf32, #tpu.memory_space<vmem>>, vector<1x16xf32>,
        %get3A_202 = vector.shape_cast %get3A_201 : vector<1x16xf32> to vector<16xf32>
        %get3A_203 = arith.index_cast %scan3A_132 : i32 to index
        %get3A_204 = arith.constant 64 : index
        %get3A_205 = tpu.vector_load %arg10[%get3A_203, %get3A_204] {strides = array<i32>} : memref<16x128xf32, #tpu.memory_space<vmem>>, vector<1x16xf32>,
        %get3A_206 = vector.shape_cast %get3A_205 : vector<1x16xf32> to vector<16xf32>
        %add3A_207 = arith.addf %get3A_202, %get3A_206 : vector<16xf32>
        %max3A_208 = arith.constant 0.000000e+00 : f32
        %max3A_209 = vector.broadcast %max3A_208 : f32 to vector<16xf32>
        %max3A_210 = arith.maximumf %add3A_207, %max3A_209 : vector<16xf32>
        %swap3A_211 = arith.index_cast %scan3A_132 : i32 to index
        %swap3A_212 = arith.constant 64 : index
        %swap3A_213 = tpu.vector_load %arg8[%swap3A_211, %swap3A_212] {strides = array<i32>} : memref<16x128xf32, #tpu.memory_space<vmem>>, vector<1x16xf32>,
        %swap3A_214 = vector.shape_cast %swap3A_213 : vector<1x16xf32> to vector<16xf32>
        %swap3A_215 = vector.shape_cast %max3A_210 : vector<16xf32> to vector<1x16xf32>
        tpu.vector_store %arg8[%swap3A_211, %swap3A_212], %swap3A_215 {strides = array<i32>} : memref<16x128xf32, #tpu.memory_space<vmem>>, vector<1x16xf32>,
        %get3A_216 = arith.index_cast %scan3A_132 : i32 to index
        %get3A_217 = arith.constant 80 : index
        %get3A_218 = tpu.vector_load %arg8[%get3A_216, %get3A_217] {strides = array<i32>} : memref<16x128xf32, #tpu.memory_space<vmem>>, vector<1x16xf32>,
        %get3A_219 = vector.shape_cast %get3A_218 : vector<1x16xf32> to vector<16xf32>
        %get3A_220 = arith.index_cast %scan3A_132 : i32 to index
        %get3A_221 = arith.constant 80 : index
        %get3A_222 = tpu.vector_load %arg10[%get3A_220, %get3A_221] {strides = array<i32>} : memref<16x128xf32, #tpu.memory_space<vmem>>, vector<1x16xf32>,
        %get3A_223 = vector.shape_cast %get3A_222 : vector<1x16xf32> to vector<16xf32>
        %add3A_224 = arith.addf %get3A_219, %get3A_223 : vector<16xf32>
        %max3A_225 = arith.constant 0.000000e+00 : f32
        %max3A_226 = vector.broadcast %max3A_225 : f32 to vector<16xf32>
        %max3A_227 = arith.maximumf %add3A_224, %max3A_226 : vector<16xf32>
        %swap3A_228 = arith.index_cast %scan3A_132 : i32 to index
        %swap3A_229 = arith.constant 80 : index
        %swap3A_230 = tpu.vector_load %arg8[%swap3A_228, %swap3A_229] {strides = array<i32>} : memref<16x128xf32, #tpu.memory_space<vmem>>, vector<1x16xf32>,
        %swap3A_231 = vector.shape_cast %swap3A_230 : vector<1x16xf32> to vector<16xf32>
        %swap3A_232 = vector.shape_cast %max3A_227 : vector<16xf32> to vector<1x16xf32>
        tpu.vector_store %arg8[%swap3A_228, %swap3A_229], %swap3A_232 {strides = array<i32>} : memref<16x128xf32, #tpu.memory_space<vmem>>, vector<1x16xf32>,
        %get3A_233 = arith.index_cast %scan3A_132 : i32 to index
        %get3A_234 = arith.constant 96 : index
        %get3A_235 = tpu.vector_load %arg8[%get3A_233, %get3A_234] {strides = array<i32>} : memref<16x128xf32, #tpu.memory_space<vmem>>, vector<1x16xf32>,
        %get3A_236 = vector.shape_cast %get3A_235 : vector<1x16xf32> to vector<16xf32>
        %get3A_237 = arith.index_cast %scan3A_132 : i32 to index
        %get3A_238 = arith.constant 96 : index
        %get3A_239 = tpu.vector_load %arg10[%get3A_237, %get3A_238] {strides = array<i32>} : memref<16x128xf32, #tpu.memory_space<vmem>>, vector<1x16xf32>,
        %get3A_240 = vector.shape_cast %get3A_239 : vector<1x16xf32> to vector<16xf32>
        %add3A_241 = arith.addf %get3A_236, %get3A_240 : vector<16xf32>
        %max3A_242 = arith.constant 0.000000e+00 : f32
        %max3A_243 = vector.broadcast %max3A_242 : f32 to vector<16xf32>
        %max3A_244 = arith.maximumf %add3A_241, %max3A_243 : vector<16xf32>
        %swap3A_245 = arith.index_cast %scan3A_132 : i32 to index
        %swap3A_246 = arith.constant 96 : index
        %swap3A_247 = tpu.vector_load %arg8[%swap3A_245, %swap3A_246] {strides = array<i32>} : memref<16x128xf32, #tpu.memory_space<vmem>>, vector<1x16xf32>,
        %swap3A_248 = vector.shape_cast %swap3A_247 : vector<1x16xf32> to vector<16xf32>
        %swap3A_249 = vector.shape_cast %max3A_244 : vector<16xf32> to vector<1x16xf32>
        tpu.vector_store %arg8[%swap3A_245, %swap3A_246], %swap3A_249 {strides = array<i32>} : memref<16x128xf32, #tpu.memory_space<vmem>>, vector<1x16xf32>,
        %get3A_250 = arith.index_cast %scan3A_132 : i32 to index
        %get3A_251 = arith.constant 112 : index
        %get3A_252 = tpu.vector_load %arg8[%get3A_250, %get3A_251] {strides = array<i32>} : memref<16x128xf32, #tpu.memory_space<vmem>>, vector<1x16xf32>,
        %get3A_253 = vector.shape_cast %get3A_252 : vector<1x16xf32> to vector<16xf32>
        %get3A_254 = arith.index_cast %scan3A_132 : i32 to index
        %get3A_255 = arith.constant 112 : index
        %get3A_256 = tpu.vector_load %arg10[%get3A_254, %get3A_255] {strides = array<i32>} : memref<16x128xf32, #tpu.memory_space<vmem>>, vector<1x16xf32>,
        %get3A_257 = vector.shape_cast %get3A_256 : vector<1x16xf32> to vector<16xf32>
        %add3A_258 = arith.addf %get3A_253, %get3A_257 : vector<16xf32>
        %max3A_259 = arith.constant 0.000000e+00 : f32
        %max3A_260 = vector.broadcast %max3A_259 : f32 to vector<16xf32>
        %max3A_261 = arith.maximumf %add3A_258, %max3A_260 : vector<16xf32>
        %swap3A_262 = arith.index_cast %scan3A_132 : i32 to index
        %swap3A_263 = arith.constant 112 : index
        %swap3A_264 = tpu.vector_load %arg8[%swap3A_262, %swap3A_263] {strides = array<i32>} : memref<16x128xf32, #tpu.memory_space<vmem>>, vector<1x16xf32>,
        %swap3A_265 = vector.shape_cast %swap3A_264 : vector<1x16xf32> to vector<16xf32>
        %swap3A_266 = vector.shape_cast %max3A_261 : vector<16xf32> to vector<1x16xf32>
        tpu.vector_store %arg8[%swap3A_262, %swap3A_263], %swap3A_266 {strides = array<i32>} : memref<16x128xf32, #tpu.memory_space<vmem>>, vector<1x16xf32>,
      }
      %scan3A_115 = arith.constant 16 : i32
      %get3A_116 = arith.constant 124 : i32
      %get3A_117 = arith.index_cast %get3A_116 : i32 to index
      %get3A_118 = arith.constant 0 : index
      %get3A_119 = tpu.vector_load %arg7[%get3A_117, %get3A_118] {strides = array<i32>} : memref<125x16xi32, #tpu.memory_space<vmem>>, vector<1x16xi32>,
      %get3A_120 = vector.shape_cast %get3A_119 : vector<1x16xi32> to vector<16xi32>
      %shift_right_logical3A = arith.constant 16 : i32
      %shift_right_logical3A_121 = vector.broadcast %shift_right_logical3A : i32 to vector<16xi32>
      %shift_right_logical3A_122 = arith.shrui %get3A_120, %shift_right_logical3A_121 : vector<16xi32>
      %dma_start3A_123 = arith.constant 0 : i32
      %dma_start3A_124 = arith.constant 0 : i32
      %dma_start3A_125 = tpu.memref_slice %arg12[%dma_start3A_123, %dma_start3A_124] : memref<10000x128xf32, #tpu.memory_space<vmem_shared>> -> memref<10000x128xf32, #tpu.memory_space<vmem_shared>>
      tpu.enqueue_indirect_dma source(%arg8 : memref<16x128xf32, #tpu.memory_space<vmem>>) target(%dma_start3A_125 : memref<10000x128xf32, #tpu.memory_space<vmem_shared>>) offsets(%shift_right_logical3A_122 : vector<16xi32>) semaphore(%arg15 : memref<!tpu.dma_semaphore, #tpu.memory_space<semaphore_mem>>) {add = true}
      %dma_wait3A_126 = arith.constant 0 : i32
      %dma_wait3A_127 = arith.constant 0 : i32
      %dma_wait3A_128 = tpu.memref_slice %arg12[%dma_wait3A_126, %dma_wait3A_127] : memref<10000x128xf32, #tpu.memory_space<vmem_shared>> -> memref<16x128xf32, #tpu.memory_space<vmem_shared>>
      %dma_wait3A_129 = arith.constant 0 : i32
      %dma_wait3A_130 = arith.constant 0 : i32
      %dma_wait3A_131 = tpu.memref_slice %arg12[%dma_wait3A_129, %dma_wait3A_130] : memref<10000x128xf32, #tpu.memory_space<vmem_shared>> -> memref<16x128xf32, #tpu.memory_space<vmem_shared>>
      tpu.wait_dma2 semaphore(%arg15 : memref<!tpu.dma_semaphore, #tpu.memory_space<semaphore_mem>>) src(%arg8 : memref<16x128xf32, #tpu.memory_space<vmem>>) dst(%dma_wait3A_131 : memref<16x128xf32, #tpu.memory_space<vmem_shared>>)
    }
    %scan3A_13 = arith.constant 5 : i32
    %barrier3A_14 = arith.constant 0 : index
    tpu.barrier barrier_id(%barrier3A_14)
    %mul3A_15 = arith.constant 624 : i32
    %mul3A_16 = arith.muli %arg1, %mul3A_15 : i32
    %add3A_17 = arith.constant 0 : i32
    %add3A_18 = arith.addi %mul3A_16, %add3A_17 : i32
    %mul3A_19 = arith.constant 624 : i32
    %mul3A_20 = arith.muli %arg1, %mul3A_19 : i32
    %add3A_21 = arith.constant 0 : i32
    %add3A_22 = arith.addi %mul3A_20, %add3A_21 : i32
    "tpu.region"() ({
      %run_scoped3A = tpu.sem_alloc : memref<!tpu.dma_semaphore, #tpu.memory_space<semaphore_mem>>
      %dma_start3A = arith.constant 0 : i32
      %dma_start3A_44 = tpu.memref_slice %arg6[%arg0, %add3A_22, %dma_start3A] : memref<2x10000x128xf32, #tpu.memory_space<hbm>> -> memref<1x208x128xf32, #tpu.memory_space<hbm>>
      %dma_start3A_45 = tpu.memref_squeeze %dma_start3A_44 : memref<1x208x128xf32, #tpu.memory_space<hbm>> -> memref<208x128xf32, #tpu.memory_space<hbm>>
      %dma_start3A_46 = arith.constant 0 : i32
      %dma_start3A_47 = tpu.memref_slice %arg12[%add3A_18, %dma_start3A_46] : memref<10000x128xf32, #tpu.memory_space<vmem_shared>> -> memref<208x128xf32, #tpu.memory_space<vmem_shared>>
      tpu.enqueue_dma source(%dma_start3A_47 : memref<208x128xf32, #tpu.memory_space<vmem_shared>>) target(%dma_start3A_45 : memref<208x128xf32, #tpu.memory_space<hbm>>) target_semaphore(%run_scoped3A : memref<!tpu.dma_semaphore, #tpu.memory_space<semaphore_mem>>)
      %dma_wait3A = arith.constant 0 : i32
      %dma_wait3A_48 = tpu.memref_slice %arg6[%arg0, %add3A_22, %dma_wait3A] : memref<2x10000x128xf32, #tpu.memory_space<hbm>> -> memref<1x208x128xf32, #tpu.memory_space<hbm>>
      %dma_wait3A_49 = tpu.memref_squeeze %dma_wait3A_48 : memref<1x208x128xf32, #tpu.memory_space<hbm>> -> memref<208x128xf32, #tpu.memory_space<hbm>>
      %dma_wait3A_50 = arith.constant 0 : i32
      %dma_wait3A_51 = tpu.memref_slice %arg12[%add3A_18, %dma_wait3A_50] : memref<10000x128xf32, #tpu.memory_space<vmem_shared>> -> memref<208x128xf32, #tpu.memory_space<vmem_shared>>
      tpu.wait_dma2 semaphore(%run_scoped3A : memref<!tpu.dma_semaphore, #tpu.memory_space<semaphore_mem>>) src(%dma_wait3A_51 : memref<208x128xf32, #tpu.memory_space<vmem_shared>>) dst(%dma_wait3A_49 : memref<208x128xf32, #tpu.memory_space<hbm>>)
      tpu.yield
    }) : () -> ()
    %mul3A_23 = arith.constant 624 : i32
    %mul3A_24 = arith.muli %arg1, %mul3A_23 : i32
    %add3A_25 = arith.constant 208 : i32
    %add3A_26 = arith.addi %mul3A_24, %add3A_25 : i32
    %mul3A_27 = arith.constant 624 : i32
    %mul3A_28 = arith.muli %arg1, %mul3A_27 : i32
    %add3A_29 = arith.constant 208 : i32
    %add3A_30 = arith.addi %mul3A_28, %add3A_29 : i32
    "tpu.region"() ({
      %run_scoped3A = tpu.sem_alloc : memref<!tpu.dma_semaphore, #tpu.memory_space<semaphore_mem>>
      %dma_start3A = arith.constant 0 : i32
      %dma_start3A_44 = tpu.memref_slice %arg6[%arg0, %add3A_30, %dma_start3A] : memref<2x10000x128xf32, #tpu.memory_space<hbm>> -> memref<1x208x128xf32, #tpu.memory_space<hbm>>
      %dma_start3A_45 = tpu.memref_squeeze %dma_start3A_44 : memref<1x208x128xf32, #tpu.memory_space<hbm>> -> memref<208x128xf32, #tpu.memory_space<hbm>>
      %dma_start3A_46 = arith.constant 0 : i32
      %dma_start3A_47 = tpu.memref_slice %arg12[%add3A_26, %dma_start3A_46] : memref<10000x128xf32, #tpu.memory_space<vmem_shared>> -> memref<208x128xf32, #tpu.memory_space<vmem_shared>>
      tpu.enqueue_dma source(%dma_start3A_47 : memref<208x128xf32, #tpu.memory_space<vmem_shared>>) target(%dma_start3A_45 : memref<208x128xf32, #tpu.memory_space<hbm>>) target_semaphore(%run_scoped3A : memref<!tpu.dma_semaphore, #tpu.memory_space<semaphore_mem>>)
      %dma_wait3A = arith.constant 0 : i32
      %dma_wait3A_48 = tpu.memref_slice %arg6[%arg0, %add3A_30, %dma_wait3A] : memref<2x10000x128xf32, #tpu.memory_space<hbm>> -> memref<1x208x128xf32, #tpu.memory_space<hbm>>
      %dma_wait3A_49 = tpu.memref_squeeze %dma_wait3A_48 : memref<1x208x128xf32, #tpu.memory_space<hbm>> -> memref<208x128xf32, #tpu.memory_space<hbm>>
      %dma_wait3A_50 = arith.constant 0 : i32
      %dma_wait3A_51 = tpu.memref_slice %arg12[%add3A_26, %dma_wait3A_50] : memref<10000x128xf32, #tpu.memory_space<vmem_shared>> -> memref<208x128xf32, #tpu.memory_space<vmem_shared>>
      tpu.wait_dma2 semaphore(%run_scoped3A : memref<!tpu.dma_semaphore, #tpu.memory_space<semaphore_mem>>) src(%dma_wait3A_51 : memref<208x128xf32, #tpu.memory_space<vmem_shared>>) dst(%dma_wait3A_49 : memref<208x128xf32, #tpu.memory_space<hbm>>)
      tpu.yield
    }) : () -> ()
    %mul3A_31 = arith.constant 624 : i32
    %mul3A_32 = arith.muli %arg1, %mul3A_31 : i32
    %add3A_33 = arith.constant 416 : i32
    %add3A_34 = arith.addi %mul3A_32, %add3A_33 : i32
    %mul3A_35 = arith.constant 624 : i32
    %mul3A_36 = arith.muli %arg1, %mul3A_35 : i32
    %add3A_37 = arith.constant 416 : i32
    %add3A_38 = arith.addi %mul3A_36, %add3A_37 : i32
    "tpu.region"() ({
      %run_scoped3A = tpu.sem_alloc : memref<!tpu.dma_semaphore, #tpu.memory_space<semaphore_mem>>
      %dma_start3A = arith.constant 0 : i32
      %dma_start3A_44 = tpu.memref_slice %arg6[%arg0, %add3A_38, %dma_start3A] : memref<2x10000x128xf32, #tpu.memory_space<hbm>> -> memref<1x208x128xf32, #tpu.memory_space<hbm>>
      %dma_start3A_45 = tpu.memref_squeeze %dma_start3A_44 : memref<1x208x128xf32, #tpu.memory_space<hbm>> -> memref<208x128xf32, #tpu.memory_space<hbm>>
      %dma_start3A_46 = arith.constant 0 : i32
      %dma_start3A_47 = tpu.memref_slice %arg12[%add3A_34, %dma_start3A_46] : memref<10000x128xf32, #tpu.memory_space<vmem_shared>> -> memref<208x128xf32, #tpu.memory_space<vmem_shared>>
      tpu.enqueue_dma source(%dma_start3A_47 : memref<208x128xf32, #tpu.memory_space<vmem_shared>>) target(%dma_start3A_45 : memref<208x128xf32, #tpu.memory_space<hbm>>) target_semaphore(%run_scoped3A : memref<!tpu.dma_semaphore, #tpu.memory_space<semaphore_mem>>)
      %dma_wait3A = arith.constant 0 : i32
      %dma_wait3A_48 = tpu.memref_slice %arg6[%arg0, %add3A_38, %dma_wait3A] : memref<2x10000x128xf32, #tpu.memory_space<hbm>> -> memref<1x208x128xf32, #tpu.memory_space<hbm>>
      %dma_wait3A_49 = tpu.memref_squeeze %dma_wait3A_48 : memref<1x208x128xf32, #tpu.memory_space<hbm>> -> memref<208x128xf32, #tpu.memory_space<hbm>>
      %dma_wait3A_50 = arith.constant 0 : i32
      %dma_wait3A_51 = tpu.memref_slice %arg12[%add3A_34, %dma_wait3A_50] : memref<10000x128xf32, #tpu.memory_space<vmem_shared>> -> memref<208x128xf32, #tpu.memory_space<vmem_shared>>
      tpu.wait_dma2 semaphore(%run_scoped3A : memref<!tpu.dma_semaphore, #tpu.memory_space<semaphore_mem>>) src(%dma_wait3A_51 : memref<208x128xf32, #tpu.memory_space<vmem_shared>>) dst(%dma_wait3A_49 : memref<208x128xf32, #tpu.memory_space<hbm>>)
      tpu.yield
    }) : () -> ()
    %eq3A_39 = arith.constant 15 : i32
    %eq3A_40 = arith.cmpi eq, %arg1, %eq3A_39 : i32
    %convert_element_type3A_41 = arith.extui %eq3A_40 : i1 to i32
    %cond3A_42 = arith.constant 0 : i32
    %cond3A_43 = arith.cmpi ne, %convert_element_type3A_41, %cond3A_42 : i32
    scf.if %cond3A_43 {
      "tpu.region"() ({
        %run_scoped3A = tpu.sem_alloc : memref<!tpu.dma_semaphore, #tpu.memory_space<semaphore_mem>>
        %dma_start3A = arith.constant 9984 : i32
        %dma_start3A_44 = arith.constant 0 : i32
        %dma_start3A_45 = tpu.memref_slice %arg6[%arg0, %dma_start3A, %dma_start3A_44] : memref<2x10000x128xf32, #tpu.memory_space<hbm>> -> memref<1x16x128xf32, #tpu.memory_space<hbm>>
        %dma_start3A_46 = tpu.memref_squeeze %dma_start3A_45 : memref<1x16x128xf32, #tpu.memory_space<hbm>> -> memref<16x128xf32, #tpu.memory_space<hbm>>
        %dma_start3A_47 = arith.constant 9984 : i32
        %dma_start3A_48 = arith.constant 0 : i32
        %dma_start3A_49 = tpu.memref_slice %arg12[%dma_start3A_47, %dma_start3A_48] : memref<10000x128xf32, #tpu.memory_space<vmem_shared>> -> memref<16x128xf32, #tpu.memory_space<vmem_shared>>
        tpu.enqueue_dma source(%dma_start3A_49 : memref<16x128xf32, #tpu.memory_space<vmem_shared>>) target(%dma_start3A_46 : memref<16x128xf32, #tpu.memory_space<hbm>>) target_semaphore(%run_scoped3A : memref<!tpu.dma_semaphore, #tpu.memory_space<semaphore_mem>>)
        %dma_wait3A = arith.constant 9984 : i32
        %dma_wait3A_50 = arith.constant 0 : i32
        %dma_wait3A_51 = tpu.memref_slice %arg6[%arg0, %dma_wait3A, %dma_wait3A_50] : memref<2x10000x128xf32, #tpu.memory_space<hbm>> -> memref<1x16x128xf32, #tpu.memory_space<hbm>>
        %dma_wait3A_52 = tpu.memref_squeeze %dma_wait3A_51 : memref<1x16x128xf32, #tpu.memory_space<hbm>> -> memref<16x128xf32, #tpu.memory_space<hbm>>
        %dma_wait3A_53 = arith.constant 9984 : i32
        %dma_wait3A_54 = arith.constant 0 : i32
        %dma_wait3A_55 = tpu.memref_slice %arg12[%dma_wait3A_53, %dma_wait3A_54] : memref<10000x128xf32, #tpu.memory_space<vmem_shared>> -> memref<16x128xf32, #tpu.memory_space<vmem_shared>>
        tpu.wait_dma2 semaphore(%run_scoped3A : memref<!tpu.dma_semaphore, #tpu.memory_space<semaphore_mem>>) src(%dma_wait3A_55 : memref<16x128xf32, #tpu.memory_space<vmem_shared>>) dst(%dma_wait3A_52 : memref<16x128xf32, #tpu.memory_space<hbm>>)
        tpu.yield
      }) : () -> ()
    } else {
    }
    return
  }
}

#map = affine_map<(d0, d1) -> (0, 0)>
#map1 = affine_map<(d0, d1) -> (0, 0, 0)>
#map2 = affine_map<(d0, d1) -> (0, 0, 0, 0, 0)>
module attributes {stable_mosaic.version = 14 : i64} {
  func.func @body(%arg0: i32, %arg1: i32, %arg2: memref<10000x128xf32, #tpu.memory_space<hbm>>, %arg3: memref<3x320000x128xf32, #tpu.memory_space<hbm>>, %arg4: memref<2x16x5x125x16xi32, #tpu.memory_space<hbm>>, %arg5: memref<10000x128xf32, #tpu.memory_space<hbm>>, %arg6: memref<2x10000x128xf32, #tpu.memory_space<hbm>>, %arg7: memref<125x16xi32, #tpu.memory_space<vmem>>, %arg8: memref<16x128xf32, #tpu.memory_space<vmem>>, %arg9: memref<16x128xf32, #tpu.memory_space<vmem>>, %arg10: memref<16x128xf32, #tpu.memory_space<vmem>>, %arg11: memref<16x128xf32, #tpu.memory_space<vmem>>, %arg12: memref<10000x128xf32, #tpu.memory_space<vmem_shared>>, %arg13: memref<!tpu.dma_semaphore, #tpu.memory_space<semaphore_mem>>, %arg14: memref<!tpu.dma_semaphore, #tpu.memory_space<semaphore_mem>>, %arg15: memref<!tpu.dma_semaphore, #tpu.memory_space<semaphore_mem>>, %arg16: memref<!tpu.dma_semaphore, #tpu.memory_space<semaphore_mem>>) attributes {dimension_semantics = [#tpu.dimension_semantics<core_parallel>, #tpu.dimension_semantics<subcore_parallel>], iteration_bounds = array<i64: 2, 16>, scalar_prefetch = 0 : i64, scratch_operands = 10 : i64, tpu.core_type = #tpu.core_type<sc_vector_subcore>, window_params = [{transform_indices = #map}, {transform_indices = #map1}, {transform_indices = #map2}, {transform_indices = #map}, {transform_indices = #map1}]} {
    %mul3A = arith.constant 624 : i32
    %mul3A_0 = arith.muli %arg1, %mul3A : i32
    %mul3A_1 = arith.constant 624 : i32
    %mul3A_2 = arith.muli %arg1, %mul3A_1 : i32
    "tpu.region"() ({
      %run_scoped3A = tpu.sem_alloc : memref<!tpu.dma_semaphore, #tpu.memory_space<semaphore_mem>>
      %dma_start3A = arith.constant 0 : i32
      %dma_start3A_44 = tpu.memref_slice %arg12[%mul3A_2, %dma_start3A] : memref<10000x128xf32, #tpu.memory_space<vmem_shared>> -> memref<624x128xf32, #tpu.memory_space<vmem_shared>>
      %dma_start3A_45 = arith.constant 0 : i32
      %dma_start3A_46 = tpu.memref_slice %arg5[%mul3A_0, %dma_start3A_45] : memref<10000x128xf32, #tpu.memory_space<hbm>> -> memref<624x128xf32, #tpu.memory_space<hbm>>
      tpu.enqueue_dma source(%dma_start3A_46 : memref<624x128xf32, #tpu.memory_space<hbm>>) target(%dma_start3A_44 : memref<624x128xf32, #tpu.memory_space<vmem_shared>>) target_semaphore(%run_scoped3A : memref<!tpu.dma_semaphore, #tpu.memory_space<semaphore_mem>>)
      %dma_wait3A = arith.constant 0 : i32
      %dma_wait3A_47 = tpu.memref_slice %arg12[%mul3A_2, %dma_wait3A] : memref<10000x128xf32, #tpu.memory_space<vmem_shared>> -> memref<624x128xf32, #tpu.memory_space<vmem_shared>>
      %dma_wait3A_48 = arith.constant 0 : i32
      %dma_wait3A_49 = tpu.memref_slice %arg5[%mul3A_0, %dma_wait3A_48] : memref<10000x128xf32, #tpu.memory_space<hbm>> -> memref<624x128xf32, #tpu.memory_space<hbm>>
      tpu.wait_dma2 semaphore(%run_scoped3A : memref<!tpu.dma_semaphore, #tpu.memory_space<semaphore_mem>>) src(%dma_wait3A_49 : memref<624x128xf32, #tpu.memory_space<hbm>>) dst(%dma_wait3A_47 : memref<624x128xf32, #tpu.memory_space<vmem_shared>>)
      tpu.yield
    }) : () -> ()
    %eq3A = arith.constant 15 : i32
    %eq3A_3 = arith.cmpi eq, %arg1, %eq3A : i32
    %convert_element_type3A = arith.extui %eq3A_3 : i1 to i32
    %cond3A = arith.constant 0 : i32
    %cond3A_4 = arith.cmpi ne, %convert_element_type3A, %cond3A : i32
    scf.if %cond3A_4 {
      "tpu.region"() ({
        %run_scoped3A = tpu.sem_alloc : memref<!tpu.dma_semaphore, #tpu.memory_space<semaphore_mem>>
        %dma_start3A = arith.constant 9984 : i32
        %dma_start3A_44 = arith.constant 0 : i32
        %dma_start3A_45 = tpu.memref_slice %arg12[%dma_start3A, %dma_start3A_44] : memref<10000x128xf32, #tpu.memory_space<vmem_shared>> -> memref<16x128xf32, #tpu.memory_space<vmem_shared>>
        %dma_start3A_46 = arith.constant 9984 : i32
        %dma_start3A_47 = arith.constant 0 : i32
        %dma_start3A_48 = tpu.memref_slice %arg5[%dma_start3A_46, %dma_start3A_47] : memref<10000x128xf32, #tpu.memory_space<hbm>> -> memref<16x128xf32, #tpu.memory_space<hbm>>
        tpu.enqueue_dma source(%dma_start3A_48 : memref<16x128xf32, #tpu.memory_space<hbm>>) target(%dma_start3A_45 : memref<16x128xf32, #tpu.memory_space<vmem_shared>>) target_semaphore(%run_scoped3A : memref<!tpu.dma_semaphore, #tpu.memory_space<semaphore_mem>>)
        %dma_wait3A = arith.constant 9984 : i32
        %dma_wait3A_49 = arith.constant 0 : i32
        %dma_wait3A_50 = tpu.memref_slice %arg12[%dma_wait3A, %dma_wait3A_49] : memref<10000x128xf32, #tpu.memory_space<vmem_shared>> -> memref<16x128xf32, #tpu.memory_space<vmem_shared>>
        %dma_wait3A_51 = arith.constant 9984 : i32
        %dma_wait3A_52 = arith.constant 0 : i32
        %dma_wait3A_53 = tpu.memref_slice %arg5[%dma_wait3A_51, %dma_wait3A_52] : memref<10000x128xf32, #tpu.memory_space<hbm>> -> memref<16x128xf32, #tpu.memory_space<hbm>>
        tpu.wait_dma2 semaphore(%run_scoped3A : memref<!tpu.dma_semaphore, #tpu.memory_space<semaphore_mem>>) src(%dma_wait3A_53 : memref<16x128xf32, #tpu.memory_space<hbm>>) dst(%dma_wait3A_50 : memref<16x128xf32, #tpu.memory_space<vmem_shared>>)
        tpu.yield
      }) : () -> ()
    } else {
    }
    %barrier3A = arith.constant 0 : index
    tpu.barrier barrier_id(%barrier3A)
    %mul3A_5 = arith.constant 16 : i32
    %mul3A_6 = arith.muli %arg0, %mul3A_5 : i32
    %add3A = arith.addi %mul3A_6, %arg1 : i32
    %mul3A_7 = arith.constant 10000 : i32
    %mul3A_8 = arith.muli %add3A, %mul3A_7 : i32
    %scan3A = arith.constant 0 : i32
    %scan3A_9 = arith.constant 0 : i32
    %scan3A_10 = arith.constant 5 : i32
    %scan3A_11 = arith.addi %scan3A_9, %scan3A_10 : i32
    %scan3A_12 = arith.constant 1 : i32
    scf.for %scan3A_44 = %scan3A_9 to %scan3A_11 step %scan3A_12  : i32 {
      "tpu.region"() ({
        %run_scoped3A = tpu.sem_alloc : memref<!tpu.dma_semaphore, #tpu.memory_space<semaphore_mem>>
        %dma_start3A_132 = arith.constant 0 : i32
        %dma_start3A_133 = arith.constant 0 : i32
        %dma_start3A_134 = tpu.memref_slice %arg4[%arg0, %arg1, %scan3A_44, %dma_start3A_132, %dma_start3A_133] : memref<2x16x5x125x16xi32, #tpu.memory_space<hbm>> -> memref<1x1x1x125x16xi32, #tpu.memory_space<hbm>>
        %dma_start3A_135 = tpu.memref_squeeze %dma_start3A_134 : memref<1x1x1x125x16xi32, #tpu.memory_space<hbm>> -> memref<125x16xi32, #tpu.memory_space<hbm>>
        %dma_start3A_136 = arith.constant 0 : i32
        %dma_start3A_137 = arith.constant 0 : i32
        %dma_start3A_138 = tpu.memref_slice %arg4[%arg0, %arg1, %scan3A_44, %dma_start3A_136, %dma_start3A_137] : memref<2x16x5x125x16xi32, #tpu.memory_space<hbm>> -> memref<1x1x1x125x16xi32, #tpu.memory_space<hbm>>
        %dma_start3A_139 = tpu.memref_squeeze %dma_start3A_138 : memref<1x1x1x125x16xi32, #tpu.memory_space<hbm>> -> memref<125x16xi32, #tpu.memory_space<hbm>>
        tpu.enqueue_dma source(%dma_start3A_139 : memref<125x16xi32, #tpu.memory_space<hbm>>) target(%arg7 : memref<125x16xi32, #tpu.memory_space<vmem>>) target_semaphore(%run_scoped3A : memref<!tpu.dma_semaphore, #tpu.memory_space<semaphore_mem>>)
        %dma_wait3A_140 = arith.constant 0 : i32
        %dma_wait3A_141 = arith.constant 0 : i32
        %dma_wait3A_142 = tpu.memref_slice %arg4[%arg0, %arg1, %scan3A_44, %dma_wait3A_140, %dma_wait3A_141] : memref<2x16x5x125x16xi32, #tpu.memory_space<hbm>> -> memref<1x1x1x125x16xi32, #tpu.memory_space<hbm>>
        %dma_wait3A_143 = tpu.memref_squeeze %dma_wait3A_142 : memref<1x1x1x125x16xi32, #tpu.memory_space<hbm>> -> memref<125x16xi32, #tpu.memory_space<hbm>>
        %dma_wait3A_144 = arith.constant 0 : i32
        %dma_wait3A_145 = arith.constant 0 : i32
        %dma_wait3A_146 = tpu.memref_slice %arg4[%arg0, %arg1, %scan3A_44, %dma_wait3A_144, %dma_wait3A_145] : memref<2x16x5x125x16xi32, #tpu.memory_space<hbm>> -> memref<1x1x1x125x16xi32, #tpu.memory_space<hbm>>
        %dma_wait3A_147 = tpu.memref_squeeze %dma_wait3A_146 : memref<1x1x1x125x16xi32, #tpu.memory_space<hbm>> -> memref<125x16xi32, #tpu.memory_space<hbm>>
        tpu.wait_dma2 semaphore(%run_scoped3A : memref<!tpu.dma_semaphore, #tpu.memory_space<semaphore_mem>>) src(%dma_wait3A_147 : memref<125x16xi32, #tpu.memory_space<hbm>>) dst(%arg7 : memref<125x16xi32, #tpu.memory_space<vmem>>)
        tpu.yield
      }) : () -> ()
      %mul3A_45 = arith.constant 125 : i32
      %mul3A_46 = arith.muli %scan3A_44, %mul3A_45 : i32
      %get3A = arith.constant 0 : i32
      %get3A_47 = arith.index_cast %get3A : i32 to index
      %get3A_48 = arith.constant 0 : index
      %get3A_49 = tpu.vector_load %arg7[%get3A_47, %get3A_48] {strides = array<i32>} : memref<125x16xi32, #tpu.memory_space<vmem>>, vector<1x16xi32>,
      %get3A_50 = vector.shape_cast %get3A_49 : vector<1x16xi32> to vector<16xi32>
      %and3A = arith.constant 65535 : i32
      %and3A_51 = vector.broadcast %and3A : i32 to vector<16xi32>
      %and3A_52 = arith.andi %get3A_50, %and3A_51 : vector<16xi32>
      %dma_start3A = arith.constant 0 : i32
      %dma_start3A_53 = arith.constant 0 : i32
      %dma_start3A_54 = tpu.memref_slice %arg2[%dma_start3A, %dma_start3A_53] : memref<10000x128xf32, #tpu.memory_space<hbm>> -> memref<10000x128xf32, #tpu.memory_space<hbm>>
      tpu.enqueue_indirect_dma source(%dma_start3A_54 : memref<10000x128xf32, #tpu.memory_space<hbm>>) target(%arg8 : memref<16x128xf32, #tpu.memory_space<vmem>>) offsets(%and3A_52 : vector<16xi32>) semaphore(%arg13 : memref<!tpu.dma_semaphore, #tpu.memory_space<semaphore_mem>>)
      %add3A_55 = arith.constant 0 : i32
      %add3A_56 = arith.addi %mul3A_46, %add3A_55 : i32
      %mul3A_57 = arith.constant 16 : i32
      %mul3A_58 = arith.muli %add3A_56, %mul3A_57 : i32
      %add3A_59 = arith.addi %mul3A_8, %mul3A_58 : i32
      %dma_start3A_60 = arith.constant 2 : i32
      %dma_start3A_61 = arith.constant 0 : i32
      %dma_start3A_62 = tpu.memref_slice %arg3[%dma_start3A_60, %add3A_59, %dma_start3A_61] : memref<3x320000x128xf32, #tpu.memory_space<hbm>> -> memref<1x16x128xf32, #tpu.memory_space<hbm>>
      %dma_start3A_63 = tpu.memref_squeeze %dma_start3A_62 : memref<1x16x128xf32, #tpu.memory_space<hbm>> -> memref<16x128xf32, #tpu.memory_space<hbm>>
      %dma_start3A_64 = arith.constant 0 : i32
      %dma_start3A_65 = tpu.memref_slice %arg3[%dma_start3A_60, %add3A_59, %dma_start3A_64] : memref<3x320000x128xf32, #tpu.memory_space<hbm>> -> memref<1x16x128xf32, #tpu.memory_space<hbm>>
      %dma_start3A_66 = tpu.memref_squeeze %dma_start3A_65 : memref<1x16x128xf32, #tpu.memory_space<hbm>> -> memref<16x128xf32, #tpu.memory_space<hbm>>
      tpu.enqueue_dma source(%dma_start3A_66 : memref<16x128xf32, #tpu.memory_space<hbm>>) target(%arg10 : memref<16x128xf32, #tpu.memory_space<vmem>>) target_semaphore(%arg13 : memref<!tpu.dma_semaphore, #tpu.memory_space<semaphore_mem>>)
      %get3A_67 = arith.constant 1 : i32
      %get3A_68 = arith.index_cast %get3A_67 : i32 to index
      %get3A_69 = arith.constant 0 : index
      %get3A_70 = tpu.vector_load %arg7[%get3A_68, %get3A_69] {strides = array<i32>} : memref<125x16xi32, #tpu.memory_space<vmem>>, vector<1x16xi32>,
      %get3A_71 = vector.shape_cast %get3A_70 : vector<1x16xi32> to vector<16xi32>
      %and3A_72 = arith.constant 65535 : i32
      %and3A_73 = vector.broadcast %and3A_72 : i32 to vector<16xi32>
      %and3A_74 = arith.andi %get3A_71, %and3A_73 : vector<16xi32>
      %dma_start3A_75 = arith.constant 0 : i32
      %dma_start3A_76 = arith.constant 0 : i32
      %dma_start3A_77 = tpu.memref_slice %arg2[%dma_start3A_75, %dma_start3A_76] : memref<10000x128xf32, #tpu.memory_space<hbm>> -> memref<10000x128xf32, #tpu.memory_space<hbm>>
      tpu.enqueue_indirect_dma source(%dma_start3A_77 : memref<10000x128xf32, #tpu.memory_space<hbm>>) target(%arg9 : memref<16x128xf32, #tpu.memory_space<vmem>>) offsets(%and3A_74 : vector<16xi32>) semaphore(%arg14 : memref<!tpu.dma_semaphore, #tpu.memory_space<semaphore_mem>>)
      %add3A_78 = arith.constant 1 : i32
      %add3A_79 = arith.addi %mul3A_46, %add3A_78 : i32
      %mul3A_80 = arith.constant 16 : i32
      %mul3A_81 = arith.muli %add3A_79, %mul3A_80 : i32
      %add3A_82 = arith.addi %mul3A_8, %mul3A_81 : i32
      %dma_start3A_83 = arith.constant 2 : i32
      %dma_start3A_84 = arith.constant 0 : i32
      %dma_start3A_85 = tpu.memref_slice %arg3[%dma_start3A_83, %add3A_82, %dma_start3A_84] : memref<3x320000x128xf32, #tpu.memory_space<hbm>> -> memref<1x16x128xf32, #tpu.memory_space<hbm>>
      %dma_start3A_86 = tpu.memref_squeeze %dma_start3A_85 : memref<1x16x128xf32, #tpu.memory_space<hbm>> -> memref<16x128xf32, #tpu.memory_space<hbm>>
      %dma_start3A_87 = arith.constant 0 : i32
      %dma_start3A_88 = tpu.memref_slice %arg3[%dma_start3A_83, %add3A_82, %dma_start3A_87] : memref<3x320000x128xf32, #tpu.memory_space<hbm>> -> memref<1x16x128xf32, #tpu.memory_space<hbm>>
      %dma_start3A_89 = tpu.memref_squeeze %dma_start3A_88 : memref<1x16x128xf32, #tpu.memory_space<hbm>> -> memref<16x128xf32, #tpu.memory_space<hbm>>
      tpu.enqueue_dma source(%dma_start3A_89 : memref<16x128xf32, #tpu.memory_space<hbm>>) target(%arg11 : memref<16x128xf32, #tpu.memory_space<vmem>>) target_semaphore(%arg14 : memref<!tpu.dma_semaphore, #tpu.memory_space<semaphore_mem>>)
      %scan3A_90 = arith.constant 0 : i32
      %scan3A_91 = arith.constant 0 : i32
      %scan3A_92 = arith.constant 62 : i32
      %scan3A_93 = arith.addi %scan3A_91, %scan3A_92 : i32
      %scan3A_94 = arith.constant 1 : i32
      scf.for %scan3A_132 = %scan3A_91 to %scan3A_93 step %scan3A_94  : i32 {
        %mul3A_133 = arith.constant 2 : i32
        %mul3A_134 = arith.muli %mul3A_133, %scan3A_132 : i32
        %dma_wait3A_135 = arith.constant 0 : i32
        %dma_wait3A_136 = arith.constant 0 : i32
        %dma_wait3A_137 = tpu.memref_slice %arg2[%dma_wait3A_135, %dma_wait3A_136] : memref<10000x128xf32, #tpu.memory_space<hbm>> -> memref<16x128xf32, #tpu.memory_space<hbm>>
        %dma_wait3A_138 = arith.constant 0 : i32
        %dma_wait3A_139 = arith.constant 0 : i32
        %dma_wait3A_140 = tpu.memref_slice %arg2[%dma_wait3A_138, %dma_wait3A_139] : memref<10000x128xf32, #tpu.memory_space<hbm>> -> memref<16x128xf32, #tpu.memory_space<hbm>>
        tpu.wait_dma2 semaphore(%arg13 : memref<!tpu.dma_semaphore, #tpu.memory_space<semaphore_mem>>) src(%dma_wait3A_140 : memref<16x128xf32, #tpu.memory_space<hbm>>) dst(%arg8 : memref<16x128xf32, #tpu.memory_space<vmem>>)
        %dma_wait3A_141 = arith.constant 2 : i32
        %dma_wait3A_142 = arith.constant 0 : i32
        %dma_wait3A_143 = arith.constant 0 : i32
        %dma_wait3A_144 = tpu.memref_slice %arg3[%dma_wait3A_141, %dma_wait3A_142, %dma_wait3A_143] : memref<3x320000x128xf32, #tpu.memory_space<hbm>> -> memref<1x16x128xf32, #tpu.memory_space<hbm>>
        %dma_wait3A_145 = tpu.memref_squeeze %dma_wait3A_144 : memref<1x16x128xf32, #tpu.memory_space<hbm>> -> memref<16x128xf32, #tpu.memory_space<hbm>>
        %dma_wait3A_146 = arith.constant 0 : i32
        %dma_wait3A_147 = arith.constant 0 : i32
        %dma_wait3A_148 = tpu.memref_slice %arg3[%dma_wait3A_141, %dma_wait3A_146, %dma_wait3A_147] : memref<3x320000x128xf32, #tpu.memory_space<hbm>> -> memref<1x16x128xf32, #tpu.memory_space<hbm>>
        %dma_wait3A_149 = tpu.memref_squeeze %dma_wait3A_148 : memref<1x16x128xf32, #tpu.memory_space<hbm>> -> memref<16x128xf32, #tpu.memory_space<hbm>>
        tpu.wait_dma2 semaphore(%arg13 : memref<!tpu.dma_semaphore, #tpu.memory_space<semaphore_mem>>) src(%dma_wait3A_149 : memref<16x128xf32, #tpu.memory_space<hbm>>) dst(%arg10 : memref<16x128xf32, #tpu.memory_space<vmem>>)
        %scan3A_150 = arith.constant 0 : i32
        %scan3A_151 = arith.constant 0 : i32
        %scan3A_152 = arith.constant 16 : i32
        %scan3A_153 = arith.addi %scan3A_151, %scan3A_152 : i32
        %scan3A_154 = arith.constant 1 : i32
        scf.for %scan3A_224 = %scan3A_151 to %scan3A_153 step %scan3A_154  : i32 {
          %get3A_225 = arith.index_cast %scan3A_224 : i32 to index
          %get3A_226 = arith.constant 0 : index
          %get3A_227 = tpu.vector_load %arg8[%get3A_225, %get3A_226] {strides = array<i32>} : memref<16x128xf32, #tpu.memory_space<vmem>>, vector<1x16xf32>,
          %get3A_228 = vector.shape_cast %get3A_227 : vector<1x16xf32> to vector<16xf32>
          %get3A_229 = arith.index_cast %scan3A_224 : i32 to index
          %get3A_230 = arith.constant 0 : index
          %get3A_231 = tpu.vector_load %arg10[%get3A_229, %get3A_230] {strides = array<i32>} : memref<16x128xf32, #tpu.memory_space<vmem>>, vector<1x16xf32>,
          %get3A_232 = vector.shape_cast %get3A_231 : vector<1x16xf32> to vector<16xf32>
          %add3A_233 = arith.addf %get3A_228, %get3A_232 : vector<16xf32>
          %max3A = arith.constant 0.000000e+00 : f32
          %max3A_234 = vector.broadcast %max3A : f32 to vector<16xf32>
          %max3A_235 = arith.maximumf %add3A_233, %max3A_234 : vector<16xf32>
          %swap3A = arith.index_cast %scan3A_224 : i32 to index
          %swap3A_236 = arith.constant 0 : index
          %swap3A_237 = tpu.vector_load %arg8[%swap3A, %swap3A_236] {strides = array<i32>} : memref<16x128xf32, #tpu.memory_space<vmem>>, vector<1x16xf32>,
          %swap3A_238 = vector.shape_cast %swap3A_237 : vector<1x16xf32> to vector<16xf32>
          %swap3A_239 = vector.shape_cast %max3A_235 : vector<16xf32> to vector<1x16xf32>
          tpu.vector_store %arg8[%swap3A, %swap3A_236], %swap3A_239 {strides = array<i32>} : memref<16x128xf32, #tpu.memory_space<vmem>>, vector<1x16xf32>,
          %get3A_240 = arith.index_cast %scan3A_224 : i32 to index
          %get3A_241 = arith.constant 16 : index
          %get3A_242 = tpu.vector_load %arg8[%get3A_240, %get3A_241] {strides = array<i32>} : memref<16x128xf32, #tpu.memory_space<vmem>>, vector<1x16xf32>,
          %get3A_243 = vector.shape_cast %get3A_242 : vector<1x16xf32> to vector<16xf32>
          %get3A_244 = arith.index_cast %scan3A_224 : i32 to index
          %get3A_245 = arith.constant 16 : index
          %get3A_246 = tpu.vector_load %arg10[%get3A_244, %get3A_245] {strides = array<i32>} : memref<16x128xf32, #tpu.memory_space<vmem>>, vector<1x16xf32>,
          %get3A_247 = vector.shape_cast %get3A_246 : vector<1x16xf32> to vector<16xf32>
          %add3A_248 = arith.addf %get3A_243, %get3A_247 : vector<16xf32>
          %max3A_249 = arith.constant 0.000000e+00 : f32
          %max3A_250 = vector.broadcast %max3A_249 : f32 to vector<16xf32>
          %max3A_251 = arith.maximumf %add3A_248, %max3A_250 : vector<16xf32>
          %swap3A_252 = arith.index_cast %scan3A_224 : i32 to index
          %swap3A_253 = arith.constant 16 : index
          %swap3A_254 = tpu.vector_load %arg8[%swap3A_252, %swap3A_253] {strides = array<i32>} : memref<16x128xf32, #tpu.memory_space<vmem>>, vector<1x16xf32>,
          %swap3A_255 = vector.shape_cast %swap3A_254 : vector<1x16xf32> to vector<16xf32>
          %swap3A_256 = vector.shape_cast %max3A_251 : vector<16xf32> to vector<1x16xf32>
          tpu.vector_store %arg8[%swap3A_252, %swap3A_253], %swap3A_256 {strides = array<i32>} : memref<16x128xf32, #tpu.memory_space<vmem>>, vector<1x16xf32>,
          %get3A_257 = arith.index_cast %scan3A_224 : i32 to index
          %get3A_258 = arith.constant 32 : index
          %get3A_259 = tpu.vector_load %arg8[%get3A_257, %get3A_258] {strides = array<i32>} : memref<16x128xf32, #tpu.memory_space<vmem>>, vector<1x16xf32>,
          %get3A_260 = vector.shape_cast %get3A_259 : vector<1x16xf32> to vector<16xf32>
          %get3A_261 = arith.index_cast %scan3A_224 : i32 to index
          %get3A_262 = arith.constant 32 : index
          %get3A_263 = tpu.vector_load %arg10[%get3A_261, %get3A_262] {strides = array<i32>} : memref<16x128xf32, #tpu.memory_space<vmem>>, vector<1x16xf32>,
          %get3A_264 = vector.shape_cast %get3A_263 : vector<1x16xf32> to vector<16xf32>
          %add3A_265 = arith.addf %get3A_260, %get3A_264 : vector<16xf32>
          %max3A_266 = arith.constant 0.000000e+00 : f32
          %max3A_267 = vector.broadcast %max3A_266 : f32 to vector<16xf32>
          %max3A_268 = arith.maximumf %add3A_265, %max3A_267 : vector<16xf32>
          %swap3A_269 = arith.index_cast %scan3A_224 : i32 to index
          %swap3A_270 = arith.constant 32 : index
          %swap3A_271 = tpu.vector_load %arg8[%swap3A_269, %swap3A_270] {strides = array<i32>} : memref<16x128xf32, #tpu.memory_space<vmem>>, vector<1x16xf32>,
          %swap3A_272 = vector.shape_cast %swap3A_271 : vector<1x16xf32> to vector<16xf32>
          %swap3A_273 = vector.shape_cast %max3A_268 : vector<16xf32> to vector<1x16xf32>
          tpu.vector_store %arg8[%swap3A_269, %swap3A_270], %swap3A_273 {strides = array<i32>} : memref<16x128xf32, #tpu.memory_space<vmem>>, vector<1x16xf32>,
          %get3A_274 = arith.index_cast %scan3A_224 : i32 to index
          %get3A_275 = arith.constant 48 : index
          %get3A_276 = tpu.vector_load %arg8[%get3A_274, %get3A_275] {strides = array<i32>} : memref<16x128xf32, #tpu.memory_space<vmem>>, vector<1x16xf32>,
          %get3A_277 = vector.shape_cast %get3A_276 : vector<1x16xf32> to vector<16xf32>
          %get3A_278 = arith.index_cast %scan3A_224 : i32 to index
          %get3A_279 = arith.constant 48 : index
          %get3A_280 = tpu.vector_load %arg10[%get3A_278, %get3A_279] {strides = array<i32>} : memref<16x128xf32, #tpu.memory_space<vmem>>, vector<1x16xf32>,
          %get3A_281 = vector.shape_cast %get3A_280 : vector<1x16xf32> to vector<16xf32>
          %add3A_282 = arith.addf %get3A_277, %get3A_281 : vector<16xf32>
          %max3A_283 = arith.constant 0.000000e+00 : f32
          %max3A_284 = vector.broadcast %max3A_283 : f32 to vector<16xf32>
          %max3A_285 = arith.maximumf %add3A_282, %max3A_284 : vector<16xf32>
          %swap3A_286 = arith.index_cast %scan3A_224 : i32 to index
          %swap3A_287 = arith.constant 48 : index
          %swap3A_288 = tpu.vector_load %arg8[%swap3A_286, %swap3A_287] {strides = array<i32>} : memref<16x128xf32, #tpu.memory_space<vmem>>, vector<1x16xf32>,
          %swap3A_289 = vector.shape_cast %swap3A_288 : vector<1x16xf32> to vector<16xf32>
          %swap3A_290 = vector.shape_cast %max3A_285 : vector<16xf32> to vector<1x16xf32>
          tpu.vector_store %arg8[%swap3A_286, %swap3A_287], %swap3A_290 {strides = array<i32>} : memref<16x128xf32, #tpu.memory_space<vmem>>, vector<1x16xf32>,
          %get3A_291 = arith.index_cast %scan3A_224 : i32 to index
          %get3A_292 = arith.constant 64 : index
          %get3A_293 = tpu.vector_load %arg8[%get3A_291, %get3A_292] {strides = array<i32>} : memref<16x128xf32, #tpu.memory_space<vmem>>, vector<1x16xf32>,
          %get3A_294 = vector.shape_cast %get3A_293 : vector<1x16xf32> to vector<16xf32>
          %get3A_295 = arith.index_cast %scan3A_224 : i32 to index
          %get3A_296 = arith.constant 64 : index
          %get3A_297 = tpu.vector_load %arg10[%get3A_295, %get3A_296] {strides = array<i32>} : memref<16x128xf32, #tpu.memory_space<vmem>>, vector<1x16xf32>,
          %get3A_298 = vector.shape_cast %get3A_297 : vector<1x16xf32> to vector<16xf32>
          %add3A_299 = arith.addf %get3A_294, %get3A_298 : vector<16xf32>
          %max3A_300 = arith.constant 0.000000e+00 : f32
          %max3A_301 = vector.broadcast %max3A_300 : f32 to vector<16xf32>
          %max3A_302 = arith.maximumf %add3A_299, %max3A_301 : vector<16xf32>
          %swap3A_303 = arith.index_cast %scan3A_224 : i32 to index
          %swap3A_304 = arith.constant 64 : index
          %swap3A_305 = tpu.vector_load %arg8[%swap3A_303, %swap3A_304] {strides = array<i32>} : memref<16x128xf32, #tpu.memory_space<vmem>>, vector<1x16xf32>,
          %swap3A_306 = vector.shape_cast %swap3A_305 : vector<1x16xf32> to vector<16xf32>
          %swap3A_307 = vector.shape_cast %max3A_302 : vector<16xf32> to vector<1x16xf32>
          tpu.vector_store %arg8[%swap3A_303, %swap3A_304], %swap3A_307 {strides = array<i32>} : memref<16x128xf32, #tpu.memory_space<vmem>>, vector<1x16xf32>,
          %get3A_308 = arith.index_cast %scan3A_224 : i32 to index
          %get3A_309 = arith.constant 80 : index
          %get3A_310 = tpu.vector_load %arg8[%get3A_308, %get3A_309] {strides = array<i32>} : memref<16x128xf32, #tpu.memory_space<vmem>>, vector<1x16xf32>,
          %get3A_311 = vector.shape_cast %get3A_310 : vector<1x16xf32> to vector<16xf32>
          %get3A_312 = arith.index_cast %scan3A_224 : i32 to index
          %get3A_313 = arith.constant 80 : index
          %get3A_314 = tpu.vector_load %arg10[%get3A_312, %get3A_313] {strides = array<i32>} : memref<16x128xf32, #tpu.memory_space<vmem>>, vector<1x16xf32>,
          %get3A_315 = vector.shape_cast %get3A_314 : vector<1x16xf32> to vector<16xf32>
          %add3A_316 = arith.addf %get3A_311, %get3A_315 : vector<16xf32>
          %max3A_317 = arith.constant 0.000000e+00 : f32
          %max3A_318 = vector.broadcast %max3A_317 : f32 to vector<16xf32>
          %max3A_319 = arith.maximumf %add3A_316, %max3A_318 : vector<16xf32>
          %swap3A_320 = arith.index_cast %scan3A_224 : i32 to index
          %swap3A_321 = arith.constant 80 : index
          %swap3A_322 = tpu.vector_load %arg8[%swap3A_320, %swap3A_321] {strides = array<i32>} : memref<16x128xf32, #tpu.memory_space<vmem>>, vector<1x16xf32>,
          %swap3A_323 = vector.shape_cast %swap3A_322 : vector<1x16xf32> to vector<16xf32>
          %swap3A_324 = vector.shape_cast %max3A_319 : vector<16xf32> to vector<1x16xf32>
          tpu.vector_store %arg8[%swap3A_320, %swap3A_321], %swap3A_324 {strides = array<i32>} : memref<16x128xf32, #tpu.memory_space<vmem>>, vector<1x16xf32>,
          %get3A_325 = arith.index_cast %scan3A_224 : i32 to index
          %get3A_326 = arith.constant 96 : index
          %get3A_327 = tpu.vector_load %arg8[%get3A_325, %get3A_326] {strides = array<i32>} : memref<16x128xf32, #tpu.memory_space<vmem>>, vector<1x16xf32>,
          %get3A_328 = vector.shape_cast %get3A_327 : vector<1x16xf32> to vector<16xf32>
          %get3A_329 = arith.index_cast %scan3A_224 : i32 to index
          %get3A_330 = arith.constant 96 : index
          %get3A_331 = tpu.vector_load %arg10[%get3A_329, %get3A_330] {strides = array<i32>} : memref<16x128xf32, #tpu.memory_space<vmem>>, vector<1x16xf32>,
          %get3A_332 = vector.shape_cast %get3A_331 : vector<1x16xf32> to vector<16xf32>
          %add3A_333 = arith.addf %get3A_328, %get3A_332 : vector<16xf32>
          %max3A_334 = arith.constant 0.000000e+00 : f32
          %max3A_335 = vector.broadcast %max3A_334 : f32 to vector<16xf32>
          %max3A_336 = arith.maximumf %add3A_333, %max3A_335 : vector<16xf32>
          %swap3A_337 = arith.index_cast %scan3A_224 : i32 to index
          %swap3A_338 = arith.constant 96 : index
          %swap3A_339 = tpu.vector_load %arg8[%swap3A_337, %swap3A_338] {strides = array<i32>} : memref<16x128xf32, #tpu.memory_space<vmem>>, vector<1x16xf32>,
          %swap3A_340 = vector.shape_cast %swap3A_339 : vector<1x16xf32> to vector<16xf32>
          %swap3A_341 = vector.shape_cast %max3A_336 : vector<16xf32> to vector<1x16xf32>
          tpu.vector_store %arg8[%swap3A_337, %swap3A_338], %swap3A_341 {strides = array<i32>} : memref<16x128xf32, #tpu.memory_space<vmem>>, vector<1x16xf32>,
          %get3A_342 = arith.index_cast %scan3A_224 : i32 to index
          %get3A_343 = arith.constant 112 : index
          %get3A_344 = tpu.vector_load %arg8[%get3A_342, %get3A_343] {strides = array<i32>} : memref<16x128xf32, #tpu.memory_space<vmem>>, vector<1x16xf32>,
          %get3A_345 = vector.shape_cast %get3A_344 : vector<1x16xf32> to vector<16xf32>
          %get3A_346 = arith.index_cast %scan3A_224 : i32 to index
          %get3A_347 = arith.constant 112 : index
          %get3A_348 = tpu.vector_load %arg10[%get3A_346, %get3A_347] {strides = array<i32>} : memref<16x128xf32, #tpu.memory_space<vmem>>, vector<1x16xf32>,
          %get3A_349 = vector.shape_cast %get3A_348 : vector<1x16xf32> to vector<16xf32>
          %add3A_350 = arith.addf %get3A_345, %get3A_349 : vector<16xf32>
          %max3A_351 = arith.constant 0.000000e+00 : f32
          %max3A_352 = vector.broadcast %max3A_351 : f32 to vector<16xf32>
          %max3A_353 = arith.maximumf %add3A_350, %max3A_352 : vector<16xf32>
          %swap3A_354 = arith.index_cast %scan3A_224 : i32 to index
          %swap3A_355 = arith.constant 112 : index
          %swap3A_356 = tpu.vector_load %arg8[%swap3A_354, %swap3A_355] {strides = array<i32>} : memref<16x128xf32, #tpu.memory_space<vmem>>, vector<1x16xf32>,
          %swap3A_357 = vector.shape_cast %swap3A_356 : vector<1x16xf32> to vector<16xf32>
          %swap3A_358 = vector.shape_cast %max3A_353 : vector<16xf32> to vector<1x16xf32>
          tpu.vector_store %arg8[%swap3A_354, %swap3A_355], %swap3A_358 {strides = array<i32>} : memref<16x128xf32, #tpu.memory_space<vmem>>, vector<1x16xf32>,
        }
        %scan3A_155 = arith.constant 16 : i32
        %get3A_156 = arith.index_cast %mul3A_134 : i32 to index
        %get3A_157 = arith.constant 0 : index
        %get3A_158 = tpu.vector_load %arg7[%get3A_156, %get3A_157] {strides = array<i32>} : memref<125x16xi32, #tpu.memory_space<vmem>>, vector<1x16xi32>,
        %get3A_159 = vector.shape_cast %get3A_158 : vector<1x16xi32> to vector<16xi32>
        %shift_right_logical3A_160 = arith.constant 16 : i32
        %shift_right_logical3A_161 = vector.broadcast %shift_right_logical3A_160 : i32 to vector<16xi32>
        %shift_right_logical3A_162 = arith.shrui %get3A_159, %shift_right_logical3A_161 : vector<16xi32>
        %dma_start3A_163 = arith.constant 0 : i32
        %dma_start3A_164 = arith.constant 0 : i32
        %dma_start3A_165 = tpu.memref_slice %arg12[%dma_start3A_163, %dma_start3A_164] : memref<10000x128xf32, #tpu.memory_space<vmem_shared>> -> memref<10000x128xf32, #tpu.memory_space<vmem_shared>>
        tpu.enqueue_indirect_dma source(%arg8 : memref<16x128xf32, #tpu.memory_space<vmem>>) target(%dma_start3A_165 : memref<10000x128xf32, #tpu.memory_space<vmem_shared>>) offsets(%shift_right_logical3A_162 : vector<16xi32>) semaphore(%arg15 : memref<!tpu.dma_semaphore, #tpu.memory_space<semaphore_mem>>) {add = true}
        %dma_wait3A_166 = arith.constant 0 : i32
        %dma_wait3A_167 = arith.constant 0 : i32
        %dma_wait3A_168 = tpu.memref_slice %arg2[%dma_wait3A_166, %dma_wait3A_167] : memref<10000x128xf32, #tpu.memory_space<hbm>> -> memref<16x128xf32, #tpu.memory_space<hbm>>
        %dma_wait3A_169 = arith.constant 0 : i32
        %dma_wait3A_170 = arith.constant 0 : i32
        %dma_wait3A_171 = tpu.memref_slice %arg2[%dma_wait3A_169, %dma_wait3A_170] : memref<10000x128xf32, #tpu.memory_space<hbm>> -> memref<16x128xf32, #tpu.memory_space<hbm>>
        tpu.wait_dma2 semaphore(%arg14 : memref<!tpu.dma_semaphore, #tpu.memory_space<semaphore_mem>>) src(%dma_wait3A_171 : memref<16x128xf32, #tpu.memory_space<hbm>>) dst(%arg9 : memref<16x128xf32, #tpu.memory_space<vmem>>)
        %dma_wait3A_172 = arith.constant 2 : i32
        %dma_wait3A_173 = arith.constant 0 : i32
        %dma_wait3A_174 = arith.constant 0 : i32
        %dma_wait3A_175 = tpu.memref_slice %arg3[%dma_wait3A_172, %dma_wait3A_173, %dma_wait3A_174] : memref<3x320000x128xf32, #tpu.memory_space<hbm>> -> memref<1x16x128xf32, #tpu.memory_space<hbm>>
        %dma_wait3A_176 = tpu.memref_squeeze %dma_wait3A_175 : memref<1x16x128xf32, #tpu.memory_space<hbm>> -> memref<16x128xf32, #tpu.memory_space<hbm>>
        %dma_wait3A_177 = arith.constant 0 : i32
        %dma_wait3A_178 = arith.constant 0 : i32
        %dma_wait3A_179 = tpu.memref_slice %arg3[%dma_wait3A_172, %dma_wait3A_177, %dma_wait3A_178] : memref<3x320000x128xf32, #tpu.memory_space<hbm>> -> memref<1x16x128xf32, #tpu.memory_space<hbm>>
        %dma_wait3A_180 = tpu.memref_squeeze %dma_wait3A_179 : memref<1x16x128xf32, #tpu.memory_space<hbm>> -> memref<16x128xf32, #tpu.memory_space<hbm>>
        tpu.wait_dma2 semaphore(%arg14 : memref<!tpu.dma_semaphore, #tpu.memory_space<semaphore_mem>>) src(%dma_wait3A_180 : memref<16x128xf32, #tpu.memory_space<hbm>>) dst(%arg11 : memref<16x128xf32, #tpu.memory_space<vmem>>)
        %scan3A_181 = arith.constant 0 : i32
        %scan3A_182 = arith.constant 0 : i32
        %scan3A_183 = arith.constant 16 : i32
        %scan3A_184 = arith.addi %scan3A_182, %scan3A_183 : i32
        %scan3A_185 = arith.constant 1 : i32
        scf.for %scan3A_224 = %scan3A_182 to %scan3A_184 step %scan3A_185  : i32 {
          %get3A_225 = arith.index_cast %scan3A_224 : i32 to index
          %get3A_226 = arith.constant 0 : index
          %get3A_227 = tpu.vector_load %arg9[%get3A_225, %get3A_226] {strides = array<i32>} : memref<16x128xf32, #tpu.memory_space<vmem>>, vector<1x16xf32>,
          %get3A_228 = vector.shape_cast %get3A_227 : vector<1x16xf32> to vector<16xf32>
          %get3A_229 = arith.index_cast %scan3A_224 : i32 to index
          %get3A_230 = arith.constant 0 : index
          %get3A_231 = tpu.vector_load %arg11[%get3A_229, %get3A_230] {strides = array<i32>} : memref<16x128xf32, #tpu.memory_space<vmem>>, vector<1x16xf32>,
          %get3A_232 = vector.shape_cast %get3A_231 : vector<1x16xf32> to vector<16xf32>
          %add3A_233 = arith.addf %get3A_228, %get3A_232 : vector<16xf32>
          %max3A = arith.constant 0.000000e+00 : f32
          %max3A_234 = vector.broadcast %max3A : f32 to vector<16xf32>
          %max3A_235 = arith.maximumf %add3A_233, %max3A_234 : vector<16xf32>
          %swap3A = arith.index_cast %scan3A_224 : i32 to index
          %swap3A_236 = arith.constant 0 : index
          %swap3A_237 = tpu.vector_load %arg9[%swap3A, %swap3A_236] {strides = array<i32>} : memref<16x128xf32, #tpu.memory_space<vmem>>, vector<1x16xf32>,
          %swap3A_238 = vector.shape_cast %swap3A_237 : vector<1x16xf32> to vector<16xf32>
          %swap3A_239 = vector.shape_cast %max3A_235 : vector<16xf32> to vector<1x16xf32>
          tpu.vector_store %arg9[%swap3A, %swap3A_236], %swap3A_239 {strides = array<i32>} : memref<16x128xf32, #tpu.memory_space<vmem>>, vector<1x16xf32>,
          %get3A_240 = arith.index_cast %scan3A_224 : i32 to index
          %get3A_241 = arith.constant 16 : index
          %get3A_242 = tpu.vector_load %arg9[%get3A_240, %get3A_241] {strides = array<i32>} : memref<16x128xf32, #tpu.memory_space<vmem>>, vector<1x16xf32>,
          %get3A_243 = vector.shape_cast %get3A_242 : vector<1x16xf32> to vector<16xf32>
          %get3A_244 = arith.index_cast %scan3A_224 : i32 to index
          %get3A_245 = arith.constant 16 : index
          %get3A_246 = tpu.vector_load %arg11[%get3A_244, %get3A_245] {strides = array<i32>} : memref<16x128xf32, #tpu.memory_space<vmem>>, vector<1x16xf32>,
          %get3A_247 = vector.shape_cast %get3A_246 : vector<1x16xf32> to vector<16xf32>
          %add3A_248 = arith.addf %get3A_243, %get3A_247 : vector<16xf32>
          %max3A_249 = arith.constant 0.000000e+00 : f32
          %max3A_250 = vector.broadcast %max3A_249 : f32 to vector<16xf32>
          %max3A_251 = arith.maximumf %add3A_248, %max3A_250 : vector<16xf32>
          %swap3A_252 = arith.index_cast %scan3A_224 : i32 to index
          %swap3A_253 = arith.constant 16 : index
          %swap3A_254 = tpu.vector_load %arg9[%swap3A_252, %swap3A_253] {strides = array<i32>} : memref<16x128xf32, #tpu.memory_space<vmem>>, vector<1x16xf32>,
          %swap3A_255 = vector.shape_cast %swap3A_254 : vector<1x16xf32> to vector<16xf32>
          %swap3A_256 = vector.shape_cast %max3A_251 : vector<16xf32> to vector<1x16xf32>
          tpu.vector_store %arg9[%swap3A_252, %swap3A_253], %swap3A_256 {strides = array<i32>} : memref<16x128xf32, #tpu.memory_space<vmem>>, vector<1x16xf32>,
          %get3A_257 = arith.index_cast %scan3A_224 : i32 to index
          %get3A_258 = arith.constant 32 : index
          %get3A_259 = tpu.vector_load %arg9[%get3A_257, %get3A_258] {strides = array<i32>} : memref<16x128xf32, #tpu.memory_space<vmem>>, vector<1x16xf32>,
          %get3A_260 = vector.shape_cast %get3A_259 : vector<1x16xf32> to vector<16xf32>
          %get3A_261 = arith.index_cast %scan3A_224 : i32 to index
          %get3A_262 = arith.constant 32 : index
          %get3A_263 = tpu.vector_load %arg11[%get3A_261, %get3A_262] {strides = array<i32>} : memref<16x128xf32, #tpu.memory_space<vmem>>, vector<1x16xf32>,
          %get3A_264 = vector.shape_cast %get3A_263 : vector<1x16xf32> to vector<16xf32>
          %add3A_265 = arith.addf %get3A_260, %get3A_264 : vector<16xf32>
          %max3A_266 = arith.constant 0.000000e+00 : f32
          %max3A_267 = vector.broadcast %max3A_266 : f32 to vector<16xf32>
          %max3A_268 = arith.maximumf %add3A_265, %max3A_267 : vector<16xf32>
          %swap3A_269 = arith.index_cast %scan3A_224 : i32 to index
          %swap3A_270 = arith.constant 32 : index
          %swap3A_271 = tpu.vector_load %arg9[%swap3A_269, %swap3A_270] {strides = array<i32>} : memref<16x128xf32, #tpu.memory_space<vmem>>, vector<1x16xf32>,
          %swap3A_272 = vector.shape_cast %swap3A_271 : vector<1x16xf32> to vector<16xf32>
          %swap3A_273 = vector.shape_cast %max3A_268 : vector<16xf32> to vector<1x16xf32>
          tpu.vector_store %arg9[%swap3A_269, %swap3A_270], %swap3A_273 {strides = array<i32>} : memref<16x128xf32, #tpu.memory_space<vmem>>, vector<1x16xf32>,
          %get3A_274 = arith.index_cast %scan3A_224 : i32 to index
          %get3A_275 = arith.constant 48 : index
          %get3A_276 = tpu.vector_load %arg9[%get3A_274, %get3A_275] {strides = array<i32>} : memref<16x128xf32, #tpu.memory_space<vmem>>, vector<1x16xf32>,
          %get3A_277 = vector.shape_cast %get3A_276 : vector<1x16xf32> to vector<16xf32>
          %get3A_278 = arith.index_cast %scan3A_224 : i32 to index
          %get3A_279 = arith.constant 48 : index
          %get3A_280 = tpu.vector_load %arg11[%get3A_278, %get3A_279] {strides = array<i32>} : memref<16x128xf32, #tpu.memory_space<vmem>>, vector<1x16xf32>,
          %get3A_281 = vector.shape_cast %get3A_280 : vector<1x16xf32> to vector<16xf32>
          %add3A_282 = arith.addf %get3A_277, %get3A_281 : vector<16xf32>
          %max3A_283 = arith.constant 0.000000e+00 : f32
          %max3A_284 = vector.broadcast %max3A_283 : f32 to vector<16xf32>
          %max3A_285 = arith.maximumf %add3A_282, %max3A_284 : vector<16xf32>
          %swap3A_286 = arith.index_cast %scan3A_224 : i32 to index
          %swap3A_287 = arith.constant 48 : index
          %swap3A_288 = tpu.vector_load %arg9[%swap3A_286, %swap3A_287] {strides = array<i32>} : memref<16x128xf32, #tpu.memory_space<vmem>>, vector<1x16xf32>,
          %swap3A_289 = vector.shape_cast %swap3A_288 : vector<1x16xf32> to vector<16xf32>
          %swap3A_290 = vector.shape_cast %max3A_285 : vector<16xf32> to vector<1x16xf32>
          tpu.vector_store %arg9[%swap3A_286, %swap3A_287], %swap3A_290 {strides = array<i32>} : memref<16x128xf32, #tpu.memory_space<vmem>>, vector<1x16xf32>,
          %get3A_291 = arith.index_cast %scan3A_224 : i32 to index
          %get3A_292 = arith.constant 64 : index
          %get3A_293 = tpu.vector_load %arg9[%get3A_291, %get3A_292] {strides = array<i32>} : memref<16x128xf32, #tpu.memory_space<vmem>>, vector<1x16xf32>,
          %get3A_294 = vector.shape_cast %get3A_293 : vector<1x16xf32> to vector<16xf32>
          %get3A_295 = arith.index_cast %scan3A_224 : i32 to index
          %get3A_296 = arith.constant 64 : index
          %get3A_297 = tpu.vector_load %arg11[%get3A_295, %get3A_296] {strides = array<i32>} : memref<16x128xf32, #tpu.memory_space<vmem>>, vector<1x16xf32>,
          %get3A_298 = vector.shape_cast %get3A_297 : vector<1x16xf32> to vector<16xf32>
          %add3A_299 = arith.addf %get3A_294, %get3A_298 : vector<16xf32>
          %max3A_300 = arith.constant 0.000000e+00 : f32
          %max3A_301 = vector.broadcast %max3A_300 : f32 to vector<16xf32>
          %max3A_302 = arith.maximumf %add3A_299, %max3A_301 : vector<16xf32>
          %swap3A_303 = arith.index_cast %scan3A_224 : i32 to index
          %swap3A_304 = arith.constant 64 : index
          %swap3A_305 = tpu.vector_load %arg9[%swap3A_303, %swap3A_304] {strides = array<i32>} : memref<16x128xf32, #tpu.memory_space<vmem>>, vector<1x16xf32>,
          %swap3A_306 = vector.shape_cast %swap3A_305 : vector<1x16xf32> to vector<16xf32>
          %swap3A_307 = vector.shape_cast %max3A_302 : vector<16xf32> to vector<1x16xf32>
          tpu.vector_store %arg9[%swap3A_303, %swap3A_304], %swap3A_307 {strides = array<i32>} : memref<16x128xf32, #tpu.memory_space<vmem>>, vector<1x16xf32>,
          %get3A_308 = arith.index_cast %scan3A_224 : i32 to index
          %get3A_309 = arith.constant 80 : index
          %get3A_310 = tpu.vector_load %arg9[%get3A_308, %get3A_309] {strides = array<i32>} : memref<16x128xf32, #tpu.memory_space<vmem>>, vector<1x16xf32>,
          %get3A_311 = vector.shape_cast %get3A_310 : vector<1x16xf32> to vector<16xf32>
          %get3A_312 = arith.index_cast %scan3A_224 : i32 to index
          %get3A_313 = arith.constant 80 : index
          %get3A_314 = tpu.vector_load %arg11[%get3A_312, %get3A_313] {strides = array<i32>} : memref<16x128xf32, #tpu.memory_space<vmem>>, vector<1x16xf32>,
          %get3A_315 = vector.shape_cast %get3A_314 : vector<1x16xf32> to vector<16xf32>
          %add3A_316 = arith.addf %get3A_311, %get3A_315 : vector<16xf32>
          %max3A_317 = arith.constant 0.000000e+00 : f32
          %max3A_318 = vector.broadcast %max3A_317 : f32 to vector<16xf32>
          %max3A_319 = arith.maximumf %add3A_316, %max3A_318 : vector<16xf32>
          %swap3A_320 = arith.index_cast %scan3A_224 : i32 to index
          %swap3A_321 = arith.constant 80 : index
          %swap3A_322 = tpu.vector_load %arg9[%swap3A_320, %swap3A_321] {strides = array<i32>} : memref<16x128xf32, #tpu.memory_space<vmem>>, vector<1x16xf32>,
          %swap3A_323 = vector.shape_cast %swap3A_322 : vector<1x16xf32> to vector<16xf32>
          %swap3A_324 = vector.shape_cast %max3A_319 : vector<16xf32> to vector<1x16xf32>
          tpu.vector_store %arg9[%swap3A_320, %swap3A_321], %swap3A_324 {strides = array<i32>} : memref<16x128xf32, #tpu.memory_space<vmem>>, vector<1x16xf32>,
          %get3A_325 = arith.index_cast %scan3A_224 : i32 to index
          %get3A_326 = arith.constant 96 : index
          %get3A_327 = tpu.vector_load %arg9[%get3A_325, %get3A_326] {strides = array<i32>} : memref<16x128xf32, #tpu.memory_space<vmem>>, vector<1x16xf32>,
          %get3A_328 = vector.shape_cast %get3A_327 : vector<1x16xf32> to vector<16xf32>
          %get3A_329 = arith.index_cast %scan3A_224 : i32 to index
          %get3A_330 = arith.constant 96 : index
          %get3A_331 = tpu.vector_load %arg11[%get3A_329, %get3A_330] {strides = array<i32>} : memref<16x128xf32, #tpu.memory_space<vmem>>, vector<1x16xf32>,
          %get3A_332 = vector.shape_cast %get3A_331 : vector<1x16xf32> to vector<16xf32>
          %add3A_333 = arith.addf %get3A_328, %get3A_332 : vector<16xf32>
          %max3A_334 = arith.constant 0.000000e+00 : f32
          %max3A_335 = vector.broadcast %max3A_334 : f32 to vector<16xf32>
          %max3A_336 = arith.maximumf %add3A_333, %max3A_335 : vector<16xf32>
          %swap3A_337 = arith.index_cast %scan3A_224 : i32 to index
          %swap3A_338 = arith.constant 96 : index
          %swap3A_339 = tpu.vector_load %arg9[%swap3A_337, %swap3A_338] {strides = array<i32>} : memref<16x128xf32, #tpu.memory_space<vmem>>, vector<1x16xf32>,
          %swap3A_340 = vector.shape_cast %swap3A_339 : vector<1x16xf32> to vector<16xf32>
          %swap3A_341 = vector.shape_cast %max3A_336 : vector<16xf32> to vector<1x16xf32>
          tpu.vector_store %arg9[%swap3A_337, %swap3A_338], %swap3A_341 {strides = array<i32>} : memref<16x128xf32, #tpu.memory_space<vmem>>, vector<1x16xf32>,
          %get3A_342 = arith.index_cast %scan3A_224 : i32 to index
          %get3A_343 = arith.constant 112 : index
          %get3A_344 = tpu.vector_load %arg9[%get3A_342, %get3A_343] {strides = array<i32>} : memref<16x128xf32, #tpu.memory_space<vmem>>, vector<1x16xf32>,
          %get3A_345 = vector.shape_cast %get3A_344 : vector<1x16xf32> to vector<16xf32>
          %get3A_346 = arith.index_cast %scan3A_224 : i32 to index
          %get3A_347 = arith.constant 112 : index
          %get3A_348 = tpu.vector_load %arg11[%get3A_346, %get3A_347] {strides = array<i32>} : memref<16x128xf32, #tpu.memory_space<vmem>>, vector<1x16xf32>,
          %get3A_349 = vector.shape_cast %get3A_348 : vector<1x16xf32> to vector<16xf32>
          %add3A_350 = arith.addf %get3A_345, %get3A_349 : vector<16xf32>
          %max3A_351 = arith.constant 0.000000e+00 : f32
          %max3A_352 = vector.broadcast %max3A_351 : f32 to vector<16xf32>
          %max3A_353 = arith.maximumf %add3A_350, %max3A_352 : vector<16xf32>
          %swap3A_354 = arith.index_cast %scan3A_224 : i32 to index
          %swap3A_355 = arith.constant 112 : index
          %swap3A_356 = tpu.vector_load %arg9[%swap3A_354, %swap3A_355] {strides = array<i32>} : memref<16x128xf32, #tpu.memory_space<vmem>>, vector<1x16xf32>,
          %swap3A_357 = vector.shape_cast %swap3A_356 : vector<1x16xf32> to vector<16xf32>
          %swap3A_358 = vector.shape_cast %max3A_353 : vector<16xf32> to vector<1x16xf32>
          tpu.vector_store %arg9[%swap3A_354, %swap3A_355], %swap3A_358 {strides = array<i32>} : memref<16x128xf32, #tpu.memory_space<vmem>>, vector<1x16xf32>,
        }
        %scan3A_186 = arith.constant 16 : i32
        %add3A_187 = arith.constant 1 : i32
        %add3A_188 = arith.addi %mul3A_134, %add3A_187 : i32
        %get3A_189 = arith.index_cast %add3A_188 : i32 to index
        %get3A_190 = arith.constant 0 : index
        %get3A_191 = tpu.vector_load %arg7[%get3A_189, %get3A_190] {strides = array<i32>} : memref<125x16xi32, #tpu.memory_space<vmem>>, vector<1x16xi32>,
        %get3A_192 = vector.shape_cast %get3A_191 : vector<1x16xi32> to vector<16xi32>
        %shift_right_logical3A_193 = arith.constant 16 : i32
        %shift_right_logical3A_194 = vector.broadcast %shift_right_logical3A_193 : i32 to vector<16xi32>
        %shift_right_logical3A_195 = arith.shrui %get3A_192, %shift_right_logical3A_194 : vector<16xi32>
        %dma_start3A_196 = arith.constant 0 : i32
        %dma_start3A_197 = arith.constant 0 : i32
        %dma_start3A_198 = tpu.memref_slice %arg12[%dma_start3A_196, %dma_start3A_197] : memref<10000x128xf32, #tpu.memory_space<vmem_shared>> -> memref<10000x128xf32, #tpu.memory_space<vmem_shared>>
        tpu.enqueue_indirect_dma source(%arg9 : memref<16x128xf32, #tpu.memory_space<vmem>>) target(%dma_start3A_198 : memref<10000x128xf32, #tpu.memory_space<vmem_shared>>) offsets(%shift_right_logical3A_195 : vector<16xi32>) semaphore(%arg16 : memref<!tpu.dma_semaphore, #tpu.memory_space<semaphore_mem>>) {add = true}
        %dma_wait3A_199 = arith.constant 0 : i32
        %dma_wait3A_200 = arith.constant 0 : i32
        %dma_wait3A_201 = tpu.memref_slice %arg12[%dma_wait3A_199, %dma_wait3A_200] : memref<10000x128xf32, #tpu.memory_space<vmem_shared>> -> memref<16x128xf32, #tpu.memory_space<vmem_shared>>
        %dma_wait3A_202 = arith.constant 0 : i32
        %dma_wait3A_203 = arith.constant 0 : i32
        %dma_wait3A_204 = tpu.memref_slice %arg12[%dma_wait3A_202, %dma_wait3A_203] : memref<10000x128xf32, #tpu.memory_space<vmem_shared>> -> memref<16x128xf32, #tpu.memory_space<vmem_shared>>
        tpu.wait_dma2 semaphore(%arg15 : memref<!tpu.dma_semaphore, #tpu.memory_space<semaphore_mem>>) src(%arg8 : memref<16x128xf32, #tpu.memory_space<vmem>>) dst(%dma_wait3A_204 : memref<16x128xf32, #tpu.memory_space<vmem_shared>>)
        %add3A_205 = arith.constant 2 : i32
        %add3A_206 = arith.addi %mul3A_134, %add3A_205 : i32
        %lt3A = arith.constant 125 : i32
        %lt3A_207 = arith.cmpi slt, %add3A_206, %lt3A : i32
        %convert_element_type3A_208 = arith.extui %lt3A_207 : i1 to i32
        %cond3A_209 = arith.constant 0 : i32
        %cond3A_210 = arith.cmpi ne, %convert_element_type3A_208, %cond3A_209 : i32
        scf.if %cond3A_210 {
          %add3A_224 = arith.constant 2 : i32
          %add3A_225 = arith.addi %mul3A_134, %add3A_224 : i32
          %get3A_226 = arith.index_cast %add3A_225 : i32 to index
          %get3A_227 = arith.constant 0 : index
          %get3A_228 = tpu.vector_load %arg7[%get3A_226, %get3A_227] {strides = array<i32>} : memref<125x16xi32, #tpu.memory_space<vmem>>, vector<1x16xi32>,
          %get3A_229 = vector.shape_cast %get3A_228 : vector<1x16xi32> to vector<16xi32>
          %and3A_230 = arith.constant 65535 : i32
          %and3A_231 = vector.broadcast %and3A_230 : i32 to vector<16xi32>
          %and3A_232 = arith.andi %get3A_229, %and3A_231 : vector<16xi32>
          %dma_start3A_233 = arith.constant 0 : i32
          %dma_start3A_234 = arith.constant 0 : i32
          %dma_start3A_235 = tpu.memref_slice %arg2[%dma_start3A_233, %dma_start3A_234] : memref<10000x128xf32, #tpu.memory_space<hbm>> -> memref<10000x128xf32, #tpu.memory_space<hbm>>
          tpu.enqueue_indirect_dma source(%dma_start3A_235 : memref<10000x128xf32, #tpu.memory_space<hbm>>) target(%arg8 : memref<16x128xf32, #tpu.memory_space<vmem>>) offsets(%and3A_232 : vector<16xi32>) semaphore(%arg13 : memref<!tpu.dma_semaphore, #tpu.memory_space<semaphore_mem>>)
          %add3A_236 = arith.addi %mul3A_46, %add3A_225 : i32
          %mul3A_237 = arith.constant 16 : i32
          %mul3A_238 = arith.muli %add3A_236, %mul3A_237 : i32
          %add3A_239 = arith.addi %mul3A_8, %mul3A_238 : i32
          %dma_start3A_240 = arith.constant 2 : i32
          %dma_start3A_241 = arith.constant 0 : i32
          %dma_start3A_242 = tpu.memref_slice %arg3[%dma_start3A_240, %add3A_239, %dma_start3A_241] : memref<3x320000x128xf32, #tpu.memory_space<hbm>> -> memref<1x16x128xf32, #tpu.memory_space<hbm>>
          %dma_start3A_243 = tpu.memref_squeeze %dma_start3A_242 : memref<1x16x128xf32, #tpu.memory_space<hbm>> -> memref<16x128xf32, #tpu.memory_space<hbm>>
          %dma_start3A_244 = arith.constant 0 : i32
          %dma_start3A_245 = tpu.memref_slice %arg3[%dma_start3A_240, %add3A_239, %dma_start3A_244] : memref<3x320000x128xf32, #tpu.memory_space<hbm>> -> memref<1x16x128xf32, #tpu.memory_space<hbm>>
          %dma_start3A_246 = tpu.memref_squeeze %dma_start3A_245 : memref<1x16x128xf32, #tpu.memory_space<hbm>> -> memref<16x128xf32, #tpu.memory_space<hbm>>
          tpu.enqueue_dma source(%dma_start3A_246 : memref<16x128xf32, #tpu.memory_space<hbm>>) target(%arg10 : memref<16x128xf32, #tpu.memory_space<vmem>>) target_semaphore(%arg13 : memref<!tpu.dma_semaphore, #tpu.memory_space<semaphore_mem>>)
        } else {
        }
        %dma_wait3A_211 = arith.constant 0 : i32
        %dma_wait3A_212 = arith.constant 0 : i32
        %dma_wait3A_213 = tpu.memref_slice %arg12[%dma_wait3A_211, %dma_wait3A_212] : memref<10000x128xf32, #tpu.memory_space<vmem_shared>> -> memref<16x128xf32, #tpu.memory_space<vmem_shared>>
        %dma_wait3A_214 = arith.constant 0 : i32
        %dma_wait3A_215 = arith.constant 0 : i32
        %dma_wait3A_216 = tpu.memref_slice %arg12[%dma_wait3A_214, %dma_wait3A_215] : memref<10000x128xf32, #tpu.memory_space<vmem_shared>> -> memref<16x128xf32, #tpu.memory_space<vmem_shared>>
        tpu.wait_dma2 semaphore(%arg16 : memref<!tpu.dma_semaphore, #tpu.memory_space<semaphore_mem>>) src(%arg9 : memref<16x128xf32, #tpu.memory_space<vmem>>) dst(%dma_wait3A_216 : memref<16x128xf32, #tpu.memory_space<vmem_shared>>)
        %add3A_217 = arith.constant 3 : i32
        %add3A_218 = arith.addi %mul3A_134, %add3A_217 : i32
        %lt3A_219 = arith.constant 125 : i32
        %lt3A_220 = arith.cmpi slt, %add3A_218, %lt3A_219 : i32
        %convert_element_type3A_221 = arith.extui %lt3A_220 : i1 to i32
        %cond3A_222 = arith.constant 0 : i32
        %cond3A_223 = arith.cmpi ne, %convert_element_type3A_221, %cond3A_222 : i32
        scf.if %cond3A_223 {
          %add3A_224 = arith.constant 3 : i32
          %add3A_225 = arith.addi %mul3A_134, %add3A_224 : i32
          %get3A_226 = arith.index_cast %add3A_225 : i32 to index
          %get3A_227 = arith.constant 0 : index
          %get3A_228 = tpu.vector_load %arg7[%get3A_226, %get3A_227] {strides = array<i32>} : memref<125x16xi32, #tpu.memory_space<vmem>>, vector<1x16xi32>,
          %get3A_229 = vector.shape_cast %get3A_228 : vector<1x16xi32> to vector<16xi32>
          %and3A_230 = arith.constant 65535 : i32
          %and3A_231 = vector.broadcast %and3A_230 : i32 to vector<16xi32>
          %and3A_232 = arith.andi %get3A_229, %and3A_231 : vector<16xi32>
          %dma_start3A_233 = arith.constant 0 : i32
          %dma_start3A_234 = arith.constant 0 : i32
          %dma_start3A_235 = tpu.memref_slice %arg2[%dma_start3A_233, %dma_start3A_234] : memref<10000x128xf32, #tpu.memory_space<hbm>> -> memref<10000x128xf32, #tpu.memory_space<hbm>>
          tpu.enqueue_indirect_dma source(%dma_start3A_235 : memref<10000x128xf32, #tpu.memory_space<hbm>>) target(%arg9 : memref<16x128xf32, #tpu.memory_space<vmem>>) offsets(%and3A_232 : vector<16xi32>) semaphore(%arg14 : memref<!tpu.dma_semaphore, #tpu.memory_space<semaphore_mem>>)
          %add3A_236 = arith.addi %mul3A_46, %add3A_225 : i32
          %mul3A_237 = arith.constant 16 : i32
          %mul3A_238 = arith.muli %add3A_236, %mul3A_237 : i32
          %add3A_239 = arith.addi %mul3A_8, %mul3A_238 : i32
          %dma_start3A_240 = arith.constant 2 : i32
          %dma_start3A_241 = arith.constant 0 : i32
          %dma_start3A_242 = tpu.memref_slice %arg3[%dma_start3A_240, %add3A_239, %dma_start3A_241] : memref<3x320000x128xf32, #tpu.memory_space<hbm>> -> memref<1x16x128xf32, #tpu.memory_space<hbm>>
          %dma_start3A_243 = tpu.memref_squeeze %dma_start3A_242 : memref<1x16x128xf32, #tpu.memory_space<hbm>> -> memref<16x128xf32, #tpu.memory_space<hbm>>
          %dma_start3A_244 = arith.constant 0 : i32
          %dma_start3A_245 = tpu.memref_slice %arg3[%dma_start3A_240, %add3A_239, %dma_start3A_244] : memref<3x320000x128xf32, #tpu.memory_space<hbm>> -> memref<1x16x128xf32, #tpu.memory_space<hbm>>
          %dma_start3A_246 = tpu.memref_squeeze %dma_start3A_245 : memref<1x16x128xf32, #tpu.memory_space<hbm>> -> memref<16x128xf32, #tpu.memory_space<hbm>>
          tpu.enqueue_dma source(%dma_start3A_246 : memref<16x128xf32, #tpu.memory_space<hbm>>) target(%arg11 : memref<16x128xf32, #tpu.memory_space<vmem>>) target_semaphore(%arg14 : memref<!tpu.dma_semaphore, #tpu.memory_space<semaphore_mem>>)
        } else {
        }
      }
      %scan3A_95 = arith.constant 62 : i32
      %dma_wait3A = arith.constant 0 : i32
      %dma_wait3A_96 = arith.constant 0 : i32
      %dma_wait3A_97 = tpu.memref_slice %arg2[%dma_wait3A, %dma_wait3A_96] : memref<10000x128xf32, #tpu.memory_space<hbm>> -> memref<16x128xf32, #tpu.memory_space<hbm>>
      %dma_wait3A_98 = arith.constant 0 : i32
      %dma_wait3A_99 = arith.constant 0 : i32
      %dma_wait3A_100 = tpu.memref_slice %arg2[%dma_wait3A_98, %dma_wait3A_99] : memref<10000x128xf32, #tpu.memory_space<hbm>> -> memref<16x128xf32, #tpu.memory_space<hbm>>
      tpu.wait_dma2 semaphore(%arg13 : memref<!tpu.dma_semaphore, #tpu.memory_space<semaphore_mem>>) src(%dma_wait3A_100 : memref<16x128xf32, #tpu.memory_space<hbm>>) dst(%arg8 : memref<16x128xf32, #tpu.memory_space<vmem>>)
      %dma_wait3A_101 = arith.constant 2 : i32
      %dma_wait3A_102 = arith.constant 0 : i32
      %dma_wait3A_103 = arith.constant 0 : i32
      %dma_wait3A_104 = tpu.memref_slice %arg3[%dma_wait3A_101, %dma_wait3A_102, %dma_wait3A_103] : memref<3x320000x128xf32, #tpu.memory_space<hbm>> -> memref<1x16x128xf32, #tpu.memory_space<hbm>>
      %dma_wait3A_105 = tpu.memref_squeeze %dma_wait3A_104 : memref<1x16x128xf32, #tpu.memory_space<hbm>> -> memref<16x128xf32, #tpu.memory_space<hbm>>
      %dma_wait3A_106 = arith.constant 0 : i32
      %dma_wait3A_107 = arith.constant 0 : i32
      %dma_wait3A_108 = tpu.memref_slice %arg3[%dma_wait3A_101, %dma_wait3A_106, %dma_wait3A_107] : memref<3x320000x128xf32, #tpu.memory_space<hbm>> -> memref<1x16x128xf32, #tpu.memory_space<hbm>>
      %dma_wait3A_109 = tpu.memref_squeeze %dma_wait3A_108 : memref<1x16x128xf32, #tpu.memory_space<hbm>> -> memref<16x128xf32, #tpu.memory_space<hbm>>
      tpu.wait_dma2 semaphore(%arg13 : memref<!tpu.dma_semaphore, #tpu.memory_space<semaphore_mem>>) src(%dma_wait3A_109 : memref<16x128xf32, #tpu.memory_space<hbm>>) dst(%arg10 : memref<16x128xf32, #tpu.memory_space<vmem>>)
      %scan3A_110 = arith.constant 0 : i32
      %scan3A_111 = arith.constant 0 : i32
      %scan3A_112 = arith.constant 16 : i32
      %scan3A_113 = arith.addi %scan3A_111, %scan3A_112 : i32
      %scan3A_114 = arith.constant 1 : i32
      scf.for %scan3A_132 = %scan3A_111 to %scan3A_113 step %scan3A_114  : i32 {
        %get3A_133 = arith.index_cast %scan3A_132 : i32 to index
        %get3A_134 = arith.constant 0 : index
        %get3A_135 = tpu.vector_load %arg8[%get3A_133, %get3A_134] {strides = array<i32>} : memref<16x128xf32, #tpu.memory_space<vmem>>, vector<1x16xf32>,
        %get3A_136 = vector.shape_cast %get3A_135 : vector<1x16xf32> to vector<16xf32>
        %get3A_137 = arith.index_cast %scan3A_132 : i32 to index
        %get3A_138 = arith.constant 0 : index
        %get3A_139 = tpu.vector_load %arg10[%get3A_137, %get3A_138] {strides = array<i32>} : memref<16x128xf32, #tpu.memory_space<vmem>>, vector<1x16xf32>,
        %get3A_140 = vector.shape_cast %get3A_139 : vector<1x16xf32> to vector<16xf32>
        %add3A_141 = arith.addf %get3A_136, %get3A_140 : vector<16xf32>
        %max3A = arith.constant 0.000000e+00 : f32
        %max3A_142 = vector.broadcast %max3A : f32 to vector<16xf32>
        %max3A_143 = arith.maximumf %add3A_141, %max3A_142 : vector<16xf32>
        %swap3A = arith.index_cast %scan3A_132 : i32 to index
        %swap3A_144 = arith.constant 0 : index
        %swap3A_145 = tpu.vector_load %arg8[%swap3A, %swap3A_144] {strides = array<i32>} : memref<16x128xf32, #tpu.memory_space<vmem>>, vector<1x16xf32>,
        %swap3A_146 = vector.shape_cast %swap3A_145 : vector<1x16xf32> to vector<16xf32>
        %swap3A_147 = vector.shape_cast %max3A_143 : vector<16xf32> to vector<1x16xf32>
        tpu.vector_store %arg8[%swap3A, %swap3A_144], %swap3A_147 {strides = array<i32>} : memref<16x128xf32, #tpu.memory_space<vmem>>, vector<1x16xf32>,
        %get3A_148 = arith.index_cast %scan3A_132 : i32 to index
        %get3A_149 = arith.constant 16 : index
        %get3A_150 = tpu.vector_load %arg8[%get3A_148, %get3A_149] {strides = array<i32>} : memref<16x128xf32, #tpu.memory_space<vmem>>, vector<1x16xf32>,
        %get3A_151 = vector.shape_cast %get3A_150 : vector<1x16xf32> to vector<16xf32>
        %get3A_152 = arith.index_cast %scan3A_132 : i32 to index
        %get3A_153 = arith.constant 16 : index
        %get3A_154 = tpu.vector_load %arg10[%get3A_152, %get3A_153] {strides = array<i32>} : memref<16x128xf32, #tpu.memory_space<vmem>>, vector<1x16xf32>,
        %get3A_155 = vector.shape_cast %get3A_154 : vector<1x16xf32> to vector<16xf32>
        %add3A_156 = arith.addf %get3A_151, %get3A_155 : vector<16xf32>
        %max3A_157 = arith.constant 0.000000e+00 : f32
        %max3A_158 = vector.broadcast %max3A_157 : f32 to vector<16xf32>
        %max3A_159 = arith.maximumf %add3A_156, %max3A_158 : vector<16xf32>
        %swap3A_160 = arith.index_cast %scan3A_132 : i32 to index
        %swap3A_161 = arith.constant 16 : index
        %swap3A_162 = tpu.vector_load %arg8[%swap3A_160, %swap3A_161] {strides = array<i32>} : memref<16x128xf32, #tpu.memory_space<vmem>>, vector<1x16xf32>,
        %swap3A_163 = vector.shape_cast %swap3A_162 : vector<1x16xf32> to vector<16xf32>
        %swap3A_164 = vector.shape_cast %max3A_159 : vector<16xf32> to vector<1x16xf32>
        tpu.vector_store %arg8[%swap3A_160, %swap3A_161], %swap3A_164 {strides = array<i32>} : memref<16x128xf32, #tpu.memory_space<vmem>>, vector<1x16xf32>,
        %get3A_165 = arith.index_cast %scan3A_132 : i32 to index
        %get3A_166 = arith.constant 32 : index
        %get3A_167 = tpu.vector_load %arg8[%get3A_165, %get3A_166] {strides = array<i32>} : memref<16x128xf32, #tpu.memory_space<vmem>>, vector<1x16xf32>,
        %get3A_168 = vector.shape_cast %get3A_167 : vector<1x16xf32> to vector<16xf32>
        %get3A_169 = arith.index_cast %scan3A_132 : i32 to index
        %get3A_170 = arith.constant 32 : index
        %get3A_171 = tpu.vector_load %arg10[%get3A_169, %get3A_170] {strides = array<i32>} : memref<16x128xf32, #tpu.memory_space<vmem>>, vector<1x16xf32>,
        %get3A_172 = vector.shape_cast %get3A_171 : vector<1x16xf32> to vector<16xf32>
        %add3A_173 = arith.addf %get3A_168, %get3A_172 : vector<16xf32>
        %max3A_174 = arith.constant 0.000000e+00 : f32
        %max3A_175 = vector.broadcast %max3A_174 : f32 to vector<16xf32>
        %max3A_176 = arith.maximumf %add3A_173, %max3A_175 : vector<16xf32>
        %swap3A_177 = arith.index_cast %scan3A_132 : i32 to index
        %swap3A_178 = arith.constant 32 : index
        %swap3A_179 = tpu.vector_load %arg8[%swap3A_177, %swap3A_178] {strides = array<i32>} : memref<16x128xf32, #tpu.memory_space<vmem>>, vector<1x16xf32>,
        %swap3A_180 = vector.shape_cast %swap3A_179 : vector<1x16xf32> to vector<16xf32>
        %swap3A_181 = vector.shape_cast %max3A_176 : vector<16xf32> to vector<1x16xf32>
        tpu.vector_store %arg8[%swap3A_177, %swap3A_178], %swap3A_181 {strides = array<i32>} : memref<16x128xf32, #tpu.memory_space<vmem>>, vector<1x16xf32>,
        %get3A_182 = arith.index_cast %scan3A_132 : i32 to index
        %get3A_183 = arith.constant 48 : index
        %get3A_184 = tpu.vector_load %arg8[%get3A_182, %get3A_183] {strides = array<i32>} : memref<16x128xf32, #tpu.memory_space<vmem>>, vector<1x16xf32>,
        %get3A_185 = vector.shape_cast %get3A_184 : vector<1x16xf32> to vector<16xf32>
        %get3A_186 = arith.index_cast %scan3A_132 : i32 to index
        %get3A_187 = arith.constant 48 : index
        %get3A_188 = tpu.vector_load %arg10[%get3A_186, %get3A_187] {strides = array<i32>} : memref<16x128xf32, #tpu.memory_space<vmem>>, vector<1x16xf32>,
        %get3A_189 = vector.shape_cast %get3A_188 : vector<1x16xf32> to vector<16xf32>
        %add3A_190 = arith.addf %get3A_185, %get3A_189 : vector<16xf32>
        %max3A_191 = arith.constant 0.000000e+00 : f32
        %max3A_192 = vector.broadcast %max3A_191 : f32 to vector<16xf32>
        %max3A_193 = arith.maximumf %add3A_190, %max3A_192 : vector<16xf32>
        %swap3A_194 = arith.index_cast %scan3A_132 : i32 to index
        %swap3A_195 = arith.constant 48 : index
        %swap3A_196 = tpu.vector_load %arg8[%swap3A_194, %swap3A_195] {strides = array<i32>} : memref<16x128xf32, #tpu.memory_space<vmem>>, vector<1x16xf32>,
        %swap3A_197 = vector.shape_cast %swap3A_196 : vector<1x16xf32> to vector<16xf32>
        %swap3A_198 = vector.shape_cast %max3A_193 : vector<16xf32> to vector<1x16xf32>
        tpu.vector_store %arg8[%swap3A_194, %swap3A_195], %swap3A_198 {strides = array<i32>} : memref<16x128xf32, #tpu.memory_space<vmem>>, vector<1x16xf32>,
        %get3A_199 = arith.index_cast %scan3A_132 : i32 to index
        %get3A_200 = arith.constant 64 : index
        %get3A_201 = tpu.vector_load %arg8[%get3A_199, %get3A_200] {strides = array<i32>} : memref<16x128xf32, #tpu.memory_space<vmem>>, vector<1x16xf32>,
        %get3A_202 = vector.shape_cast %get3A_201 : vector<1x16xf32> to vector<16xf32>
        %get3A_203 = arith.index_cast %scan3A_132 : i32 to index
        %get3A_204 = arith.constant 64 : index
        %get3A_205 = tpu.vector_load %arg10[%get3A_203, %get3A_204] {strides = array<i32>} : memref<16x128xf32, #tpu.memory_space<vmem>>, vector<1x16xf32>,
        %get3A_206 = vector.shape_cast %get3A_205 : vector<1x16xf32> to vector<16xf32>
        %add3A_207 = arith.addf %get3A_202, %get3A_206 : vector<16xf32>
        %max3A_208 = arith.constant 0.000000e+00 : f32
        %max3A_209 = vector.broadcast %max3A_208 : f32 to vector<16xf32>
        %max3A_210 = arith.maximumf %add3A_207, %max3A_209 : vector<16xf32>
        %swap3A_211 = arith.index_cast %scan3A_132 : i32 to index
        %swap3A_212 = arith.constant 64 : index
        %swap3A_213 = tpu.vector_load %arg8[%swap3A_211, %swap3A_212] {strides = array<i32>} : memref<16x128xf32, #tpu.memory_space<vmem>>, vector<1x16xf32>,
        %swap3A_214 = vector.shape_cast %swap3A_213 : vector<1x16xf32> to vector<16xf32>
        %swap3A_215 = vector.shape_cast %max3A_210 : vector<16xf32> to vector<1x16xf32>
        tpu.vector_store %arg8[%swap3A_211, %swap3A_212], %swap3A_215 {strides = array<i32>} : memref<16x128xf32, #tpu.memory_space<vmem>>, vector<1x16xf32>,
        %get3A_216 = arith.index_cast %scan3A_132 : i32 to index
        %get3A_217 = arith.constant 80 : index
        %get3A_218 = tpu.vector_load %arg8[%get3A_216, %get3A_217] {strides = array<i32>} : memref<16x128xf32, #tpu.memory_space<vmem>>, vector<1x16xf32>,
        %get3A_219 = vector.shape_cast %get3A_218 : vector<1x16xf32> to vector<16xf32>
        %get3A_220 = arith.index_cast %scan3A_132 : i32 to index
        %get3A_221 = arith.constant 80 : index
        %get3A_222 = tpu.vector_load %arg10[%get3A_220, %get3A_221] {strides = array<i32>} : memref<16x128xf32, #tpu.memory_space<vmem>>, vector<1x16xf32>,
        %get3A_223 = vector.shape_cast %get3A_222 : vector<1x16xf32> to vector<16xf32>
        %add3A_224 = arith.addf %get3A_219, %get3A_223 : vector<16xf32>
        %max3A_225 = arith.constant 0.000000e+00 : f32
        %max3A_226 = vector.broadcast %max3A_225 : f32 to vector<16xf32>
        %max3A_227 = arith.maximumf %add3A_224, %max3A_226 : vector<16xf32>
        %swap3A_228 = arith.index_cast %scan3A_132 : i32 to index
        %swap3A_229 = arith.constant 80 : index
        %swap3A_230 = tpu.vector_load %arg8[%swap3A_228, %swap3A_229] {strides = array<i32>} : memref<16x128xf32, #tpu.memory_space<vmem>>, vector<1x16xf32>,
        %swap3A_231 = vector.shape_cast %swap3A_230 : vector<1x16xf32> to vector<16xf32>
        %swap3A_232 = vector.shape_cast %max3A_227 : vector<16xf32> to vector<1x16xf32>
        tpu.vector_store %arg8[%swap3A_228, %swap3A_229], %swap3A_232 {strides = array<i32>} : memref<16x128xf32, #tpu.memory_space<vmem>>, vector<1x16xf32>,
        %get3A_233 = arith.index_cast %scan3A_132 : i32 to index
        %get3A_234 = arith.constant 96 : index
        %get3A_235 = tpu.vector_load %arg8[%get3A_233, %get3A_234] {strides = array<i32>} : memref<16x128xf32, #tpu.memory_space<vmem>>, vector<1x16xf32>,
        %get3A_236 = vector.shape_cast %get3A_235 : vector<1x16xf32> to vector<16xf32>
        %get3A_237 = arith.index_cast %scan3A_132 : i32 to index
        %get3A_238 = arith.constant 96 : index
        %get3A_239 = tpu.vector_load %arg10[%get3A_237, %get3A_238] {strides = array<i32>} : memref<16x128xf32, #tpu.memory_space<vmem>>, vector<1x16xf32>,
        %get3A_240 = vector.shape_cast %get3A_239 : vector<1x16xf32> to vector<16xf32>
        %add3A_241 = arith.addf %get3A_236, %get3A_240 : vector<16xf32>
        %max3A_242 = arith.constant 0.000000e+00 : f32
        %max3A_243 = vector.broadcast %max3A_242 : f32 to vector<16xf32>
        %max3A_244 = arith.maximumf %add3A_241, %max3A_243 : vector<16xf32>
        %swap3A_245 = arith.index_cast %scan3A_132 : i32 to index
        %swap3A_246 = arith.constant 96 : index
        %swap3A_247 = tpu.vector_load %arg8[%swap3A_245, %swap3A_246] {strides = array<i32>} : memref<16x128xf32, #tpu.memory_space<vmem>>, vector<1x16xf32>,
        %swap3A_248 = vector.shape_cast %swap3A_247 : vector<1x16xf32> to vector<16xf32>
        %swap3A_249 = vector.shape_cast %max3A_244 : vector<16xf32> to vector<1x16xf32>
        tpu.vector_store %arg8[%swap3A_245, %swap3A_246], %swap3A_249 {strides = array<i32>} : memref<16x128xf32, #tpu.memory_space<vmem>>, vector<1x16xf32>,
        %get3A_250 = arith.index_cast %scan3A_132 : i32 to index
        %get3A_251 = arith.constant 112 : index
        %get3A_252 = tpu.vector_load %arg8[%get3A_250, %get3A_251] {strides = array<i32>} : memref<16x128xf32, #tpu.memory_space<vmem>>, vector<1x16xf32>,
        %get3A_253 = vector.shape_cast %get3A_252 : vector<1x16xf32> to vector<16xf32>
        %get3A_254 = arith.index_cast %scan3A_132 : i32 to index
        %get3A_255 = arith.constant 112 : index
        %get3A_256 = tpu.vector_load %arg10[%get3A_254, %get3A_255] {strides = array<i32>} : memref<16x128xf32, #tpu.memory_space<vmem>>, vector<1x16xf32>,
        %get3A_257 = vector.shape_cast %get3A_256 : vector<1x16xf32> to vector<16xf32>
        %add3A_258 = arith.addf %get3A_253, %get3A_257 : vector<16xf32>
        %max3A_259 = arith.constant 0.000000e+00 : f32
        %max3A_260 = vector.broadcast %max3A_259 : f32 to vector<16xf32>
        %max3A_261 = arith.maximumf %add3A_258, %max3A_260 : vector<16xf32>
        %swap3A_262 = arith.index_cast %scan3A_132 : i32 to index
        %swap3A_263 = arith.constant 112 : index
        %swap3A_264 = tpu.vector_load %arg8[%swap3A_262, %swap3A_263] {strides = array<i32>} : memref<16x128xf32, #tpu.memory_space<vmem>>, vector<1x16xf32>,
        %swap3A_265 = vector.shape_cast %swap3A_264 : vector<1x16xf32> to vector<16xf32>
        %swap3A_266 = vector.shape_cast %max3A_261 : vector<16xf32> to vector<1x16xf32>
        tpu.vector_store %arg8[%swap3A_262, %swap3A_263], %swap3A_266 {strides = array<i32>} : memref<16x128xf32, #tpu.memory_space<vmem>>, vector<1x16xf32>,
      }
      %scan3A_115 = arith.constant 16 : i32
      %get3A_116 = arith.constant 124 : i32
      %get3A_117 = arith.index_cast %get3A_116 : i32 to index
      %get3A_118 = arith.constant 0 : index
      %get3A_119 = tpu.vector_load %arg7[%get3A_117, %get3A_118] {strides = array<i32>} : memref<125x16xi32, #tpu.memory_space<vmem>>, vector<1x16xi32>,
      %get3A_120 = vector.shape_cast %get3A_119 : vector<1x16xi32> to vector<16xi32>
      %shift_right_logical3A = arith.constant 16 : i32
      %shift_right_logical3A_121 = vector.broadcast %shift_right_logical3A : i32 to vector<16xi32>
      %shift_right_logical3A_122 = arith.shrui %get3A_120, %shift_right_logical3A_121 : vector<16xi32>
      %dma_start3A_123 = arith.constant 0 : i32
      %dma_start3A_124 = arith.constant 0 : i32
      %dma_start3A_125 = tpu.memref_slice %arg12[%dma_start3A_123, %dma_start3A_124] : memref<10000x128xf32, #tpu.memory_space<vmem_shared>> -> memref<10000x128xf32, #tpu.memory_space<vmem_shared>>
      tpu.enqueue_indirect_dma source(%arg8 : memref<16x128xf32, #tpu.memory_space<vmem>>) target(%dma_start3A_125 : memref<10000x128xf32, #tpu.memory_space<vmem_shared>>) offsets(%shift_right_logical3A_122 : vector<16xi32>) semaphore(%arg15 : memref<!tpu.dma_semaphore, #tpu.memory_space<semaphore_mem>>) {add = true}
      %dma_wait3A_126 = arith.constant 0 : i32
      %dma_wait3A_127 = arith.constant 0 : i32
      %dma_wait3A_128 = tpu.memref_slice %arg12[%dma_wait3A_126, %dma_wait3A_127] : memref<10000x128xf32, #tpu.memory_space<vmem_shared>> -> memref<16x128xf32, #tpu.memory_space<vmem_shared>>
      %dma_wait3A_129 = arith.constant 0 : i32
      %dma_wait3A_130 = arith.constant 0 : i32
      %dma_wait3A_131 = tpu.memref_slice %arg12[%dma_wait3A_129, %dma_wait3A_130] : memref<10000x128xf32, #tpu.memory_space<vmem_shared>> -> memref<16x128xf32, #tpu.memory_space<vmem_shared>>
      tpu.wait_dma2 semaphore(%arg15 : memref<!tpu.dma_semaphore, #tpu.memory_space<semaphore_mem>>) src(%arg8 : memref<16x128xf32, #tpu.memory_space<vmem>>) dst(%dma_wait3A_131 : memref<16x128xf32, #tpu.memory_space<vmem_shared>>)
    }
    %scan3A_13 = arith.constant 5 : i32
    %barrier3A_14 = arith.constant 0 : index
    tpu.barrier barrier_id(%barrier3A_14)
    %mul3A_15 = arith.constant 624 : i32
    %mul3A_16 = arith.muli %arg1, %mul3A_15 : i32
    %add3A_17 = arith.constant 0 : i32
    %add3A_18 = arith.addi %mul3A_16, %add3A_17 : i32
    %mul3A_19 = arith.constant 624 : i32
    %mul3A_20 = arith.muli %arg1, %mul3A_19 : i32
    %add3A_21 = arith.constant 0 : i32
    %add3A_22 = arith.addi %mul3A_20, %add3A_21 : i32
    "tpu.region"() ({
      %run_scoped3A = tpu.sem_alloc : memref<!tpu.dma_semaphore, #tpu.memory_space<semaphore_mem>>
      %dma_start3A = arith.constant 0 : i32
      %dma_start3A_44 = tpu.memref_slice %arg6[%arg0, %add3A_22, %dma_start3A] : memref<2x10000x128xf32, #tpu.memory_space<hbm>> -> memref<1x208x128xf32, #tpu.memory_space<hbm>>
      %dma_start3A_45 = tpu.memref_squeeze %dma_start3A_44 : memref<1x208x128xf32, #tpu.memory_space<hbm>> -> memref<208x128xf32, #tpu.memory_space<hbm>>
      %dma_start3A_46 = arith.constant 0 : i32
      %dma_start3A_47 = tpu.memref_slice %arg12[%add3A_18, %dma_start3A_46] : memref<10000x128xf32, #tpu.memory_space<vmem_shared>> -> memref<208x128xf32, #tpu.memory_space<vmem_shared>>
      tpu.enqueue_dma source(%dma_start3A_47 : memref<208x128xf32, #tpu.memory_space<vmem_shared>>) target(%dma_start3A_45 : memref<208x128xf32, #tpu.memory_space<hbm>>) target_semaphore(%run_scoped3A : memref<!tpu.dma_semaphore, #tpu.memory_space<semaphore_mem>>)
      %dma_wait3A = arith.constant 0 : i32
      %dma_wait3A_48 = tpu.memref_slice %arg6[%arg0, %add3A_22, %dma_wait3A] : memref<2x10000x128xf32, #tpu.memory_space<hbm>> -> memref<1x208x128xf32, #tpu.memory_space<hbm>>
      %dma_wait3A_49 = tpu.memref_squeeze %dma_wait3A_48 : memref<1x208x128xf32, #tpu.memory_space<hbm>> -> memref<208x128xf32, #tpu.memory_space<hbm>>
      %dma_wait3A_50 = arith.constant 0 : i32
      %dma_wait3A_51 = tpu.memref_slice %arg12[%add3A_18, %dma_wait3A_50] : memref<10000x128xf32, #tpu.memory_space<vmem_shared>> -> memref<208x128xf32, #tpu.memory_space<vmem_shared>>
      tpu.wait_dma2 semaphore(%run_scoped3A : memref<!tpu.dma_semaphore, #tpu.memory_space<semaphore_mem>>) src(%dma_wait3A_51 : memref<208x128xf32, #tpu.memory_space<vmem_shared>>) dst(%dma_wait3A_49 : memref<208x128xf32, #tpu.memory_space<hbm>>)
      tpu.yield
    }) : () -> ()
    %mul3A_23 = arith.constant 624 : i32
    %mul3A_24 = arith.muli %arg1, %mul3A_23 : i32
    %add3A_25 = arith.constant 208 : i32
    %add3A_26 = arith.addi %mul3A_24, %add3A_25 : i32
    %mul3A_27 = arith.constant 624 : i32
    %mul3A_28 = arith.muli %arg1, %mul3A_27 : i32
    %add3A_29 = arith.constant 208 : i32
    %add3A_30 = arith.addi %mul3A_28, %add3A_29 : i32
    "tpu.region"() ({
      %run_scoped3A = tpu.sem_alloc : memref<!tpu.dma_semaphore, #tpu.memory_space<semaphore_mem>>
      %dma_start3A = arith.constant 0 : i32
      %dma_start3A_44 = tpu.memref_slice %arg6[%arg0, %add3A_30, %dma_start3A] : memref<2x10000x128xf32, #tpu.memory_space<hbm>> -> memref<1x208x128xf32, #tpu.memory_space<hbm>>
      %dma_start3A_45 = tpu.memref_squeeze %dma_start3A_44 : memref<1x208x128xf32, #tpu.memory_space<hbm>> -> memref<208x128xf32, #tpu.memory_space<hbm>>
      %dma_start3A_46 = arith.constant 0 : i32
      %dma_start3A_47 = tpu.memref_slice %arg12[%add3A_26, %dma_start3A_46] : memref<10000x128xf32, #tpu.memory_space<vmem_shared>> -> memref<208x128xf32, #tpu.memory_space<vmem_shared>>
      tpu.enqueue_dma source(%dma_start3A_47 : memref<208x128xf32, #tpu.memory_space<vmem_shared>>) target(%dma_start3A_45 : memref<208x128xf32, #tpu.memory_space<hbm>>) target_semaphore(%run_scoped3A : memref<!tpu.dma_semaphore, #tpu.memory_space<semaphore_mem>>)
      %dma_wait3A = arith.constant 0 : i32
      %dma_wait3A_48 = tpu.memref_slice %arg6[%arg0, %add3A_30, %dma_wait3A] : memref<2x10000x128xf32, #tpu.memory_space<hbm>> -> memref<1x208x128xf32, #tpu.memory_space<hbm>>
      %dma_wait3A_49 = tpu.memref_squeeze %dma_wait3A_48 : memref<1x208x128xf32, #tpu.memory_space<hbm>> -> memref<208x128xf32, #tpu.memory_space<hbm>>
      %dma_wait3A_50 = arith.constant 0 : i32
      %dma_wait3A_51 = tpu.memref_slice %arg12[%add3A_26, %dma_wait3A_50] : memref<10000x128xf32, #tpu.memory_space<vmem_shared>> -> memref<208x128xf32, #tpu.memory_space<vmem_shared>>
      tpu.wait_dma2 semaphore(%run_scoped3A : memref<!tpu.dma_semaphore, #tpu.memory_space<semaphore_mem>>) src(%dma_wait3A_51 : memref<208x128xf32, #tpu.memory_space<vmem_shared>>) dst(%dma_wait3A_49 : memref<208x128xf32, #tpu.memory_space<hbm>>)
      tpu.yield
    }) : () -> ()
    %mul3A_31 = arith.constant 624 : i32
    %mul3A_32 = arith.muli %arg1, %mul3A_31 : i32
    %add3A_33 = arith.constant 416 : i32
    %add3A_34 = arith.addi %mul3A_32, %add3A_33 : i32
    %mul3A_35 = arith.constant 624 : i32
    %mul3A_36 = arith.muli %arg1, %mul3A_35 : i32
    %add3A_37 = arith.constant 416 : i32
    %add3A_38 = arith.addi %mul3A_36, %add3A_37 : i32
    "tpu.region"() ({
      %run_scoped3A = tpu.sem_alloc : memref<!tpu.dma_semaphore, #tpu.memory_space<semaphore_mem>>
      %dma_start3A = arith.constant 0 : i32
      %dma_start3A_44 = tpu.memref_slice %arg6[%arg0, %add3A_38, %dma_start3A] : memref<2x10000x128xf32, #tpu.memory_space<hbm>> -> memref<1x208x128xf32, #tpu.memory_space<hbm>>
      %dma_start3A_45 = tpu.memref_squeeze %dma_start3A_44 : memref<1x208x128xf32, #tpu.memory_space<hbm>> -> memref<208x128xf32, #tpu.memory_space<hbm>>
      %dma_start3A_46 = arith.constant 0 : i32
      %dma_start3A_47 = tpu.memref_slice %arg12[%add3A_34, %dma_start3A_46] : memref<10000x128xf32, #tpu.memory_space<vmem_shared>> -> memref<208x128xf32, #tpu.memory_space<vmem_shared>>
      tpu.enqueue_dma source(%dma_start3A_47 : memref<208x128xf32, #tpu.memory_space<vmem_shared>>) target(%dma_start3A_45 : memref<208x128xf32, #tpu.memory_space<hbm>>) target_semaphore(%run_scoped3A : memref<!tpu.dma_semaphore, #tpu.memory_space<semaphore_mem>>)
      %dma_wait3A = arith.constant 0 : i32
      %dma_wait3A_48 = tpu.memref_slice %arg6[%arg0, %add3A_38, %dma_wait3A] : memref<2x10000x128xf32, #tpu.memory_space<hbm>> -> memref<1x208x128xf32, #tpu.memory_space<hbm>>
      %dma_wait3A_49 = tpu.memref_squeeze %dma_wait3A_48 : memref<1x208x128xf32, #tpu.memory_space<hbm>> -> memref<208x128xf32, #tpu.memory_space<hbm>>
      %dma_wait3A_50 = arith.constant 0 : i32
      %dma_wait3A_51 = tpu.memref_slice %arg12[%add3A_34, %dma_wait3A_50] : memref<10000x128xf32, #tpu.memory_space<vmem_shared>> -> memref<208x128xf32, #tpu.memory_space<vmem_shared>>
      tpu.wait_dma2 semaphore(%run_scoped3A : memref<!tpu.dma_semaphore, #tpu.memory_space<semaphore_mem>>) src(%dma_wait3A_51 : memref<208x128xf32, #tpu.memory_space<vmem_shared>>) dst(%dma_wait3A_49 : memref<208x128xf32, #tpu.memory_space<hbm>>)
      tpu.yield
    }) : () -> ()
    %eq3A_39 = arith.constant 15 : i32
    %eq3A_40 = arith.cmpi eq, %arg1, %eq3A_39 : i32
    %convert_element_type3A_41 = arith.extui %eq3A_40 : i1 to i32
    %cond3A_42 = arith.constant 0 : i32
    %cond3A_43 = arith.cmpi ne, %convert_element_type3A_41, %cond3A_42 : i32
    scf.if %cond3A_43 {
      "tpu.region"() ({
        %run_scoped3A = tpu.sem_alloc : memref<!tpu.dma_semaphore, #tpu.memory_space<semaphore_mem>>
        %dma_start3A = arith.constant 9984 : i32
        %dma_start3A_44 = arith.constant 0 : i32
        %dma_start3A_45 = tpu.memref_slice %arg6[%arg0, %dma_start3A, %dma_start3A_44] : memref<2x10000x128xf32, #tpu.memory_space<hbm>> -> memref<1x16x128xf32, #tpu.memory_space<hbm>>
        %dma_start3A_46 = tpu.memref_squeeze %dma_start3A_45 : memref<1x16x128xf32, #tpu.memory_space<hbm>> -> memref<16x128xf32, #tpu.memory_space<hbm>>
        %dma_start3A_47 = arith.constant 9984 : i32
        %dma_start3A_48 = arith.constant 0 : i32
        %dma_start3A_49 = tpu.memref_slice %arg12[%dma_start3A_47, %dma_start3A_48] : memref<10000x128xf32, #tpu.memory_space<vmem_shared>> -> memref<16x128xf32, #tpu.memory_space<vmem_shared>>
        tpu.enqueue_dma source(%dma_start3A_49 : memref<16x128xf32, #tpu.memory_space<vmem_shared>>) target(%dma_start3A_46 : memref<16x128xf32, #tpu.memory_space<hbm>>) target_semaphore(%run_scoped3A : memref<!tpu.dma_semaphore, #tpu.memory_space<semaphore_mem>>)
        %dma_wait3A = arith.constant 9984 : i32
        %dma_wait3A_50 = arith.constant 0 : i32
        %dma_wait3A_51 = tpu.memref_slice %arg6[%arg0, %dma_wait3A, %dma_wait3A_50] : memref<2x10000x128xf32, #tpu.memory_space<hbm>> -> memref<1x16x128xf32, #tpu.memory_space<hbm>>
        %dma_wait3A_52 = tpu.memref_squeeze %dma_wait3A_51 : memref<1x16x128xf32, #tpu.memory_space<hbm>> -> memref<16x128xf32, #tpu.memory_space<hbm>>
        %dma_wait3A_53 = arith.constant 9984 : i32
        %dma_wait3A_54 = arith.constant 0 : i32
        %dma_wait3A_55 = tpu.memref_slice %arg12[%dma_wait3A_53, %dma_wait3A_54] : memref<10000x128xf32, #tpu.memory_space<vmem_shared>> -> memref<16x128xf32, #tpu.memory_space<vmem_shared>>
        tpu.wait_dma2 semaphore(%run_scoped3A : memref<!tpu.dma_semaphore, #tpu.memory_space<semaphore_mem>>) src(%dma_wait3A_55 : memref<16x128xf32, #tpu.memory_space<vmem_shared>>) dst(%dma_wait3A_52 : memref<16x128xf32, #tpu.memory_space<hbm>>)
        tpu.yield
      }) : () -> ()
    } else {
    }
    return
  }
}

module attributes {stable_mosaic.version = 14 : i64} {
  func.func @_edge_e_body(%arg0: i32, %arg1: i32, %arg2: memref<4000x6xf32, #tpu.memory_space<vmem>>, %arg3: memref<1x6x128xf32, #tpu.memory_space<vmem>>, %arg4: memref<1x1x128xf32, #tpu.memory_space<vmem>>, %arg5: memref<1x4000x128xf32, #tpu.memory_space<vmem>>) attributes {dimension_semantics = [#tpu.dimension_semantics<arbitrary>, #tpu.dimension_semantics<arbitrary>], iteration_bounds = array<i64: 3, 80>, scalar_prefetch = 0 : i64, scratch_operands = 0 : i64, tpu.core_type = #tpu.core_type<tc>, window_params = [{transform_indices = @transform_0, window_bounds = array<i64: 4000, 6>}, {transform_indices = @transform_1, window_bounds = array<i64: 1, 6, 128>}, {transform_indices = @transform_2, window_bounds = array<i64: 1, 1, 128>}, {transform_indices = @transform_3, window_bounds = array<i64: 1, 4000, 128>}]} {
    %get3A = arith.constant 0 : index
    %get3A_0 = arith.constant 0 : index
    %get3A_1 = vector.load %arg2[%get3A, %get3A_0] : memref<4000x6xf32, #tpu.memory_space<vmem>>, vector<4000x6xf32>
    %get3A_2 = arith.constant 0 : index
    %get3A_3 = arith.constant 0 : index
    %get3A_4 = arith.constant 0 : index
    %get3A_5 = vector.load %arg3[%get3A_2, %get3A_3, %get3A_4] : memref<1x6x128xf32, #tpu.memory_space<vmem>>, vector<1x6x128xf32>
    %get3A_6 = vector.shape_cast %get3A_5 : vector<1x6x128xf32> to vector<6x128xf32>
    %dot_general3A = arith.constant dense<0.000000e+00> : vector<4000x128xf32>
    %dot_general3A_7 = tpu.matmul %get3A_1, %get3A_6, %dot_general3A {dimension_numbers = #tpu.dot_dimension_numbers<[1], [0], [0], [1], [0, 0, 1, 1], [], []>, transpose_lhs_hint = false} : vector<4000x6xf32>, vector<6x128xf32>, vector<4000x128xf32> -> vector<4000x128xf32>
    %get3A_8 = arith.constant 0 : index
    %get3A_9 = arith.constant 0 : index
    %get3A_10 = arith.constant 0 : index
    %get3A_11 = vector.load %arg4[%get3A_8, %get3A_9, %get3A_10] : memref<1x1x128xf32, #tpu.memory_space<vmem>>, vector<1x1x128xf32>
    %get3A_12 = vector.shape_cast %get3A_11 : vector<1x1x128xf32> to vector<1x128xf32>
    %add3A = vector.broadcast %get3A_12 : vector<1x128xf32> to vector<4000x128xf32>
    %add3A_13 = arith.addf %dot_general3A_7, %add3A : vector<4000x128xf32>
    %swap3A = arith.constant 0 : index
    %swap3A_14 = arith.constant 0 : index
    %swap3A_15 = arith.constant 0 : index
    %swap3A_16 = vector.load %arg5[%swap3A, %swap3A_14, %swap3A_15] : memref<1x4000x128xf32, #tpu.memory_space<vmem>>, vector<1x4000x128xf32>
    %swap3A_17 = vector.shape_cast %swap3A_16 : vector<1x4000x128xf32> to vector<4000x128xf32>
    %swap3A_18 = vector.shape_cast %add3A_13 : vector<4000x128xf32> to vector<1x4000x128xf32>
    tpu.vector_store %arg5[%swap3A, %swap3A_14, %swap3A_15], %swap3A_18 {strides = array<i32>} : memref<1x4000x128xf32, #tpu.memory_space<vmem>>, vector<1x4000x128xf32>,
    return
  }
  func.func @transform_0(%arg0: i32, %arg1: i32) -> (i32, i32) {
    %c0_i32 = arith.constant 0 : i32
    %c0_i32_0 = arith.constant 0 : i32
    return %arg1, %c0_i32 : i32, i32
  }
  func.func @transform_1(%arg0: i32, %arg1: i32) -> (i32, i32, i32) {
    %c0_i32 = arith.constant 0 : i32
    %c0_i32_0 = arith.constant 0 : i32
    %c0_i32_1 = arith.constant 0 : i32
    return %arg0, %c0_i32, %c0_i32_0 : i32, i32, i32
  }
  func.func @transform_2(%arg0: i32, %arg1: i32) -> (i32, i32, i32) {
    %c0_i32 = arith.constant 0 : i32
    %c0_i32_0 = arith.constant 0 : i32
    %c0_i32_1 = arith.constant 0 : i32
    return %arg0, %c0_i32, %c0_i32_0 : i32, i32, i32
  }
  func.func @transform_3(%arg0: i32, %arg1: i32) -> (i32, i32, i32) {
    %c0_i32 = arith.constant 0 : i32
    %c0_i32_0 = arith.constant 0 : i32
    return %arg0, %arg1, %c0_i32 : i32, i32, i32
  }
}

module attributes {stable_mosaic.version = 14 : i64} {
  func.func @_embed_body(%arg0: memref<10000x42xf32, #tpu.memory_space<vmem>>, %arg1: memref<42x128xf32, #tpu.memory_space<vmem>>, %arg2: memref<1x128xf32, #tpu.memory_space<vmem>>, %arg3: memref<10000x128xf32, #tpu.memory_space<vmem>>) attributes {dimension_semantics = [], scalar_prefetch = 0 : i64, scratch_operands = 0 : i64, tpu.core_type = #tpu.core_type<tc>} {
    %get3A = arith.constant 0 : index
    %get3A_0 = arith.constant 0 : index
    %get3A_1 = vector.load %arg0[%get3A, %get3A_0] : memref<10000x42xf32, #tpu.memory_space<vmem>>, vector<10000x42xf32>
    %get3A_2 = arith.constant 0 : index
    %get3A_3 = arith.constant 0 : index
    %get3A_4 = vector.load %arg1[%get3A_2, %get3A_3] : memref<42x128xf32, #tpu.memory_space<vmem>>, vector<42x128xf32>
    %dot_general3A = arith.constant dense<0.000000e+00> : vector<10000x128xf32>
    %dot_general3A_5 = tpu.matmul %get3A_1, %get3A_4, %dot_general3A {dimension_numbers = #tpu.dot_dimension_numbers<[1], [0], [0], [1], [0, 0, 1, 1], [], []>, transpose_lhs_hint = false} : vector<10000x42xf32>, vector<42x128xf32>, vector<10000x128xf32> -> vector<10000x128xf32>
    %get3A_6 = arith.constant 0 : index
    %get3A_7 = arith.constant 0 : index
    %get3A_8 = vector.load %arg2[%get3A_6, %get3A_7] : memref<1x128xf32, #tpu.memory_space<vmem>>, vector<1x128xf32>
    %add3A = vector.broadcast %get3A_8 : vector<1x128xf32> to vector<10000x128xf32>
    %add3A_9 = arith.addf %dot_general3A_5, %add3A : vector<10000x128xf32>
    %swap3A = arith.constant 0 : index
    %swap3A_10 = arith.constant 0 : index
    %swap3A_11 = vector.load %arg3[%swap3A, %swap3A_10] : memref<10000x128xf32, #tpu.memory_space<vmem>>, vector<10000x128xf32>
    tpu.vector_store %arg3[%swap3A, %swap3A_10], %add3A_9 {strides = array<i32>} : memref<10000x128xf32, #tpu.memory_space<vmem>>, vector<10000x128xf32>,
    return
  }
}

module attributes {stable_mosaic.version = 14 : i64} {
  func.func @_mlp_body(%arg0: i32, %arg1: memref<1xf32, #tpu.memory_space<smem>>, %arg2: memref<2000x128xf32, #tpu.memory_space<vmem>>, %arg3: memref<2x2000x128xf32, #tpu.memory_space<vmem>>, %arg4: memref<128x256xf32, #tpu.memory_space<vmem>>, %arg5: memref<1x256xf32, #tpu.memory_space<vmem>>, %arg6: memref<256x128xf32, #tpu.memory_space<vmem>>, %arg7: memref<1x128xf32, #tpu.memory_space<vmem>>, %arg8: memref<2000x128xf32, #tpu.memory_space<vmem>>) attributes {dimension_semantics = [#tpu.dimension_semantics<arbitrary>], iteration_bounds = array<i64: 5>, scalar_prefetch = 0 : i64, scratch_operands = 0 : i64, tpu.core_type = #tpu.core_type<tc>, window_params = [{transform_indices = @transform_0, window_bounds = array<i64: 1>}, {transform_indices = @transform_1, window_bounds = array<i64: 2000, 128>}, {transform_indices = @transform_2, window_bounds = array<i64: 2, 2000, 128>}, {pipeline_mode = #tpu.pipeline_mode<synchronous>, transform_indices = @transform_3, window_bounds = array<i64: 128, 256>}, {pipeline_mode = #tpu.pipeline_mode<synchronous>, transform_indices = @transform_4, window_bounds = array<i64: 1, 256>}, {pipeline_mode = #tpu.pipeline_mode<synchronous>, transform_indices = @transform_5, window_bounds = array<i64: 256, 128>}, {pipeline_mode = #tpu.pipeline_mode<synchronous>, transform_indices = @transform_6, window_bounds = array<i64: 1, 128>}, {transform_indices = @transform_7, window_bounds = array<i64: 2000, 128>}]} {
    %get3A = arith.constant 0 : index
    %get3A_0 = memref.load %arg1[%get3A] : memref<1xf32, #tpu.memory_space<smem>>
    %get3A_1 = arith.constant 0 : index
    %get3A_2 = arith.constant 0 : index
    %get3A_3 = vector.load %arg2[%get3A_1, %get3A_2] : memref<2000x128xf32, #tpu.memory_space<vmem>>, vector<2000x128xf32>
    %mul3A = vector.broadcast %get3A_0 : f32 to vector<2000x128xf32>
    %mul3A_4 = arith.mulf %mul3A, %get3A_3 : vector<2000x128xf32>
    %get3A_5 = arith.constant 0 : index
    %get3A_6 = arith.constant 0 : index
    %get3A_7 = arith.constant 0 : index
    %get3A_8 = vector.load %arg3[%get3A_5, %get3A_6, %get3A_7] : memref<2x2000x128xf32, #tpu.memory_space<vmem>>, vector<1x2000x128xf32>
    %get3A_9 = vector.shape_cast %get3A_8 : vector<1x2000x128xf32> to vector<2000x128xf32>
    %add3A = arith.addf %mul3A_4, %get3A_9 : vector<2000x128xf32>
    %get3A_10 = arith.constant 1 : index
    %get3A_11 = arith.constant 0 : index
    %get3A_12 = arith.constant 0 : index
    %get3A_13 = vector.load %arg3[%get3A_10, %get3A_11, %get3A_12] : memref<2x2000x128xf32, #tpu.memory_space<vmem>>, vector<1x2000x128xf32>
    %get3A_14 = vector.shape_cast %get3A_13 : vector<1x2000x128xf32> to vector<2000x128xf32>
    %add3A_15 = arith.addf %add3A, %get3A_14 : vector<2000x128xf32>
    %get3A_16 = arith.constant 0 : index
    %get3A_17 = arith.constant 0 : index
    %get3A_18 = vector.load %arg4[%get3A_16, %get3A_17] : memref<128x256xf32, #tpu.memory_space<vmem>>, vector<128x256xf32>
    %dot_general3A = arith.constant dense<0.000000e+00> : vector<2000x256xf32>
    %dot_general3A_19 = tpu.matmul %add3A_15, %get3A_18, %dot_general3A {dimension_numbers = #tpu.dot_dimension_numbers<[1], [0], [0], [1], [0, 0, 1, 1], [], []>, transpose_lhs_hint = false} : vector<2000x128xf32>, vector<128x256xf32>, vector<2000x256xf32> -> vector<2000x256xf32>
    %get3A_20 = arith.constant 0 : index
    %get3A_21 = arith.constant 0 : index
    %get3A_22 = vector.load %arg5[%get3A_20, %get3A_21] : memref<1x256xf32, #tpu.memory_space<vmem>>, vector<1x256xf32>
    %add3A_23 = vector.broadcast %get3A_22 : vector<1x256xf32> to vector<2000x256xf32>
    %add3A_24 = arith.addf %dot_general3A_19, %add3A_23 : vector<2000x256xf32>
    %max3A = arith.constant 0.000000e+00 : f32
    %max3A_25 = vector.broadcast %max3A : f32 to vector<2000x256xf32>
    %max3A_26 = arith.maximumf %add3A_24, %max3A_25 : vector<2000x256xf32>
    %get3A_27 = arith.constant 0 : index
    %get3A_28 = arith.constant 0 : index
    %get3A_29 = vector.load %arg6[%get3A_27, %get3A_28] : memref<256x128xf32, #tpu.memory_space<vmem>>, vector<256x128xf32>
    %dot_general3A_30 = arith.constant dense<0.000000e+00> : vector<2000x128xf32>
    %dot_general3A_31 = tpu.matmul %max3A_26, %get3A_29, %dot_general3A_30 {dimension_numbers = #tpu.dot_dimension_numbers<[1], [0], [0], [1], [0, 0, 1, 1], [], []>, transpose_lhs_hint = false} : vector<2000x256xf32>, vector<256x128xf32>, vector<2000x128xf32> -> vector<2000x128xf32>
    %get3A_32 = arith.constant 0 : index
    %get3A_33 = arith.constant 0 : index
    %get3A_34 = vector.load %arg7[%get3A_32, %get3A_33] : memref<1x128xf32, #tpu.memory_space<vmem>>, vector<1x128xf32>
    %add3A_35 = vector.broadcast %get3A_34 : vector<1x128xf32> to vector<2000x128xf32>
    %add3A_36 = arith.addf %dot_general3A_31, %add3A_35 : vector<2000x128xf32>
    %max3A_37 = arith.constant 0.000000e+00 : f32
    %max3A_38 = vector.broadcast %max3A_37 : f32 to vector<2000x128xf32>
    %max3A_39 = arith.maximumf %add3A_36, %max3A_38 : vector<2000x128xf32>
    %swap3A = arith.constant 0 : index
    %swap3A_40 = arith.constant 0 : index
    %swap3A_41 = vector.load %arg8[%swap3A, %swap3A_40] : memref<2000x128xf32, #tpu.memory_space<vmem>>, vector<2000x128xf32>
    tpu.vector_store %arg8[%swap3A, %swap3A_40], %max3A_39 {strides = array<i32>} : memref<2000x128xf32, #tpu.memory_space<vmem>>, vector<2000x128xf32>,
    return
  }
  func.func @transform_0(%arg0: i32) -> i32 {
    %c0_i32 = arith.constant 0 : i32
    %c0_i32_0 = arith.constant 0 : i32
    return %c0_i32 : i32
  }
  func.func @transform_1(%arg0: i32) -> (i32, i32) {
    %c0_i32 = arith.constant 0 : i32
    %c0_i32_0 = arith.constant 0 : i32
    return %arg0, %c0_i32 : i32, i32
  }
  func.func @transform_2(%arg0: i32) -> (i32, i32, i32) {
    %c0_i32 = arith.constant 0 : i32
    %c0_i32_0 = arith.constant 0 : i32
    %c0_i32_1 = arith.constant 0 : i32
    return %c0_i32, %arg0, %c0_i32_0 : i32, i32, i32
  }
  func.func @transform_3(%arg0: i32) -> (i32, i32) {
    %c0_i32 = arith.constant 0 : i32
    %c0_i32_0 = arith.constant 0 : i32
    %c0_i32_1 = arith.constant 0 : i32
    return %c0_i32, %c0_i32_0 : i32, i32
  }
  func.func @transform_4(%arg0: i32) -> (i32, i32) {
    %c0_i32 = arith.constant 0 : i32
    %c0_i32_0 = arith.constant 0 : i32
    %c0_i32_1 = arith.constant 0 : i32
    return %c0_i32, %c0_i32_0 : i32, i32
  }
  func.func @transform_5(%arg0: i32) -> (i32, i32) {
    %c0_i32 = arith.constant 0 : i32
    %c0_i32_0 = arith.constant 0 : i32
    %c0_i32_1 = arith.constant 0 : i32
    return %c0_i32, %c0_i32_0 : i32, i32
  }
  func.func @transform_6(%arg0: i32) -> (i32, i32) {
    %c0_i32 = arith.constant 0 : i32
    %c0_i32_0 = arith.constant 0 : i32
    %c0_i32_1 = arith.constant 0 : i32
    return %c0_i32, %c0_i32_0 : i32, i32
  }
  func.func @transform_7(%arg0: i32) -> (i32, i32) {
    %c0_i32 = arith.constant 0 : i32
    %c0_i32_0 = arith.constant 0 : i32
    return %arg0, %c0_i32 : i32, i32
  }
}

module attributes {stable_mosaic.version = 14 : i64} {
  func.func @_pool_body(%arg0: memref<10000x128xf32, #tpu.memory_space<vmem>>, %arg1: memref<10000x1xi32, #tpu.memory_space<vmem>>, %arg2: memref<128x64xf32, #tpu.memory_space<vmem>>, %arg3: memref<1x64xf32, #tpu.memory_space<vmem>>, %arg4: memref<64x1xf32, #tpu.memory_space<vmem>>, %arg5: memref<1x1xf32, #tpu.memory_space<vmem>>, %arg6: memref<64x1xf32, #tpu.memory_space<vmem>>) attributes {dimension_semantics = [], scalar_prefetch = 0 : i64, scratch_operands = 0 : i64, tpu.core_type = #tpu.core_type<tc>} {
    %get3A = arith.constant 0 : index
    %get3A_0 = arith.constant 0 : index
    %get3A_1 = vector.load %arg1[%get3A, %get3A_0] : memref<10000x1xi32, #tpu.memory_space<vmem>>, vector<10000x1xi32>
    %iota3A = tpu.iota {dimensions = array<i32: 1>} : vector<1x64xi32>
    %eq3A = vector.broadcast %get3A_1 : vector<10000x1xi32> to vector<10000x64xi32>
    %eq3A_2 = vector.broadcast %iota3A : vector<1x64xi32> to vector<10000x64xi32>
    %eq3A_3 = arith.cmpi eq, %eq3A, %eq3A_2 : vector<10000x64xi32>
    %convert_element_type3A = arith.extui %eq3A_3 : vector<10000x64xi1> to vector<10000x64xi32>
    %convert_element_type3A_4 = arith.sitofp %convert_element_type3A : vector<10000x64xi32> to vector<10000x64xf32>
    %get3A_5 = arith.constant 0 : index
    %get3A_6 = arith.constant 0 : index
    %get3A_7 = vector.load %arg0[%get3A_5, %get3A_6] : memref<10000x128xf32, #tpu.memory_space<vmem>>, vector<10000x128xf32>
    %dot_general3A = arith.constant dense<0.000000e+00> : vector<64x128xf32>
    %dot_general3A_8 = tpu.matmul %convert_element_type3A_4, %get3A_7, %dot_general3A {dimension_numbers = #tpu.dot_dimension_numbers<[0], [0], [1], [1], [0, 1, 1, 1], [], []>, transpose_lhs_hint = false} : vector<10000x64xf32>, vector<10000x128xf32>, vector<64x128xf32> -> vector<64x128xf32>
    %broadcast_in_dim3A = arith.constant 1.000000e+00 : f32
    %broadcast_in_dim3A_9 = vector.broadcast %broadcast_in_dim3A : f32 to vector<10000x1xf32>
    %dot_general3A_10 = arith.constant dense<0.000000e+00> : vector<64x1xf32>
    %dot_general3A_11 = tpu.matmul %convert_element_type3A_4, %broadcast_in_dim3A_9, %dot_general3A_10 {dimension_numbers = #tpu.dot_dimension_numbers<[0], [0], [1], [1], [0, 1, 1, 1], [], []>, transpose_lhs_hint = false} : vector<10000x64xf32>, vector<10000x1xf32>, vector<64x1xf32> -> vector<64x1xf32>
    %jit3A = arith.constant 1.000000e+00 : f32
    %max3A = vector.broadcast %jit3A : f32 to vector<64x1xf32>
    %max3A_12 = arith.maximumf %max3A, %dot_general3A_11 : vector<64x1xf32>
    %div3A = vector.broadcast %max3A_12 : vector<64x1xf32> to vector<64x128xf32>
    %div3A_13 = arith.divf %dot_general3A_8, %div3A : vector<64x128xf32>
    %get3A_14 = arith.constant 0 : index
    %get3A_15 = arith.constant 0 : index
    %get3A_16 = vector.load %arg2[%get3A_14, %get3A_15] : memref<128x64xf32, #tpu.memory_space<vmem>>, vector<128x64xf32>
    %dot_general3A_17 = arith.constant dense<0.000000e+00> : vector<64x64xf32>
    %dot_general3A_18 = tpu.matmul %div3A_13, %get3A_16, %dot_general3A_17 {dimension_numbers = #tpu.dot_dimension_numbers<[1], [0], [0], [1], [0, 0, 1, 1], [], []>, transpose_lhs_hint = false} : vector<64x128xf32>, vector<128x64xf32>, vector<64x64xf32> -> vector<64x64xf32>
    %get3A_19 = arith.constant 0 : index
    %get3A_20 = arith.constant 0 : index
    %get3A_21 = vector.load %arg3[%get3A_19, %get3A_20] : memref<1x64xf32, #tpu.memory_space<vmem>>, vector<1x64xf32>
    %add3A = vector.broadcast %get3A_21 : vector<1x64xf32> to vector<64x64xf32>
    %add3A_22 = arith.addf %dot_general3A_18, %add3A : vector<64x64xf32>
    %max3A_23 = arith.constant 0.000000e+00 : f32
    %max3A_24 = vector.broadcast %max3A_23 : f32 to vector<64x64xf32>
    %max3A_25 = arith.maximumf %add3A_22, %max3A_24 : vector<64x64xf32>
    %get3A_26 = arith.constant 0 : index
    %get3A_27 = arith.constant 0 : index
    %get3A_28 = vector.load %arg4[%get3A_26, %get3A_27] : memref<64x1xf32, #tpu.memory_space<vmem>>, vector<64x1xf32>
    %dot_general3A_29 = arith.constant dense<0.000000e+00> : vector<64x1xf32>
    %dot_general3A_30 = tpu.matmul %max3A_25, %get3A_28, %dot_general3A_29 {dimension_numbers = #tpu.dot_dimension_numbers<[1], [0], [0], [1], [0, 0, 1, 1], [], []>, transpose_lhs_hint = false} : vector<64x64xf32>, vector<64x1xf32>, vector<64x1xf32> -> vector<64x1xf32>
    %get3A_31 = arith.constant 0 : index
    %get3A_32 = arith.constant 0 : index
    %get3A_33 = vector.load %arg5[%get3A_31, %get3A_32] : memref<1x1xf32, #tpu.memory_space<vmem>>, vector<1x1xf32>
    %add3A_34 = vector.broadcast %get3A_33 : vector<1x1xf32> to vector<64x1xf32>
    %add3A_35 = arith.addf %dot_general3A_30, %add3A_34 : vector<64x1xf32>
    %swap3A = arith.constant 0 : index
    %swap3A_36 = arith.constant 0 : index
    %swap3A_37 = vector.load %arg6[%swap3A, %swap3A_36] : memref<64x1xf32, #tpu.memory_space<vmem>>, vector<64x1xf32>
    tpu.vector_store %arg6[%swap3A, %swap3A_36], %add3A_35 {strides = array<i32>} : memref<64x1xf32, #tpu.memory_space<vmem>>, vector<64x1xf32>,
    return
  }
}

</mosaic_0001>

<sc_bundles>
// kernel: kernel.11.cloned.1.call-start
scs
__scs_entry_jumppad:
0x0: {  	(pc) =	sbr.rel $0x88, $3  }
0x1: {  	(tag) =	ssettag $0x0;
	lr =	simm.s32 $0x1  }
0x2: {  	[smem:$0x3F80] =	sst lr;
	_ =	strace $0xD0000000  }
0x3: {  	_ = 	snop  }
0x4: {  	_ = 	snop  }
0x5: {  	_ = 	snop  }
0x6: {  	_ = 	snop  }
0x7: {  	_ = 	snop  }
__scs_overlays_trampoline_lowered:
0x8: {  	[smem:$0x3F8F] =	sst s0  }
0x9: {  	[smem:$0x3F90] =	sst s1  }
0xa: {  	[smem:$0x3F91] =	sst s2  }
0xb: {  	[smem:$0x3F92] =	sst s3  }
0xc: {  	[smem:$0x3F93] =	sst s4  }
0xd: {  	[smem:$0x3F94] =	sst s5  }
0xe: {  	[smem:$0x3F95] =	sst s6  }
0xf: {  	[smem:$0x3F96] =	sst s7  }
0x10: {  	[smem:$0x3F97] =	sst s8  }
0x11: {  	[smem:$0x3F98] =	sst s9;
	s0 =	simm.s32 @!p0 $0x0  }
0x12: {  	s1 =	sld [smem:$0x3F7E];
	s0 =	simm.s32 @p0 $0x1  }
0x13: {  	[smem:$0x3F99] =	sst s0;
	s0 =	simm.s32 @!p1 $0x0  }
0x14: {  	s2 =	sld [smem:$0x3F7D];
	s0 =	simm.s32 @p1 $0x1  }
0x15: {  	[smem:$0x3F9A] =	sst s0;
	s0 =	simm.s32 @!p2 $0x0  }
0x16: {  	s3 =	sld [smem:$0x3FDB];
	s0 =	simm.s32 @p2 $0x1  }
0x17: {  	s4 =	simm.s32 $0x1BF5;
	[smem:$0x3F9C] =	sst s0  }
0x18: {  	s0 =	sld [smem:$0x3F7F];
	_ =	swait.ge [sflag:s4], $0x0  }
0x19: {  	s7 =	sld [smem:$0x3F80]  }
0x1a: {  	s8 =	sadd.s32 $0xFFFFE003, lr  }
0x1b: {  	s9 =	sadd.s32 $0xFFFFFEF7, lr;
	s5 =	simm.s32 $0xFFFFFFFF;
	p2 =	slt.u32 s8, $0xFFFFF086  }
0x1c: {  	p1 =	slt.u32 s9, $0xF7A;
	s5 =	simm.s32 @!p2 $0x0  }
0x1d: {  	s5 =	simm.s32 @p1 $0x1;
	p0 =	seq.s32 s7, s2  }
0x1e: {  	s7 =	smul.u32 @!p0 $0xF7A, s2;
	p2 =	seq.s32 @!p0 s5, $0x0  }
0x1f: {  	s9 =	smul.u32 $0xF7A, s1;
	s8 =	simm.s32 @!p0 $0x1BF5;
	p2 =	por !p2, p0  }
0x20: {  	[sflag:s8] =	ssyncset.s32 @!p0 $0xFFFFF086;
	s6 =	sadd.s32 @!p0 s3, s7;
	s7 =	simm.s32 @!p0 $0x108  }
0x21: {  	s3 =	sadd.s32 s3, s9;
	s6 =	sadd.s32 @!p0 $0x88, s6;
	s7 =	simm.s32 @p2 $0x1082  }
0x22: {  	[simem:s7], [sflag:s8] =	dma.local @!p0 [hbm:s6], $0xF7A  }
0x23: {  	s9 =	sor.u32 $0xD0000000, s2;
	s6 =	simm.s32 $0x108;
	_ =	swait.ge @!p0 [sflag:s8], $0x0  }
0x24: {  	s3 =	sadd.s32 $0x88, s3;
	s6 =	simm.s32 @!p1 $0x1082;
	[sflag:s4] =	ssyncset.s32 $0xFFFFF086  }
0x25: {  	[simem:s6], [sflag:s4] =	dma.local [hbm:s3], $0xF7A  }
0x26: {  	[smem:$0x3F80] =	sst s1;
	(tag) =	ssettag s2;
	_ =	strace s9  }
0x27: {  	s1 =	sld [smem:$0x3F90]  }
0x28: {  	s2 =	sld [smem:$0x3F91]  }
0x29: {  	s4 =	sld [smem:$0x3F93]  }
0x2a: {  	p0 =	seq.s32 s5, $0x0;
	s5 =	sld [smem:$0x3F94]  }
0x2b: {  	s6 =	sld [smem:$0x3F95]  }
0x2c: {  	s7 =	sld [smem:$0x3F96]  }
0x2d: {  	s3 =	simm.s32 $0x108;
	s8 =	sld [smem:$0x3F97]  }
0x2e: {  	s3 =	simm.s32 @!p0 $0x1082;
	s9 =	sld [smem:$0x3F98]  }
0x2f: {  	lr =	sadd.s32 s0, s3;
	s0 =	sld [smem:$0x3F8F]  }
0x30: {  	s3 =	sld [smem:$0x3F92]  }
0x31: {  	[smem:$0x3F9B] =	sst s10  }
0x32: {  	s10 =	sld [smem:$0x3F99];
	_ =	sdelay $0x3  }
0x33: {  	p0 =	seq.s32 s10, $0x1;
	s10 =	sld [smem:$0x3F9B];
	_ =	sdelay $0x3  }
0x34: {  	[smem:$0x3F9B] =	sst s10  }
0x35: {  	s10 =	sld [smem:$0x3F9A];
	_ =	sdelay $0x3  }
0x36: {  	p1 =	seq.s32 s10, $0x1;
	s10 =	sld [smem:$0x3F9B];
	_ =	sdelay $0x3  }
0x37: {  	[smem:$0x3F9B] =	sst s10  }
0x38: {  	s10 =	sld [smem:$0x3F9C]  }
0x39: {  	_ = 	snop;
	(pc) =	sbr.ind lr, $3  }
0x3a: {  	_ = 	snop  }
0x3b: {  	_ = 	snop  }
0x3c: {  	p2 =	seq.s32 s10, $0x1;
	s10 =	sld [smem:$0x3F9B]  }
0x3d: {  	_ =	shalt  }
0x3e: {  	_ =	shalt  }
0x3f: {  	_ =	shalt  }
0x40: {  	_ =	shalt  }
0x41: {  	_ =	shalt  }
0x42: {  	_ =	shalt  }
0x43: {  	_ =	shalt  }
0x44: {  	_ =	shalt  }
0x45: {  	_ =	shalt  }
0x46: {  	_ =	shalt  }
0x47: {  	_ =	shalt  }
0x48: {  	_ =	shalt  }
0x49: {  	_ =	shalt  }
0x4a: {  	_ =	shalt  }
0x4b: {  	_ =	shalt  }
0x4c: {  	_ =	shalt  }
0x4d: {  	_ =	shalt  }
0x4e: {  	_ =	shalt  }
0x4f: {  	_ =	shalt  }
0x50: {  	_ =	shalt  }
0x51: {  	_ =	shalt  }
0x52: {  	_ =	shalt  }
0x53: {  	_ =	shalt  }
0x54: {  	_ =	shalt  }
0x55: {  	_ =	shalt  }
0x56: {  	_ =	shalt  }
0x57: {  	_ =	shalt  }
0x58: {  	_ =	shalt  }
0x59: {  	_ =	shalt  }
0x5a: {  	_ =	shalt  }
0x5b: {  	_ =	shalt  }
0x5c: {  	_ =	shalt  }
0x5d: {  	_ =	shalt  }
0x5e: {  	_ =	shalt  }
0x5f: {  	_ =	shalt  }
0x60: {  	_ =	shalt  }
0x61: {  	_ =	shalt  }
0x62: {  	_ =	shalt  }
0x63: {  	_ =	shalt  }
0x64: {  	_ =	shalt  }
0x65: {  	_ =	shalt  }
0x66: {  	_ =	shalt  }
0x67: {  	_ =	shalt  }
0x68: {  	_ =	shalt  }
0x69: {  	_ =	shalt  }
0x6a: {  	_ =	shalt  }
0x6b: {  	_ =	shalt  }
0x6c: {  	_ =	shalt  }
0x6d: {  	_ =	shalt  }
0x6e: {  	_ =	shalt  }
0x6f: {  	_ =	shalt  }
0x70: {  	_ =	shalt  }
0x71: {  	_ =	shalt  }
0x72: {  	_ =	shalt  }
0x73: {  	_ =	shalt  }
0x74: {  	_ =	shalt  }
0x75: {  	_ =	shalt  }
0x76: {  	_ =	shalt  }
0x77: {  	_ =	shalt  }
0x78: {  	_ =	shalt  }
0x79: {  	_ =	shalt  }
0x7a: {  	_ =	shalt  }
0x7b: {  	_ =	shalt  }
0x7c: {  	_ =	shalt  }
0x7d: {  	_ =	shalt  }
0x7e: {  	_ =	shalt  }
0x7f: {  	_ =	shalt  }
0x80: {  	_ =	shalt  }
0x81: {  	_ =	shalt  }
0x82: {  	_ =	shalt  }
0x83: {  	_ =	shalt  }
0x84: {  	_ =	shalt  }
0x85: {  	_ =	shalt  }
0x86: {  	_ =	shalt  }
0x87: {  	_ =	shalt  }
.Lfunc_end0:
.L_simem_size_0:
called_computation_lowered:
.L_overlay_start_0:
0x88: {  	s2 =	sld [smem:$0x3FD9]  }
0x89: {  	s3 =	sld [smem:$0x3FFE];
	_ =	sdelay $0x1  }
0x8a: {  	s1 =	srdreg.scid  }
0x8b: {  	s0 =	sand.u32 $0x1, s1  }
0x8c: {  	s16 =	sshll.u32 s0, $0xA;
	s2 =	sadd.s32 s3, s2  }
0x8d: {  	s2 =	sadd.s32 s2, s16  }
0x8e: {  	[smem:$0x3FA7] =	sst s2  }
0x8f: {  	_ = 	snop  }
0x90: {  	(tm) =	ssettm $0x1  }
0x91: {  	s17 =	sld [smem:$0x3FFB];
	_ =	sdelay $0x3  }
0x92: {  	_ =	strace s17  }
0x93: {  	s2 =	sld [smem:$0x3FFC];
	_ =	sdelay $0x3  }
0x94: {  	_ =	strace s2  }
0x95: {  	s2 =	sld [smem:$0x3FFD];
	_ =	sdelay $0x3  }
0x96: {  	_ =	strace s2  }
0x97: {  	_ =	strace $0x8FFFFFFF  }
0x98: {  	s18 =	sld [smem:$0x3FDB];
	_ =	sdelay $0x1  }
0x99: {  	s19 =	simm.s32 $_scs_section_size  }
0x9a: {  	s4 =	simm.s32 $_size__tile_overlayer_lowered;
	s5 =	simm.s32 $_tile_overlayer_lowered  }
0x9b: {  	s22 =	simm.s32 $0x1BFF;
	s21 =	sshll.u32 s5, $0x1;
	s2 =	sadd.s32 s19, s18  }
0x9c: {  	s6 =	simm.s32 $0x0;
	s20 =	sshll.u32 s4, $0x1;
	s4 =	sadd.s32 s21, s2  }
0x9d: {  	[timem:s6], [sflag:s22] =	dma.local [hbm:s4], s20  }
0x9e: {  	_ =	swait.ge [sflag:s22], s20  }
0x9f: {  	s3 =	ssub.s32 $0x0, s20;
	[sflag:s22] =	ssyncset.done $0x0  }
0xa0: {  	[sflag:s22] =	ssyncadd.s32 s3;
	_ =	sdelay $0x1  }
0xa1: {  	s23 =	simm.s32 $0x1B8B  }
0xa2: {  	_ =	swait.ge [sflag:s23], $0x1  }
0xa3: {  	[sflag:s23] =	ssyncset.done $0x0  }
0xa4: {  	s25 =	simm.s32 $0x1B8E;
	s24 =	sld [smem:$0x3FFE];
	[sflag:s23] =	ssyncadd.s32 $0xFFFFFFFF  }
0xa5: {  	s26 =	simm.s32 $execute0_lowered;
	[smem:$0x3FD2] =	sst s25  }
0xa6: {  	s4 =	sshll.u32 s26, $0x1;
	_ =	strace $0x80000046;
	[dreg:$0x1] =	wrdreg $0xFFFFFFFF  }
0xa7: {  	s28 =	simm.s32 $_size_execute0_lowered;
	s2 =	sadd.s32 s2, s4;
	[dreg:$0x0] =	wrdreg $0x0  }
0xa8: {  	s4 =	sshll.u32 s28, $0x1;
	[dreg:$0x2] =	wrdreg s2  }
0xa9: {  	[dreg:$0x3] =	wrdreg s4  }
0xaa: {  	[dreg:$0x4] =	wrdreg $0xC0  }
0xab: {  	_ =	task [dreg:s6], $0x5FFFF  }
0xac: {  	[dreg:$0x1] =	wrdreg $0xFFFFFFFF  }
0xad: {  	[dreg:$0x0] =	wrdreg $0x60  }
0xae: {  	[dreg:$0x2] =	wrdreg s24  }
0xaf: {  	[dreg:$0x3] =	wrdreg $0x60000  }
0xb0: {  	[dreg:$0x4] =	wrdreg $0x9  }
0xb1: {  	_ =	task.clear_ibuf [dreg:s6], $0x5FFFF;
	_ =	strace $0x90000046  }
0xb2: {  	s29 =	simm.s32 $0x9;
	_ =	strace $0x80000048  }
0xb3: {  	_ =	swait.ge [sflag:s29], $0x1  }
0xb4: {  	[sflag:s29] =	ssyncadd.s32 $0xFFFFFFFF  }
0xb5: {  	_ =	strace $0x90000048  }
0xb6: {  	_ =	sfence  }
0xb7: {  	s30 =	sld [smem:$0x0];
	_ =	sdelay $0x2  }
0xb8: {  	s31 =	sshll.u32 s1, $0xD;
	s1 =	sshrl.u32 s1, $0x2  }
0xb9: {  	s3 =	sand.u32 $0x4000, s31;
	s1 =	sadd.s32 s1, s30  }
0xba: {  	s0 =	sor.u32 s3, s0;
	s1 =	sshll.u32 s1, $0x11  }
0xbb: {  	s0 =	sor.u32 s1, s0  }
0xbc: {  	s0 =	sadd.s32 $0x8F2B, s0  }
0xbd: {  	[sflag:s0] =	ssyncadd.remote.s32 $0x1  }
0xbe: {  	_ =	sfence.sel $0xFFFF  }
0xbf: {  	[dreg:$0x0] =	wrdreg $0xFFFFFFFF;
	(pc) =	sbr.abs _section_cstart, $3  }
0xc0: {  	[dreg:$0x1] =	wrdreg $0xFFFFFFFF  }
0xc1: {  	_ =	task.clear_ibuf [dreg:s6], $0x2FFFF;
	_ =	strace $0x9FFFFFFF  }
0xc2: {  	(tm) =	ssettm $0x7FFFFFFF  }
0xc3: {  	_ =	shalt  }
tec
execute0_lowered:
.L_overlay_start_1:
0x0: {  	(tag) =	ssettag $0x1  }
0x1: {  	s0 =	rddreg [dreg:$0x0]  }
0x2: {  	s2 =	rddreg [dreg:$0x1]  }
0x3: {  	s3 =	simm.s32 $0x0;
	s17 =	stileid.u32;
	s8 =	srdreg.scid  }
0x4: {  	s28 =	simm.s32 $0x5800;
	s29 =	simm.s32 $0x1;
	s30 =	simm.s32 $0x2  }
0x5: {  	[smem:$0x7FF] =	sst s3;
	s1 =	smul.u32 $0x13800, s17;
	s4 =	sadd.s32 $0x537400, s0  }
0x6: {  	s31 =	simm.s32 $0x3;
	s5 =	sadd.s32 $0x55E600, s0;
	s6 =	sadd.s32 $0x4E7400, s0  }
0x7: {  	s8 =	sand.u32 $0x1, s8;
	s10 =	smul.u32 $0x4E000, s17;
	s12 =	sadd.s32 $0x2C600, s0  }
0x8: {  	s15 =	sshll.u32 s17, $0x6;
	s19 =	smul.u32 $0x14000, s17;
	p0 =	sne.s32 s17, $0xF  }
0x9: {  	_ =	strace $0x80000047;
	s14 =	ssub.s32 $0x2, s8;
	s18 =	smul.u32 $0x140000, s8  }
0xa: {  	s11 =	sshll.u32 s8, $0x4;
	s20 =	smul.u32 $0x138800, s8;
	s7 =	sshrl.u32 s1, $0x3  }
0xb: {  	s13 =	sshrl.u32 s14, $0x1;
	s11 =	sor.u32 s17, s11;
	s10 =	sshrl.u32 s10, $0x2  }
0xc: {  	s21 =	sadd.s32 $0x6800, s1;
	s9 =	sadd.s32 s7, s0;
	s16 =	ssub.s32 s14, s13  }
0xd: {  	s7 =	smul.u32 $0x2710, s11;
	s10 =	sadd.s32 s10, s2;
	s14 =	sadd.s32 $0x138000, s2  }
0xe: {  	s0 =	sadd.s32 $0x2C400, s0;
	s13 =	sadd.s32 s19, s18;
	s22 =	sadd.s32 s1, s20  }
0xf: {  	s23 =	sadd.s32 s20, s21;
	s1 =	sadd.s32 $0xD000, s1;
	[dreg:$0x3] =	wrdreg s10  }
0x10: {  	s8 =	sadd.s32 s21, s2;
	s21 =	simm.s32 $0x5;
	[dreg:$0x5] =	wrdreg s14  }
0x11: {  	s9 =	sadd.s32 $0x5400, s9;
	s10 =	sor.u32 $0x1C05, s15;
	[dreg:$0x6] =	wrdreg s0  }
0x12: {  	s15 =	smul.u32 $0x138800, s11;
	s11 =	sshrl.u32 s23, $0x3;
	s25 =	sadd.s32 s20, s1  }
0x13: {  	s0 =	sshrl.u32 s20, $0x3;
	s1 =	sadd.s32 s1, s2;
	s26 =	smax.u32 s16, $0x1  }
0x14: {  	s23 =	simm.s32 $0x5000;
	[dreg:$0x4] =	wrdreg s9;
	s14 =	sadd.s32 $0x10, s7  }
0x15: {  	s9 =	sshrl.u32 s22, $0x3;
	s24 =	sadd.s32 s12, s11;
	s0 =	sadd.s32 s12, s0  }
0x16: {  	[dreg:$0xb] =	wrdreg s26;
	s22 =	simm.s32 $0x4000;
	s26 =	simm.s32 $0x4800  }
0x17: {  	s9 =	sadd.s32 s12, s9;
	[dreg:$0x8] =	wrdreg s24;
	s0 =	sadd.s32 $0x27000, s0  }
0x18: {  	s24 =	sshrl.u32 s8, $0x3;
	[dreg:$0x7] =	wrdreg s9;
	s9 =	sshrl.u32 s25, $0x3  }
0x19: {  	[dreg:$0xa] =	wrdreg s0;
	s25 =	sshrl.u32 s1, $0x3;
	s9 =	sadd.s32 s12, s9  }
0x1a: {  	vm0 =	vmmov $0xffff;
	s0 =	simm.s32 $0x4;
	s1 =	simm.s32 $0x0;
	[dreg:$0x9] =	wrdreg s9  }
.LBB2_1:
0x1b: {  	s8 =	rddreg [dreg:$0x3]  }
0x1c: {  	s20 =	rddreg [dreg:$0x4];
	s9 =	sshrl.u32 s8, $0x3  }
0x1d: {  	[spmem:s9], [sflag:s10] =	dma.local [hbm:s20], $0x2700  }
0x1e: {  	_ =	swait.ge [sflag:s21], $0x2700  }
0x1f: {  	[sflag:s21] =	ssyncset.done $0x0;
	s8 =	rddreg [dreg:$0x5]  }
0x20: {  	s11 =	rddreg [dreg:$0x6];
	[sflag:s21] =	ssyncadd.s32 $0xFFFFD900;
	s8 =	sshrl.u32 @!p0 s8, $0x3  }
0x21: {  	[spmem:s8], [sflag:s10] =	dma.local @!p0 [hbm:s11], $0x100  }
0x22: {  	s11 =	simm.s32 @!p0 $0x5  }
0x23: {  	_ =	swait.ge @!p0 [sflag:s11], $0x100  }
0x24: {  	[sflag:s11] =	ssyncset.done @!p0 $0x0  }
0x25: {  	[sflag:s11] =	ssyncadd.s32 @!p0 $0xFFFFFF00  }
0x26: {  	s11 =	simm.s32 $0x0;
	[bflag:$0x0] =	sbarrier.arrive $0xFFFF  }
.LBB2_2:
0x27: {  	s12 =	sshll.u32 s11, $0xE  }
0x28: {  	s12 =	sadd.s32 s12, s13  }
0x29: {  	s12 =	sshrl.u32 s12, $0x3  }
0x2a: {  	s16 =	sadd.s32 s6, s12;
	s12 =	simm.s32 $0x0  }
0x2b: {  	[tilespmem:s12], [sflag:$0x5] =	stream.linear.gather [hbm4b:s16+s12], $0x3E80, $0x38;
	[tilespmem:$0x19880] =	vst v63  }
0x2c: {  	_ =	swait.ge [sflag:s21], $0x3E80  }
0x2d: {  	[sflag:s21] =	ssyncset.done $0x0  }
0x2e: {  	[sflag:s21] =	ssyncadd.s32 $0xFFFFC180  }
0x2f: {  	v0 =	vld [tilespmem:$0x0];
	_ =	sdelay $0x4  }
0x30: {  	v0 =	vand.u32 $0xFFFF, v0  }
0x31: {  	s20 =	smul.u32 $0x7D0, s11;
	_ =	sdelay $0x1  }
0x32: {  	s17 =	sadd.s32 s7, s20  }
0x33: {  	s17 =	sshll.u32 s17, $0x4  }
0x34: {  	[tilespmem:s22], [sflag:$0x1] =	stream.indirect_vreg.gather [hbm4b:s4+s12], $0x80, v0, vm0, $0xb8;
	[tilespmem:$0x19880] =	vst v63  }
0x35: {  	s17 =	sadd.s32 s5, s17  }
0x36: {  	[tilespmem:s23], [sflag:$0x1] =	stream.linear.gather [hbm4b:s17+s12], $0x800, $0x38;
	[tilespmem:$0x19880] =	vst v63  }
0x37: {  	v0 =	vld [tilespmem:$0x80];
	_ =	sdelay $0x4  }
0x38: {  	v0 =	vand.u32 $0xFFFF, v0;
	_ =	sdelay $0x2  }
0x39: {  	s16 =	sadd.s32 s20, s14  }
0x3a: {  	s16 =	sshll.u32 s16, $0x4  }
0x3b: {  	[tilespmem:s26], [sflag:$0x2] =	stream.indirect_vreg.gather [hbm4b:s4+s12], $0x80, v0, vm0, $0xb8;
	[tilespmem:$0x19880] =	vst v63  }
0x3c: {  	s16 =	sadd.s32 s5, s16  }
0x3d: {  	[tilespmem:s28], [sflag:$0x2] =	stream.linear.gather [hbm4b:s16+s12], $0x800, $0x38;
	[tilespmem:$0x19880] =	vst v63  }
0x3e: {  	s16 =	smul.u32 $0x7D, s11  }
.LBB2_3:
0x3f: {  	_ =	swait.ge [sflag:s29], $0x800  }
0x40: {  	[sflag:s29] =	ssyncset.done $0x0  }
0x41: {  	[sflag:s29] =	ssyncadd.s32 $0xFFFFF800  }
0x42: {  	_ =	swait.ge [sflag:s29], $0x800  }
0x43: {  	[sflag:s29] =	ssyncset.done $0x0  }
0x44: {  	s17 =	simm.s32 $0x0;
	[sflag:s29] =	ssyncadd.s32 $0xFFFFF800  }
0x45: {  	v6 =	vld [tilespmem:s17+$0x5000]  }
0x46: {  	v11 =	vld [tilespmem:s17+$0x5010]  }
0x47: {  	v5 =	vld [tilespmem:s17+$0x5020]  }
0x48: {  	v4 =	vld [tilespmem:s17+$0x5030]  }
0x49: {  	v3 =	vld [tilespmem:s17+$0x5040]  }
0x4a: {  	v2 =	vld [tilespmem:s17+$0x5050]  }
0x4b: {  	v1 =	vld [tilespmem:s17+$0x5060]  }
0x4c: {  	v0 =	vld [tilespmem:s17+$0x5070]  }
0x4d: {  	v12 =	vld [tilespmem:s17+$0x4000]  }
0x4e: {  	v13 =	vld [tilespmem:s17+$0x4010]  }
0x4f: {  	v10 =	vld [tilespmem:s17+$0x4020]  }
0x50: {  	v9 =	vld [tilespmem:s17+$0x4030]  }
0x51: {  	v8 =	vld [tilespmem:s17+$0x4040]  }
0x52: {  	v7 =	vld [tilespmem:s17+$0x4050];
	v12 =	vadd.f32 v6, v12  }
0x53: {  	s18 =	simm.s32 $0x200;
	v11 =	vadd.f32 v11, v13;
	v6 =	vld [tilespmem:s17+$0x4060]  }
.LBB2_4:
0x54: {  	s19 =	sshra.s32 s18, $0x2;
	p1 =	sne.s32 s18, $0x1E00;
	v12 =	vmax.f32 v12, $0.0e+00;
	v5 =	vadd.f32 v5, v10;
	v10 =	vld [tilespmem:s17+$0x4070]  }
0x55: {  	v13 =	vld [tilespmem:s19+$0x5000];
	[tilespmem:s17+$0x4000] =	vst v12;
	v11 =	vmax.f32 v11, $0.0e+00;
	v4 =	vadd.f32 v4, v9  }
0x56: {  	v14 =	vld [tilespmem:s19+$0x5010];
	[tilespmem:s17+$0x4010] =	vst v11;
	v9 =	vmax.f32 v5, $0.0e+00;
	v3 =	vadd.f32 v3, v8  }
0x57: {  	v5 =	vld [tilespmem:s19+$0x5020];
	[tilespmem:s17+$0x4020] =	vst v9;
	v8 =	vmax.f32 v4, $0.0e+00;
	v2 =	vadd.f32 v2, v7  }
0x58: {  	v4 =	vld [tilespmem:s19+$0x5030];
	[tilespmem:s17+$0x4030] =	vst v8;
	v7 =	vmax.f32 v3, $0.0e+00;
	v1 =	vadd.f32 v1, v6  }
0x59: {  	v3 =	vld [tilespmem:s19+$0x5040];
	[tilespmem:s17+$0x4040] =	vst v7;
	v6 =	vmax.f32 v2, $0.0e+00;
	v0 =	vadd.f32 v0, v10  }
0x5a: {  	v2 =	vld [tilespmem:s19+$0x5050];
	[tilespmem:s17+$0x4050] =	vst v6;
	v6 =	vmax.f32 v1, $0.0e+00  }
0x5b: {  	v1 =	vld [tilespmem:s19+$0x5060];
	[tilespmem:s17+$0x4060] =	vst v6;
	v6 =	vmax.f32 v0, $0.0e+00  }
0x5c: {  	v0 =	vld [tilespmem:s19+$0x5070];
	[tilespmem:s17+$0x4070] =	vst v6;
	s17 =	smov.u32 s19  }
0x5d: {  	v6 =	vld [tilespmem:s17+$0x4000]  }
0x5e: {  	v11 =	vld [tilespmem:s17+$0x4010]  }
.Ltmp0:
0x5f: {  	v10 =	vld [tilespmem:s17+$0x4020];
	(pc) =	sbr.rel @p1 .LBB2_4-.Ltmp0, $4  }
0x60: {  	v9 =	vld [tilespmem:s17+$0x4030]  }
0x61: {  	v8 =	vld [tilespmem:s17+$0x4040]  }
0x62: {  	v12 =	vadd.f32 v13, v6;
	v7 =	vld [tilespmem:s17+$0x4050]  }
0x63: {  	s18 =	sadd.s32 $0x200, s18;
	v11 =	vadd.f32 v14, v11;
	v6 =	vld [tilespmem:s17+$0x4060]  }
0x64: {  	v12 =	vmax.f32 v12, $0.0e+00;
	v5 =	vadd.f32 v5, v10;
	v10 =	vld [tilespmem:s17+$0x4070]  }
0x65: {  	[tilespmem:s17+$0x4000] =	vst v12;
	v11 =	vmax.f32 v11, $0.0e+00;
	v4 =	vadd.f32 v4, v9  }
0x66: {  	[tilespmem:s17+$0x4010] =	vst v11;
	v5 =	vmax.f32 v5, $0.0e+00;
	v3 =	vadd.f32 v3, v8  }
0x67: {  	[tilespmem:s17+$0x4020] =	vst v5;
	v4 =	vmax.f32 v4, $0.0e+00;
	v2 =	vadd.f32 v2, v7  }
0x68: {  	[tilespmem:s17+$0x4030] =	vst v4;
	v3 =	vmax.f32 v3, $0.0e+00;
	v1 =	vadd.f32 v1, v6  }
0x69: {  	[tilespmem:s17+$0x4040] =	vst v3;
	v2 =	vmax.f32 v2, $0.0e+00;
	v0 =	vadd.f32 v0, v10  }
0x6a: {  	[tilespmem:s17+$0x4050] =	vst v2;
	v1 =	vmax.f32 v1, $0.0e+00  }
0x6b: {  	s18 =	sshll.u32 s12, $0x8;
	[tilespmem:s17+$0x4060] =	vst v1;
	v0 =	vmax.f32 v0, $0.0e+00  }
0x6c: {  	[tilespmem:s17+$0x4070] =	vst v0;
	s17 =	sand.u32 $0x3FFFFF00, s18  }
0x6d: {  	v0 =	vld [tilespmem:s17+$0x0];
	_ =	sdelay $0x4  }
0x6e: {  	v0 =	vshrl.u32 v0, $0x10;
	_ =	sdelay $0x4  }
0x6f: {  	[spmem:s2] =	stream.indirect_vreg.scatter.add.f32 [tilespmem:s22], [sflag:$0x3], $0x80, v0, vm0, $0xb8;
	[tilespmem:$0x19880] =	vst v63  }
0x70: {  	_ =	swait.ge [sflag:s30], $0x800  }
0x71: {  	[sflag:s30] =	ssyncset.done $0x0  }
0x72: {  	[sflag:s30] =	ssyncadd.s32 $0xFFFFF800  }
0x73: {  	_ =	swait.ge [sflag:s30], $0x800  }
0x74: {  	[sflag:s30] =	ssyncset.done $0x0  }
0x75: {  	s18 =	simm.s32 $0x0;
	[sflag:s30] =	ssyncadd.s32 $0xFFFFF800  }
0x76: {  	v6 =	vld [tilespmem:s18+$0x5800]  }
0x77: {  	v11 =	vld [tilespmem:s18+$0x5810]  }
0x78: {  	v5 =	vld [tilespmem:s18+$0x5820]  }
0x79: {  	v4 =	vld [tilespmem:s18+$0x5830]  }
0x7a: {  	v3 =	vld [tilespmem:s18+$0x5840]  }
0x7b: {  	v2 =	vld [tilespmem:s18+$0x5850]  }
0x7c: {  	v1 =	vld [tilespmem:s18+$0x5860]  }
0x7d: {  	v0 =	vld [tilespmem:s18+$0x5870]  }
0x7e: {  	v12 =	vld [tilespmem:s18+$0x4800]  }
0x7f: {  	v13 =	vld [tilespmem:s18+$0x4810]  }
0x80: {  	v10 =	vld [tilespmem:s18+$0x4820]  }
0x81: {  	v9 =	vld [tilespmem:s18+$0x4830]  }
0x82: {  	v8 =	vld [tilespmem:s18+$0x4840]  }
0x83: {  	v7 =	vld [tilespmem:s18+$0x4850];
	v12 =	vadd.f32 v6, v12  }
0x84: {  	s19 =	simm.s32 $0x200;
	v11 =	vadd.f32 v11, v13;
	v6 =	vld [tilespmem:s18+$0x4860]  }
.LBB2_6:
0x85: {  	s20 =	sshra.s32 s19, $0x2;
	p1 =	sne.s32 s19, $0x1E00;
	v12 =	vmax.f32 v12, $0.0e+00;
	v5 =	vadd.f32 v5, v10;
	v10 =	vld [tilespmem:s18+$0x4870]  }
0x86: {  	v13 =	vld [tilespmem:s20+$0x5800];
	[tilespmem:s18+$0x4800] =	vst v12;
	v11 =	vmax.f32 v11, $0.0e+00;
	v4 =	vadd.f32 v4, v9  }
0x87: {  	v14 =	vld [tilespmem:s20+$0x5810];
	[tilespmem:s18+$0x4810] =	vst v11;
	v9 =	vmax.f32 v5, $0.0e+00;
	v3 =	vadd.f32 v3, v8  }
0x88: {  	v5 =	vld [tilespmem:s20+$0x5820];
	[tilespmem:s18+$0x4820] =	vst v9;
	v8 =	vmax.f32 v4, $0.0e+00;
	v2 =	vadd.f32 v2, v7  }
0x89: {  	v4 =	vld [tilespmem:s20+$0x5830];
	[tilespmem:s18+$0x4830] =	vst v8;
	v7 =	vmax.f32 v3, $0.0e+00;
	v1 =	vadd.f32 v1, v6  }
0x8a: {  	v3 =	vld [tilespmem:s20+$0x5840];
	[tilespmem:s18+$0x4840] =	vst v7;
	v6 =	vmax.f32 v2, $0.0e+00;
	v0 =	vadd.f32 v0, v10  }
0x8b: {  	v2 =	vld [tilespmem:s20+$0x5850];
	[tilespmem:s18+$0x4850] =	vst v6;
	v6 =	vmax.f32 v1, $0.0e+00  }
0x8c: {  	v1 =	vld [tilespmem:s20+$0x5860];
	[tilespmem:s18+$0x4860] =	vst v6;
	v6 =	vmax.f32 v0, $0.0e+00  }
0x8d: {  	v0 =	vld [tilespmem:s20+$0x5870];
	[tilespmem:s18+$0x4870] =	vst v6;
	s18 =	smov.u32 s20  }
0x8e: {  	v6 =	vld [tilespmem:s18+$0x4800]  }
0x8f: {  	v11 =	vld [tilespmem:s18+$0x4810]  }
.Ltmp1:
0x90: {  	v10 =	vld [tilespmem:s18+$0x4820];
	(pc) =	sbr.rel @p1 .LBB2_6-.Ltmp1, $4  }
0x91: {  	v9 =	vld [tilespmem:s18+$0x4830]  }
0x92: {  	v8 =	vld [tilespmem:s18+$0x4840]  }
0x93: {  	v12 =	vadd.f32 v13, v6;
	v7 =	vld [tilespmem:s18+$0x4850]  }
0x94: {  	s19 =	sadd.s32 $0x200, s19;
	v11 =	vadd.f32 v14, v11;
	v6 =	vld [tilespmem:s18+$0x4860]  }
0x95: {  	v12 =	vmax.f32 v12, $0.0e+00;
	v5 =	vadd.f32 v5, v10;
	v62 =	vld [tilespmem:s18+$0x4870]  }
0x96: {  	[tilespmem:s18+$0x4800] =	vst v12;
	v11 =	vmax.f32 v11, $0.0e+00;
	v4 =	vadd.f32 v4, v9  }
0x97: {  	[tilespmem:s18+$0x4810] =	vst v11;
	v5 =	vmax.f32 v5, $0.0e+00;
	v3 =	vadd.f32 v3, v8  }
0x98: {  	[tilespmem:s18+$0x4820] =	vst v5;
	v4 =	vmax.f32 v4, $0.0e+00;
	v2 =	vadd.f32 v2, v7  }
0x99: {  	[tilespmem:s18+$0x4830] =	vst v4;
	v3 =	vmax.f32 v3, $0.0e+00;
	v1 =	vadd.f32 v1, v6  }
0x9a: {  	[tilespmem:s18+$0x4840] =	vst v3;
	v2 =	vmax.f32 v2, $0.0e+00;
	v0 =	vadd.f32 v0, v62  }
0x9b: {  	[tilespmem:s18+$0x4850] =	vst v2;
	v1 =	vmax.f32 v1, $0.0e+00  }
0x9c: {  	[tilespmem:s18+$0x4860] =	vst v1;
	v0 =	vmax.f32 v0, $0.0e+00  }
0x9d: {  	[tilespmem:s18+$0x4870] =	vst v0  }
0x9e: {  	v0 =	vld [tilespmem:s17+$0x80];
	_ =	sdelay $0x4  }
0x9f: {  	v0 =	vshrl.u32 v0, $0x10;
	_ =	sdelay $0x3  }
0xa0: {  	s17 =	sshll.u32 s12, $0x1  }
0xa1: {  	[spmem:s2] =	stream.indirect_vreg.scatter.add.f32 [tilespmem:s26], [sflag:$0x4], $0x80, v0, vm0, $0xb8;
	[tilespmem:$0x19880] =	vst v63  }
0xa2: {  	s20 =	sadd.s32 $0x2, s17;
	_ =	swait.ge [sflag:s31], $0x800  }
0xa3: {  	s19 =	sshll.u32 s20, $0x7;
	[sflag:s31] =	ssyncset.done $0x0  }
0xa4: {  	s19 =	sand.u32 $0x3FFFFF00, s19;
	[sflag:s31] =	ssyncadd.s32 $0xFFFFF800  }
0xa5: {  	v63 =	vld [tilespmem:s19+$0x0];
	_ =	sdelay $0x4  }
0xa6: {  	v0 =	vand.u32 $0xFFFF, v63  }
0xa7: {  	s18 =	sadd.s32 s16, s20  }
0xa8: {  	s18 =	sshll.u32 s18, $0xB  }
0xa9: {  	s18 =	sadd.s32 s15, s18  }
0xaa: {  	p1 =	seq.s32 s12, $0x3D;
	s18 =	sshrl.u32 s18, $0x3  }
0xab: {  	[tilespmem:s22], [sflag:$0x1] =	stream.indirect_vreg.gather [hbm4b:s4+s3], $0x80, v0, vm0, $0xb8;
	[tilespmem:$0x19880] =	vst v63  }
.Ltmp2:
0xac: {  	s18 =	sadd.s32 s5, s18;
	(pc) =	sbr.rel @p1 .LBB2_9-.Ltmp2, $4  }
0xad: {  	[tilespmem:s23], [sflag:$0x1] =	stream.linear.gather [hbm4b:s18+s3], $0x800, $0x38;
	[tilespmem:$0x19880] =	vst v63  }
0xae: {  	_ =	swait.ge [sflag:s0], $0x800  }
0xaf: {  	[sflag:s0] =	ssyncset.done $0x0  }
0xb0: {  	[sflag:s0] =	ssyncadd.s32 $0xFFFFF800  }
0xb1: {  	s17 =	sadd.s32 $0x3, s17  }
0xb2: {  	s18 =	sshll.u32 s17, $0x7  }
0xb3: {  	s18 =	sand.u32 $0x3FFFFF80, s18  }
0xb4: {  	v0 =	vld [tilespmem:s18+$0x0];
	_ =	sdelay $0x4  }
0xb5: {  	v0 =	vand.u32 $0xFFFF, v0  }
0xb6: {  	s17 =	sadd.s32 s16, s17  }
0xb7: {  	s17 =	sshll.u32 s17, $0xB  }
.Ltmp3:
0xb8: {  	s17 =	sadd.s32 s15, s17;
	(pc) =	sbr.rel .LBB2_3-.Ltmp3, $4  }
0xb9: {  	s17 =	sshrl.u32 s17, $0x3  }
0xba: {  	[tilespmem:s26], [sflag:$0x2] =	stream.indirect_vreg.gather [hbm4b:s4+s3], $0x80, v0, vm0, $0xb8;
	[tilespmem:$0x19880] =	vst v63  }
0xbb: {  	s12 =	sadd.s32 $0x1, s12;
	s17 =	sadd.s32 s5, s17  }
0xbc: {  	[tilespmem:s28], [sflag:$0x2] =	stream.linear.gather [hbm4b:s17+s3], $0x800, $0x38;
	[tilespmem:$0x19880] =	vst v63  }
.LBB2_9:
0xbd: {  	_ =	swait.ge [sflag:s29], $0x800  }
0xbe: {  	[sflag:s29] =	ssyncset.done $0x0  }
0xbf: {  	[sflag:s29] =	ssyncadd.s32 $0xFFFFF800  }
0xc0: {  	_ =	swait.ge [sflag:s29], $0x800  }
0xc1: {  	[sflag:s29] =	ssyncset.done $0x0  }
0xc2: {  	s12 =	simm.s32 $0x0;
	[sflag:s29] =	ssyncadd.s32 $0xFFFFF800  }
0xc3: {  	v6 =	vld [tilespmem:s12+$0x5000]  }
0xc4: {  	v11 =	vld [tilespmem:s12+$0x5010]  }
0xc5: {  	v5 =	vld [tilespmem:s12+$0x5020]  }
0xc6: {  	v4 =	vld [tilespmem:s12+$0x5030]  }
0xc7: {  	v3 =	vld [tilespmem:s12+$0x5040]  }
0xc8: {  	v2 =	vld [tilespmem:s12+$0x5050]  }
0xc9: {  	v1 =	vld [tilespmem:s12+$0x5060]  }
0xca: {  	v0 =	vld [tilespmem:s12+$0x5070]  }
0xcb: {  	v12 =	vld [tilespmem:s12+$0x4000]  }
0xcc: {  	v13 =	vld [tilespmem:s12+$0x4010]  }
0xcd: {  	v10 =	vld [tilespmem:s12+$0x4020]  }
0xce: {  	v9 =	vld [tilespmem:s12+$0x4030]  }
0xcf: {  	v8 =	vld [tilespmem:s12+$0x4040]  }
0xd0: {  	v7 =	vld [tilespmem:s12+$0x4050];
	v12 =	vadd.f32 v6, v12  }
0xd1: {  	s16 =	simm.s32 $0x200;
	v11 =	vadd.f32 v11, v13;
	v6 =	vld [tilespmem:s12+$0x4060]  }
.LBB2_10:
0xd2: {  	s17 =	sshra.s32 s16, $0x2;
	p1 =	sne.s32 s16, $0x1E00;
	v12 =	vmax.f32 v12, $0.0e+00;
	v5 =	vadd.f32 v5, v10;
	v10 =	vld [tilespmem:s12+$0x4070]  }
0xd3: {  	v13 =	vld [tilespmem:s17+$0x5000];
	[tilespmem:s12+$0x4000] =	vst v12;
	v11 =	vmax.f32 v11, $0.0e+00;
	v4 =	vadd.f32 v4, v9  }
0xd4: {  	v14 =	vld [tilespmem:s17+$0x5010];
	[tilespmem:s12+$0x4010] =	vst v11;
	v9 =	vmax.f32 v5, $0.0e+00;
	v3 =	vadd.f32 v3, v8  }
0xd5: {  	v5 =	vld [tilespmem:s17+$0x5020];
	[tilespmem:s12+$0x4020] =	vst v9;
	v8 =	vmax.f32 v4, $0.0e+00;
	v2 =	vadd.f32 v2, v7  }
0xd6: {  	v4 =	vld [tilespmem:s17+$0x5030];
	[tilespmem:s12+$0x4030] =	vst v8;
	v7 =	vmax.f32 v3, $0.0e+00;
	v1 =	vadd.f32 v1, v6  }
0xd7: {  	v3 =	vld [tilespmem:s17+$0x5040];
	[tilespmem:s12+$0x4040] =	vst v7;
	v6 =	vmax.f32 v2, $0.0e+00;
	v0 =	vadd.f32 v0, v10  }
0xd8: {  	v2 =	vld [tilespmem:s17+$0x5050];
	[tilespmem:s12+$0x4050] =	vst v6;
	v6 =	vmax.f32 v1, $0.0e+00  }
0xd9: {  	v1 =	vld [tilespmem:s17+$0x5060];
	[tilespmem:s12+$0x4060] =	vst v6;
	v6 =	vmax.f32 v0, $0.0e+00  }
0xda: {  	v0 =	vld [tilespmem:s17+$0x5070];
	[tilespmem:s12+$0x4070] =	vst v6;
	s12 =	smov.u32 s17  }
0xdb: {  	v6 =	vld [tilespmem:s12+$0x4000]  }
0xdc: {  	v11 =	vld [tilespmem:s12+$0x4010]  }
.Ltmp4:
0xdd: {  	v10 =	vld [tilespmem:s12+$0x4020];
	(pc) =	sbr.rel @p1 .LBB2_10-.Ltmp4, $4  }
0xde: {  	v9 =	vld [tilespmem:s12+$0x4030]  }
0xdf: {  	v8 =	vld [tilespmem:s12+$0x4040]  }
0xe0: {  	v12 =	vadd.f32 v13, v6;
	v7 =	vld [tilespmem:s12+$0x4050]  }
0xe1: {  	s16 =	sadd.s32 $0x200, s16;
	v11 =	vadd.f32 v14, v11;
	v6 =	vld [tilespmem:s12+$0x4060]  }
0xe2: {  	v12 =	vmax.f32 v12, $0.0e+00;
	v5 =	vadd.f32 v5, v10;
	v63 =	vld [tilespmem:s12+$0x4070]  }
0xe3: {  	[tilespmem:s12+$0x4000] =	vst v12;
	v11 =	vmax.f32 v11, $0.0e+00;
	v4 =	vadd.f32 v4, v9  }
0xe4: {  	[tilespmem:s12+$0x4010] =	vst v11;
	v5 =	vmax.f32 v5, $0.0e+00;
	v3 =	vadd.f32 v3, v8  }
0xe5: {  	[tilespmem:s12+$0x4020] =	vst v5;
	v4 =	vmax.f32 v4, $0.0e+00;
	v2 =	vadd.f32 v2, v7  }
0xe6: {  	[tilespmem:s12+$0x4030] =	vst v4;
	v3 =	vmax.f32 v3, $0.0e+00;
	v1 =	vadd.f32 v1, v6  }
0xe7: {  	[tilespmem:s12+$0x4040] =	vst v3;
	v2 =	vmax.f32 v2, $0.0e+00;
	v0 =	vadd.f32 v0, v63  }
0xe8: {  	[tilespmem:s12+$0x4050] =	vst v2;
	v1 =	vmax.f32 v1, $0.0e+00  }
0xe9: {  	[tilespmem:s12+$0x4060] =	vst v1;
	v0 =	vmax.f32 v0, $0.0e+00  }
0xea: {  	[tilespmem:s12+$0x4070] =	vst v0  }
0xeb: {  	v0 =	vld [tilespmem:$0x3E00];
	_ =	sdelay $0x4  }
0xec: {  	v0 =	vshrl.u32 v0, $0x10;
	_ =	sdelay $0x1  }
0xed: {  	s11 =	sadd.s32 $0x1, s11  }
0xee: {  	p1 =	sne.s32 s11, $0x5  }
.Ltmp5:
0xef: {  	_ = 	snop;
	(pc) =	sbr.rel @p1 .LBB2_2-.Ltmp5, $4  }
0xf0: {  	[spmem:s2] =	stream.indirect_vreg.scatter.add.f32 [tilespmem:s22], [sflag:$0x3], $0x80, v0, vm0, $0xb8;
	[tilespmem:$0x19880] =	vst v63  }
0xf1: {  	_ =	swait.ge [sflag:s31], $0x800  }
0xf2: {  	[sflag:s31] =	ssyncset.done $0x0  }
0xf3: {  	[sflag:s31] =	ssyncadd.s32 $0xFFFFF800  }
0xf4: {  	[bflag:$0x0] =	sbarrier.arrive $0xFFFF  }
0xf5: {  	s11 =	rddreg [dreg:$0x7]  }
0xf6: {  	[hbm:s11], [sflag:s10] =	dma.local [spmem:s9], $0xD00  }
0xf7: {  	_ =	swait.ge [sflag:s21], $0xD00  }
0xf8: {  	[sflag:s21] =	ssyncset.done $0x0  }
0xf9: {  	s18 =	rddreg [dreg:$0x8];
	[sflag:s21] =	ssyncadd.s32 $0xFFFFF300  }
0xfa: {  	[hbm:s18], [sflag:s10] =	dma.local [spmem:s24], $0xD00  }
0xfb: {  	_ =	swait.ge [sflag:s21], $0xD00  }
0xfc: {  	[sflag:s21] =	ssyncset.done $0x0  }
0xfd: {  	s19 =	rddreg [dreg:$0x9];
	[sflag:s21] =	ssyncadd.s32 $0xFFFFF300  }
0xfe: {  	[hbm:s19], [sflag:s10] =	dma.local [spmem:s25], $0xD00  }
0xff: {  	_ =	swait.ge [sflag:s21], $0xD00  }
0x100: {  	[sflag:s21] =	ssyncset.done $0x0  }
0x101: {  	s9 =	rddreg [dreg:$0xa];
	[sflag:s21] =	ssyncadd.s32 $0xFFFFF300  }
0x102: {  	[hbm:s9], [sflag:s10] =	dma.local @!p0 [spmem:s8], $0x100  }
0x103: {  	s8 =	simm.s32 @!p0 $0x5  }
0x104: {  	_ =	swait.ge @!p0 [sflag:s8], $0x100  }
0x105: {  	s1 =	sadd.s32 $0x1, s1;
	s20 =	rddreg [dreg:$0xb]  }
0x106: {  	p1 =	sne.s32 s1, s20  }
.Ltmp6:
0x107: {  	_ = 	snop;
	(pc) =	sbr.rel @p1 .LBB2_1-.Ltmp6, $3  }
0x108: {  	_ =	sdelay $0x1  }
0x109: {  	[sflag:s8] =	ssyncset.done @!p0 $0x0  }
0x10a: {  	[sflag:s8] =	ssyncadd.s32 @!p0 $0xFFFFFF00  }
0x10b: {  	_ =	sfence.sel $0x180000  }
0x10c: {  	[bflag:$0x0] =	sbarrier.arrive $0xFFFF  }
0x10d: {  	_ =	strace $0x90000047  }
0x10e: {  	s0 =	stileid.u32;
	[bflag:$0x2] =	sbarrier.arrive $0xFFFF  }
0x10f: {  	p0 =	sne.s32 s0, $0x0;
	s0 =	rddreg [dreg:$0x2]  }
0x110: {  	s0 =	sadd.s32 @!p0 $0x100000, s0  }
0x111: {  	[sflag:s0] =	ssyncadd.tile.s32 @!p0 $0x1;
	_ =	shalt  }
.Lfunc_end2:
_tile_overlayer_lowered:
.L_overlay_start_2:
0x112: {  	(tag) =	ssettag $0x2  }
0x113: {  	s0 =	rddreg [dreg:$0x0];
	s2 =	stileid.u32  }
0x114: {  	s1 =	rddreg [dreg:$0x1];
	p0 =	sne.s32 s2, $0x0  }
0x115: {  	s3 =	rddreg [dreg:$0x2];
	[bflag:$0x3] =	sbarrier.arrive $0xFFFF;
	s2 =	simm.s32 @!p0 $0x1C05  }
0x116: {  	[timem:s3], [sflag:s2] =	dma.local @!p0 [hbm:s0], s1  }
0x117: {  	s0 =	simm.s32 @!p0 $0x5  }
0x118: {  	_ =	swait.ge @!p0 [sflag:s0], s1  }
0x119: {  	s1 =	ssub.s32 @!p0 $0x0, s1;
	[sflag:s0] =	ssyncset.done @!p0 $0x0  }
0x11a: {  	[sflag:s0] =	ssyncadd.s32 @!p0 s1  }
0x11b: {  	[bflag:$0x3] =	sbarrier.arrive $0xFFFF  }
0x11c: {  	_ =	shalt  }

// kernel: kernel.14.cloned.1.call-start
scs
__scs_entry_jumppad:
0x0: {  	(pc) =	sbr.rel $0x88, $3  }
0x1: {  	(tag) =	ssettag $0x0;
	lr =	simm.s32 $0x1  }
0x2: {  	[smem:$0x3F80] =	sst lr;
	_ =	strace $0xD0000000  }
0x3: {  	_ = 	snop  }
0x4: {  	_ = 	snop  }
0x5: {  	_ = 	snop  }
0x6: {  	_ = 	snop  }
0x7: {  	_ = 	snop  }
__scs_overlays_trampoline_lowered:
0x8: {  	[smem:$0x3F8F] =	sst s0  }
0x9: {  	[smem:$0x3F90] =	sst s1  }
0xa: {  	[smem:$0x3F91] =	sst s2  }
0xb: {  	[smem:$0x3F92] =	sst s3  }
0xc: {  	[smem:$0x3F93] =	sst s4  }
0xd: {  	[smem:$0x3F94] =	sst s5  }
0xe: {  	[smem:$0x3F95] =	sst s6  }
0xf: {  	[smem:$0x3F96] =	sst s7  }
0x10: {  	[smem:$0x3F97] =	sst s8  }
0x11: {  	[smem:$0x3F98] =	sst s9;
	s0 =	simm.s32 @!p0 $0x0  }
0x12: {  	s1 =	sld [smem:$0x3F7E];
	s0 =	simm.s32 @p0 $0x1  }
0x13: {  	[smem:$0x3F99] =	sst s0;
	s0 =	simm.s32 @!p1 $0x0  }
0x14: {  	s2 =	sld [smem:$0x3F7D];
	s0 =	simm.s32 @p1 $0x1  }
0x15: {  	[smem:$0x3F9A] =	sst s0;
	s0 =	simm.s32 @!p2 $0x0  }
0x16: {  	s3 =	sld [smem:$0x3FDB];
	s0 =	simm.s32 @p2 $0x1  }
0x17: {  	s4 =	simm.s32 $0x1BF5;
	[smem:$0x3F9C] =	sst s0  }
0x18: {  	s0 =	sld [smem:$0x3F7F];
	_ =	swait.ge [sflag:s4], $0x0  }
0x19: {  	s7 =	sld [smem:$0x3F80]  }
0x1a: {  	s8 =	sadd.s32 $0xFFFFE003, lr  }
0x1b: {  	s9 =	sadd.s32 $0xFFFFFEF7, lr;
	s5 =	simm.s32 $0xFFFFFFFF;
	p2 =	slt.u32 s8, $0xFFFFF086  }
0x1c: {  	p1 =	slt.u32 s9, $0xF7A;
	s5 =	simm.s32 @!p2 $0x0  }
0x1d: {  	s5 =	simm.s32 @p1 $0x1;
	p0 =	seq.s32 s7, s2  }
0x1e: {  	s7 =	smul.u32 @!p0 $0xF7A, s2;
	p2 =	seq.s32 @!p0 s5, $0x0  }
0x1f: {  	s9 =	smul.u32 $0xF7A, s1;
	s8 =	simm.s32 @!p0 $0x1BF5;
	p2 =	por !p2, p0  }
0x20: {  	[sflag:s8] =	ssyncset.s32 @!p0 $0xFFFFF086;
	s6 =	sadd.s32 @!p0 s3, s7;
	s7 =	simm.s32 @!p0 $0x108  }
0x21: {  	s3 =	sadd.s32 s3, s9;
	s6 =	sadd.s32 @!p0 $0x88, s6;
	s7 =	simm.s32 @p2 $0x1082  }
0x22: {  	[simem:s7], [sflag:s8] =	dma.local @!p0 [hbm:s6], $0xF7A  }
0x23: {  	s9 =	sor.u32 $0xD0000000, s2;
	s6 =	simm.s32 $0x108;
	_ =	swait.ge @!p0 [sflag:s8], $0x0  }
0x24: {  	s3 =	sadd.s32 $0x88, s3;
	s6 =	simm.s32 @!p1 $0x1082;
	[sflag:s4] =	ssyncset.s32 $0xFFFFF086  }
0x25: {  	[simem:s6], [sflag:s4] =	dma.local [hbm:s3], $0xF7A  }
0x26: {  	[smem:$0x3F80] =	sst s1;
	(tag) =	ssettag s2;
	_ =	strace s9  }
0x27: {  	s1 =	sld [smem:$0x3F90]  }
0x28: {  	s2 =	sld [smem:$0x3F91]  }
0x29: {  	s4 =	sld [smem:$0x3F93]  }
0x2a: {  	p0 =	seq.s32 s5, $0x0;
	s5 =	sld [smem:$0x3F94]  }
0x2b: {  	s6 =	sld [smem:$0x3F95]  }
0x2c: {  	s7 =	sld [smem:$0x3F96]  }
0x2d: {  	s3 =	simm.s32 $0x108;
	s8 =	sld [smem:$0x3F97]  }
0x2e: {  	s3 =	simm.s32 @!p0 $0x1082;
	s9 =	sld [smem:$0x3F98]  }
0x2f: {  	lr =	sadd.s32 s0, s3;
	s0 =	sld [smem:$0x3F8F]  }
0x30: {  	s3 =	sld [smem:$0x3F92]  }
0x31: {  	[smem:$0x3F9B] =	sst s10  }
0x32: {  	s10 =	sld [smem:$0x3F99];
	_ =	sdelay $0x3  }
0x33: {  	p0 =	seq.s32 s10, $0x1;
	s10 =	sld [smem:$0x3F9B];
	_ =	sdelay $0x3  }
0x34: {  	[smem:$0x3F9B] =	sst s10  }
0x35: {  	s10 =	sld [smem:$0x3F9A];
	_ =	sdelay $0x3  }
0x36: {  	p1 =	seq.s32 s10, $0x1;
	s10 =	sld [smem:$0x3F9B];
	_ =	sdelay $0x3  }
0x37: {  	[smem:$0x3F9B] =	sst s10  }
0x38: {  	s10 =	sld [smem:$0x3F9C]  }
0x39: {  	_ = 	snop;
	(pc) =	sbr.ind lr, $3  }
0x3a: {  	_ = 	snop  }
0x3b: {  	_ = 	snop  }
0x3c: {  	p2 =	seq.s32 s10, $0x1;
	s10 =	sld [smem:$0x3F9B]  }
0x3d: {  	_ =	shalt  }
0x3e: {  	_ =	shalt  }
0x3f: {  	_ =	shalt  }
0x40: {  	_ =	shalt  }
0x41: {  	_ =	shalt  }
0x42: {  	_ =	shalt  }
0x43: {  	_ =	shalt  }
0x44: {  	_ =	shalt  }
0x45: {  	_ =	shalt  }
0x46: {  	_ =	shalt  }
0x47: {  	_ =	shalt  }
0x48: {  	_ =	shalt  }
0x49: {  	_ =	shalt  }
0x4a: {  	_ =	shalt  }
0x4b: {  	_ =	shalt  }
0x4c: {  	_ =	shalt  }
0x4d: {  	_ =	shalt  }
0x4e: {  	_ =	shalt  }
0x4f: {  	_ =	shalt  }
0x50: {  	_ =	shalt  }
0x51: {  	_ =	shalt  }
0x52: {  	_ =	shalt  }
0x53: {  	_ =	shalt  }
0x54: {  	_ =	shalt  }
0x55: {  	_ =	shalt  }
0x56: {  	_ =	shalt  }
0x57: {  	_ =	shalt  }
0x58: {  	_ =	shalt  }
0x59: {  	_ =	shalt  }
0x5a: {  	_ =	shalt  }
0x5b: {  	_ =	shalt  }
0x5c: {  	_ =	shalt  }
0x5d: {  	_ =	shalt  }
0x5e: {  	_ =	shalt  }
0x5f: {  	_ =	shalt  }
0x60: {  	_ =	shalt  }
0x61: {  	_ =	shalt  }
0x62: {  	_ =	shalt  }
0x63: {  	_ =	shalt  }
0x64: {  	_ =	shalt  }
0x65: {  	_ =	shalt  }
0x66: {  	_ =	shalt  }
0x67: {  	_ =	shalt  }
0x68: {  	_ =	shalt  }
0x69: {  	_ =	shalt  }
0x6a: {  	_ =	shalt  }
0x6b: {  	_ =	shalt  }
0x6c: {  	_ =	shalt  }
0x6d: {  	_ =	shalt  }
0x6e: {  	_ =	shalt  }
0x6f: {  	_ =	shalt  }
0x70: {  	_ =	shalt  }
0x71: {  	_ =	shalt  }
0x72: {  	_ =	shalt  }
0x73: {  	_ =	shalt  }
0x74: {  	_ =	shalt  }
0x75: {  	_ =	shalt  }
0x76: {  	_ =	shalt  }
0x77: {  	_ =	shalt  }
0x78: {  	_ =	shalt  }
0x79: {  	_ =	shalt  }
0x7a: {  	_ =	shalt  }
0x7b: {  	_ =	shalt  }
0x7c: {  	_ =	shalt  }
0x7d: {  	_ =	shalt  }
0x7e: {  	_ =	shalt  }
0x7f: {  	_ =	shalt  }
0x80: {  	_ =	shalt  }
0x81: {  	_ =	shalt  }
0x82: {  	_ =	shalt  }
0x83: {  	_ =	shalt  }
0x84: {  	_ =	shalt  }
0x85: {  	_ =	shalt  }
0x86: {  	_ =	shalt  }
0x87: {  	_ =	shalt  }
.Lfunc_end0:
.L_simem_size_0:
called_computation.1_lowered:
.L_overlay_start_0:
0x88: {  	s2 =	sld [smem:$0x3FD9]  }
0x89: {  	s3 =	sld [smem:$0x3FFE];
	_ =	sdelay $0x1  }
0x8a: {  	s1 =	srdreg.scid  }
0x8b: {  	s0 =	sand.u32 $0x1, s1  }
0x8c: {  	s16 =	sshll.u32 s0, $0xA;
	s2 =	sadd.s32 s3, s2  }
0x8d: {  	s2 =	sadd.s32 s2, s16  }
0x8e: {  	[smem:$0x3FA7] =	sst s2  }
0x8f: {  	_ = 	snop  }
0x90: {  	(tm) =	ssettm $0x1  }
0x91: {  	s17 =	sld [smem:$0x3FFB];
	_ =	sdelay $0x3  }
0x92: {  	_ =	strace s17  }
0x93: {  	s2 =	sld [smem:$0x3FFC];
	_ =	sdelay $0x3  }
0x94: {  	_ =	strace s2  }
0x95: {  	s2 =	sld [smem:$0x3FFD];
	_ =	sdelay $0x3  }
0x96: {  	_ =	strace s2  }
0x97: {  	_ =	strace $0x8FFFFFFF  }
0x98: {  	s18 =	sld [smem:$0x3FDB];
	_ =	sdelay $0x1  }
0x99: {  	s19 =	simm.s32 $_scs_section_size  }
0x9a: {  	s4 =	simm.s32 $_size__tile_overlayer_lowered;
	s5 =	simm.s32 $_tile_overlayer_lowered  }
0x9b: {  	s22 =	simm.s32 $0x1BFF;
	s21 =	sshll.u32 s5, $0x1;
	s2 =	sadd.s32 s19, s18  }
0x9c: {  	s6 =	simm.s32 $0x0;
	s20 =	sshll.u32 s4, $0x1;
	s4 =	sadd.s32 s21, s2  }
0x9d: {  	[timem:s6], [sflag:s22] =	dma.local [hbm:s4], s20  }
0x9e: {  	_ =	swait.ge [sflag:s22], s20  }
0x9f: {  	s3 =	ssub.s32 $0x0, s20;
	[sflag:s22] =	ssyncset.done $0x0  }
0xa0: {  	[sflag:s22] =	ssyncadd.s32 s3;
	_ =	sdelay $0x1  }
0xa1: {  	s23 =	simm.s32 $0x1B8B  }
0xa2: {  	_ =	swait.ge [sflag:s23], $0x1  }
0xa3: {  	[sflag:s23] =	ssyncset.done $0x0  }
0xa4: {  	s25 =	simm.s32 $0x1B8E;
	s24 =	sld [smem:$0x3FFE];
	[sflag:s23] =	ssyncadd.s32 $0xFFFFFFFF  }
0xa5: {  	s26 =	simm.s32 $execute0_lowered;
	[smem:$0x3FD2] =	sst s25  }
0xa6: {  	s4 =	sshll.u32 s26, $0x1;
	_ =	strace $0x80000049;
	[dreg:$0x1] =	wrdreg $0xFFFFFFFF  }
0xa7: {  	s28 =	simm.s32 $_size_execute0_lowered;
	s2 =	sadd.s32 s2, s4;
	[dreg:$0x0] =	wrdreg $0x0  }
0xa8: {  	s4 =	sshll.u32 s28, $0x1;
	[dreg:$0x2] =	wrdreg s2  }
0xa9: {  	[dreg:$0x3] =	wrdreg s4  }
0xaa: {  	[dreg:$0x4] =	wrdreg $0xC0  }
0xab: {  	_ =	task [dreg:s6], $0x5FFFF  }
0xac: {  	[dreg:$0x1] =	wrdreg $0xFFFFFFFF  }
0xad: {  	[dreg:$0x0] =	wrdreg $0x60  }
0xae: {  	[dreg:$0x2] =	wrdreg s24  }
0xaf: {  	[dreg:$0x3] =	wrdreg $0x60000  }
0xb0: {  	[dreg:$0x4] =	wrdreg $0x9  }
0xb1: {  	_ =	task.clear_ibuf [dreg:s6], $0x5FFFF;
	_ =	strace $0x90000049  }
0xb2: {  	s29 =	simm.s32 $0x9;
	_ =	strace $0x8000004B  }
0xb3: {  	_ =	swait.ge [sflag:s29], $0x1  }
0xb4: {  	[sflag:s29] =	ssyncadd.s32 $0xFFFFFFFF  }
0xb5: {  	_ =	strace $0x9000004B  }
0xb6: {  	_ =	sfence  }
0xb7: {  	s30 =	sld [smem:$0x0];
	_ =	sdelay $0x2  }
0xb8: {  	s31 =	sshll.u32 s1, $0xD;
	s1 =	sshrl.u32 s1, $0x2  }
0xb9: {  	s3 =	sand.u32 $0x4000, s31;
	s1 =	sadd.s32 s1, s30  }
0xba: {  	s0 =	sor.u32 s3, s0;
	s1 =	sshll.u32 s1, $0x11  }
0xbb: {  	s0 =	sor.u32 s1, s0  }
0xbc: {  	s0 =	sadd.s32 $0x8F2B, s0  }
0xbd: {  	[sflag:s0] =	ssyncadd.remote.s32 $0x1  }
0xbe: {  	_ =	sfence.sel $0xFFFF  }
0xbf: {  	[dreg:$0x0] =	wrdreg $0xFFFFFFFF;
	(pc) =	sbr.abs _section_cstart, $3  }
0xc0: {  	[dreg:$0x1] =	wrdreg $0xFFFFFFFF  }
0xc1: {  	_ =	task.clear_ibuf [dreg:s6], $0x2FFFF;
	_ =	strace $0x9FFFFFFF  }
0xc2: {  	(tm) =	ssettm $0x7FFFFFFF  }
0xc3: {  	_ =	shalt  }
tec
execute0_lowered:
.L_overlay_start_1:
0x0: {  	(tag) =	ssettag $0x1  }
0x1: {  	s0 =	rddreg [dreg:$0x0]  }
0x2: {  	s2 =	rddreg [dreg:$0x1]  }
0x3: {  	s3 =	simm.s32 $0x0;
	s18 =	stileid.u32;
	s7 =	srdreg.scid  }
0x4: {  	s28 =	simm.s32 $0x4800;
	s29 =	simm.s32 $0x5800;
	s30 =	simm.s32 $0x1  }
0x5: {  	[smem:$0x7FF] =	sst s3;
	s1 =	smul.u32 $0x13800, s18;
	s4 =	sadd.s32 $0x537400, s0  }
0x6: {  	s31 =	simm.s32 $0x2;
	s5 =	sadd.s32 $0x55E600, s0;
	s6 =	sadd.s32 $0x4E7400, s0  }
0x7: {  	s9 =	sand.u32 $0x1, s7;
	s23 =	smul.u32 $0x4E000, s18;
	s11 =	sadd.s32 $0x2C600, s0  }
0x8: {  	s16 =	sshll.u32 s18, $0x6;
	s15 =	smul.u32 $0x14000, s18;
	s17 =	sadd.s32 $0x138000, s2  }
0x9: {  	s20 =	sadd.s32 $0x2C400, s0;
	p0 =	sne.s32 s18, $0xF;
	_ =	strace $0x8000004A  }
0xa: {  	s10 =	sshll.u32 s9, $0x4;
	s26 =	smul.u32 $0x140000, s9;
	[dreg:$0x5] =	wrdreg s17  }
0xb: {  	s12 =	ssub.s32 $0x2, s9;
	[dreg:$0x6] =	wrdreg s20;
	s9 =	smul.u32 $0x138800, s9  }
0xc: {  	s8 =	sshrl.u32 s1, $0x3;
	s13 =	sor.u32 s18, s10;
	s24 =	sshrl.u32 s12, $0x1  }
0xd: {  	s14 =	sshrl.u32 s23, $0x2;
	s10 =	sor.u32 $0x1C05, s16;
	s21 =	sadd.s32 $0x6800, s1  }
0xe: {  	s8 =	sadd.s32 s8, s0;
	s7 =	smul.u32 $0x2710, s13;
	s12 =	ssub.s32 s12, s24  }
0xf: {  	s25 =	sadd.s32 s14, s2;
	s19 =	smul.u32 $0x138800, s13;
	s13 =	sadd.s32 s15, s26  }
0x10: {  	s14 =	sadd.s32 $0xA40600, s0;
	s22 =	sadd.s32 s1, s9;
	s17 =	sadd.s32 s9, s21  }
0x11: {  	s1 =	sadd.s32 $0xD000, s1;
	s0 =	sadd.s32 s21, s2;
	[dreg:$0x3] =	wrdreg s25  }
0x12: {  	s8 =	sadd.s32 $0x5400, s8;
	s17 =	sshrl.u32 s17, $0x3;
	s24 =	sadd.s32 s9, s1  }
0x13: {  	s9 =	sshrl.u32 s9, $0x3;
	s1 =	sadd.s32 s1, s2;
	s26 =	smax.u32 s12, $0x1  }
0x14: {  	s0 =	sshrl.u32 s0, $0x3;
	[dreg:$0x4] =	wrdreg s8;
	s15 =	sadd.s32 $0x10, s7  }
0x15: {  	s16 =	sadd.s32 $0x2710000, s19;
	s8 =	sshrl.u32 s22, $0x3;
	s23 =	sadd.s32 s11, s17  }
0x16: {  	s25 =	sadd.s32 s11, s9;
	[dreg:$0xb] =	wrdreg s26;
	s22 =	simm.s32 $0x5  }
0x17: {  	[dreg:$0xc] =	wrdreg s0;
	s26 =	simm.s32 $0x5000;
	s8 =	sadd.s32 s11, s8  }
0x18: {  	s0 =	simm.s32 $0x3;
	[dreg:$0x7] =	wrdreg s8;
	s8 =	sshrl.u32 s24, $0x3  }
0x19: {  	[dreg:$0x8] =	wrdreg s23;
	s23 =	simm.s32 $0x4000;
	s8 =	sadd.s32 s11, s8  }
0x1a: {  	[dreg:$0x9] =	wrdreg s8;
	s8 =	sadd.s32 $0x27000, s25;
	s25 =	sshrl.u32 s1, $0x3  }
0x1b: {  	vm0 =	vmmov $0xffff;
	s1 =	simm.s32 $0x4;
	[dreg:$0xa] =	wrdreg s8;
	s8 =	simm.s32 $0x0  }
.LBB2_1:
0x1c: {  	s9 =	rddreg [dreg:$0x3]  }
0x1d: {  	s24 =	rddreg [dreg:$0x4];
	s11 =	sshrl.u32 s9, $0x3  }
0x1e: {  	[spmem:s11], [sflag:s10] =	dma.local [hbm:s24], $0x2700  }
0x1f: {  	_ =	swait.ge [sflag:s22], $0x2700  }
0x20: {  	[sflag:s22] =	ssyncset.done $0x0;
	s9 =	rddreg [dreg:$0x5]  }
0x21: {  	s12 =	rddreg [dreg:$0x6];
	[sflag:s22] =	ssyncadd.s32 $0xFFFFD900;
	s9 =	sshrl.u32 @!p0 s9, $0x3  }
0x22: {  	[spmem:s9], [sflag:s10] =	dma.local @!p0 [hbm:s12], $0x100  }
0x23: {  	s12 =	simm.s32 @!p0 $0x5  }
0x24: {  	_ =	swait.ge @!p0 [sflag:s12], $0x100  }
0x25: {  	[sflag:s12] =	ssyncset.done @!p0 $0x0  }
0x26: {  	[sflag:s12] =	ssyncadd.s32 @!p0 $0xFFFFFF00  }
0x27: {  	s12 =	simm.s32 $0x0;
	[bflag:$0x0] =	sbarrier.arrive $0xFFFF  }
.LBB2_2:
0x28: {  	s17 =	sshll.u32 s12, $0xE  }
0x29: {  	s17 =	sadd.s32 s17, s13  }
0x2a: {  	s17 =	sshrl.u32 s17, $0x3  }
0x2b: {  	s18 =	sadd.s32 s6, s17;
	s17 =	simm.s32 $0x0  }
0x2c: {  	[tilespmem:s17], [sflag:$0x5] =	stream.linear.gather [hbm4b:s18+s17], $0x3E80, $0x38;
	[tilespmem:$0x19880] =	vst v63  }
0x2d: {  	_ =	swait.ge [sflag:s22], $0x3E80  }
0x2e: {  	[sflag:s22] =	ssyncset.done $0x0  }
0x2f: {  	[sflag:s22] =	ssyncadd.s32 $0xFFFFC180  }
0x30: {  	v0 =	vld [tilespmem:$0x0];
	_ =	sdelay $0x4  }
0x31: {  	v0 =	vand.u32 $0xFFFF, v0  }
0x32: {  	s24 =	smul.u32 $0x7D0, s12;
	_ =	sdelay $0x1  }
0x33: {  	s19 =	sadd.s32 s7, s24  }
0x34: {  	s19 =	sshll.u32 s19, $0x4  }
0x35: {  	[tilespmem:s23], [sflag:$0x1] =	stream.indirect_vreg.gather [hbm4b:s4+s17], $0x80, v0, vm0, $0xb8;
	[tilespmem:$0x19880] =	vst v63  }
0x36: {  	s19 =	sadd.s32 s19, s14  }
0x37: {  	[tilespmem:s26], [sflag:$0x1] =	stream.linear.gather [hbm4b:s19+s17], $0x800, $0x38;
	[tilespmem:$0x19880] =	vst v63  }
0x38: {  	v0 =	vld [tilespmem:$0x80];
	_ =	sdelay $0x4  }
0x39: {  	v0 =	vand.u32 $0xFFFF, v0;
	_ =	sdelay $0x2  }
0x3a: {  	s18 =	sadd.s32 s24, s15  }
0x3b: {  	s18 =	sshll.u32 s18, $0x4  }
0x3c: {  	[tilespmem:s28], [sflag:$0x2] =	stream.indirect_vreg.gather [hbm4b:s4+s17], $0x80, v0, vm0, $0xb8;
	[tilespmem:$0x19880] =	vst v63  }
0x3d: {  	s18 =	sadd.s32 s18, s14  }
0x3e: {  	[tilespmem:s29], [sflag:$0x2] =	stream.linear.gather [hbm4b:s18+s17], $0x800, $0x38;
	[tilespmem:$0x19880] =	vst v63  }
0x3f: {  	s18 =	smul.u32 $0x7D, s12  }
.LBB2_3:
0x40: {  	_ =	swait.ge [sflag:s30], $0x800  }
0x41: {  	[sflag:s30] =	ssyncset.done $0x0  }
0x42: {  	[sflag:s30] =	ssyncadd.s32 $0xFFFFF800  }
0x43: {  	_ =	swait.ge [sflag:s30], $0x800  }
0x44: {  	[sflag:s30] =	ssyncset.done $0x0  }
0x45: {  	s19 =	simm.s32 $0x0;
	[sflag:s30] =	ssyncadd.s32 $0xFFFFF800  }
0x46: {  	v6 =	vld [tilespmem:s19+$0x5000]  }
0x47: {  	v11 =	vld [tilespmem:s19+$0x5010]  }
0x48: {  	v5 =	vld [tilespmem:s19+$0x5020]  }
0x49: {  	v4 =	vld [tilespmem:s19+$0x5030]  }
0x4a: {  	v3 =	vld [tilespmem:s19+$0x5040]  }
0x4b: {  	v2 =	vld [tilespmem:s19+$0x5050]  }
0x4c: {  	v1 =	vld [tilespmem:s19+$0x5060]  }
0x4d: {  	v0 =	vld [tilespmem:s19+$0x5070]  }
0x4e: {  	v12 =	vld [tilespmem:s19+$0x4000]  }
0x4f: {  	v13 =	vld [tilespmem:s19+$0x4010]  }
0x50: {  	v10 =	vld [tilespmem:s19+$0x4020]  }
0x51: {  	v9 =	vld [tilespmem:s19+$0x4030]  }
0x52: {  	v8 =	vld [tilespmem:s19+$0x4040]  }
0x53: {  	v7 =	vld [tilespmem:s19+$0x4050];
	v12 =	vadd.f32 v6, v12  }
0x54: {  	s20 =	simm.s32 $0x200;
	v11 =	vadd.f32 v11, v13;
	v6 =	vld [tilespmem:s19+$0x4060]  }
.LBB2_4:
0x55: {  	s21 =	sshra.s32 s20, $0x2;
	p1 =	sne.s32 s20, $0x1E00;
	v12 =	vmax.f32 v12, $0.0e+00;
	v5 =	vadd.f32 v5, v10;
	v10 =	vld [tilespmem:s19+$0x4070]  }
0x56: {  	v13 =	vld [tilespmem:s21+$0x5000];
	[tilespmem:s19+$0x4000] =	vst v12;
	v11 =	vmax.f32 v11, $0.0e+00;
	v4 =	vadd.f32 v4, v9  }
0x57: {  	v14 =	vld [tilespmem:s21+$0x5010];
	[tilespmem:s19+$0x4010] =	vst v11;
	v9 =	vmax.f32 v5, $0.0e+00;
	v3 =	vadd.f32 v3, v8  }
0x58: {  	v5 =	vld [tilespmem:s21+$0x5020];
	[tilespmem:s19+$0x4020] =	vst v9;
	v8 =	vmax.f32 v4, $0.0e+00;
	v2 =	vadd.f32 v2, v7  }
0x59: {  	v4 =	vld [tilespmem:s21+$0x5030];
	[tilespmem:s19+$0x4030] =	vst v8;
	v7 =	vmax.f32 v3, $0.0e+00;
	v1 =	vadd.f32 v1, v6  }
0x5a: {  	v3 =	vld [tilespmem:s21+$0x5040];
	[tilespmem:s19+$0x4040] =	vst v7;
	v6 =	vmax.f32 v2, $0.0e+00;
	v0 =	vadd.f32 v0, v10  }
0x5b: {  	v2 =	vld [tilespmem:s21+$0x5050];
	[tilespmem:s19+$0x4050] =	vst v6;
	v6 =	vmax.f32 v1, $0.0e+00  }
0x5c: {  	v1 =	vld [tilespmem:s21+$0x5060];
	[tilespmem:s19+$0x4060] =	vst v6;
	v6 =	vmax.f32 v0, $0.0e+00  }
0x5d: {  	v0 =	vld [tilespmem:s21+$0x5070];
	[tilespmem:s19+$0x4070] =	vst v6;
	s19 =	smov.u32 s21  }
0x5e: {  	v6 =	vld [tilespmem:s19+$0x4000]  }
0x5f: {  	v11 =	vld [tilespmem:s19+$0x4010]  }
.Ltmp0:
0x60: {  	v10 =	vld [tilespmem:s19+$0x4020];
	(pc) =	sbr.rel @p1 .LBB2_4-.Ltmp0, $4  }
0x61: {  	v9 =	vld [tilespmem:s19+$0x4030]  }
0x62: {  	v8 =	vld [tilespmem:s19+$0x4040]  }
0x63: {  	v12 =	vadd.f32 v13, v6;
	v7 =	vld [tilespmem:s19+$0x4050]  }
0x64: {  	s20 =	sadd.s32 $0x200, s20;
	v11 =	vadd.f32 v14, v11;
	v6 =	vld [tilespmem:s19+$0x4060]  }
0x65: {  	v12 =	vmax.f32 v12, $0.0e+00;
	v5 =	vadd.f32 v5, v10;
	v10 =	vld [tilespmem:s19+$0x4070]  }
0x66: {  	[tilespmem:s19+$0x4000] =	vst v12;
	v11 =	vmax.f32 v11, $0.0e+00;
	v4 =	vadd.f32 v4, v9  }
0x67: {  	[tilespmem:s19+$0x4010] =	vst v11;
	v5 =	vmax.f32 v5, $0.0e+00;
	v3 =	vadd.f32 v3, v8  }
0x68: {  	[tilespmem:s19+$0x4020] =	vst v5;
	v4 =	vmax.f32 v4, $0.0e+00;
	v2 =	vadd.f32 v2, v7  }
0x69: {  	[tilespmem:s19+$0x4030] =	vst v4;
	v3 =	vmax.f32 v3, $0.0e+00;
	v1 =	vadd.f32 v1, v6  }
0x6a: {  	[tilespmem:s19+$0x4040] =	vst v3;
	v2 =	vmax.f32 v2, $0.0e+00;
	v0 =	vadd.f32 v0, v10  }
0x6b: {  	[tilespmem:s19+$0x4050] =	vst v2;
	v1 =	vmax.f32 v1, $0.0e+00  }
0x6c: {  	s20 =	sshll.u32 s17, $0x8;
	[tilespmem:s19+$0x4060] =	vst v1;
	v0 =	vmax.f32 v0, $0.0e+00  }
0x6d: {  	[tilespmem:s19+$0x4070] =	vst v0;
	s19 =	sand.u32 $0x3FFFFF00, s20  }
0x6e: {  	v0 =	vld [tilespmem:s19+$0x0];
	_ =	sdelay $0x4  }
0x6f: {  	v0 =	vshrl.u32 v0, $0x10;
	_ =	sdelay $0x4  }
0x70: {  	[spmem:s2] =	stream.indirect_vreg.scatter.add.f32 [tilespmem:s23], [sflag:$0x3], $0x80, v0, vm0, $0xb8;
	[tilespmem:$0x19880] =	vst v63  }
0x71: {  	_ =	swait.ge [sflag:s31], $0x800  }
0x72: {  	[sflag:s31] =	ssyncset.done $0x0  }
0x73: {  	[sflag:s31] =	ssyncadd.s32 $0xFFFFF800  }
0x74: {  	_ =	swait.ge [sflag:s31], $0x800  }
0x75: {  	[sflag:s31] =	ssyncset.done $0x0  }
0x76: {  	s20 =	simm.s32 $0x0;
	[sflag:s31] =	ssyncadd.s32 $0xFFFFF800  }
0x77: {  	v6 =	vld [tilespmem:s20+$0x5800]  }
0x78: {  	v11 =	vld [tilespmem:s20+$0x5810]  }
0x79: {  	v5 =	vld [tilespmem:s20+$0x5820]  }
0x7a: {  	v4 =	vld [tilespmem:s20+$0x5830]  }
0x7b: {  	v3 =	vld [tilespmem:s20+$0x5840]  }
0x7c: {  	v2 =	vld [tilespmem:s20+$0x5850]  }
0x7d: {  	v1 =	vld [tilespmem:s20+$0x5860]  }
0x7e: {  	v0 =	vld [tilespmem:s20+$0x5870]  }
0x7f: {  	v12 =	vld [tilespmem:s20+$0x4800]  }
0x80: {  	v13 =	vld [tilespmem:s20+$0x4810]  }
0x81: {  	v10 =	vld [tilespmem:s20+$0x4820]  }
0x82: {  	v9 =	vld [tilespmem:s20+$0x4830]  }
0x83: {  	v8 =	vld [tilespmem:s20+$0x4840]  }
0x84: {  	v7 =	vld [tilespmem:s20+$0x4850];
	v12 =	vadd.f32 v6, v12  }
0x85: {  	s21 =	simm.s32 $0x200;
	v11 =	vadd.f32 v11, v13;
	v6 =	vld [tilespmem:s20+$0x4860]  }
.LBB2_6:
0x86: {  	s24 =	sshra.s32 s21, $0x2;
	p1 =	sne.s32 s21, $0x1E00;
	v12 =	vmax.f32 v12, $0.0e+00;
	v5 =	vadd.f32 v5, v10;
	v10 =	vld [tilespmem:s20+$0x4870]  }
0x87: {  	v13 =	vld [tilespmem:s24+$0x5800];
	[tilespmem:s20+$0x4800] =	vst v12;
	v11 =	vmax.f32 v11, $0.0e+00;
	v4 =	vadd.f32 v4, v9  }
0x88: {  	v14 =	vld [tilespmem:s24+$0x5810];
	[tilespmem:s20+$0x4810] =	vst v11;
	v9 =	vmax.f32 v5, $0.0e+00;
	v3 =	vadd.f32 v3, v8  }
0x89: {  	v5 =	vld [tilespmem:s24+$0x5820];
	[tilespmem:s20+$0x4820] =	vst v9;
	v8 =	vmax.f32 v4, $0.0e+00;
	v2 =	vadd.f32 v2, v7  }
0x8a: {  	v4 =	vld [tilespmem:s24+$0x5830];
	[tilespmem:s20+$0x4830] =	vst v8;
	v7 =	vmax.f32 v3, $0.0e+00;
	v1 =	vadd.f32 v1, v6  }
0x8b: {  	v3 =	vld [tilespmem:s24+$0x5840];
	[tilespmem:s20+$0x4840] =	vst v7;
	v6 =	vmax.f32 v2, $0.0e+00;
	v0 =	vadd.f32 v0, v10  }
0x8c: {  	v2 =	vld [tilespmem:s24+$0x5850];
	[tilespmem:s20+$0x4850] =	vst v6;
	v6 =	vmax.f32 v1, $0.0e+00  }
0x8d: {  	v1 =	vld [tilespmem:s24+$0x5860];
	[tilespmem:s20+$0x4860] =	vst v6;
	v6 =	vmax.f32 v0, $0.0e+00  }
0x8e: {  	v0 =	vld [tilespmem:s24+$0x5870];
	[tilespmem:s20+$0x4870] =	vst v6;
	s20 =	smov.u32 s24  }
0x8f: {  	v6 =	vld [tilespmem:s20+$0x4800]  }
0x90: {  	v11 =	vld [tilespmem:s20+$0x4810]  }
.Ltmp1:
0x91: {  	v10 =	vld [tilespmem:s20+$0x4820];
	(pc) =	sbr.rel @p1 .LBB2_6-.Ltmp1, $4  }
0x92: {  	v9 =	vld [tilespmem:s20+$0x4830]  }
0x93: {  	v8 =	vld [tilespmem:s20+$0x4840]  }
0x94: {  	v12 =	vadd.f32 v13, v6;
	v7 =	vld [tilespmem:s20+$0x4850]  }
0x95: {  	s21 =	sadd.s32 $0x200, s21;
	v11 =	vadd.f32 v14, v11;
	v6 =	vld [tilespmem:s20+$0x4860]  }
0x96: {  	v12 =	vmax.f32 v12, $0.0e+00;
	v5 =	vadd.f32 v5, v10;
	v62 =	vld [tilespmem:s20+$0x4870]  }
0x97: {  	[tilespmem:s20+$0x4800] =	vst v12;
	v11 =	vmax.f32 v11, $0.0e+00;
	v4 =	vadd.f32 v4, v9  }
0x98: {  	[tilespmem:s20+$0x4810] =	vst v11;
	v5 =	vmax.f32 v5, $0.0e+00;
	v3 =	vadd.f32 v3, v8  }
0x99: {  	[tilespmem:s20+$0x4820] =	vst v5;
	v4 =	vmax.f32 v4, $0.0e+00;
	v2 =	vadd.f32 v2, v7  }
0x9a: {  	[tilespmem:s20+$0x4830] =	vst v4;
	v3 =	vmax.f32 v3, $0.0e+00;
	v1 =	vadd.f32 v1, v6  }
0x9b: {  	[tilespmem:s20+$0x4840] =	vst v3;
	v2 =	vmax.f32 v2, $0.0e+00;
	v0 =	vadd.f32 v0, v62  }
0x9c: {  	[tilespmem:s20+$0x4850] =	vst v2;
	v1 =	vmax.f32 v1, $0.0e+00  }
0x9d: {  	[tilespmem:s20+$0x4860] =	vst v1;
	v0 =	vmax.f32 v0, $0.0e+00  }
0x9e: {  	[tilespmem:s20+$0x4870] =	vst v0  }
0x9f: {  	v0 =	vld [tilespmem:s19+$0x80];
	_ =	sdelay $0x4  }
0xa0: {  	v0 =	vshrl.u32 v0, $0x10;
	_ =	sdelay $0x3  }
0xa1: {  	s19 =	sshll.u32 s17, $0x1  }
0xa2: {  	[spmem:s2] =	stream.indirect_vreg.scatter.add.f32 [tilespmem:s28], [sflag:$0x4], $0x80, v0, vm0, $0xb8;
	[tilespmem:$0x19880] =	vst v63  }
0xa3: {  	s24 =	sadd.s32 $0x2, s19;
	_ =	swait.ge [sflag:s0], $0x800  }
0xa4: {  	s21 =	sshll.u32 s24, $0x7;
	[sflag:s0] =	ssyncset.done $0x0  }
0xa5: {  	s21 =	sand.u32 $0x3FFFFF00, s21;
	[sflag:s0] =	ssyncadd.s32 $0xFFFFF800  }
0xa6: {  	v63 =	vld [tilespmem:s21+$0x0];
	_ =	sdelay $0x4  }
0xa7: {  	v0 =	vand.u32 $0xFFFF, v63  }
0xa8: {  	s20 =	sadd.s32 s18, s24  }
0xa9: {  	s20 =	sshll.u32 s20, $0xB  }
0xaa: {  	s20 =	sadd.s32 s20, s16  }
0xab: {  	p1 =	seq.s32 s17, $0x3D;
	s20 =	sshrl.u32 s20, $0x3  }
0xac: {  	[tilespmem:s23], [sflag:$0x1] =	stream.indirect_vreg.gather [hbm4b:s4+s3], $0x80, v0, vm0, $0xb8;
	[tilespmem:$0x19880] =	vst v63  }
.Ltmp2:
0xad: {  	s20 =	sadd.s32 s5, s20;
	(pc) =	sbr.rel @p1 .LBB2_9-.Ltmp2, $4  }
0xae: {  	[tilespmem:s26], [sflag:$0x1] =	stream.linear.gather [hbm4b:s20+s3], $0x800, $0x38;
	[tilespmem:$0x19880] =	vst v63  }
0xaf: {  	_ =	swait.ge [sflag:s1], $0x800  }
0xb0: {  	[sflag:s1] =	ssyncset.done $0x0  }
0xb1: {  	[sflag:s1] =	ssyncadd.s32 $0xFFFFF800  }
0xb2: {  	s19 =	sadd.s32 $0x3, s19  }
0xb3: {  	s20 =	sshll.u32 s19, $0x7  }
0xb4: {  	s20 =	sand.u32 $0x3FFFFF80, s20  }
0xb5: {  	v0 =	vld [tilespmem:s20+$0x0];
	_ =	sdelay $0x4  }
0xb6: {  	v0 =	vand.u32 $0xFFFF, v0  }
0xb7: {  	s19 =	sadd.s32 s18, s19  }
0xb8: {  	s19 =	sshll.u32 s19, $0xB  }
.Ltmp3:
0xb9: {  	s19 =	sadd.s32 s19, s16;
	(pc) =	sbr.rel .LBB2_3-.Ltmp3, $4  }
0xba: {  	s19 =	sshrl.u32 s19, $0x3  }
0xbb: {  	[tilespmem:s28], [sflag:$0x2] =	stream.indirect_vreg.gather [hbm4b:s4+s3], $0x80, v0, vm0, $0xb8;
	[tilespmem:$0x19880] =	vst v63  }
0xbc: {  	s17 =	sadd.s32 $0x1, s17;
	s19 =	sadd.s32 s5, s19  }
0xbd: {  	[tilespmem:s29], [sflag:$0x2] =	stream.linear.gather [hbm4b:s19+s3], $0x800, $0x38;
	[tilespmem:$0x19880] =	vst v63  }
.LBB2_9:
0xbe: {  	_ =	swait.ge [sflag:s30], $0x800  }
0xbf: {  	[sflag:s30] =	ssyncset.done $0x0  }
0xc0: {  	[sflag:s30] =	ssyncadd.s32 $0xFFFFF800  }
0xc1: {  	_ =	swait.ge [sflag:s30], $0x800  }
0xc2: {  	[sflag:s30] =	ssyncset.done $0x0  }
0xc3: {  	s17 =	simm.s32 $0x0;
	[sflag:s30] =	ssyncadd.s32 $0xFFFFF800  }
0xc4: {  	v6 =	vld [tilespmem:s17+$0x5000]  }
0xc5: {  	v11 =	vld [tilespmem:s17+$0x5010]  }
0xc6: {  	v5 =	vld [tilespmem:s17+$0x5020]  }
0xc7: {  	v4 =	vld [tilespmem:s17+$0x5030]  }
0xc8: {  	v3 =	vld [tilespmem:s17+$0x5040]  }
0xc9: {  	v2 =	vld [tilespmem:s17+$0x5050]  }
0xca: {  	v1 =	vld [tilespmem:s17+$0x5060]  }
0xcb: {  	v0 =	vld [tilespmem:s17+$0x5070]  }
0xcc: {  	v12 =	vld [tilespmem:s17+$0x4000]  }
0xcd: {  	v13 =	vld [tilespmem:s17+$0x4010]  }
0xce: {  	v10 =	vld [tilespmem:s17+$0x4020]  }
0xcf: {  	v9 =	vld [tilespmem:s17+$0x4030]  }
0xd0: {  	v8 =	vld [tilespmem:s17+$0x4040]  }
0xd1: {  	v7 =	vld [tilespmem:s17+$0x4050];
	v12 =	vadd.f32 v6, v12  }
0xd2: {  	s18 =	simm.s32 $0x200;
	v11 =	vadd.f32 v11, v13;
	v6 =	vld [tilespmem:s17+$0x4060]  }
.LBB2_10:
0xd3: {  	s19 =	sshra.s32 s18, $0x2;
	p1 =	sne.s32 s18, $0x1E00;
	v12 =	vmax.f32 v12, $0.0e+00;
	v5 =	vadd.f32 v5, v10;
	v10 =	vld [tilespmem:s17+$0x4070]  }
0xd4: {  	v13 =	vld [tilespmem:s19+$0x5000];
	[tilespmem:s17+$0x4000] =	vst v12;
	v11 =	vmax.f32 v11, $0.0e+00;
	v4 =	vadd.f32 v4, v9  }
0xd5: {  	v14 =	vld [tilespmem:s19+$0x5010];
	[tilespmem:s17+$0x4010] =	vst v11;
	v9 =	vmax.f32 v5, $0.0e+00;
	v3 =	vadd.f32 v3, v8  }
0xd6: {  	v5 =	vld [tilespmem:s19+$0x5020];
	[tilespmem:s17+$0x4020] =	vst v9;
	v8 =	vmax.f32 v4, $0.0e+00;
	v2 =	vadd.f32 v2, v7  }
0xd7: {  	v4 =	vld [tilespmem:s19+$0x5030];
	[tilespmem:s17+$0x4030] =	vst v8;
	v7 =	vmax.f32 v3, $0.0e+00;
	v1 =	vadd.f32 v1, v6  }
0xd8: {  	v3 =	vld [tilespmem:s19+$0x5040];
	[tilespmem:s17+$0x4040] =	vst v7;
	v6 =	vmax.f32 v2, $0.0e+00;
	v0 =	vadd.f32 v0, v10  }
0xd9: {  	v2 =	vld [tilespmem:s19+$0x5050];
	[tilespmem:s17+$0x4050] =	vst v6;
	v6 =	vmax.f32 v1, $0.0e+00  }
0xda: {  	v1 =	vld [tilespmem:s19+$0x5060];
	[tilespmem:s17+$0x4060] =	vst v6;
	v6 =	vmax.f32 v0, $0.0e+00  }
0xdb: {  	v0 =	vld [tilespmem:s19+$0x5070];
	[tilespmem:s17+$0x4070] =	vst v6;
	s17 =	smov.u32 s19  }
0xdc: {  	v6 =	vld [tilespmem:s17+$0x4000]  }
0xdd: {  	v11 =	vld [tilespmem:s17+$0x4010]  }
.Ltmp4:
0xde: {  	v10 =	vld [tilespmem:s17+$0x4020];
	(pc) =	sbr.rel @p1 .LBB2_10-.Ltmp4, $4  }
0xdf: {  	v9 =	vld [tilespmem:s17+$0x4030]  }
0xe0: {  	v8 =	vld [tilespmem:s17+$0x4040]  }
0xe1: {  	v12 =	vadd.f32 v13, v6;
	v7 =	vld [tilespmem:s17+$0x4050]  }
0xe2: {  	s18 =	sadd.s32 $0x200, s18;
	v11 =	vadd.f32 v14, v11;
	v6 =	vld [tilespmem:s17+$0x4060]  }
0xe3: {  	v12 =	vmax.f32 v12, $0.0e+00;
	v5 =	vadd.f32 v5, v10;
	v63 =	vld [tilespmem:s17+$0x4070]  }
0xe4: {  	[tilespmem:s17+$0x4000] =	vst v12;
	v11 =	vmax.f32 v11, $0.0e+00;
	v4 =	vadd.f32 v4, v9  }
0xe5: {  	[tilespmem:s17+$0x4010] =	vst v11;
	v5 =	vmax.f32 v5, $0.0e+00;
	v3 =	vadd.f32 v3, v8  }
0xe6: {  	[tilespmem:s17+$0x4020] =	vst v5;
	v4 =	vmax.f32 v4, $0.0e+00;
	v2 =	vadd.f32 v2, v7  }
0xe7: {  	[tilespmem:s17+$0x4030] =	vst v4;
	v3 =	vmax.f32 v3, $0.0e+00;
	v1 =	vadd.f32 v1, v6  }
0xe8: {  	[tilespmem:s17+$0x4040] =	vst v3;
	v2 =	vmax.f32 v2, $0.0e+00;
	v0 =	vadd.f32 v0, v63  }
0xe9: {  	[tilespmem:s17+$0x4050] =	vst v2;
	v1 =	vmax.f32 v1, $0.0e+00  }
0xea: {  	[tilespmem:s17+$0x4060] =	vst v1;
	v0 =	vmax.f32 v0, $0.0e+00  }
0xeb: {  	[tilespmem:s17+$0x4070] =	vst v0  }
0xec: {  	v0 =	vld [tilespmem:$0x3E00];
	_ =	sdelay $0x4  }
0xed: {  	v0 =	vshrl.u32 v0, $0x10;
	_ =	sdelay $0x1  }
0xee: {  	s12 =	sadd.s32 $0x1, s12  }
0xef: {  	p1 =	sne.s32 s12, $0x5  }
.Ltmp5:
0xf0: {  	_ = 	snop;
	(pc) =	sbr.rel @p1 .LBB2_2-.Ltmp5, $4  }
0xf1: {  	[spmem:s2] =	stream.indirect_vreg.scatter.add.f32 [tilespmem:s23], [sflag:$0x3], $0x80, v0, vm0, $0xb8;
	[tilespmem:$0x19880] =	vst v63  }
0xf2: {  	_ =	swait.ge [sflag:s0], $0x800  }
0xf3: {  	[sflag:s0] =	ssyncset.done $0x0  }
0xf4: {  	[sflag:s0] =	ssyncadd.s32 $0xFFFFF800  }
0xf5: {  	[bflag:$0x0] =	sbarrier.arrive $0xFFFF  }
0xf6: {  	s12 =	rddreg [dreg:$0x7]  }
0xf7: {  	[hbm:s12], [sflag:s10] =	dma.local [spmem:s11], $0xD00  }
0xf8: {  	_ =	swait.ge [sflag:s22], $0xD00  }
0xf9: {  	[sflag:s22] =	ssyncset.done $0x0;
	s19 =	rddreg [dreg:$0x8]  }
0xfa: {  	s20 =	rddreg [dreg:$0xc];
	[sflag:s22] =	ssyncadd.s32 $0xFFFFF300  }
0xfb: {  	[hbm:s19], [sflag:s10] =	dma.local [spmem:s20], $0xD00  }
0xfc: {  	_ =	swait.ge [sflag:s22], $0xD00  }
0xfd: {  	[sflag:s22] =	ssyncset.done $0x0  }
0xfe: {  	s21 =	rddreg [dreg:$0x9];
	[sflag:s22] =	ssyncadd.s32 $0xFFFFF300  }
0xff: {  	[hbm:s21], [sflag:s10] =	dma.local [spmem:s25], $0xD00  }
0x100: {  	_ =	swait.ge [sflag:s22], $0xD00  }
0x101: {  	[sflag:s22] =	ssyncset.done $0x0  }
0x102: {  	s11 =	rddreg [dreg:$0xa];
	[sflag:s22] =	ssyncadd.s32 $0xFFFFF300  }
0x103: {  	[hbm:s11], [sflag:s10] =	dma.local @!p0 [spmem:s9], $0x100  }
0x104: {  	s9 =	simm.s32 @!p0 $0x5  }
0x105: {  	_ =	swait.ge @!p0 [sflag:s9], $0x100  }
0x106: {  	s8 =	sadd.s32 $0x1, s8;
	s24 =	rddreg [dreg:$0xb]  }
0x107: {  	p1 =	sne.s32 s8, s24  }
.Ltmp6:
0x108: {  	_ = 	snop;
	(pc) =	sbr.rel @p1 .LBB2_1-.Ltmp6, $3  }
0x109: {  	_ =	sdelay $0x1  }
0x10a: {  	[sflag:s9] =	ssyncset.done @!p0 $0x0  }
0x10b: {  	[sflag:s9] =	ssyncadd.s32 @!p0 $0xFFFFFF00  }
0x10c: {  	_ =	sfence.sel $0x180000  }
0x10d: {  	[bflag:$0x0] =	sbarrier.arrive $0xFFFF  }
0x10e: {  	_ =	strace $0x9000004A  }
0x10f: {  	s0 =	stileid.u32;
	[bflag:$0x2] =	sbarrier.arrive $0xFFFF  }
0x110: {  	p0 =	sne.s32 s0, $0x0;
	s0 =	rddreg [dreg:$0x2]  }
0x111: {  	s0 =	sadd.s32 @!p0 $0x100000, s0  }
0x112: {  	[sflag:s0] =	ssyncadd.tile.s32 @!p0 $0x1;
	_ =	shalt  }
.Lfunc_end2:
_tile_overlayer_lowered:
.L_overlay_start_2:
0x113: {  	(tag) =	ssettag $0x2  }
0x114: {  	s0 =	rddreg [dreg:$0x0];
	s2 =	stileid.u32  }
0x115: {  	s1 =	rddreg [dreg:$0x1];
	p0 =	sne.s32 s2, $0x0  }
0x116: {  	s3 =	rddreg [dreg:$0x2];
	[bflag:$0x3] =	sbarrier.arrive $0xFFFF;
	s2 =	simm.s32 @!p0 $0x1C05  }
0x117: {  	[timem:s3], [sflag:s2] =	dma.local @!p0 [hbm:s0], s1  }
0x118: {  	s0 =	simm.s32 @!p0 $0x5  }
0x119: {  	_ =	swait.ge @!p0 [sflag:s0], s1  }
0x11a: {  	s1 =	ssub.s32 @!p0 $0x0, s1;
	[sflag:s0] =	ssyncset.done @!p0 $0x0  }
0x11b: {  	[sflag:s0] =	ssyncadd.s32 @!p0 s1  }
0x11c: {  	[bflag:$0x3] =	sbarrier.arrive $0xFFFF  }
0x11d: {  	_ =	shalt  }

// kernel: kernel.17.cloned.1.call-start
scs
__scs_entry_jumppad:
0x0: {  	(pc) =	sbr.rel $0x88, $3  }
0x1: {  	(tag) =	ssettag $0x0;
	lr =	simm.s32 $0x1  }
0x2: {  	[smem:$0x3F80] =	sst lr;
	_ =	strace $0xD0000000  }
0x3: {  	_ = 	snop  }
0x4: {  	_ = 	snop  }
0x5: {  	_ = 	snop  }
0x6: {  	_ = 	snop  }
0x7: {  	_ = 	snop  }
__scs_overlays_trampoline_lowered:
0x8: {  	[smem:$0x3F8F] =	sst s0  }
0x9: {  	[smem:$0x3F90] =	sst s1  }
0xa: {  	[smem:$0x3F91] =	sst s2  }
0xb: {  	[smem:$0x3F92] =	sst s3  }
0xc: {  	[smem:$0x3F93] =	sst s4  }
0xd: {  	[smem:$0x3F94] =	sst s5  }
0xe: {  	[smem:$0x3F95] =	sst s6  }
0xf: {  	[smem:$0x3F96] =	sst s7  }
0x10: {  	[smem:$0x3F97] =	sst s8  }
0x11: {  	[smem:$0x3F98] =	sst s9;
	s0 =	simm.s32 @!p0 $0x0  }
0x12: {  	s1 =	sld [smem:$0x3F7E];
	s0 =	simm.s32 @p0 $0x1  }
0x13: {  	[smem:$0x3F99] =	sst s0;
	s0 =	simm.s32 @!p1 $0x0  }
0x14: {  	s2 =	sld [smem:$0x3F7D];
	s0 =	simm.s32 @p1 $0x1  }
0x15: {  	[smem:$0x3F9A] =	sst s0;
	s0 =	simm.s32 @!p2 $0x0  }
0x16: {  	s3 =	sld [smem:$0x3FDB];
	s0 =	simm.s32 @p2 $0x1  }
0x17: {  	s4 =	simm.s32 $0x1BF5;
	[smem:$0x3F9C] =	sst s0  }
0x18: {  	s0 =	sld [smem:$0x3F7F];
	_ =	swait.ge [sflag:s4], $0x0  }
0x19: {  	s7 =	sld [smem:$0x3F80]  }
0x1a: {  	s8 =	sadd.s32 $0xFFFFE003, lr  }
0x1b: {  	s9 =	sadd.s32 $0xFFFFFEF7, lr;
	s5 =	simm.s32 $0xFFFFFFFF;
	p2 =	slt.u32 s8, $0xFFFFF086  }
0x1c: {  	p1 =	slt.u32 s9, $0xF7A;
	s5 =	simm.s32 @!p2 $0x0  }
0x1d: {  	s5 =	simm.s32 @p1 $0x1;
	p0 =	seq.s32 s7, s2  }
0x1e: {  	s7 =	smul.u32 @!p0 $0xF7A, s2;
	p2 =	seq.s32 @!p0 s5, $0x0  }
0x1f: {  	s9 =	smul.u32 $0xF7A, s1;
	s8 =	simm.s32 @!p0 $0x1BF5;
	p2 =	por !p2, p0  }
0x20: {  	[sflag:s8] =	ssyncset.s32 @!p0 $0xFFFFF086;
	s6 =	sadd.s32 @!p0 s3, s7;
	s7 =	simm.s32 @!p0 $0x108  }
0x21: {  	s3 =	sadd.s32 s3, s9;
	s6 =	sadd.s32 @!p0 $0x88, s6;
	s7 =	simm.s32 @p2 $0x1082  }
0x22: {  	[simem:s7], [sflag:s8] =	dma.local @!p0 [hbm:s6], $0xF7A  }
0x23: {  	s9 =	sor.u32 $0xD0000000, s2;
	s6 =	simm.s32 $0x108;
	_ =	swait.ge @!p0 [sflag:s8], $0x0  }
0x24: {  	s3 =	sadd.s32 $0x88, s3;
	s6 =	simm.s32 @!p1 $0x1082;
	[sflag:s4] =	ssyncset.s32 $0xFFFFF086  }
0x25: {  	[simem:s6], [sflag:s4] =	dma.local [hbm:s3], $0xF7A  }
0x26: {  	[smem:$0x3F80] =	sst s1;
	(tag) =	ssettag s2;
	_ =	strace s9  }
0x27: {  	s1 =	sld [smem:$0x3F90]  }
0x28: {  	s2 =	sld [smem:$0x3F91]  }
0x29: {  	s4 =	sld [smem:$0x3F93]  }
0x2a: {  	p0 =	seq.s32 s5, $0x0;
	s5 =	sld [smem:$0x3F94]  }
0x2b: {  	s6 =	sld [smem:$0x3F95]  }
0x2c: {  	s7 =	sld [smem:$0x3F96]  }
0x2d: {  	s3 =	simm.s32 $0x108;
	s8 =	sld [smem:$0x3F97]  }
0x2e: {  	s3 =	simm.s32 @!p0 $0x1082;
	s9 =	sld [smem:$0x3F98]  }
0x2f: {  	lr =	sadd.s32 s0, s3;
	s0 =	sld [smem:$0x3F8F]  }
0x30: {  	s3 =	sld [smem:$0x3F92]  }
0x31: {  	[smem:$0x3F9B] =	sst s10  }
0x32: {  	s10 =	sld [smem:$0x3F99];
	_ =	sdelay $0x3  }
0x33: {  	p0 =	seq.s32 s10, $0x1;
	s10 =	sld [smem:$0x3F9B];
	_ =	sdelay $0x3  }
0x34: {  	[smem:$0x3F9B] =	sst s10  }
0x35: {  	s10 =	sld [smem:$0x3F9A];
	_ =	sdelay $0x3  }
0x36: {  	p1 =	seq.s32 s10, $0x1;
	s10 =	sld [smem:$0x3F9B];
	_ =	sdelay $0x3  }
0x37: {  	[smem:$0x3F9B] =	sst s10  }
0x38: {  	s10 =	sld [smem:$0x3F9C]  }
0x39: {  	_ = 	snop;
	(pc) =	sbr.ind lr, $3  }
0x3a: {  	_ = 	snop  }
0x3b: {  	_ = 	snop  }
0x3c: {  	p2 =	seq.s32 s10, $0x1;
	s10 =	sld [smem:$0x3F9B]  }
0x3d: {  	_ =	shalt  }
0x3e: {  	_ =	shalt  }
0x3f: {  	_ =	shalt  }
0x40: {  	_ =	shalt  }
0x41: {  	_ =	shalt  }
0x42: {  	_ =	shalt  }
0x43: {  	_ =	shalt  }
0x44: {  	_ =	shalt  }
0x45: {  	_ =	shalt  }
0x46: {  	_ =	shalt  }
0x47: {  	_ =	shalt  }
0x48: {  	_ =	shalt  }
0x49: {  	_ =	shalt  }
0x4a: {  	_ =	shalt  }
0x4b: {  	_ =	shalt  }
0x4c: {  	_ =	shalt  }
0x4d: {  	_ =	shalt  }
0x4e: {  	_ =	shalt  }
0x4f: {  	_ =	shalt  }
0x50: {  	_ =	shalt  }
0x51: {  	_ =	shalt  }
0x52: {  	_ =	shalt  }
0x53: {  	_ =	shalt  }
0x54: {  	_ =	shalt  }
0x55: {  	_ =	shalt  }
0x56: {  	_ =	shalt  }
0x57: {  	_ =	shalt  }
0x58: {  	_ =	shalt  }
0x59: {  	_ =	shalt  }
0x5a: {  	_ =	shalt  }
0x5b: {  	_ =	shalt  }
0x5c: {  	_ =	shalt  }
0x5d: {  	_ =	shalt  }
0x5e: {  	_ =	shalt  }
0x5f: {  	_ =	shalt  }
0x60: {  	_ =	shalt  }
0x61: {  	_ =	shalt  }
0x62: {  	_ =	shalt  }
0x63: {  	_ =	shalt  }
0x64: {  	_ =	shalt  }
0x65: {  	_ =	shalt  }
0x66: {  	_ =	shalt  }
0x67: {  	_ =	shalt  }
0x68: {  	_ =	shalt  }
0x69: {  	_ =	shalt  }
0x6a: {  	_ =	shalt  }
0x6b: {  	_ =	shalt  }
0x6c: {  	_ =	shalt  }
0x6d: {  	_ =	shalt  }
0x6e: {  	_ =	shalt  }
0x6f: {  	_ =	shalt  }
0x70: {  	_ =	shalt  }
0x71: {  	_ =	shalt  }
0x72: {  	_ =	shalt  }
0x73: {  	_ =	shalt  }
0x74: {  	_ =	shalt  }
0x75: {  	_ =	shalt  }
0x76: {  	_ =	shalt  }
0x77: {  	_ =	shalt  }
0x78: {  	_ =	shalt  }
0x79: {  	_ =	shalt  }
0x7a: {  	_ =	shalt  }
0x7b: {  	_ =	shalt  }
0x7c: {  	_ =	shalt  }
0x7d: {  	_ =	shalt  }
0x7e: {  	_ =	shalt  }
0x7f: {  	_ =	shalt  }
0x80: {  	_ =	shalt  }
0x81: {  	_ =	shalt  }
0x82: {  	_ =	shalt  }
0x83: {  	_ =	shalt  }
0x84: {  	_ =	shalt  }
0x85: {  	_ =	shalt  }
0x86: {  	_ =	shalt  }
0x87: {  	_ =	shalt  }
.Lfunc_end0:
.L_simem_size_0:
called_computation.2_lowered:
.L_overlay_start_0:
0x88: {  	s2 =	sld [smem:$0x3FD9]  }
0x89: {  	s3 =	sld [smem:$0x3FFE];
	_ =	sdelay $0x1  }
0x8a: {  	s1 =	srdreg.scid  }
0x8b: {  	s0 =	sand.u32 $0x1, s1  }
0x8c: {  	s16 =	sshll.u32 s0, $0xA;
	s2 =	sadd.s32 s3, s2  }
0x8d: {  	s2 =	sadd.s32 s2, s16  }
0x8e: {  	[smem:$0x3FA7] =	sst s2  }
0x8f: {  	_ = 	snop  }
0x90: {  	(tm) =	ssettm $0x1  }
0x91: {  	s17 =	sld [smem:$0x3FFB];
	_ =	sdelay $0x3  }
0x92: {  	_ =	strace s17  }
0x93: {  	s2 =	sld [smem:$0x3FFC];
	_ =	sdelay $0x3  }
0x94: {  	_ =	strace s2  }
0x95: {  	s2 =	sld [smem:$0x3FFD];
	_ =	sdelay $0x3  }
0x96: {  	_ =	strace s2  }
0x97: {  	_ =	strace $0x8FFFFFFF  }
0x98: {  	s18 =	sld [smem:$0x3FDB];
	_ =	sdelay $0x1  }
0x99: {  	s19 =	simm.s32 $_scs_section_size  }
0x9a: {  	s4 =	simm.s32 $_size__tile_overlayer_lowered;
	s5 =	simm.s32 $_tile_overlayer_lowered  }
0x9b: {  	s22 =	simm.s32 $0x1BFF;
	s21 =	sshll.u32 s5, $0x1;
	s2 =	sadd.s32 s19, s18  }
0x9c: {  	s6 =	simm.s32 $0x0;
	s20 =	sshll.u32 s4, $0x1;
	s4 =	sadd.s32 s21, s2  }
0x9d: {  	[timem:s6], [sflag:s22] =	dma.local [hbm:s4], s20  }
0x9e: {  	_ =	swait.ge [sflag:s22], s20  }
0x9f: {  	s3 =	ssub.s32 $0x0, s20;
	[sflag:s22] =	ssyncset.done $0x0  }
0xa0: {  	[sflag:s22] =	ssyncadd.s32 s3;
	_ =	sdelay $0x1  }
0xa1: {  	s23 =	simm.s32 $0x1B8B  }
0xa2: {  	_ =	swait.ge [sflag:s23], $0x1  }
0xa3: {  	[sflag:s23] =	ssyncset.done $0x0  }
0xa4: {  	s25 =	simm.s32 $0x1B8E;
	s24 =	sld [smem:$0x3FFE];
	[sflag:s23] =	ssyncadd.s32 $0xFFFFFFFF  }
0xa5: {  	s26 =	simm.s32 $execute0_lowered;
	[smem:$0x3FD2] =	sst s25  }
0xa6: {  	s4 =	sshll.u32 s26, $0x1;
	_ =	strace $0x8000004C;
	[dreg:$0x1] =	wrdreg $0xFFFFFFFF  }
0xa7: {  	s28 =	simm.s32 $_size_execute0_lowered;
	s2 =	sadd.s32 s2, s4;
	[dreg:$0x0] =	wrdreg $0x0  }
0xa8: {  	s4 =	sshll.u32 s28, $0x1;
	[dreg:$0x2] =	wrdreg s2  }
0xa9: {  	[dreg:$0x3] =	wrdreg s4  }
0xaa: {  	[dreg:$0x4] =	wrdreg $0xC0  }
0xab: {  	_ =	task [dreg:s6], $0x5FFFF  }
0xac: {  	[dreg:$0x1] =	wrdreg $0xFFFFFFFF  }
0xad: {  	[dreg:$0x0] =	wrdreg $0x60  }
0xae: {  	[dreg:$0x2] =	wrdreg s24  }
0xaf: {  	[dreg:$0x3] =	wrdreg $0x60000  }
0xb0: {  	[dreg:$0x4] =	wrdreg $0x9  }
0xb1: {  	_ =	task.clear_ibuf [dreg:s6], $0x5FFFF;
	_ =	strace $0x9000004C  }
0xb2: {  	s29 =	simm.s32 $0x9;
	_ =	strace $0x8000004E  }
0xb3: {  	_ =	swait.ge [sflag:s29], $0x1  }
0xb4: {  	[sflag:s29] =	ssyncadd.s32 $0xFFFFFFFF  }
0xb5: {  	_ =	strace $0x9000004E  }
0xb6: {  	_ =	sfence  }
0xb7: {  	s30 =	sld [smem:$0x0];
	_ =	sdelay $0x2  }
0xb8: {  	s31 =	sshll.u32 s1, $0xD;
	s1 =	sshrl.u32 s1, $0x2  }
0xb9: {  	s3 =	sand.u32 $0x4000, s31;
	s1 =	sadd.s32 s1, s30  }
0xba: {  	s0 =	sor.u32 s3, s0;
	s1 =	sshll.u32 s1, $0x11  }
0xbb: {  	s0 =	sor.u32 s1, s0  }
0xbc: {  	s0 =	sadd.s32 $0x8F2B, s0  }
0xbd: {  	[sflag:s0] =	ssyncadd.remote.s32 $0x1  }
0xbe: {  	_ =	sfence.sel $0xFFFF  }
0xbf: {  	[dreg:$0x0] =	wrdreg $0xFFFFFFFF;
	(pc) =	sbr.abs _section_cstart, $3  }
0xc0: {  	[dreg:$0x1] =	wrdreg $0xFFFFFFFF  }
0xc1: {  	_ =	task.clear_ibuf [dreg:s6], $0x2FFFF;
	_ =	strace $0x9FFFFFFF  }
0xc2: {  	(tm) =	ssettm $0x7FFFFFFF  }
0xc3: {  	_ =	shalt  }
tec
execute0_lowered:
.L_overlay_start_1:
0x0: {  	(tag) =	ssettag $0x1  }
0x1: {  	s0 =	rddreg [dreg:$0x0]  }
0x2: {  	s2 =	rddreg [dreg:$0x1]  }
0x3: {  	s3 =	simm.s32 $0x0;
	s18 =	stileid.u32;
	s7 =	srdreg.scid  }
0x4: {  	s28 =	simm.s32 $0x4800;
	s29 =	simm.s32 $0x5800;
	s30 =	simm.s32 $0x1  }
0x5: {  	[smem:$0x7FF] =	sst s3;
	s1 =	smul.u32 $0x13800, s18;
	s4 =	sadd.s32 $0x537400, s0  }
0x6: {  	s31 =	simm.s32 $0x2;
	s5 =	sadd.s32 $0x55E600, s0;
	s6 =	sadd.s32 $0x4E7400, s0  }
0x7: {  	s9 =	sand.u32 $0x1, s7;
	s23 =	smul.u32 $0x4E000, s18;
	s11 =	sadd.s32 $0x2C600, s0  }
0x8: {  	s16 =	sshll.u32 s18, $0x6;
	s15 =	smul.u32 $0x14000, s18;
	s17 =	sadd.s32 $0x138000, s2  }
0x9: {  	s20 =	sadd.s32 $0x2C400, s0;
	p0 =	sne.s32 s18, $0xF;
	_ =	strace $0x8000004D  }
0xa: {  	s10 =	sshll.u32 s9, $0x4;
	s26 =	smul.u32 $0x140000, s9;
	[dreg:$0x5] =	wrdreg s17  }
0xb: {  	s12 =	ssub.s32 $0x2, s9;
	[dreg:$0x6] =	wrdreg s20;
	s9 =	smul.u32 $0x138800, s9  }
0xc: {  	s8 =	sshrl.u32 s1, $0x3;
	s13 =	sor.u32 s18, s10;
	s24 =	sshrl.u32 s12, $0x1  }
0xd: {  	s14 =	sshrl.u32 s23, $0x2;
	s10 =	sor.u32 $0x1C05, s16;
	s21 =	sadd.s32 $0x6800, s1  }
0xe: {  	s8 =	sadd.s32 s8, s0;
	s7 =	smul.u32 $0x2710, s13;
	s12 =	ssub.s32 s12, s24  }
0xf: {  	s25 =	sadd.s32 s14, s2;
	s19 =	smul.u32 $0x138800, s13;
	s13 =	sadd.s32 s15, s26  }
0x10: {  	s14 =	sadd.s32 $0xF22600, s0;
	s22 =	sadd.s32 s1, s9;
	s17 =	sadd.s32 s9, s21  }
0x11: {  	s1 =	sadd.s32 $0xD000, s1;
	s0 =	sadd.s32 s21, s2;
	[dreg:$0x3] =	wrdreg s25  }
0x12: {  	s8 =	sadd.s32 $0x5400, s8;
	s17 =	sshrl.u32 s17, $0x3;
	s24 =	sadd.s32 s9, s1  }
0x13: {  	s9 =	sshrl.u32 s9, $0x3;
	s1 =	sadd.s32 s1, s2;
	s26 =	smax.u32 s12, $0x1  }
0x14: {  	s0 =	sshrl.u32 s0, $0x3;
	[dreg:$0x4] =	wrdreg s8;
	s15 =	sadd.s32 $0x10, s7  }
0x15: {  	s16 =	sadd.s32 $0x4E20000, s19;
	s8 =	sshrl.u32 s22, $0x3;
	s23 =	sadd.s32 s11, s17  }
0x16: {  	s25 =	sadd.s32 s11, s9;
	[dreg:$0xb] =	wrdreg s26;
	s22 =	simm.s32 $0x5  }
0x17: {  	[dreg:$0xc] =	wrdreg s0;
	s26 =	simm.s32 $0x5000;
	s8 =	sadd.s32 s11, s8  }
0x18: {  	s0 =	simm.s32 $0x3;
	[dreg:$0x7] =	wrdreg s8;
	s8 =	sshrl.u32 s24, $0x3  }
0x19: {  	[dreg:$0x8] =	wrdreg s23;
	s23 =	simm.s32 $0x4000;
	s8 =	sadd.s32 s11, s8  }
0x1a: {  	[dreg:$0x9] =	wrdreg s8;
	s8 =	sadd.s32 $0x27000, s25;
	s25 =	sshrl.u32 s1, $0x3  }
0x1b: {  	vm0 =	vmmov $0xffff;
	s1 =	simm.s32 $0x4;
	[dreg:$0xa] =	wrdreg s8;
	s8 =	simm.s32 $0x0  }
.LBB2_1:
0x1c: {  	s9 =	rddreg [dreg:$0x3]  }
0x1d: {  	s24 =	rddreg [dreg:$0x4];
	s11 =	sshrl.u32 s9, $0x3  }
0x1e: {  	[spmem:s11], [sflag:s10] =	dma.local [hbm:s24], $0x2700  }
0x1f: {  	_ =	swait.ge [sflag:s22], $0x2700  }
0x20: {  	[sflag:s22] =	ssyncset.done $0x0;
	s9 =	rddreg [dreg:$0x5]  }
0x21: {  	s12 =	rddreg [dreg:$0x6];
	[sflag:s22] =	ssyncadd.s32 $0xFFFFD900;
	s9 =	sshrl.u32 @!p0 s9, $0x3  }
0x22: {  	[spmem:s9], [sflag:s10] =	dma.local @!p0 [hbm:s12], $0x100  }
0x23: {  	s12 =	simm.s32 @!p0 $0x5  }
0x24: {  	_ =	swait.ge @!p0 [sflag:s12], $0x100  }
0x25: {  	[sflag:s12] =	ssyncset.done @!p0 $0x0  }
0x26: {  	[sflag:s12] =	ssyncadd.s32 @!p0 $0xFFFFFF00  }
0x27: {  	s12 =	simm.s32 $0x0;
	[bflag:$0x0] =	sbarrier.arrive $0xFFFF  }
.LBB2_2:
0x28: {  	s17 =	sshll.u32 s12, $0xE  }
0x29: {  	s17 =	sadd.s32 s17, s13  }
0x2a: {  	s17 =	sshrl.u32 s17, $0x3  }
0x2b: {  	s18 =	sadd.s32 s6, s17;
	s17 =	simm.s32 $0x0  }
0x2c: {  	[tilespmem:s17], [sflag:$0x5] =	stream.linear.gather [hbm4b:s18+s17], $0x3E80, $0x38;
	[tilespmem:$0x19880] =	vst v63  }
0x2d: {  	_ =	swait.ge [sflag:s22], $0x3E80  }
0x2e: {  	[sflag:s22] =	ssyncset.done $0x0  }
0x2f: {  	[sflag:s22] =	ssyncadd.s32 $0xFFFFC180  }
0x30: {  	v0 =	vld [tilespmem:$0x0];
	_ =	sdelay $0x4  }
0x31: {  	v0 =	vand.u32 $0xFFFF, v0  }
0x32: {  	s24 =	smul.u32 $0x7D0, s12;
	_ =	sdelay $0x1  }
0x33: {  	s19 =	sadd.s32 s7, s24  }
0x34: {  	s19 =	sshll.u32 s19, $0x4  }
0x35: {  	[tilespmem:s23], [sflag:$0x1] =	stream.indirect_vreg.gather [hbm4b:s4+s17], $0x80, v0, vm0, $0xb8;
	[tilespmem:$0x19880] =	vst v63  }
0x36: {  	s19 =	sadd.s32 s19, s14  }
0x37: {  	[tilespmem:s26], [sflag:$0x1] =	stream.linear.gather [hbm4b:s19+s17], $0x800, $0x38;
	[tilespmem:$0x19880] =	vst v63  }
0x38: {  	v0 =	vld [tilespmem:$0x80];
	_ =	sdelay $0x4  }
0x39: {  	v0 =	vand.u32 $0xFFFF, v0;
	_ =	sdelay $0x2  }
0x3a: {  	s18 =	sadd.s32 s24, s15  }
0x3b: {  	s18 =	sshll.u32 s18, $0x4  }
0x3c: {  	[tilespmem:s28], [sflag:$0x2] =	stream.indirect_vreg.gather [hbm4b:s4+s17], $0x80, v0, vm0, $0xb8;
	[tilespmem:$0x19880] =	vst v63  }
0x3d: {  	s18 =	sadd.s32 s18, s14  }
0x3e: {  	[tilespmem:s29], [sflag:$0x2] =	stream.linear.gather [hbm4b:s18+s17], $0x800, $0x38;
	[tilespmem:$0x19880] =	vst v63  }
0x3f: {  	s18 =	smul.u32 $0x7D, s12  }
.LBB2_3:
0x40: {  	_ =	swait.ge [sflag:s30], $0x800  }
0x41: {  	[sflag:s30] =	ssyncset.done $0x0  }
0x42: {  	[sflag:s30] =	ssyncadd.s32 $0xFFFFF800  }
0x43: {  	_ =	swait.ge [sflag:s30], $0x800  }
0x44: {  	[sflag:s30] =	ssyncset.done $0x0  }
0x45: {  	s19 =	simm.s32 $0x0;
	[sflag:s30] =	ssyncadd.s32 $0xFFFFF800  }
0x46: {  	v6 =	vld [tilespmem:s19+$0x5000]  }
0x47: {  	v11 =	vld [tilespmem:s19+$0x5010]  }
0x48: {  	v5 =	vld [tilespmem:s19+$0x5020]  }
0x49: {  	v4 =	vld [tilespmem:s19+$0x5030]  }
0x4a: {  	v3 =	vld [tilespmem:s19+$0x5040]  }
0x4b: {  	v2 =	vld [tilespmem:s19+$0x5050]  }
0x4c: {  	v1 =	vld [tilespmem:s19+$0x5060]  }
0x4d: {  	v0 =	vld [tilespmem:s19+$0x5070]  }
0x4e: {  	v12 =	vld [tilespmem:s19+$0x4000]  }
0x4f: {  	v13 =	vld [tilespmem:s19+$0x4010]  }
0x50: {  	v10 =	vld [tilespmem:s19+$0x4020]  }
0x51: {  	v9 =	vld [tilespmem:s19+$0x4030]  }
0x52: {  	v8 =	vld [tilespmem:s19+$0x4040]  }
0x53: {  	v7 =	vld [tilespmem:s19+$0x4050];
	v12 =	vadd.f32 v6, v12  }
0x54: {  	s20 =	simm.s32 $0x200;
	v11 =	vadd.f32 v11, v13;
	v6 =	vld [tilespmem:s19+$0x4060]  }
.LBB2_4:
0x55: {  	s21 =	sshra.s32 s20, $0x2;
	p1 =	sne.s32 s20, $0x1E00;
	v12 =	vmax.f32 v12, $0.0e+00;
	v5 =	vadd.f32 v5, v10;
	v10 =	vld [tilespmem:s19+$0x4070]  }
0x56: {  	v13 =	vld [tilespmem:s21+$0x5000];
	[tilespmem:s19+$0x4000] =	vst v12;
	v11 =	vmax.f32 v11, $0.0e+00;
	v4 =	vadd.f32 v4, v9  }
0x57: {  	v14 =	vld [tilespmem:s21+$0x5010];
	[tilespmem:s19+$0x4010] =	vst v11;
	v9 =	vmax.f32 v5, $0.0e+00;
	v3 =	vadd.f32 v3, v8  }
0x58: {  	v5 =	vld [tilespmem:s21+$0x5020];
	[tilespmem:s19+$0x4020] =	vst v9;
	v8 =	vmax.f32 v4, $0.0e+00;
	v2 =	vadd.f32 v2, v7  }
0x59: {  	v4 =	vld [tilespmem:s21+$0x5030];
	[tilespmem:s19+$0x4030] =	vst v8;
	v7 =	vmax.f32 v3, $0.0e+00;
	v1 =	vadd.f32 v1, v6  }
0x5a: {  	v3 =	vld [tilespmem:s21+$0x5040];
	[tilespmem:s19+$0x4040] =	vst v7;
	v6 =	vmax.f32 v2, $0.0e+00;
	v0 =	vadd.f32 v0, v10  }
0x5b: {  	v2 =	vld [tilespmem:s21+$0x5050];
	[tilespmem:s19+$0x4050] =	vst v6;
	v6 =	vmax.f32 v1, $0.0e+00  }
0x5c: {  	v1 =	vld [tilespmem:s21+$0x5060];
	[tilespmem:s19+$0x4060] =	vst v6;
	v6 =	vmax.f32 v0, $0.0e+00  }
0x5d: {  	v0 =	vld [tilespmem:s21+$0x5070];
	[tilespmem:s19+$0x4070] =	vst v6;
	s19 =	smov.u32 s21  }
0x5e: {  	v6 =	vld [tilespmem:s19+$0x4000]  }
0x5f: {  	v11 =	vld [tilespmem:s19+$0x4010]  }
.Ltmp0:
0x60: {  	v10 =	vld [tilespmem:s19+$0x4020];
	(pc) =	sbr.rel @p1 .LBB2_4-.Ltmp0, $4  }
0x61: {  	v9 =	vld [tilespmem:s19+$0x4030]  }
0x62: {  	v8 =	vld [tilespmem:s19+$0x4040]  }
0x63: {  	v12 =	vadd.f32 v13, v6;
	v7 =	vld [tilespmem:s19+$0x4050]  }
0x64: {  	s20 =	sadd.s32 $0x200, s20;
	v11 =	vadd.f32 v14, v11;
	v6 =	vld [tilespmem:s19+$0x4060]  }
0x65: {  	v12 =	vmax.f32 v12, $0.0e+00;
	v5 =	vadd.f32 v5, v10;
	v10 =	vld [tilespmem:s19+$0x4070]  }
0x66: {  	[tilespmem:s19+$0x4000] =	vst v12;
	v11 =	vmax.f32 v11, $0.0e+00;
	v4 =	vadd.f32 v4, v9  }
0x67: {  	[tilespmem:s19+$0x4010] =	vst v11;
	v5 =	vmax.f32 v5, $0.0e+00;
	v3 =	vadd.f32 v3, v8  }
0x68: {  	[tilespmem:s19+$0x4020] =	vst v5;
	v4 =	vmax.f32 v4, $0.0e+00;
	v2 =	vadd.f32 v2, v7  }
0x69: {  	[tilespmem:s19+$0x4030] =	vst v4;
	v3 =	vmax.f32 v3, $0.0e+00;
	v1 =	vadd.f32 v1, v6  }
0x6a: {  	[tilespmem:s19+$0x4040] =	vst v3;
	v2 =	vmax.f32 v2, $0.0e+00;
	v0 =	vadd.f32 v0, v10  }
0x6b: {  	[tilespmem:s19+$0x4050] =	vst v2;
	v1 =	vmax.f32 v1, $0.0e+00  }
0x6c: {  	s20 =	sshll.u32 s17, $0x8;
	[tilespmem:s19+$0x4060] =	vst v1;
	v0 =	vmax.f32 v0, $0.0e+00  }
0x6d: {  	[tilespmem:s19+$0x4070] =	vst v0;
	s19 =	sand.u32 $0x3FFFFF00, s20  }
0x6e: {  	v0 =	vld [tilespmem:s19+$0x0];
	_ =	sdelay $0x4  }
0x6f: {  	v0 =	vshrl.u32 v0, $0x10;
	_ =	sdelay $0x4  }
0x70: {  	[spmem:s2] =	stream.indirect_vreg.scatter.add.f32 [tilespmem:s23], [sflag:$0x3], $0x80, v0, vm0, $0xb8;
	[tilespmem:$0x19880] =	vst v63  }
0x71: {  	_ =	swait.ge [sflag:s31], $0x800  }
0x72: {  	[sflag:s31] =	ssyncset.done $0x0  }
0x73: {  	[sflag:s31] =	ssyncadd.s32 $0xFFFFF800  }
0x74: {  	_ =	swait.ge [sflag:s31], $0x800  }
0x75: {  	[sflag:s31] =	ssyncset.done $0x0  }
0x76: {  	s20 =	simm.s32 $0x0;
	[sflag:s31] =	ssyncadd.s32 $0xFFFFF800  }
0x77: {  	v6 =	vld [tilespmem:s20+$0x5800]  }
0x78: {  	v11 =	vld [tilespmem:s20+$0x5810]  }
0x79: {  	v5 =	vld [tilespmem:s20+$0x5820]  }
0x7a: {  	v4 =	vld [tilespmem:s20+$0x5830]  }
0x7b: {  	v3 =	vld [tilespmem:s20+$0x5840]  }
0x7c: {  	v2 =	vld [tilespmem:s20+$0x5850]  }
0x7d: {  	v1 =	vld [tilespmem:s20+$0x5860]  }
0x7e: {  	v0 =	vld [tilespmem:s20+$0x5870]  }
0x7f: {  	v12 =	vld [tilespmem:s20+$0x4800]  }
0x80: {  	v13 =	vld [tilespmem:s20+$0x4810]  }
0x81: {  	v10 =	vld [tilespmem:s20+$0x4820]  }
0x82: {  	v9 =	vld [tilespmem:s20+$0x4830]  }
0x83: {  	v8 =	vld [tilespmem:s20+$0x4840]  }
0x84: {  	v7 =	vld [tilespmem:s20+$0x4850];
	v12 =	vadd.f32 v6, v12  }
0x85: {  	s21 =	simm.s32 $0x200;
	v11 =	vadd.f32 v11, v13;
	v6 =	vld [tilespmem:s20+$0x4860]  }
.LBB2_6:
0x86: {  	s24 =	sshra.s32 s21, $0x2;
	p1 =	sne.s32 s21, $0x1E00;
	v12 =	vmax.f32 v12, $0.0e+00;
	v5 =	vadd.f32 v5, v10;
	v10 =	vld [tilespmem:s20+$0x4870]  }
0x87: {  	v13 =	vld [tilespmem:s24+$0x5800];
	[tilespmem:s20+$0x4800] =	vst v12;
	v11 =	vmax.f32 v11, $0.0e+00;
	v4 =	vadd.f32 v4, v9  }
0x88: {  	v14 =	vld [tilespmem:s24+$0x5810];
	[tilespmem:s20+$0x4810] =	vst v11;
	v9 =	vmax.f32 v5, $0.0e+00;
	v3 =	vadd.f32 v3, v8  }
0x89: {  	v5 =	vld [tilespmem:s24+$0x5820];
	[tilespmem:s20+$0x4820] =	vst v9;
	v8 =	vmax.f32 v4, $0.0e+00;
	v2 =	vadd.f32 v2, v7  }
0x8a: {  	v4 =	vld [tilespmem:s24+$0x5830];
	[tilespmem:s20+$0x4830] =	vst v8;
	v7 =	vmax.f32 v3, $0.0e+00;
	v1 =	vadd.f32 v1, v6  }
0x8b: {  	v3 =	vld [tilespmem:s24+$0x5840];
	[tilespmem:s20+$0x4840] =	vst v7;
	v6 =	vmax.f32 v2, $0.0e+00;
	v0 =	vadd.f32 v0, v10  }
0x8c: {  	v2 =	vld [tilespmem:s24+$0x5850];
	[tilespmem:s20+$0x4850] =	vst v6;
	v6 =	vmax.f32 v1, $0.0e+00  }
0x8d: {  	v1 =	vld [tilespmem:s24+$0x5860];
	[tilespmem:s20+$0x4860] =	vst v6;
	v6 =	vmax.f32 v0, $0.0e+00  }
0x8e: {  	v0 =	vld [tilespmem:s24+$0x5870];
	[tilespmem:s20+$0x4870] =	vst v6;
	s20 =	smov.u32 s24  }
0x8f: {  	v6 =	vld [tilespmem:s20+$0x4800]  }
0x90: {  	v11 =	vld [tilespmem:s20+$0x4810]  }
.Ltmp1:
0x91: {  	v10 =	vld [tilespmem:s20+$0x4820];
	(pc) =	sbr.rel @p1 .LBB2_6-.Ltmp1, $4  }
0x92: {  	v9 =	vld [tilespmem:s20+$0x4830]  }
0x93: {  	v8 =	vld [tilespmem:s20+$0x4840]  }
0x94: {  	v12 =	vadd.f32 v13, v6;
	v7 =	vld [tilespmem:s20+$0x4850]  }
0x95: {  	s21 =	sadd.s32 $0x200, s21;
	v11 =	vadd.f32 v14, v11;
	v6 =	vld [tilespmem:s20+$0x4860]  }
0x96: {  	v12 =	vmax.f32 v12, $0.0e+00;
	v5 =	vadd.f32 v5, v10;
	v62 =	vld [tilespmem:s20+$0x4870]  }
0x97: {  	[tilespmem:s20+$0x4800] =	vst v12;
	v11 =	vmax.f32 v11, $0.0e+00;
	v4 =	vadd.f32 v4, v9  }
0x98: {  	[tilespmem:s20+$0x4810] =	vst v11;
	v5 =	vmax.f32 v5, $0.0e+00;
	v3 =	vadd.f32 v3, v8  }
0x99: {  	[tilespmem:s20+$0x4820] =	vst v5;
	v4 =	vmax.f32 v4, $0.0e+00;
	v2 =	vadd.f32 v2, v7  }
0x9a: {  	[tilespmem:s20+$0x4830] =	vst v4;
	v3 =	vmax.f32 v3, $0.0e+00;
	v1 =	vadd.f32 v1, v6  }
0x9b: {  	[tilespmem:s20+$0x4840] =	vst v3;
	v2 =	vmax.f32 v2, $0.0e+00;
	v0 =	vadd.f32 v0, v62  }
0x9c: {  	[tilespmem:s20+$0x4850] =	vst v2;
	v1 =	vmax.f32 v1, $0.0e+00  }
0x9d: {  	[tilespmem:s20+$0x4860] =	vst v1;
	v0 =	vmax.f32 v0, $0.0e+00  }
0x9e: {  	[tilespmem:s20+$0x4870] =	vst v0  }
0x9f: {  	v0 =	vld [tilespmem:s19+$0x80];
	_ =	sdelay $0x4  }
0xa0: {  	v0 =	vshrl.u32 v0, $0x10;
	_ =	sdelay $0x3  }
0xa1: {  	s19 =	sshll.u32 s17, $0x1  }
0xa2: {  	[spmem:s2] =	stream.indirect_vreg.scatter.add.f32 [tilespmem:s28], [sflag:$0x4], $0x80, v0, vm0, $0xb8;
	[tilespmem:$0x19880] =	vst v63  }
0xa3: {  	s24 =	sadd.s32 $0x2, s19;
	_ =	swait.ge [sflag:s0], $0x800  }
0xa4: {  	s21 =	sshll.u32 s24, $0x7;
	[sflag:s0] =	ssyncset.done $0x0  }
0xa5: {  	s21 =	sand.u32 $0x3FFFFF00, s21;
	[sflag:s0] =	ssyncadd.s32 $0xFFFFF800  }
0xa6: {  	v63 =	vld [tilespmem:s21+$0x0];
	_ =	sdelay $0x4  }
0xa7: {  	v0 =	vand.u32 $0xFFFF, v63  }
0xa8: {  	s20 =	sadd.s32 s18, s24  }
0xa9: {  	s20 =	sshll.u32 s20, $0xB  }
0xaa: {  	s20 =	sadd.s32 s20, s16  }
0xab: {  	p1 =	seq.s32 s17, $0x3D;
	s20 =	sshrl.u32 s20, $0x3  }
0xac: {  	[tilespmem:s23], [sflag:$0x1] =	stream.indirect_vreg.gather [hbm4b:s4+s3], $0x80, v0, vm0, $0xb8;
	[tilespmem:$0x19880] =	vst v63  }
.Ltmp2:
0xad: {  	s20 =	sadd.s32 s5, s20;
	(pc) =	sbr.rel @p1 .LBB2_9-.Ltmp2, $4  }
0xae: {  	[tilespmem:s26], [sflag:$0x1] =	stream.linear.gather [hbm4b:s20+s3], $0x800, $0x38;
	[tilespmem:$0x19880] =	vst v63  }
0xaf: {  	_ =	swait.ge [sflag:s1], $0x800  }
0xb0: {  	[sflag:s1] =	ssyncset.done $0x0  }
0xb1: {  	[sflag:s1] =	ssyncadd.s32 $0xFFFFF800  }
0xb2: {  	s19 =	sadd.s32 $0x3, s19  }
0xb3: {  	s20 =	sshll.u32 s19, $0x7  }
0xb4: {  	s20 =	sand.u32 $0x3FFFFF80, s20  }
0xb5: {  	v0 =	vld [tilespmem:s20+$0x0];
	_ =	sdelay $0x4  }
0xb6: {  	v0 =	vand.u32 $0xFFFF, v0  }
0xb7: {  	s19 =	sadd.s32 s18, s19  }
0xb8: {  	s19 =	sshll.u32 s19, $0xB  }
.Ltmp3:
0xb9: {  	s19 =	sadd.s32 s19, s16;
	(pc) =	sbr.rel .LBB2_3-.Ltmp3, $4  }
0xba: {  	s19 =	sshrl.u32 s19, $0x3  }
0xbb: {  	[tilespmem:s28], [sflag:$0x2] =	stream.indirect_vreg.gather [hbm4b:s4+s3], $0x80, v0, vm0, $0xb8;
	[tilespmem:$0x19880] =	vst v63  }
0xbc: {  	s17 =	sadd.s32 $0x1, s17;
	s19 =	sadd.s32 s5, s19  }
0xbd: {  	[tilespmem:s29], [sflag:$0x2] =	stream.linear.gather [hbm4b:s19+s3], $0x800, $0x38;
	[tilespmem:$0x19880] =	vst v63  }
.LBB2_9:
0xbe: {  	_ =	swait.ge [sflag:s30], $0x800  }
0xbf: {  	[sflag:s30] =	ssyncset.done $0x0  }
0xc0: {  	[sflag:s30] =	ssyncadd.s32 $0xFFFFF800  }
0xc1: {  	_ =	swait.ge [sflag:s30], $0x800  }
0xc2: {  	[sflag:s30] =	ssyncset.done $0x0  }
0xc3: {  	s17 =	simm.s32 $0x0;
	[sflag:s30] =	ssyncadd.s32 $0xFFFFF800  }
0xc4: {  	v6 =	vld [tilespmem:s17+$0x5000]  }
0xc5: {  	v11 =	vld [tilespmem:s17+$0x5010]  }
0xc6: {  	v5 =	vld [tilespmem:s17+$0x5020]  }
0xc7: {  	v4 =	vld [tilespmem:s17+$0x5030]  }
0xc8: {  	v3 =	vld [tilespmem:s17+$0x5040]  }
0xc9: {  	v2 =	vld [tilespmem:s17+$0x5050]  }
0xca: {  	v1 =	vld [tilespmem:s17+$0x5060]  }
0xcb: {  	v0 =	vld [tilespmem:s17+$0x5070]  }
0xcc: {  	v12 =	vld [tilespmem:s17+$0x4000]  }
0xcd: {  	v13 =	vld [tilespmem:s17+$0x4010]  }
0xce: {  	v10 =	vld [tilespmem:s17+$0x4020]  }
0xcf: {  	v9 =	vld [tilespmem:s17+$0x4030]  }
0xd0: {  	v8 =	vld [tilespmem:s17+$0x4040]  }
0xd1: {  	v7 =	vld [tilespmem:s17+$0x4050];
	v12 =	vadd.f32 v6, v12  }
0xd2: {  	s18 =	simm.s32 $0x200;
	v11 =	vadd.f32 v11, v13;
	v6 =	vld [tilespmem:s17+$0x4060]  }
.LBB2_10:
0xd3: {  	s19 =	sshra.s32 s18, $0x2;
	p1 =	sne.s32 s18, $0x1E00;
	v12 =	vmax.f32 v12, $0.0e+00;
	v5 =	vadd.f32 v5, v10;
	v10 =	vld [tilespmem:s17+$0x4070]  }
0xd4: {  	v13 =	vld [tilespmem:s19+$0x5000];
	[tilespmem:s17+$0x4000] =	vst v12;
	v11 =	vmax.f32 v11, $0.0e+00;
	v4 =	vadd.f32 v4, v9  }
0xd5: {  	v14 =	vld [tilespmem:s19+$0x5010];
	[tilespmem:s17+$0x4010] =	vst v11;
	v9 =	vmax.f32 v5, $0.0e+00;
	v3 =	vadd.f32 v3, v8  }
0xd6: {  	v5 =	vld [tilespmem:s19+$0x5020];
	[tilespmem:s17+$0x4020] =	vst v9;
	v8 =	vmax.f32 v4, $0.0e+00;
	v2 =	vadd.f32 v2, v7  }
0xd7: {  	v4 =	vld [tilespmem:s19+$0x5030];
	[tilespmem:s17+$0x4030] =	vst v8;
	v7 =	vmax.f32 v3, $0.0e+00;
	v1 =	vadd.f32 v1, v6  }
0xd8: {  	v3 =	vld [tilespmem:s19+$0x5040];
	[tilespmem:s17+$0x4040] =	vst v7;
	v6 =	vmax.f32 v2, $0.0e+00;
	v0 =	vadd.f32 v0, v10  }
0xd9: {  	v2 =	vld [tilespmem:s19+$0x5050];
	[tilespmem:s17+$0x4050] =	vst v6;
	v6 =	vmax.f32 v1, $0.0e+00  }
0xda: {  	v1 =	vld [tilespmem:s19+$0x5060];
	[tilespmem:s17+$0x4060] =	vst v6;
	v6 =	vmax.f32 v0, $0.0e+00  }
0xdb: {  	v0 =	vld [tilespmem:s19+$0x5070];
	[tilespmem:s17+$0x4070] =	vst v6;
	s17 =	smov.u32 s19  }
0xdc: {  	v6 =	vld [tilespmem:s17+$0x4000]  }
0xdd: {  	v11 =	vld [tilespmem:s17+$0x4010]  }
.Ltmp4:
0xde: {  	v10 =	vld [tilespmem:s17+$0x4020];
	(pc) =	sbr.rel @p1 .LBB2_10-.Ltmp4, $4  }
0xdf: {  	v9 =	vld [tilespmem:s17+$0x4030]  }
0xe0: {  	v8 =	vld [tilespmem:s17+$0x4040]  }
0xe1: {  	v12 =	vadd.f32 v13, v6;
	v7 =	vld [tilespmem:s17+$0x4050]  }
0xe2: {  	s18 =	sadd.s32 $0x200, s18;
	v11 =	vadd.f32 v14, v11;
	v6 =	vld [tilespmem:s17+$0x4060]  }
0xe3: {  	v12 =	vmax.f32 v12, $0.0e+00;
	v5 =	vadd.f32 v5, v10;
	v63 =	vld [tilespmem:s17+$0x4070]  }
0xe4: {  	[tilespmem:s17+$0x4000] =	vst v12;
	v11 =	vmax.f32 v11, $0.0e+00;
	v4 =	vadd.f32 v4, v9  }
0xe5: {  	[tilespmem:s17+$0x4010] =	vst v11;
	v5 =	vmax.f32 v5, $0.0e+00;
	v3 =	vadd.f32 v3, v8  }
0xe6: {  	[tilespmem:s17+$0x4020] =	vst v5;
	v4 =	vmax.f32 v4, $0.0e+00;
	v2 =	vadd.f32 v2, v7  }
0xe7: {  	[tilespmem:s17+$0x4030] =	vst v4;
	v3 =	vmax.f32 v3, $0.0e+00;
	v1 =	vadd.f32 v1, v6  }
0xe8: {  	[tilespmem:s17+$0x4040] =	vst v3;
	v2 =	vmax.f32 v2, $0.0e+00;
	v0 =	vadd.f32 v0, v63  }
0xe9: {  	[tilespmem:s17+$0x4050] =	vst v2;
	v1 =	vmax.f32 v1, $0.0e+00  }
0xea: {  	[tilespmem:s17+$0x4060] =	vst v1;
	v0 =	vmax.f32 v0, $0.0e+00  }
0xeb: {  	[tilespmem:s17+$0x4070] =	vst v0  }
0xec: {  	v0 =	vld [tilespmem:$0x3E00];
	_ =	sdelay $0x4  }
0xed: {  	v0 =	vshrl.u32 v0, $0x10;
	_ =	sdelay $0x1  }
0xee: {  	s12 =	sadd.s32 $0x1, s12  }
0xef: {  	p1 =	sne.s32 s12, $0x5  }
.Ltmp5:
0xf0: {  	_ = 	snop;
	(pc) =	sbr.rel @p1 .LBB2_2-.Ltmp5, $4  }
0xf1: {  	[spmem:s2] =	stream.indirect_vreg.scatter.add.f32 [tilespmem:s23], [sflag:$0x3], $0x80, v0, vm0, $0xb8;
	[tilespmem:$0x19880] =	vst v63  }
0xf2: {  	_ =	swait.ge [sflag:s0], $0x800  }
0xf3: {  	[sflag:s0] =	ssyncset.done $0x0  }
0xf4: {  	[sflag:s0] =	ssyncadd.s32 $0xFFFFF800  }
0xf5: {  	[bflag:$0x0] =	sbarrier.arrive $0xFFFF  }
0xf6: {  	s12 =	rddreg [dreg:$0x7]  }
0xf7: {  	[hbm:s12], [sflag:s10] =	dma.local [spmem:s11], $0xD00  }
0xf8: {  	_ =	swait.ge [sflag:s22], $0xD00  }
0xf9: {  	[sflag:s22] =	ssyncset.done $0x0;
	s19 =	rddreg [dreg:$0x8]  }
0xfa: {  	s20 =	rddreg [dreg:$0xc];
	[sflag:s22] =	ssyncadd.s32 $0xFFFFF300  }
0xfb: {  	[hbm:s19], [sflag:s10] =	dma.local [spmem:s20], $0xD00  }
0xfc: {  	_ =	swait.ge [sflag:s22], $0xD00  }
0xfd: {  	[sflag:s22] =	ssyncset.done $0x0  }
0xfe: {  	s21 =	rddreg [dreg:$0x9];
	[sflag:s22] =	ssyncadd.s32 $0xFFFFF300  }
0xff: {  	[hbm:s21], [sflag:s10] =	dma.local [spmem:s25], $0xD00  }
0x100: {  	_ =	swait.ge [sflag:s22], $0xD00  }
0x101: {  	[sflag:s22] =	ssyncset.done $0x0  }
0x102: {  	s11 =	rddreg [dreg:$0xa];
	[sflag:s22] =	ssyncadd.s32 $0xFFFFF300  }
0x103: {  	[hbm:s11], [sflag:s10] =	dma.local @!p0 [spmem:s9], $0x100  }
0x104: {  	s9 =	simm.s32 @!p0 $0x5  }
0x105: {  	_ =	swait.ge @!p0 [sflag:s9], $0x100  }
0x106: {  	s8 =	sadd.s32 $0x1, s8;
	s24 =	rddreg [dreg:$0xb]  }
0x107: {  	p1 =	sne.s32 s8, s24  }
.Ltmp6:
0x108: {  	_ = 	snop;
	(pc) =	sbr.rel @p1 .LBB2_1-.Ltmp6, $3  }
0x109: {  	_ =	sdelay $0x1  }
0x10a: {  	[sflag:s9] =	ssyncset.done @!p0 $0x0  }
0x10b: {  	[sflag:s9] =	ssyncadd.s32 @!p0 $0xFFFFFF00  }
0x10c: {  	_ =	sfence.sel $0x180000  }
0x10d: {  	[bflag:$0x0] =	sbarrier.arrive $0xFFFF  }
0x10e: {  	_ =	strace $0x9000004D  }
0x10f: {  	s0 =	stileid.u32;
	[bflag:$0x2] =	sbarrier.arrive $0xFFFF  }
0x110: {  	p0 =	sne.s32 s0, $0x0;
	s0 =	rddreg [dreg:$0x2]  }
0x111: {  	s0 =	sadd.s32 @!p0 $0x100000, s0  }
0x112: {  	[sflag:s0] =	ssyncadd.tile.s32 @!p0 $0x1;
	_ =	shalt  }
.Lfunc_end2:
_tile_overlayer_lowered:
.L_overlay_start_2:
0x113: {  	(tag) =	ssettag $0x2  }
0x114: {  	s0 =	rddreg [dreg:$0x0];
	s2 =	stileid.u32  }
0x115: {  	s1 =	rddreg [dreg:$0x1];
	p0 =	sne.s32 s2, $0x0  }
0x116: {  	s3 =	rddreg [dreg:$0x2];
	[bflag:$0x3] =	sbarrier.arrive $0xFFFF;
	s2 =	simm.s32 @!p0 $0x1C05  }
0x117: {  	[timem:s3], [sflag:s2] =	dma.local @!p0 [hbm:s0], s1  }
0x118: {  	s0 =	simm.s32 @!p0 $0x5  }
0x119: {  	_ =	swait.ge @!p0 [sflag:s0], s1  }
0x11a: {  	s1 =	ssub.s32 @!p0 $0x0, s1;
	[sflag:s0] =	ssyncset.done @!p0 $0x0  }
0x11b: {  	[sflag:s0] =	ssyncadd.s32 @!p0 s1  }
0x11c: {  	[bflag:$0x3] =	sbarrier.arrive $0xFFFF  }
0x11d: {  	_ =	shalt  }

</sc_bundles>
